<compile_context>
chip_gen: v7x
topology: tpu7x:2x2x1
jax: 0.10.2.dev20260603
libtpu: 0.0.44.dev20260713+nightly
codegen_flags: <defaults>
</compile_context>

<pallas_src>
import jax
import jax.numpy as jnp
from jax import lax
from jax.experimental import pallas as pl
from jax.experimental.pallas import tpu as pltpu
from jax.experimental.pallas import tpu_sc as plsc

D_MODEL = 128
N_TOKENS = 819200
NUM_CORES = 2
NUM_SUBCORES = 16
NUM_WORKERS = NUM_CORES * NUM_SUBCORES
PER_WORKER = N_TOKENS // NUM_WORKERS
CHUNK = 80
N_CHUNKS = PER_WORKER // CHUNK
N_PASSES = 4
P_CHUNKS = N_CHUNKS // N_PASSES
NBUF = 4
LA = 2
MAX_LEN_PAD = 9088
STAGE_ROWS = MAX_LEN_PAD // NUM_SUBCORES
CHUNK_BYTES = CHUNK * D_MODEL * 4


def _sc_gather_body(table_hbm, idx_hbm, out_hbm, tbl_s, idx_v, rows_v, *sems):
    gsems, osems = sems[:NBUF], sems[NBUF:]
    sid = lax.axis_index("s")
    wid = sid * NUM_CORES + lax.axis_index("c")
    base = wid * PER_WORKER

    pltpu.sync_copy(table_hbm.at[pl.ds(sid * STAGE_ROWS, STAGE_ROWS)],
                    tbl_s.at[pl.ds(sid * STAGE_ROWS, STAGE_ROWS)])
    plsc.subcore_barrier()

    def start_gather(j, b):
        pltpu.async_copy(tbl_s.at[idx_v.at[j]], rows_v.at[b], gsems[b],
                         priority=1)

    def start_out(g, b):
        pltpu.async_copy(rows_v.at[b],
                         out_hbm.at[pl.ds(base + g * CHUNK, CHUNK)], osems[b])

    def wait_gather(b):
        pltpu.make_async_copy(table_hbm.at[pl.ds(0, CHUNK)], rows_v.at[b],
                              gsems[b]).wait()

    def wait_out(b):
        pltpu.make_async_copy(rows_v.at[b], out_hbm.at[pl.ds(0, CHUNK)],
                              osems[b]).wait()

    for p in range(N_PASSES):
        pltpu.sync_copy(idx_hbm.at[wid].at[p], idx_v)
        goff = p * P_CHUNKS
        for j in range(LA):
            start_gather(j, j)

        for b in range(NBUF):
            wait_gather(b)
            start_out(goff + b, b)
            bn = (b + LA) % NBUF
            if b + LA >= NBUF:
                wait_out(bn)
            start_gather(b + LA, bn)

        @pl.loop(NBUF, P_CHUNKS - NBUF, step=NBUF)
        def _body(jb):
            for b in range(NBUF):
                j = jb + b
                wait_gather(b)
                bn = (b + LA) % NBUF
                wait_out(bn)
                start_gather(j + LA, bn)
                start_out(goff + j, b)

        for b in range(NBUF):
            j = P_CHUNKS - NBUF + b
            wait_gather(b)
            start_out(goff + j, b)
            if j + LA < P_CHUNKS:
                bn = (b + LA) % NBUF
                wait_out(bn)
                start_gather(j + LA, bn)

        for b in range(NBUF):
            wait_out(b)


@jax.jit
def _sc_gather(x, re):
    idx = x.astype(jnp.int32).reshape(NUM_WORKERS, N_PASSES, P_CHUNKS, CHUNK)
    re_pad = jnp.pad(re, ((0, MAX_LEN_PAD - re.shape[0]), (0, 0)))
    run = pl.kernel(
        _sc_gather_body,
        out_type=jax.ShapeDtypeStruct((N_TOKENS, D_MODEL), jnp.float32),
        mesh=plsc.VectorSubcoreMesh(core_axis_name="c", subcore_axis_name="s"),
        scratch_types=(
            [pltpu.VMEM_SHARED((MAX_LEN_PAD, D_MODEL), jnp.float32),
             pltpu.VMEM((P_CHUNKS, CHUNK), jnp.int32),
             pltpu.VMEM((NBUF, CHUNK, D_MODEL), jnp.float32)]
            + [pltpu.SemaphoreType.DMA] * (2 * NBUF)
        ),
    )
    return run(re_pad, idx)


def kernel(x, re):
    return _sc_gather(x, re)

# --- scband reference (transcript-rebuilt; emitter-appended) ---
"""Pipeline reference for scband-random-encoding-44521630990866 (READ-ONLY COPY).

The authoritative reference and input builder live on the scoring server;
editing this copy changes nothing except your own understanding.
"""

import jax, jax.numpy as jnp
import numpy as np

D_MODEL = 128
MAX_LEN = 9000
N = 819200

def setup_inputs(seed: int = 0) -> dict:
    key = jax.random.key(seed)
    k1, k2 = jax.random.split(key)
    x = jax.random.randint(k1, (N,), 0, MAX_LEN, dtype=jnp.int64 if jax.config.jax_enable_x64 else jnp.int32)
    re = jax.random.normal(k2, (MAX_LEN, D_MODEL), dtype=jnp.float32)
    return {"x": x, "re": re}

def reference(x, re):
    # torch.index_select(self.re, 0, x.long()) == gather rows of re by x
    return jnp.take(re, x.astype(jnp.int32), axis=0)

if __name__ == "__main__":
    import jax
    _d = setup_inputs()
    print(jax.jit(kernel)(*tuple(_d.values())))

</pallas_src>

<mosaic_0001>
#map = affine_map<(d0, d1) -> (0, 0)>
#map1 = affine_map<(d0, d1) -> (0, 0, 0, 0)>
module attributes {stable_mosaic.version = 14 : i64} {
  func.func @_sc_gather_body(%arg0: i32, %arg1: i32, %arg2: memref<9088x128xf32, #tpu.memory_space<hbm>>, %arg3: memref<32x4x80x80xi32, #tpu.memory_space<hbm>>, %arg4: memref<819200x128xf32, #tpu.memory_space<hbm>>, %arg5: memref<9088x128xf32, #tpu.memory_space<vmem_shared>>, %arg6: memref<80x80xi32, #tpu.memory_space<vmem>>, %arg7: memref<4x80x128xf32, #tpu.memory_space<vmem>>, %arg8: memref<!tpu.dma_semaphore, #tpu.memory_space<semaphore_mem>>, %arg9: memref<!tpu.dma_semaphore, #tpu.memory_space<semaphore_mem>>, %arg10: memref<!tpu.dma_semaphore, #tpu.memory_space<semaphore_mem>>, %arg11: memref<!tpu.dma_semaphore, #tpu.memory_space<semaphore_mem>>, %arg12: memref<!tpu.dma_semaphore, #tpu.memory_space<semaphore_mem>>, %arg13: memref<!tpu.dma_semaphore, #tpu.memory_space<semaphore_mem>>, %arg14: memref<!tpu.dma_semaphore, #tpu.memory_space<semaphore_mem>>, %arg15: memref<!tpu.dma_semaphore, #tpu.memory_space<semaphore_mem>>) attributes {dimension_semantics = [#tpu.dimension_semantics<core_parallel>, #tpu.dimension_semantics<subcore_parallel>], iteration_bounds = array<i64: 2, 16>, scalar_prefetch = 0 : i64, scratch_operands = 11 : i64, tpu.core_type = #tpu.core_type<sc_vector_subcore>, window_params = [{transform_indices = #map}, {transform_indices = #map1}, {transform_indices = #map}]} {
    %mul3A = arith.constant 2 : i32
    %mul3A_0 = arith.muli %arg1, %mul3A : i32
    %add3A = arith.addi %mul3A_0, %arg0 : i32
    %mul3A_1 = arith.constant 25600 : i32
    %mul3A_2 = arith.muli %add3A, %mul3A_1 : i32
    %mul3A_3 = arith.constant 568 : i32
    %mul3A_4 = arith.muli %arg1, %mul3A_3 : i32
    %mul3A_5 = arith.constant 568 : i32
    %mul3A_6 = arith.muli %arg1, %mul3A_5 : i32
    "tpu.region"() ({
      %run_scoped3A_1851 = tpu.sem_alloc : memref<!tpu.dma_semaphore, #tpu.memory_space<semaphore_mem>>
      %dma_start3A_1852 = arith.constant 0 : i32
      %dma_start3A_1853 = tpu.memref_slice %arg5[%mul3A_6, %dma_start3A_1852] : memref<9088x128xf32, #tpu.memory_space<vmem_shared>> -> memref<568x128xf32, #tpu.memory_space<vmem_shared>>
      %dma_start3A_1854 = arith.constant 0 : i32
      %dma_start3A_1855 = tpu.memref_slice %arg2[%mul3A_4, %dma_start3A_1854] : memref<9088x128xf32, #tpu.memory_space<hbm>> -> memref<568x128xf32, #tpu.memory_space<hbm>>
      tpu.enqueue_dma source(%dma_start3A_1855 : memref<568x128xf32, #tpu.memory_space<hbm>>) target(%dma_start3A_1853 : memref<568x128xf32, #tpu.memory_space<vmem_shared>>) target_semaphore(%run_scoped3A_1851 : memref<!tpu.dma_semaphore, #tpu.memory_space<semaphore_mem>>)
      %dma_wait3A_1856 = arith.constant 0 : i32
      %dma_wait3A_1857 = tpu.memref_slice %arg5[%mul3A_6, %dma_wait3A_1856] : memref<9088x128xf32, #tpu.memory_space<vmem_shared>> -> memref<568x128xf32, #tpu.memory_space<vmem_shared>>
      %dma_wait3A_1858 = arith.constant 0 : i32
      %dma_wait3A_1859 = tpu.memref_slice %arg2[%mul3A_4, %dma_wait3A_1858] : memref<9088x128xf32, #tpu.memory_space<hbm>> -> memref<568x128xf32, #tpu.memory_space<hbm>>
      tpu.wait_dma2 semaphore(%run_scoped3A_1851 : memref<!tpu.dma_semaphore, #tpu.memory_space<semaphore_mem>>) src(%dma_wait3A_1859 : memref<568x128xf32, #tpu.memory_space<hbm>>) dst(%dma_wait3A_1857 : memref<568x128xf32, #tpu.memory_space<vmem_shared>>)
      tpu.yield
    }) : () -> ()
    %barrier3A = arith.constant 0 : index
    tpu.barrier barrier_id(%barrier3A)
    %run_scoped3A = arith.constant 0 : i32
    "tpu.region"() ({
      %run_scoped3A_1851 = tpu.sem_alloc : memref<!tpu.dma_semaphore, #tpu.memory_space<semaphore_mem>>
      %dma_start3A_1852 = arith.constant 0 : i32
      %dma_start3A_1853 = arith.constant 0 : i32
      %dma_start3A_1854 = arith.constant 0 : i32
      %dma_start3A_1855 = tpu.memref_slice %arg3[%add3A, %dma_start3A_1852, %dma_start3A_1853, %dma_start3A_1854] : memref<32x4x80x80xi32, #tpu.memory_space<hbm>> -> memref<1x4x80x80xi32, #tpu.memory_space<hbm>>
      %dma_start3A_1856 = tpu.memref_squeeze %dma_start3A_1855 : memref<1x4x80x80xi32, #tpu.memory_space<hbm>> -> memref<4x80x80xi32, #tpu.memory_space<hbm>>
      %dma_start3A_1857 = arith.constant 0 : i32
      %dma_start3A_1858 = arith.constant 0 : i32
      %dma_start3A_1859 = tpu.memref_slice %dma_start3A_1856[%run_scoped3A, %dma_start3A_1857, %dma_start3A_1858] : memref<4x80x80xi32, #tpu.memory_space<hbm>> -> memref<1x80x80xi32, #tpu.memory_space<hbm>>
      %dma_start3A_1860 = tpu.memref_squeeze %dma_start3A_1859 : memref<1x80x80xi32, #tpu.memory_space<hbm>> -> memref<80x80xi32, #tpu.memory_space<hbm>>
      %dma_start3A_1861 = arith.constant 0 : i32
      %dma_start3A_1862 = arith.constant 0 : i32
      %dma_start3A_1863 = arith.constant 0 : i32
      %dma_start3A_1864 = tpu.memref_slice %arg3[%add3A, %dma_start3A_1861, %dma_start3A_1862, %dma_start3A_1863] : memref<32x4x80x80xi32, #tpu.memory_space<hbm>> -> memref<1x4x80x80xi32, #tpu.memory_space<hbm>>
      %dma_start3A_1865 = tpu.memref_squeeze %dma_start3A_1864 : memref<1x4x80x80xi32, #tpu.memory_space<hbm>> -> memref<4x80x80xi32, #tpu.memory_space<hbm>>
      %dma_start3A_1866 = arith.constant 0 : i32
      %dma_start3A_1867 = arith.constant 0 : i32
      %dma_start3A_1868 = tpu.memref_slice %dma_start3A_1865[%run_scoped3A, %dma_start3A_1866, %dma_start3A_1867] : memref<4x80x80xi32, #tpu.memory_space<hbm>> -> memref<1x80x80xi32, #tpu.memory_space<hbm>>
      %dma_start3A_1869 = tpu.memref_squeeze %dma_start3A_1868 : memref<1x80x80xi32, #tpu.memory_space<hbm>> -> memref<80x80xi32, #tpu.memory_space<hbm>>
      tpu.enqueue_dma source(%dma_start3A_1869 : memref<80x80xi32, #tpu.memory_space<hbm>>) target(%arg6 : memref<80x80xi32, #tpu.memory_space<vmem>>) target_semaphore(%run_scoped3A_1851 : memref<!tpu.dma_semaphore, #tpu.memory_space<semaphore_mem>>)
      %dma_wait3A_1870 = arith.constant 0 : i32
      %dma_wait3A_1871 = arith.constant 0 : i32
      %dma_wait3A_1872 = arith.constant 0 : i32
      %dma_wait3A_1873 = tpu.memref_slice %arg3[%add3A, %dma_wait3A_1870, %dma_wait3A_1871, %dma_wait3A_1872] : memref<32x4x80x80xi32, #tpu.memory_space<hbm>> -> memref<1x4x80x80xi32, #tpu.memory_space<hbm>>
      %dma_wait3A_1874 = tpu.memref_squeeze %dma_wait3A_1873 : memref<1x4x80x80xi32, #tpu.memory_space<hbm>> -> memref<4x80x80xi32, #tpu.memory_space<hbm>>
      %dma_wait3A_1875 = arith.constant 0 : i32
      %dma_wait3A_1876 = arith.constant 0 : i32
      %dma_wait3A_1877 = tpu.memref_slice %dma_wait3A_1874[%run_scoped3A, %dma_wait3A_1875, %dma_wait3A_1876] : memref<4x80x80xi32, #tpu.memory_space<hbm>> -> memref<1x80x80xi32, #tpu.memory_space<hbm>>
      %dma_wait3A_1878 = tpu.memref_squeeze %dma_wait3A_1877 : memref<1x80x80xi32, #tpu.memory_space<hbm>> -> memref<80x80xi32, #tpu.memory_space<hbm>>
      %dma_wait3A_1879 = arith.constant 0 : i32
      %dma_wait3A_1880 = arith.constant 0 : i32
      %dma_wait3A_1881 = arith.constant 0 : i32
      %dma_wait3A_1882 = tpu.memref_slice %arg3[%add3A, %dma_wait3A_1879, %dma_wait3A_1880, %dma_wait3A_1881] : memref<32x4x80x80xi32, #tpu.memory_space<hbm>> -> memref<1x4x80x80xi32, #tpu.memory_space<hbm>>
      %dma_wait3A_1883 = tpu.memref_squeeze %dma_wait3A_1882 : memref<1x4x80x80xi32, #tpu.memory_space<hbm>> -> memref<4x80x80xi32, #tpu.memory_space<hbm>>
      %dma_wait3A_1884 = arith.constant 0 : i32
      %dma_wait3A_1885 = arith.constant 0 : i32
      %dma_wait3A_1886 = tpu.memref_slice %dma_wait3A_1883[%run_scoped3A, %dma_wait3A_1884, %dma_wait3A_1885] : memref<4x80x80xi32, #tpu.memory_space<hbm>> -> memref<1x80x80xi32, #tpu.memory_space<hbm>>
      %dma_wait3A_1887 = tpu.memref_squeeze %dma_wait3A_1886 : memref<1x80x80xi32, #tpu.memory_space<hbm>> -> memref<80x80xi32, #tpu.memory_space<hbm>>
      tpu.wait_dma2 semaphore(%run_scoped3A_1851 : memref<!tpu.dma_semaphore, #tpu.memory_space<semaphore_mem>>) src(%dma_wait3A_1887 : memref<80x80xi32, #tpu.memory_space<hbm>>) dst(%arg6 : memref<80x80xi32, #tpu.memory_space<vmem>>)
      tpu.yield
    }) : () -> ()
    %dma_start3A = arith.constant 0 : i32
    %dma_start3A_7 = arith.constant 0 : i32
    %dma_start3A_8 = arith.constant 0 : i32
    %dma_start3A_9 = arith.constant 0 : i32
    %dma_start3A_10 = tpu.memref_slice %arg7[%dma_start3A_7, %dma_start3A_8, %dma_start3A_9] : memref<4x80x128xf32, #tpu.memory_space<vmem>> -> memref<1x80x128xf32, #tpu.memory_space<vmem>>
    %dma_start3A_11 = tpu.memref_squeeze %dma_start3A_10 : memref<1x80x128xf32, #tpu.memory_space<vmem>> -> memref<80x128xf32, #tpu.memory_space<vmem>>
    %dma_start3A_12 = arith.constant 0 : i32
    %dma_start3A_13 = tpu.memref_slice %arg6[%dma_start3A, %dma_start3A_12] : memref<80x80xi32, #tpu.memory_space<vmem>> -> memref<1x80xi32, #tpu.memory_space<vmem>>
    %dma_start3A_14 = tpu.memref_squeeze %dma_start3A_13 : memref<1x80xi32, #tpu.memory_space<vmem>> -> memref<80xi32, #tpu.memory_space<vmem>>
    %dma_start3A_15 = arith.constant 0 : i32
    %dma_start3A_16 = arith.constant 0 : i32
    %dma_start3A_17 = tpu.memref_slice %arg5[%dma_start3A_15, %dma_start3A_16] : memref<9088x128xf32, #tpu.memory_space<vmem_shared>> -> memref<9088x128xf32, #tpu.memory_space<vmem_shared>>
    tpu.enqueue_indirect_dma source(%dma_start3A_17 : memref<9088x128xf32, #tpu.memory_space<vmem_shared>>) target(%dma_start3A_11 : memref<80x128xf32, #tpu.memory_space<vmem>>) offsets(%dma_start3A_14 : memref<80xi32, #tpu.memory_space<vmem>>) semaphore(%arg8 : memref<!tpu.dma_semaphore, #tpu.memory_space<semaphore_mem>>)
    %dma_start3A_18 = arith.constant 1 : i32
    %dma_start3A_19 = arith.constant 1 : i32
    %dma_start3A_20 = arith.constant 0 : i32
    %dma_start3A_21 = arith.constant 0 : i32
    %dma_start3A_22 = tpu.memref_slice %arg7[%dma_start3A_19, %dma_start3A_20, %dma_start3A_21] : memref<4x80x128xf32, #tpu.memory_space<vmem>> -> memref<1x80x128xf32, #tpu.memory_space<vmem>>
    %dma_start3A_23 = tpu.memref_squeeze %dma_start3A_22 : memref<1x80x128xf32, #tpu.memory_space<vmem>> -> memref<80x128xf32, #tpu.memory_space<vmem>>
    %dma_start3A_24 = arith.constant 0 : i32
    %dma_start3A_25 = tpu.memref_slice %arg6[%dma_start3A_18, %dma_start3A_24] : memref<80x80xi32, #tpu.memory_space<vmem>> -> memref<1x80xi32, #tpu.memory_space<vmem>>
    %dma_start3A_26 = tpu.memref_squeeze %dma_start3A_25 : memref<1x80xi32, #tpu.memory_space<vmem>> -> memref<80xi32, #tpu.memory_space<vmem>>
    %dma_start3A_27 = arith.constant 0 : i32
    %dma_start3A_28 = arith.constant 0 : i32
    %dma_start3A_29 = tpu.memref_slice %arg5[%dma_start3A_27, %dma_start3A_28] : memref<9088x128xf32, #tpu.memory_space<vmem_shared>> -> memref<9088x128xf32, #tpu.memory_space<vmem_shared>>
    tpu.enqueue_indirect_dma source(%dma_start3A_29 : memref<9088x128xf32, #tpu.memory_space<vmem_shared>>) target(%dma_start3A_23 : memref<80x128xf32, #tpu.memory_space<vmem>>) offsets(%dma_start3A_26 : memref<80xi32, #tpu.memory_space<vmem>>) semaphore(%arg9 : memref<!tpu.dma_semaphore, #tpu.memory_space<semaphore_mem>>)
    %dma_wait3A = arith.constant 0 : i32
    %dma_wait3A_30 = arith.constant 0 : i32
    %dma_wait3A_31 = arith.constant 0 : i32
    %dma_wait3A_32 = tpu.memref_slice %arg7[%dma_wait3A, %dma_wait3A_30, %dma_wait3A_31] : memref<4x80x128xf32, #tpu.memory_space<vmem>> -> memref<1x80x128xf32, #tpu.memory_space<vmem>>
    %dma_wait3A_33 = tpu.memref_squeeze %dma_wait3A_32 : memref<1x80x128xf32, #tpu.memory_space<vmem>> -> memref<80x128xf32, #tpu.memory_space<vmem>>
    %dma_wait3A_34 = arith.constant 0 : i32
    %dma_wait3A_35 = arith.constant 0 : i32
    %dma_wait3A_36 = tpu.memref_slice %arg2[%dma_wait3A_34, %dma_wait3A_35] : memref<9088x128xf32, #tpu.memory_space<hbm>> -> memref<80x128xf32, #tpu.memory_space<hbm>>
    %dma_wait3A_37 = arith.constant 0 : i32
    %dma_wait3A_38 = arith.constant 0 : i32
    %dma_wait3A_39 = tpu.memref_slice %arg7[%dma_wait3A, %dma_wait3A_37, %dma_wait3A_38] : memref<4x80x128xf32, #tpu.memory_space<vmem>> -> memref<1x80x128xf32, #tpu.memory_space<vmem>>
    %dma_wait3A_40 = tpu.memref_squeeze %dma_wait3A_39 : memref<1x80x128xf32, #tpu.memory_space<vmem>> -> memref<80x128xf32, #tpu.memory_space<vmem>>
    %dma_wait3A_41 = arith.constant 0 : i32
    %dma_wait3A_42 = arith.constant 0 : i32
    %dma_wait3A_43 = tpu.memref_slice %arg2[%dma_wait3A_41, %dma_wait3A_42] : memref<9088x128xf32, #tpu.memory_space<hbm>> -> memref<80x128xf32, #tpu.memory_space<hbm>>
    tpu.wait_dma2 semaphore(%arg8 : memref<!tpu.dma_semaphore, #tpu.memory_space<semaphore_mem>>) src(%dma_wait3A_43 : memref<80x128xf32, #tpu.memory_space<hbm>>) dst(%dma_wait3A_40 : memref<80x128xf32, #tpu.memory_space<vmem>>)
    %add3A_44 = arith.constant 0 : i32
    %add3A_45 = arith.addi %mul3A_2, %add3A_44 : i32
    %dma_start3A_46 = arith.constant 0 : i32
    %dma_start3A_47 = arith.constant 0 : i32
    %dma_start3A_48 = arith.constant 0 : i32
    %dma_start3A_49 = tpu.memref_slice %arg7[%dma_start3A_46, %dma_start3A_47, %dma_start3A_48] : memref<4x80x128xf32, #tpu.memory_space<vmem>> -> memref<1x80x128xf32, #tpu.memory_space<vmem>>
    %dma_start3A_50 = tpu.memref_squeeze %dma_start3A_49 : memref<1x80x128xf32, #tpu.memory_space<vmem>> -> memref<80x128xf32, #tpu.memory_space<vmem>>
    %dma_start3A_51 = arith.constant 0 : i32
    %dma_start3A_52 = tpu.memref_slice %arg4[%add3A_45, %dma_start3A_51] : memref<819200x128xf32, #tpu.memory_space<hbm>> -> memref<80x128xf32, #tpu.memory_space<hbm>>
    %dma_start3A_53 = arith.constant 0 : i32
    %dma_start3A_54 = tpu.memref_slice %arg4[%add3A_45, %dma_start3A_53] : memref<819200x128xf32, #tpu.memory_space<hbm>> -> memref<80x128xf32, #tpu.memory_space<hbm>>
    %dma_start3A_55 = arith.constant 0 : i32
    %dma_start3A_56 = arith.constant 0 : i32
    %dma_start3A_57 = tpu.memref_slice %arg7[%dma_start3A_46, %dma_start3A_55, %dma_start3A_56] : memref<4x80x128xf32, #tpu.memory_space<vmem>> -> memref<1x80x128xf32, #tpu.memory_space<vmem>>
    %dma_start3A_58 = tpu.memref_squeeze %dma_start3A_57 : memref<1x80x128xf32, #tpu.memory_space<vmem>> -> memref<80x128xf32, #tpu.memory_space<vmem>>
    tpu.enqueue_dma source(%dma_start3A_58 : memref<80x128xf32, #tpu.memory_space<vmem>>) target(%dma_start3A_54 : memref<80x128xf32, #tpu.memory_space<hbm>>) target_semaphore(%arg12 : memref<!tpu.dma_semaphore, #tpu.memory_space<semaphore_mem>>)
    %dma_start3A_59 = arith.constant 2 : i32
    %dma_start3A_60 = arith.constant 2 : i32
    %dma_start3A_61 = arith.constant 0 : i32
    %dma_start3A_62 = arith.constant 0 : i32
    %dma_start3A_63 = tpu.memref_slice %arg7[%dma_start3A_60, %dma_start3A_61, %dma_start3A_62] : memref<4x80x128xf32, #tpu.memory_space<vmem>> -> memref<1x80x128xf32, #tpu.memory_space<vmem>>
    %dma_start3A_64 = tpu.memref_squeeze %dma_start3A_63 : memref<1x80x128xf32, #tpu.memory_space<vmem>> -> memref<80x128xf32, #tpu.memory_space<vmem>>
    %dma_start3A_65 = arith.constant 0 : i32
    %dma_start3A_66 = tpu.memref_slice %arg6[%dma_start3A_59, %dma_start3A_65] : memref<80x80xi32, #tpu.memory_space<vmem>> -> memref<1x80xi32, #tpu.memory_space<vmem>>
    %dma_start3A_67 = tpu.memref_squeeze %dma_start3A_66 : memref<1x80xi32, #tpu.memory_space<vmem>> -> memref<80xi32, #tpu.memory_space<vmem>>
    %dma_start3A_68 = arith.constant 0 : i32
    %dma_start3A_69 = arith.constant 0 : i32
    %dma_start3A_70 = tpu.memref_slice %arg5[%dma_start3A_68, %dma_start3A_69] : memref<9088x128xf32, #tpu.memory_space<vmem_shared>> -> memref<9088x128xf32, #tpu.memory_space<vmem_shared>>
    tpu.enqueue_indirect_dma source(%dma_start3A_70 : memref<9088x128xf32, #tpu.memory_space<vmem_shared>>) target(%dma_start3A_64 : memref<80x128xf32, #tpu.memory_space<vmem>>) offsets(%dma_start3A_67 : memref<80xi32, #tpu.memory_space<vmem>>) semaphore(%arg10 : memref<!tpu.dma_semaphore, #tpu.memory_space<semaphore_mem>>)
    %dma_wait3A_71 = arith.constant 1 : i32
    %dma_wait3A_72 = arith.constant 0 : i32
    %dma_wait3A_73 = arith.constant 0 : i32
    %dma_wait3A_74 = tpu.memref_slice %arg7[%dma_wait3A_71, %dma_wait3A_72, %dma_wait3A_73] : memref<4x80x128xf32, #tpu.memory_space<vmem>> -> memref<1x80x128xf32, #tpu.memory_space<vmem>>
    %dma_wait3A_75 = tpu.memref_squeeze %dma_wait3A_74 : memref<1x80x128xf32, #tpu.memory_space<vmem>> -> memref<80x128xf32, #tpu.memory_space<vmem>>
    %dma_wait3A_76 = arith.constant 0 : i32
    %dma_wait3A_77 = arith.constant 0 : i32
    %dma_wait3A_78 = tpu.memref_slice %arg2[%dma_wait3A_76, %dma_wait3A_77] : memref<9088x128xf32, #tpu.memory_space<hbm>> -> memref<80x128xf32, #tpu.memory_space<hbm>>
    %dma_wait3A_79 = arith.constant 0 : i32
    %dma_wait3A_80 = arith.constant 0 : i32
    %dma_wait3A_81 = tpu.memref_slice %arg7[%dma_wait3A_71, %dma_wait3A_79, %dma_wait3A_80] : memref<4x80x128xf32, #tpu.memory_space<vmem>> -> memref<1x80x128xf32, #tpu.memory_space<vmem>>
    %dma_wait3A_82 = tpu.memref_squeeze %dma_wait3A_81 : memref<1x80x128xf32, #tpu.memory_space<vmem>> -> memref<80x128xf32, #tpu.memory_space<vmem>>
    %dma_wait3A_83 = arith.constant 0 : i32
    %dma_wait3A_84 = arith.constant 0 : i32
    %dma_wait3A_85 = tpu.memref_slice %arg2[%dma_wait3A_83, %dma_wait3A_84] : memref<9088x128xf32, #tpu.memory_space<hbm>> -> memref<80x128xf32, #tpu.memory_space<hbm>>
    tpu.wait_dma2 semaphore(%arg9 : memref<!tpu.dma_semaphore, #tpu.memory_space<semaphore_mem>>) src(%dma_wait3A_85 : memref<80x128xf32, #tpu.memory_space<hbm>>) dst(%dma_wait3A_82 : memref<80x128xf32, #tpu.memory_space<vmem>>)
    %add3A_86 = arith.constant 80 : i32
    %add3A_87 = arith.addi %mul3A_2, %add3A_86 : i32
    %dma_start3A_88 = arith.constant 1 : i32
    %dma_start3A_89 = arith.constant 0 : i32
    %dma_start3A_90 = arith.constant 0 : i32
    %dma_start3A_91 = tpu.memref_slice %arg7[%dma_start3A_88, %dma_start3A_89, %dma_start3A_90] : memref<4x80x128xf32, #tpu.memory_space<vmem>> -> memref<1x80x128xf32, #tpu.memory_space<vmem>>
    %dma_start3A_92 = tpu.memref_squeeze %dma_start3A_91 : memref<1x80x128xf32, #tpu.memory_space<vmem>> -> memref<80x128xf32, #tpu.memory_space<vmem>>
    %dma_start3A_93 = arith.constant 0 : i32
    %dma_start3A_94 = tpu.memref_slice %arg4[%add3A_87, %dma_start3A_93] : memref<819200x128xf32, #tpu.memory_space<hbm>> -> memref<80x128xf32, #tpu.memory_space<hbm>>
    %dma_start3A_95 = arith.constant 0 : i32
    %dma_start3A_96 = tpu.memref_slice %arg4[%add3A_87, %dma_start3A_95] : memref<819200x128xf32, #tpu.memory_space<hbm>> -> memref<80x128xf32, #tpu.memory_space<hbm>>
    %dma_start3A_97 = arith.constant 0 : i32
    %dma_start3A_98 = arith.constant 0 : i32
    %dma_start3A_99 = tpu.memref_slice %arg7[%dma_start3A_88, %dma_start3A_97, %dma_start3A_98] : memref<4x80x128xf32, #tpu.memory_space<vmem>> -> memref<1x80x128xf32, #tpu.memory_space<vmem>>
    %dma_start3A_100 = tpu.memref_squeeze %dma_start3A_99 : memref<1x80x128xf32, #tpu.memory_space<vmem>> -> memref<80x128xf32, #tpu.memory_space<vmem>>
    tpu.enqueue_dma source(%dma_start3A_100 : memref<80x128xf32, #tpu.memory_space<vmem>>) target(%dma_start3A_96 : memref<80x128xf32, #tpu.memory_space<hbm>>) target_semaphore(%arg13 : memref<!tpu.dma_semaphore, #tpu.memory_space<semaphore_mem>>)
    %dma_start3A_101 = arith.constant 3 : i32
    %dma_start3A_102 = arith.constant 3 : i32
    %dma_start3A_103 = arith.constant 0 : i32
    %dma_start3A_104 = arith.constant 0 : i32
    %dma_start3A_105 = tpu.memref_slice %arg7[%dma_start3A_102, %dma_start3A_103, %dma_start3A_104] : memref<4x80x128xf32, #tpu.memory_space<vmem>> -> memref<1x80x128xf32, #tpu.memory_space<vmem>>
    %dma_start3A_106 = tpu.memref_squeeze %dma_start3A_105 : memref<1x80x128xf32, #tpu.memory_space<vmem>> -> memref<80x128xf32, #tpu.memory_space<vmem>>
    %dma_start3A_107 = arith.constant 0 : i32
    %dma_start3A_108 = tpu.memref_slice %arg6[%dma_start3A_101, %dma_start3A_107] : memref<80x80xi32, #tpu.memory_space<vmem>> -> memref<1x80xi32, #tpu.memory_space<vmem>>
    %dma_start3A_109 = tpu.memref_squeeze %dma_start3A_108 : memref<1x80xi32, #tpu.memory_space<vmem>> -> memref<80xi32, #tpu.memory_space<vmem>>
    %dma_start3A_110 = arith.constant 0 : i32
    %dma_start3A_111 = arith.constant 0 : i32
    %dma_start3A_112 = tpu.memref_slice %arg5[%dma_start3A_110, %dma_start3A_111] : memref<9088x128xf32, #tpu.memory_space<vmem_shared>> -> memref<9088x128xf32, #tpu.memory_space<vmem_shared>>
    tpu.enqueue_indirect_dma source(%dma_start3A_112 : memref<9088x128xf32, #tpu.memory_space<vmem_shared>>) target(%dma_start3A_106 : memref<80x128xf32, #tpu.memory_space<vmem>>) offsets(%dma_start3A_109 : memref<80xi32, #tpu.memory_space<vmem>>) semaphore(%arg11 : memref<!tpu.dma_semaphore, #tpu.memory_space<semaphore_mem>>)
    %dma_wait3A_113 = arith.constant 2 : i32
    %dma_wait3A_114 = arith.constant 0 : i32
    %dma_wait3A_115 = arith.constant 0 : i32
    %dma_wait3A_116 = tpu.memref_slice %arg7[%dma_wait3A_113, %dma_wait3A_114, %dma_wait3A_115] : memref<4x80x128xf32, #tpu.memory_space<vmem>> -> memref<1x80x128xf32, #tpu.memory_space<vmem>>
    %dma_wait3A_117 = tpu.memref_squeeze %dma_wait3A_116 : memref<1x80x128xf32, #tpu.memory_space<vmem>> -> memref<80x128xf32, #tpu.memory_space<vmem>>
    %dma_wait3A_118 = arith.constant 0 : i32
    %dma_wait3A_119 = arith.constant 0 : i32
    %dma_wait3A_120 = tpu.memref_slice %arg2[%dma_wait3A_118, %dma_wait3A_119] : memref<9088x128xf32, #tpu.memory_space<hbm>> -> memref<80x128xf32, #tpu.memory_space<hbm>>
    %dma_wait3A_121 = arith.constant 0 : i32
    %dma_wait3A_122 = arith.constant 0 : i32
    %dma_wait3A_123 = tpu.memref_slice %arg7[%dma_wait3A_113, %dma_wait3A_121, %dma_wait3A_122] : memref<4x80x128xf32, #tpu.memory_space<vmem>> -> memref<1x80x128xf32, #tpu.memory_space<vmem>>
    %dma_wait3A_124 = tpu.memref_squeeze %dma_wait3A_123 : memref<1x80x128xf32, #tpu.memory_space<vmem>> -> memref<80x128xf32, #tpu.memory_space<vmem>>
    %dma_wait3A_125 = arith.constant 0 : i32
    %dma_wait3A_126 = arith.constant 0 : i32
    %dma_wait3A_127 = tpu.memref_slice %arg2[%dma_wait3A_125, %dma_wait3A_126] : memref<9088x128xf32, #tpu.memory_space<hbm>> -> memref<80x128xf32, #tpu.memory_space<hbm>>
    tpu.wait_dma2 semaphore(%arg10 : memref<!tpu.dma_semaphore, #tpu.memory_space<semaphore_mem>>) src(%dma_wait3A_127 : memref<80x128xf32, #tpu.memory_space<hbm>>) dst(%dma_wait3A_124 : memref<80x128xf32, #tpu.memory_space<vmem>>)
    %add3A_128 = arith.constant 160 : i32
    %add3A_129 = arith.addi %mul3A_2, %add3A_128 : i32
    %dma_start3A_130 = arith.constant 2 : i32
    %dma_start3A_131 = arith.constant 0 : i32
    %dma_start3A_132 = arith.constant 0 : i32
    %dma_start3A_133 = tpu.memref_slice %arg7[%dma_start3A_130, %dma_start3A_131, %dma_start3A_132] : memref<4x80x128xf32, #tpu.memory_space<vmem>> -> memref<1x80x128xf32, #tpu.memory_space<vmem>>
    %dma_start3A_134 = tpu.memref_squeeze %dma_start3A_133 : memref<1x80x128xf32, #tpu.memory_space<vmem>> -> memref<80x128xf32, #tpu.memory_space<vmem>>
    %dma_start3A_135 = arith.constant 0 : i32
    %dma_start3A_136 = tpu.memref_slice %arg4[%add3A_129, %dma_start3A_135] : memref<819200x128xf32, #tpu.memory_space<hbm>> -> memref<80x128xf32, #tpu.memory_space<hbm>>
    %dma_start3A_137 = arith.constant 0 : i32
    %dma_start3A_138 = tpu.memref_slice %arg4[%add3A_129, %dma_start3A_137] : memref<819200x128xf32, #tpu.memory_space<hbm>> -> memref<80x128xf32, #tpu.memory_space<hbm>>
    %dma_start3A_139 = arith.constant 0 : i32
    %dma_start3A_140 = arith.constant 0 : i32
    %dma_start3A_141 = tpu.memref_slice %arg7[%dma_start3A_130, %dma_start3A_139, %dma_start3A_140] : memref<4x80x128xf32, #tpu.memory_space<vmem>> -> memref<1x80x128xf32, #tpu.memory_space<vmem>>
    %dma_start3A_142 = tpu.memref_squeeze %dma_start3A_141 : memref<1x80x128xf32, #tpu.memory_space<vmem>> -> memref<80x128xf32, #tpu.memory_space<vmem>>
    tpu.enqueue_dma source(%dma_start3A_142 : memref<80x128xf32, #tpu.memory_space<vmem>>) target(%dma_start3A_138 : memref<80x128xf32, #tpu.memory_space<hbm>>) target_semaphore(%arg14 : memref<!tpu.dma_semaphore, #tpu.memory_space<semaphore_mem>>)
    %dma_wait3A_143 = arith.constant 0 : i32
    %dma_wait3A_144 = arith.constant 0 : i32
    %dma_wait3A_145 = arith.constant 0 : i32
    %dma_wait3A_146 = tpu.memref_slice %arg7[%dma_wait3A_143, %dma_wait3A_144, %dma_wait3A_145] : memref<4x80x128xf32, #tpu.memory_space<vmem>> -> memref<1x80x128xf32, #tpu.memory_space<vmem>>
    %dma_wait3A_147 = tpu.memref_squeeze %dma_wait3A_146 : memref<1x80x128xf32, #tpu.memory_space<vmem>> -> memref<80x128xf32, #tpu.memory_space<vmem>>
    %dma_wait3A_148 = arith.constant 0 : i32
    %dma_wait3A_149 = arith.constant 0 : i32
    %dma_wait3A_150 = tpu.memref_slice %arg4[%dma_wait3A_148, %dma_wait3A_149] : memref<819200x128xf32, #tpu.memory_space<hbm>> -> memref<80x128xf32, #tpu.memory_space<hbm>>
    %dma_wait3A_151 = arith.constant 0 : i32
    %dma_wait3A_152 = arith.constant 0 : i32
    %dma_wait3A_153 = tpu.memref_slice %arg4[%dma_wait3A_151, %dma_wait3A_152] : memref<819200x128xf32, #tpu.memory_space<hbm>> -> memref<80x128xf32, #tpu.memory_space<hbm>>
    %dma_wait3A_154 = arith.constant 0 : i32
    %dma_wait3A_155 = arith.constant 0 : i32
    %dma_wait3A_156 = tpu.memref_slice %arg7[%dma_wait3A_143, %dma_wait3A_154, %dma_wait3A_155] : memref<4x80x128xf32, #tpu.memory_space<vmem>> -> memref<1x80x128xf32, #tpu.memory_space<vmem>>
    %dma_wait3A_157 = tpu.memref_squeeze %dma_wait3A_156 : memref<1x80x128xf32, #tpu.memory_space<vmem>> -> memref<80x128xf32, #tpu.memory_space<vmem>>
    tpu.wait_dma2 semaphore(%arg12 : memref<!tpu.dma_semaphore, #tpu.memory_space<semaphore_mem>>) src(%dma_wait3A_157 : memref<80x128xf32, #tpu.memory_space<vmem>>) dst(%dma_wait3A_153 : memref<80x128xf32, #tpu.memory_space<hbm>>)
    %dma_start3A_158 = arith.constant 4 : i32
    %dma_start3A_159 = arith.constant 0 : i32
    %dma_start3A_160 = arith.constant 0 : i32
    %dma_start3A_161 = arith.constant 0 : i32
    %dma_start3A_162 = tpu.memref_slice %arg7[%dma_start3A_159, %dma_start3A_160, %dma_start3A_161] : memref<4x80x128xf32, #tpu.memory_space<vmem>> -> memref<1x80x128xf32, #tpu.memory_space<vmem>>
    %dma_start3A_163 = tpu.memref_squeeze %dma_start3A_162 : memref<1x80x128xf32, #tpu.memory_space<vmem>> -> memref<80x128xf32, #tpu.memory_space<vmem>>
    %dma_start3A_164 = arith.constant 0 : i32
    %dma_start3A_165 = tpu.memref_slice %arg6[%dma_start3A_158, %dma_start3A_164] : memref<80x80xi32, #tpu.memory_space<vmem>> -> memref<1x80xi32, #tpu.memory_space<vmem>>
    %dma_start3A_166 = tpu.memref_squeeze %dma_start3A_165 : memref<1x80xi32, #tpu.memory_space<vmem>> -> memref<80xi32, #tpu.memory_space<vmem>>
    %dma_start3A_167 = arith.constant 0 : i32
    %dma_start3A_168 = arith.constant 0 : i32
    %dma_start3A_169 = tpu.memref_slice %arg5[%dma_start3A_167, %dma_start3A_168] : memref<9088x128xf32, #tpu.memory_space<vmem_shared>> -> memref<9088x128xf32, #tpu.memory_space<vmem_shared>>
    tpu.enqueue_indirect_dma source(%dma_start3A_169 : memref<9088x128xf32, #tpu.memory_space<vmem_shared>>) target(%dma_start3A_163 : memref<80x128xf32, #tpu.memory_space<vmem>>) offsets(%dma_start3A_166 : memref<80xi32, #tpu.memory_space<vmem>>) semaphore(%arg8 : memref<!tpu.dma_semaphore, #tpu.memory_space<semaphore_mem>>)
    %dma_wait3A_170 = arith.constant 3 : i32
    %dma_wait3A_171 = arith.constant 0 : i32
    %dma_wait3A_172 = arith.constant 0 : i32
    %dma_wait3A_173 = tpu.memref_slice %arg7[%dma_wait3A_170, %dma_wait3A_171, %dma_wait3A_172] : memref<4x80x128xf32, #tpu.memory_space<vmem>> -> memref<1x80x128xf32, #tpu.memory_space<vmem>>
    %dma_wait3A_174 = tpu.memref_squeeze %dma_wait3A_173 : memref<1x80x128xf32, #tpu.memory_space<vmem>> -> memref<80x128xf32, #tpu.memory_space<vmem>>
    %dma_wait3A_175 = arith.constant 0 : i32
    %dma_wait3A_176 = arith.constant 0 : i32
    %dma_wait3A_177 = tpu.memref_slice %arg2[%dma_wait3A_175, %dma_wait3A_176] : memref<9088x128xf32, #tpu.memory_space<hbm>> -> memref<80x128xf32, #tpu.memory_space<hbm>>
    %dma_wait3A_178 = arith.constant 0 : i32
    %dma_wait3A_179 = arith.constant 0 : i32
    %dma_wait3A_180 = tpu.memref_slice %arg7[%dma_wait3A_170, %dma_wait3A_178, %dma_wait3A_179] : memref<4x80x128xf32, #tpu.memory_space<vmem>> -> memref<1x80x128xf32, #tpu.memory_space<vmem>>
    %dma_wait3A_181 = tpu.memref_squeeze %dma_wait3A_180 : memref<1x80x128xf32, #tpu.memory_space<vmem>> -> memref<80x128xf32, #tpu.memory_space<vmem>>
    %dma_wait3A_182 = arith.constant 0 : i32
    %dma_wait3A_183 = arith.constant 0 : i32
    %dma_wait3A_184 = tpu.memref_slice %arg2[%dma_wait3A_182, %dma_wait3A_183] : memref<9088x128xf32, #tpu.memory_space<hbm>> -> memref<80x128xf32, #tpu.memory_space<hbm>>
    tpu.wait_dma2 semaphore(%arg11 : memref<!tpu.dma_semaphore, #tpu.memory_space<semaphore_mem>>) src(%dma_wait3A_184 : memref<80x128xf32, #tpu.memory_space<hbm>>) dst(%dma_wait3A_181 : memref<80x128xf32, #tpu.memory_space<vmem>>)
    %add3A_185 = arith.constant 240 : i32
    %add3A_186 = arith.addi %mul3A_2, %add3A_185 : i32
    %dma_start3A_187 = arith.constant 3 : i32
    %dma_start3A_188 = arith.constant 0 : i32
    %dma_start3A_189 = arith.constant 0 : i32
    %dma_start3A_190 = tpu.memref_slice %arg7[%dma_start3A_187, %dma_start3A_188, %dma_start3A_189] : memref<4x80x128xf32, #tpu.memory_space<vmem>> -> memref<1x80x128xf32, #tpu.memory_space<vmem>>
    %dma_start3A_191 = tpu.memref_squeeze %dma_start3A_190 : memref<1x80x128xf32, #tpu.memory_space<vmem>> -> memref<80x128xf32, #tpu.memory_space<vmem>>
    %dma_start3A_192 = arith.constant 0 : i32
    %dma_start3A_193 = tpu.memref_slice %arg4[%add3A_186, %dma_start3A_192] : memref<819200x128xf32, #tpu.memory_space<hbm>> -> memref<80x128xf32, #tpu.memory_space<hbm>>
    %dma_start3A_194 = arith.constant 0 : i32
    %dma_start3A_195 = tpu.memref_slice %arg4[%add3A_186, %dma_start3A_194] : memref<819200x128xf32, #tpu.memory_space<hbm>> -> memref<80x128xf32, #tpu.memory_space<hbm>>
    %dma_start3A_196 = arith.constant 0 : i32
    %dma_start3A_197 = arith.constant 0 : i32
    %dma_start3A_198 = tpu.memref_slice %arg7[%dma_start3A_187, %dma_start3A_196, %dma_start3A_197] : memref<4x80x128xf32, #tpu.memory_space<vmem>> -> memref<1x80x128xf32, #tpu.memory_space<vmem>>
    %dma_start3A_199 = tpu.memref_squeeze %dma_start3A_198 : memref<1x80x128xf32, #tpu.memory_space<vmem>> -> memref<80x128xf32, #tpu.memory_space<vmem>>
    tpu.enqueue_dma source(%dma_start3A_199 : memref<80x128xf32, #tpu.memory_space<vmem>>) target(%dma_start3A_195 : memref<80x128xf32, #tpu.memory_space<hbm>>) target_semaphore(%arg15 : memref<!tpu.dma_semaphore, #tpu.memory_space<semaphore_mem>>)
    %dma_wait3A_200 = arith.constant 1 : i32
    %dma_wait3A_201 = arith.constant 0 : i32
    %dma_wait3A_202 = arith.constant 0 : i32
    %dma_wait3A_203 = tpu.memref_slice %arg7[%dma_wait3A_200, %dma_wait3A_201, %dma_wait3A_202] : memref<4x80x128xf32, #tpu.memory_space<vmem>> -> memref<1x80x128xf32, #tpu.memory_space<vmem>>
    %dma_wait3A_204 = tpu.memref_squeeze %dma_wait3A_203 : memref<1x80x128xf32, #tpu.memory_space<vmem>> -> memref<80x128xf32, #tpu.memory_space<vmem>>
    %dma_wait3A_205 = arith.constant 0 : i32
    %dma_wait3A_206 = arith.constant 0 : i32
    %dma_wait3A_207 = tpu.memref_slice %arg4[%dma_wait3A_205, %dma_wait3A_206] : memref<819200x128xf32, #tpu.memory_space<hbm>> -> memref<80x128xf32, #tpu.memory_space<hbm>>
    %dma_wait3A_208 = arith.constant 0 : i32
    %dma_wait3A_209 = arith.constant 0 : i32
    %dma_wait3A_210 = tpu.memref_slice %arg4[%dma_wait3A_208, %dma_wait3A_209] : memref<819200x128xf32, #tpu.memory_space<hbm>> -> memref<80x128xf32, #tpu.memory_space<hbm>>
    %dma_wait3A_211 = arith.constant 0 : i32
    %dma_wait3A_212 = arith.constant 0 : i32
    %dma_wait3A_213 = tpu.memref_slice %arg7[%dma_wait3A_200, %dma_wait3A_211, %dma_wait3A_212] : memref<4x80x128xf32, #tpu.memory_space<vmem>> -> memref<1x80x128xf32, #tpu.memory_space<vmem>>
    %dma_wait3A_214 = tpu.memref_squeeze %dma_wait3A_213 : memref<1x80x128xf32, #tpu.memory_space<vmem>> -> memref<80x128xf32, #tpu.memory_space<vmem>>
    tpu.wait_dma2 semaphore(%arg13 : memref<!tpu.dma_semaphore, #tpu.memory_space<semaphore_mem>>) src(%dma_wait3A_214 : memref<80x128xf32, #tpu.memory_space<vmem>>) dst(%dma_wait3A_210 : memref<80x128xf32, #tpu.memory_space<hbm>>)
    %dma_start3A_215 = arith.constant 5 : i32
    %dma_start3A_216 = arith.constant 1 : i32
    %dma_start3A_217 = arith.constant 0 : i32
    %dma_start3A_218 = arith.constant 0 : i32
    %dma_start3A_219 = tpu.memref_slice %arg7[%dma_start3A_216, %dma_start3A_217, %dma_start3A_218] : memref<4x80x128xf32, #tpu.memory_space<vmem>> -> memref<1x80x128xf32, #tpu.memory_space<vmem>>
    %dma_start3A_220 = tpu.memref_squeeze %dma_start3A_219 : memref<1x80x128xf32, #tpu.memory_space<vmem>> -> memref<80x128xf32, #tpu.memory_space<vmem>>
    %dma_start3A_221 = arith.constant 0 : i32
    %dma_start3A_222 = tpu.memref_slice %arg6[%dma_start3A_215, %dma_start3A_221] : memref<80x80xi32, #tpu.memory_space<vmem>> -> memref<1x80xi32, #tpu.memory_space<vmem>>
    %dma_start3A_223 = tpu.memref_squeeze %dma_start3A_222 : memref<1x80xi32, #tpu.memory_space<vmem>> -> memref<80xi32, #tpu.memory_space<vmem>>
    %dma_start3A_224 = arith.constant 0 : i32
    %dma_start3A_225 = arith.constant 0 : i32
    %dma_start3A_226 = tpu.memref_slice %arg5[%dma_start3A_224, %dma_start3A_225] : memref<9088x128xf32, #tpu.memory_space<vmem_shared>> -> memref<9088x128xf32, #tpu.memory_space<vmem_shared>>
    tpu.enqueue_indirect_dma source(%dma_start3A_226 : memref<9088x128xf32, #tpu.memory_space<vmem_shared>>) target(%dma_start3A_220 : memref<80x128xf32, #tpu.memory_space<vmem>>) offsets(%dma_start3A_223 : memref<80xi32, #tpu.memory_space<vmem>>) semaphore(%arg9 : memref<!tpu.dma_semaphore, #tpu.memory_space<semaphore_mem>>)
    %scan3A = arith.constant 0 : i32
    %scan3A_227 = arith.constant 18 : i32
    %scan3A_228 = arith.addi %scan3A, %scan3A_227 : i32
    %scan3A_229 = arith.constant 1 : i32
    scf.for %scan3A_1851 = %scan3A to %scan3A_228 step %scan3A_229  : i32 {
      %mul3A_1852 = arith.constant 4 : i32
      %mul3A_1853 = arith.muli %scan3A_1851, %mul3A_1852 : i32
      %add3A_1854 = arith.constant 4 : i32
      %add3A_1855 = arith.addi %add3A_1854, %mul3A_1853 : i32
      %add3A_1856 = arith.constant 0 : i32
      %add3A_1857 = arith.addi %add3A_1855, %add3A_1856 : i32
      %dma_wait3A_1858 = arith.constant 0 : i32
      %dma_wait3A_1859 = arith.constant 0 : i32
      %dma_wait3A_1860 = arith.constant 0 : i32
      %dma_wait3A_1861 = tpu.memref_slice %arg7[%dma_wait3A_1858, %dma_wait3A_1859, %dma_wait3A_1860] : memref<4x80x128xf32, #tpu.memory_space<vmem>> -> memref<1x80x128xf32, #tpu.memory_space<vmem>>
      %dma_wait3A_1862 = tpu.memref_squeeze %dma_wait3A_1861 : memref<1x80x128xf32, #tpu.memory_space<vmem>> -> memref<80x128xf32, #tpu.memory_space<vmem>>
      %dma_wait3A_1863 = arith.constant 0 : i32
      %dma_wait3A_1864 = arith.constant 0 : i32
      %dma_wait3A_1865 = tpu.memref_slice %arg2[%dma_wait3A_1863, %dma_wait3A_1864] : memref<9088x128xf32, #tpu.memory_space<hbm>> -> memref<80x128xf32, #tpu.memory_space<hbm>>
      %dma_wait3A_1866 = arith.constant 0 : i32
      %dma_wait3A_1867 = arith.constant 0 : i32
      %dma_wait3A_1868 = tpu.memref_slice %arg7[%dma_wait3A_1858, %dma_wait3A_1866, %dma_wait3A_1867] : memref<4x80x128xf32, #tpu.memory_space<vmem>> -> memref<1x80x128xf32, #tpu.memory_space<vmem>>
      %dma_wait3A_1869 = tpu.memref_squeeze %dma_wait3A_1868 : memref<1x80x128xf32, #tpu.memory_space<vmem>> -> memref<80x128xf32, #tpu.memory_space<vmem>>
      %dma_wait3A_1870 = arith.constant 0 : i32
      %dma_wait3A_1871 = arith.constant 0 : i32
      %dma_wait3A_1872 = tpu.memref_slice %arg2[%dma_wait3A_1870, %dma_wait3A_1871] : memref<9088x128xf32, #tpu.memory_space<hbm>> -> memref<80x128xf32, #tpu.memory_space<hbm>>
      tpu.wait_dma2 semaphore(%arg8 : memref<!tpu.dma_semaphore, #tpu.memory_space<semaphore_mem>>) src(%dma_wait3A_1872 : memref<80x128xf32, #tpu.memory_space<hbm>>) dst(%dma_wait3A_1869 : memref<80x128xf32, #tpu.memory_space<vmem>>)
      %dma_wait3A_1873 = arith.constant 2 : i32
      %dma_wait3A_1874 = arith.constant 0 : i32
      %dma_wait3A_1875 = arith.constant 0 : i32
      %dma_wait3A_1876 = tpu.memref_slice %arg7[%dma_wait3A_1873, %dma_wait3A_1874, %dma_wait3A_1875] : memref<4x80x128xf32, #tpu.memory_space<vmem>> -> memref<1x80x128xf32, #tpu.memory_space<vmem>>
      %dma_wait3A_1877 = tpu.memref_squeeze %dma_wait3A_1876 : memref<1x80x128xf32, #tpu.memory_space<vmem>> -> memref<80x128xf32, #tpu.memory_space<vmem>>
      %dma_wait3A_1878 = arith.constant 0 : i32
      %dma_wait3A_1879 = arith.constant 0 : i32
      %dma_wait3A_1880 = tpu.memref_slice %arg4[%dma_wait3A_1878, %dma_wait3A_1879] : memref<819200x128xf32, #tpu.memory_space<hbm>> -> memref<80x128xf32, #tpu.memory_space<hbm>>
      %dma_wait3A_1881 = arith.constant 0 : i32
      %dma_wait3A_1882 = arith.constant 0 : i32
      %dma_wait3A_1883 = tpu.memref_slice %arg4[%dma_wait3A_1881, %dma_wait3A_1882] : memref<819200x128xf32, #tpu.memory_space<hbm>> -> memref<80x128xf32, #tpu.memory_space<hbm>>
      %dma_wait3A_1884 = arith.constant 0 : i32
      %dma_wait3A_1885 = arith.constant 0 : i32
      %dma_wait3A_1886 = tpu.memref_slice %arg7[%dma_wait3A_1873, %dma_wait3A_1884, %dma_wait3A_1885] : memref<4x80x128xf32, #tpu.memory_space<vmem>> -> memref<1x80x128xf32, #tpu.memory_space<vmem>>
      %dma_wait3A_1887 = tpu.memref_squeeze %dma_wait3A_1886 : memref<1x80x128xf32, #tpu.memory_space<vmem>> -> memref<80x128xf32, #tpu.memory_space<vmem>>
      tpu.wait_dma2 semaphore(%arg14 : memref<!tpu.dma_semaphore, #tpu.memory_space<semaphore_mem>>) src(%dma_wait3A_1887 : memref<80x128xf32, #tpu.memory_space<vmem>>) dst(%dma_wait3A_1883 : memref<80x128xf32, #tpu.memory_space<hbm>>)
      %add3A_1888 = arith.constant 2 : i32
      %add3A_1889 = arith.addi %add3A_1857, %add3A_1888 : i32
      %dma_start3A_1890 = arith.constant 2 : i32
      %dma_start3A_1891 = arith.constant 0 : i32
      %dma_start3A_1892 = arith.constant 0 : i32
      %dma_start3A_1893 = tpu.memref_slice %arg7[%dma_start3A_1890, %dma_start3A_1891, %dma_start3A_1892] : memref<4x80x128xf32, #tpu.memory_space<vmem>> -> memref<1x80x128xf32, #tpu.memory_space<vmem>>
      %dma_start3A_1894 = tpu.memref_squeeze %dma_start3A_1893 : memref<1x80x128xf32, #tpu.memory_space<vmem>> -> memref<80x128xf32, #tpu.memory_space<vmem>>
      %dma_start3A_1895 = arith.constant 0 : i32
      %dma_start3A_1896 = tpu.memref_slice %arg6[%add3A_1889, %dma_start3A_1895] : memref<80x80xi32, #tpu.memory_space<vmem>> -> memref<1x80xi32, #tpu.memory_space<vmem>>
      %dma_start3A_1897 = tpu.memref_squeeze %dma_start3A_1896 : memref<1x80xi32, #tpu.memory_space<vmem>> -> memref<80xi32, #tpu.memory_space<vmem>>
      %dma_start3A_1898 = arith.constant 0 : i32
      %dma_start3A_1899 = arith.constant 0 : i32
      %dma_start3A_1900 = tpu.memref_slice %arg5[%dma_start3A_1898, %dma_start3A_1899] : memref<9088x128xf32, #tpu.memory_space<vmem_shared>> -> memref<9088x128xf32, #tpu.memory_space<vmem_shared>>
      tpu.enqueue_indirect_dma source(%dma_start3A_1900 : memref<9088x128xf32, #tpu.memory_space<vmem_shared>>) target(%dma_start3A_1894 : memref<80x128xf32, #tpu.memory_space<vmem>>) offsets(%dma_start3A_1897 : memref<80xi32, #tpu.memory_space<vmem>>) semaphore(%arg10 : memref<!tpu.dma_semaphore, #tpu.memory_space<semaphore_mem>>)
      %add3A_1901 = arith.constant 0 : i32
      %add3A_1902 = arith.addi %add3A_1901, %add3A_1857 : i32
      %mul3A_1903 = arith.constant 80 : i32
      %mul3A_1904 = arith.muli %add3A_1902, %mul3A_1903 : i32
      %add3A_1905 = arith.addi %mul3A_2, %mul3A_1904 : i32
      %dma_start3A_1906 = arith.constant 0 : i32
      %dma_start3A_1907 = arith.constant 0 : i32
      %dma_start3A_1908 = arith.constant 0 : i32
      %dma_start3A_1909 = tpu.memref_slice %arg7[%dma_start3A_1906, %dma_start3A_1907, %dma_start3A_1908] : memref<4x80x128xf32, #tpu.memory_space<vmem>> -> memref<1x80x128xf32, #tpu.memory_space<vmem>>
      %dma_start3A_1910 = tpu.memref_squeeze %dma_start3A_1909 : memref<1x80x128xf32, #tpu.memory_space<vmem>> -> memref<80x128xf32, #tpu.memory_space<vmem>>
      %dma_start3A_1911 = arith.constant 0 : i32
      %dma_start3A_1912 = tpu.memref_slice %arg4[%add3A_1905, %dma_start3A_1911] : memref<819200x128xf32, #tpu.memory_space<hbm>> -> memref<80x128xf32, #tpu.memory_space<hbm>>
      %dma_start3A_1913 = arith.constant 0 : i32
      %dma_start3A_1914 = tpu.memref_slice %arg4[%add3A_1905, %dma_start3A_1913] : memref<819200x128xf32, #tpu.memory_space<hbm>> -> memref<80x128xf32, #tpu.memory_space<hbm>>
      %dma_start3A_1915 = arith.constant 0 : i32
      %dma_start3A_1916 = arith.constant 0 : i32
      %dma_start3A_1917 = tpu.memref_slice %arg7[%dma_start3A_1906, %dma_start3A_1915, %dma_start3A_1916] : memref<4x80x128xf32, #tpu.memory_space<vmem>> -> memref<1x80x128xf32, #tpu.memory_space<vmem>>
      %dma_start3A_1918 = tpu.memref_squeeze %dma_start3A_1917 : memref<1x80x128xf32, #tpu.memory_space<vmem>> -> memref<80x128xf32, #tpu.memory_space<vmem>>
      tpu.enqueue_dma source(%dma_start3A_1918 : memref<80x128xf32, #tpu.memory_space<vmem>>) target(%dma_start3A_1914 : memref<80x128xf32, #tpu.memory_space<hbm>>) target_semaphore(%arg12 : memref<!tpu.dma_semaphore, #tpu.memory_space<semaphore_mem>>)
      %add3A_1919 = arith.constant 1 : i32
      %add3A_1920 = arith.addi %add3A_1855, %add3A_1919 : i32
      %dma_wait3A_1921 = arith.constant 1 : i32
      %dma_wait3A_1922 = arith.constant 0 : i32
      %dma_wait3A_1923 = arith.constant 0 : i32
      %dma_wait3A_1924 = tpu.memref_slice %arg7[%dma_wait3A_1921, %dma_wait3A_1922, %dma_wait3A_1923] : memref<4x80x128xf32, #tpu.memory_space<vmem>> -> memref<1x80x128xf32, #tpu.memory_space<vmem>>
      %dma_wait3A_1925 = tpu.memref_squeeze %dma_wait3A_1924 : memref<1x80x128xf32, #tpu.memory_space<vmem>> -> memref<80x128xf32, #tpu.memory_space<vmem>>
      %dma_wait3A_1926 = arith.constant 0 : i32
      %dma_wait3A_1927 = arith.constant 0 : i32
      %dma_wait3A_1928 = tpu.memref_slice %arg2[%dma_wait3A_1926, %dma_wait3A_1927] : memref<9088x128xf32, #tpu.memory_space<hbm>> -> memref<80x128xf32, #tpu.memory_space<hbm>>
      %dma_wait3A_1929 = arith.constant 0 : i32
      %dma_wait3A_1930 = arith.constant 0 : i32
      %dma_wait3A_1931 = tpu.memref_slice %arg7[%dma_wait3A_1921, %dma_wait3A_1929, %dma_wait3A_1930] : memref<4x80x128xf32, #tpu.memory_space<vmem>> -> memref<1x80x128xf32, #tpu.memory_space<vmem>>
      %dma_wait3A_1932 = tpu.memref_squeeze %dma_wait3A_1931 : memref<1x80x128xf32, #tpu.memory_space<vmem>> -> memref<80x128xf32, #tpu.memory_space<vmem>>
      %dma_wait3A_1933 = arith.constant 0 : i32
      %dma_wait3A_1934 = arith.constant 0 : i32
      %dma_wait3A_1935 = tpu.memref_slice %arg2[%dma_wait3A_1933, %dma_wait3A_1934] : memref<9088x128xf32, #tpu.memory_space<hbm>> -> memref<80x128xf32, #tpu.memory_space<hbm>>
      tpu.wait_dma2 semaphore(%arg9 : memref<!tpu.dma_semaphore, #tpu.memory_space<semaphore_mem>>) src(%dma_wait3A_1935 : memref<80x128xf32, #tpu.memory_space<hbm>>) dst(%dma_wait3A_1932 : memref<80x128xf32, #tpu.memory_space<vmem>>)
      %dma_wait3A_1936 = arith.constant 3 : i32
      %dma_wait3A_1937 = arith.constant 0 : i32
      %dma_wait3A_1938 = arith.constant 0 : i32
      %dma_wait3A_1939 = tpu.memref_slice %arg7[%dma_wait3A_1936, %dma_wait3A_1937, %dma_wait3A_1938] : memref<4x80x128xf32, #tpu.memory_space<vmem>> -> memref<1x80x128xf32, #tpu.memory_space<vmem>>
      %dma_wait3A_1940 = tpu.memref_squeeze %dma_wait3A_1939 : memref<1x80x128xf32, #tpu.memory_space<vmem>> -> memref<80x128xf32, #tpu.memory_space<vmem>>
      %dma_wait3A_1941 = arith.constant 0 : i32
      %dma_wait3A_1942 = arith.constant 0 : i32
      %dma_wait3A_1943 = tpu.memref_slice %arg4[%dma_wait3A_1941, %dma_wait3A_1942] : memref<819200x128xf32, #tpu.memory_space<hbm>> -> memref<80x128xf32, #tpu.memory_space<hbm>>
      %dma_wait3A_1944 = arith.constant 0 : i32
      %dma_wait3A_1945 = arith.constant 0 : i32
      %dma_wait3A_1946 = tpu.memref_slice %arg4[%dma_wait3A_1944, %dma_wait3A_1945] : memref<819200x128xf32, #tpu.memory_space<hbm>> -> memref<80x128xf32, #tpu.memory_space<hbm>>
      %dma_wait3A_1947 = arith.constant 0 : i32
      %dma_wait3A_1948 = arith.constant 0 : i32
      %dma_wait3A_1949 = tpu.memref_slice %arg7[%dma_wait3A_1936, %dma_wait3A_1947, %dma_wait3A_1948] : memref<4x80x128xf32, #tpu.memory_space<vmem>> -> memref<1x80x128xf32, #tpu.memory_space<vmem>>
      %dma_wait3A_1950 = tpu.memref_squeeze %dma_wait3A_1949 : memref<1x80x128xf32, #tpu.memory_space<vmem>> -> memref<80x128xf32, #tpu.memory_space<vmem>>
      tpu.wait_dma2 semaphore(%arg15 : memref<!tpu.dma_semaphore, #tpu.memory_space<semaphore_mem>>) src(%dma_wait3A_1950 : memref<80x128xf32, #tpu.memory_space<vmem>>) dst(%dma_wait3A_1946 : memref<80x128xf32, #tpu.memory_space<hbm>>)
      %add3A_1951 = arith.constant 2 : i32
      %add3A_1952 = arith.addi %add3A_1920, %add3A_1951 : i32
      %dma_start3A_1953 = arith.constant 3 : i32
      %dma_start3A_1954 = arith.constant 0 : i32
      %dma_start3A_1955 = arith.constant 0 : i32
      %dma_start3A_1956 = tpu.memref_slice %arg7[%dma_start3A_1953, %dma_start3A_1954, %dma_start3A_1955] : memref<4x80x128xf32, #tpu.memory_space<vmem>> -> memref<1x80x128xf32, #tpu.memory_space<vmem>>
      %dma_start3A_1957 = tpu.memref_squeeze %dma_start3A_1956 : memref<1x80x128xf32, #tpu.memory_space<vmem>> -> memref<80x128xf32, #tpu.memory_space<vmem>>
      %dma_start3A_1958 = arith.constant 0 : i32
      %dma_start3A_1959 = tpu.memref_slice %arg6[%add3A_1952, %dma_start3A_1958] : memref<80x80xi32, #tpu.memory_space<vmem>> -> memref<1x80xi32, #tpu.memory_space<vmem>>
      %dma_start3A_1960 = tpu.memref_squeeze %dma_start3A_1959 : memref<1x80xi32, #tpu.memory_space<vmem>> -> memref<80xi32, #tpu.memory_space<vmem>>
      %dma_start3A_1961 = arith.constant 0 : i32
      %dma_start3A_1962 = arith.constant 0 : i32
      %dma_start3A_1963 = tpu.memref_slice %arg5[%dma_start3A_1961, %dma_start3A_1962] : memref<9088x128xf32, #tpu.memory_space<vmem_shared>> -> memref<9088x128xf32, #tpu.memory_space<vmem_shared>>
      tpu.enqueue_indirect_dma source(%dma_start3A_1963 : memref<9088x128xf32, #tpu.memory_space<vmem_shared>>) target(%dma_start3A_1957 : memref<80x128xf32, #tpu.memory_space<vmem>>) offsets(%dma_start3A_1960 : memref<80xi32, #tpu.memory_space<vmem>>) semaphore(%arg11 : memref<!tpu.dma_semaphore, #tpu.memory_space<semaphore_mem>>)
      %add3A_1964 = arith.constant 0 : i32
      %add3A_1965 = arith.addi %add3A_1964, %add3A_1920 : i32
      %mul3A_1966 = arith.constant 80 : i32
      %mul3A_1967 = arith.muli %add3A_1965, %mul3A_1966 : i32
      %add3A_1968 = arith.addi %mul3A_2, %mul3A_1967 : i32
      %dma_start3A_1969 = arith.constant 1 : i32
      %dma_start3A_1970 = arith.constant 0 : i32
      %dma_start3A_1971 = arith.constant 0 : i32
      %dma_start3A_1972 = tpu.memref_slice %arg7[%dma_start3A_1969, %dma_start3A_1970, %dma_start3A_1971] : memref<4x80x128xf32, #tpu.memory_space<vmem>> -> memref<1x80x128xf32, #tpu.memory_space<vmem>>
      %dma_start3A_1973 = tpu.memref_squeeze %dma_start3A_1972 : memref<1x80x128xf32, #tpu.memory_space<vmem>> -> memref<80x128xf32, #tpu.memory_space<vmem>>
      %dma_start3A_1974 = arith.constant 0 : i32
      %dma_start3A_1975 = tpu.memref_slice %arg4[%add3A_1968, %dma_start3A_1974] : memref<819200x128xf32, #tpu.memory_space<hbm>> -> memref<80x128xf32, #tpu.memory_space<hbm>>
      %dma_start3A_1976 = arith.constant 0 : i32
      %dma_start3A_1977 = tpu.memref_slice %arg4[%add3A_1968, %dma_start3A_1976] : memref<819200x128xf32, #tpu.memory_space<hbm>> -> memref<80x128xf32, #tpu.memory_space<hbm>>
      %dma_start3A_1978 = arith.constant 0 : i32
      %dma_start3A_1979 = arith.constant 0 : i32
      %dma_start3A_1980 = tpu.memref_slice %arg7[%dma_start3A_1969, %dma_start3A_1978, %dma_start3A_1979] : memref<4x80x128xf32, #tpu.memory_space<vmem>> -> memref<1x80x128xf32, #tpu.memory_space<vmem>>
      %dma_start3A_1981 = tpu.memref_squeeze %dma_start3A_1980 : memref<1x80x128xf32, #tpu.memory_space<vmem>> -> memref<80x128xf32, #tpu.memory_space<vmem>>
      tpu.enqueue_dma source(%dma_start3A_1981 : memref<80x128xf32, #tpu.memory_space<vmem>>) target(%dma_start3A_1977 : memref<80x128xf32, #tpu.memory_space<hbm>>) target_semaphore(%arg13 : memref<!tpu.dma_semaphore, #tpu.memory_space<semaphore_mem>>)
      %add3A_1982 = arith.constant 2 : i32
      %add3A_1983 = arith.addi %add3A_1855, %add3A_1982 : i32
      %dma_wait3A_1984 = arith.constant 2 : i32
      %dma_wait3A_1985 = arith.constant 0 : i32
      %dma_wait3A_1986 = arith.constant 0 : i32
      %dma_wait3A_1987 = tpu.memref_slice %arg7[%dma_wait3A_1984, %dma_wait3A_1985, %dma_wait3A_1986] : memref<4x80x128xf32, #tpu.memory_space<vmem>> -> memref<1x80x128xf32, #tpu.memory_space<vmem>>
      %dma_wait3A_1988 = tpu.memref_squeeze %dma_wait3A_1987 : memref<1x80x128xf32, #tpu.memory_space<vmem>> -> memref<80x128xf32, #tpu.memory_space<vmem>>
      %dma_wait3A_1989 = arith.constant 0 : i32
      %dma_wait3A_1990 = arith.constant 0 : i32
      %dma_wait3A_1991 = tpu.memref_slice %arg2[%dma_wait3A_1989, %dma_wait3A_1990] : memref<9088x128xf32, #tpu.memory_space<hbm>> -> memref<80x128xf32, #tpu.memory_space<hbm>>
      %dma_wait3A_1992 = arith.constant 0 : i32
      %dma_wait3A_1993 = arith.constant 0 : i32
      %dma_wait3A_1994 = tpu.memref_slice %arg7[%dma_wait3A_1984, %dma_wait3A_1992, %dma_wait3A_1993] : memref<4x80x128xf32, #tpu.memory_space<vmem>> -> memref<1x80x128xf32, #tpu.memory_space<vmem>>
      %dma_wait3A_1995 = tpu.memref_squeeze %dma_wait3A_1994 : memref<1x80x128xf32, #tpu.memory_space<vmem>> -> memref<80x128xf32, #tpu.memory_space<vmem>>
      %dma_wait3A_1996 = arith.constant 0 : i32
      %dma_wait3A_1997 = arith.constant 0 : i32
      %dma_wait3A_1998 = tpu.memref_slice %arg2[%dma_wait3A_1996, %dma_wait3A_1997] : memref<9088x128xf32, #tpu.memory_space<hbm>> -> memref<80x128xf32, #tpu.memory_space<hbm>>
      tpu.wait_dma2 semaphore(%arg10 : memref<!tpu.dma_semaphore, #tpu.memory_space<semaphore_mem>>) src(%dma_wait3A_1998 : memref<80x128xf32, #tpu.memory_space<hbm>>) dst(%dma_wait3A_1995 : memref<80x128xf32, #tpu.memory_space<vmem>>)
      %dma_wait3A_1999 = arith.constant 0 : i32
      %dma_wait3A_2000 = arith.constant 0 : i32
      %dma_wait3A_2001 = arith.constant 0 : i32
      %dma_wait3A_2002 = tpu.memref_slice %arg7[%dma_wait3A_1999, %dma_wait3A_2000, %dma_wait3A_2001] : memref<4x80x128xf32, #tpu.memory_space<vmem>> -> memref<1x80x128xf32, #tpu.memory_space<vmem>>
      %dma_wait3A_2003 = tpu.memref_squeeze %dma_wait3A_2002 : memref<1x80x128xf32, #tpu.memory_space<vmem>> -> memref<80x128xf32, #tpu.memory_space<vmem>>
      %dma_wait3A_2004 = arith.constant 0 : i32
      %dma_wait3A_2005 = arith.constant 0 : i32
      %dma_wait3A_2006 = tpu.memref_slice %arg4[%dma_wait3A_2004, %dma_wait3A_2005] : memref<819200x128xf32, #tpu.memory_space<hbm>> -> memref<80x128xf32, #tpu.memory_space<hbm>>
      %dma_wait3A_2007 = arith.constant 0 : i32
      %dma_wait3A_2008 = arith.constant 0 : i32
      %dma_wait3A_2009 = tpu.memref_slice %arg4[%dma_wait3A_2007, %dma_wait3A_2008] : memref<819200x128xf32, #tpu.memory_space<hbm>> -> memref<80x128xf32, #tpu.memory_space<hbm>>
      %dma_wait3A_2010 = arith.constant 0 : i32
      %dma_wait3A_2011 = arith.constant 0 : i32
      %dma_wait3A_2012 = tpu.memref_slice %arg7[%dma_wait3A_1999, %dma_wait3A_2010, %dma_wait3A_2011] : memref<4x80x128xf32, #tpu.memory_space<vmem>> -> memref<1x80x128xf32, #tpu.memory_space<vmem>>
      %dma_wait3A_2013 = tpu.memref_squeeze %dma_wait3A_2012 : memref<1x80x128xf32, #tpu.memory_space<vmem>> -> memref<80x128xf32, #tpu.memory_space<vmem>>
      tpu.wait_dma2 semaphore(%arg12 : memref<!tpu.dma_semaphore, #tpu.memory_space<semaphore_mem>>) src(%dma_wait3A_2013 : memref<80x128xf32, #tpu.memory_space<vmem>>) dst(%dma_wait3A_2009 : memref<80x128xf32, #tpu.memory_space<hbm>>)
      %add3A_2014 = arith.constant 2 : i32
      %add3A_2015 = arith.addi %add3A_1983, %add3A_2014 : i32
      %dma_start3A_2016 = arith.constant 0 : i32
      %dma_start3A_2017 = arith.constant 0 : i32
      %dma_start3A_2018 = arith.constant 0 : i32
      %dma_start3A_2019 = tpu.memref_slice %arg7[%dma_start3A_2016, %dma_start3A_2017, %dma_start3A_2018] : memref<4x80x128xf32, #tpu.memory_space<vmem>> -> memref<1x80x128xf32, #tpu.memory_space<vmem>>
      %dma_start3A_2020 = tpu.memref_squeeze %dma_start3A_2019 : memref<1x80x128xf32, #tpu.memory_space<vmem>> -> memref<80x128xf32, #tpu.memory_space<vmem>>
      %dma_start3A_2021 = arith.constant 0 : i32
      %dma_start3A_2022 = tpu.memref_slice %arg6[%add3A_2015, %dma_start3A_2021] : memref<80x80xi32, #tpu.memory_space<vmem>> -> memref<1x80xi32, #tpu.memory_space<vmem>>
      %dma_start3A_2023 = tpu.memref_squeeze %dma_start3A_2022 : memref<1x80xi32, #tpu.memory_space<vmem>> -> memref<80xi32, #tpu.memory_space<vmem>>
      %dma_start3A_2024 = arith.constant 0 : i32
      %dma_start3A_2025 = arith.constant 0 : i32
      %dma_start3A_2026 = tpu.memref_slice %arg5[%dma_start3A_2024, %dma_start3A_2025] : memref<9088x128xf32, #tpu.memory_space<vmem_shared>> -> memref<9088x128xf32, #tpu.memory_space<vmem_shared>>
      tpu.enqueue_indirect_dma source(%dma_start3A_2026 : memref<9088x128xf32, #tpu.memory_space<vmem_shared>>) target(%dma_start3A_2020 : memref<80x128xf32, #tpu.memory_space<vmem>>) offsets(%dma_start3A_2023 : memref<80xi32, #tpu.memory_space<vmem>>) semaphore(%arg8 : memref<!tpu.dma_semaphore, #tpu.memory_space<semaphore_mem>>)
      %add3A_2027 = arith.constant 0 : i32
      %add3A_2028 = arith.addi %add3A_2027, %add3A_1983 : i32
      %mul3A_2029 = arith.constant 80 : i32
      %mul3A_2030 = arith.muli %add3A_2028, %mul3A_2029 : i32
      %add3A_2031 = arith.addi %mul3A_2, %mul3A_2030 : i32
      %dma_start3A_2032 = arith.constant 2 : i32
      %dma_start3A_2033 = arith.constant 0 : i32
      %dma_start3A_2034 = arith.constant 0 : i32
      %dma_start3A_2035 = tpu.memref_slice %arg7[%dma_start3A_2032, %dma_start3A_2033, %dma_start3A_2034] : memref<4x80x128xf32, #tpu.memory_space<vmem>> -> memref<1x80x128xf32, #tpu.memory_space<vmem>>
      %dma_start3A_2036 = tpu.memref_squeeze %dma_start3A_2035 : memref<1x80x128xf32, #tpu.memory_space<vmem>> -> memref<80x128xf32, #tpu.memory_space<vmem>>
      %dma_start3A_2037 = arith.constant 0 : i32
      %dma_start3A_2038 = tpu.memref_slice %arg4[%add3A_2031, %dma_start3A_2037] : memref<819200x128xf32, #tpu.memory_space<hbm>> -> memref<80x128xf32, #tpu.memory_space<hbm>>
      %dma_start3A_2039 = arith.constant 0 : i32
      %dma_start3A_2040 = tpu.memref_slice %arg4[%add3A_2031, %dma_start3A_2039] : memref<819200x128xf32, #tpu.memory_space<hbm>> -> memref<80x128xf32, #tpu.memory_space<hbm>>
      %dma_start3A_2041 = arith.constant 0 : i32
      %dma_start3A_2042 = arith.constant 0 : i32
      %dma_start3A_2043 = tpu.memref_slice %arg7[%dma_start3A_2032, %dma_start3A_2041, %dma_start3A_2042] : memref<4x80x128xf32, #tpu.memory_space<vmem>> -> memref<1x80x128xf32, #tpu.memory_space<vmem>>
      %dma_start3A_2044 = tpu.memref_squeeze %dma_start3A_2043 : memref<1x80x128xf32, #tpu.memory_space<vmem>> -> memref<80x128xf32, #tpu.memory_space<vmem>>
      tpu.enqueue_dma source(%dma_start3A_2044 : memref<80x128xf32, #tpu.memory_space<vmem>>) target(%dma_start3A_2040 : memref<80x128xf32, #tpu.memory_space<hbm>>) target_semaphore(%arg14 : memref<!tpu.dma_semaphore, #tpu.memory_space<semaphore_mem>>)
      %add3A_2045 = arith.constant 3 : i32
      %add3A_2046 = arith.addi %add3A_1855, %add3A_2045 : i32
      %dma_wait3A_2047 = arith.constant 3 : i32
      %dma_wait3A_2048 = arith.constant 0 : i32
      %dma_wait3A_2049 = arith.constant 0 : i32
      %dma_wait3A_2050 = tpu.memref_slice %arg7[%dma_wait3A_2047, %dma_wait3A_2048, %dma_wait3A_2049] : memref<4x80x128xf32, #tpu.memory_space<vmem>> -> memref<1x80x128xf32, #tpu.memory_space<vmem>>
      %dma_wait3A_2051 = tpu.memref_squeeze %dma_wait3A_2050 : memref<1x80x128xf32, #tpu.memory_space<vmem>> -> memref<80x128xf32, #tpu.memory_space<vmem>>
      %dma_wait3A_2052 = arith.constant 0 : i32
      %dma_wait3A_2053 = arith.constant 0 : i32
      %dma_wait3A_2054 = tpu.memref_slice %arg2[%dma_wait3A_2052, %dma_wait3A_2053] : memref<9088x128xf32, #tpu.memory_space<hbm>> -> memref<80x128xf32, #tpu.memory_space<hbm>>
      %dma_wait3A_2055 = arith.constant 0 : i32
      %dma_wait3A_2056 = arith.constant 0 : i32
      %dma_wait3A_2057 = tpu.memref_slice %arg7[%dma_wait3A_2047, %dma_wait3A_2055, %dma_wait3A_2056] : memref<4x80x128xf32, #tpu.memory_space<vmem>> -> memref<1x80x128xf32, #tpu.memory_space<vmem>>
      %dma_wait3A_2058 = tpu.memref_squeeze %dma_wait3A_2057 : memref<1x80x128xf32, #tpu.memory_space<vmem>> -> memref<80x128xf32, #tpu.memory_space<vmem>>
      %dma_wait3A_2059 = arith.constant 0 : i32
      %dma_wait3A_2060 = arith.constant 0 : i32
      %dma_wait3A_2061 = tpu.memref_slice %arg2[%dma_wait3A_2059, %dma_wait3A_2060] : memref<9088x128xf32, #tpu.memory_space<hbm>> -> memref<80x128xf32, #tpu.memory_space<hbm>>
      tpu.wait_dma2 semaphore(%arg11 : memref<!tpu.dma_semaphore, #tpu.memory_space<semaphore_mem>>) src(%dma_wait3A_2061 : memref<80x128xf32, #tpu.memory_space<hbm>>) dst(%dma_wait3A_2058 : memref<80x128xf32, #tpu.memory_space<vmem>>)
      %dma_wait3A_2062 = arith.constant 1 : i32
      %dma_wait3A_2063 = arith.constant 0 : i32
      %dma_wait3A_2064 = arith.constant 0 : i32
      %dma_wait3A_2065 = tpu.memref_slice %arg7[%dma_wait3A_2062, %dma_wait3A_2063, %dma_wait3A_2064] : memref<4x80x128xf32, #tpu.memory_space<vmem>> -> memref<1x80x128xf32, #tpu.memory_space<vmem>>
      %dma_wait3A_2066 = tpu.memref_squeeze %dma_wait3A_2065 : memref<1x80x128xf32, #tpu.memory_space<vmem>> -> memref<80x128xf32, #tpu.memory_space<vmem>>
      %dma_wait3A_2067 = arith.constant 0 : i32
      %dma_wait3A_2068 = arith.constant 0 : i32
      %dma_wait3A_2069 = tpu.memref_slice %arg4[%dma_wait3A_2067, %dma_wait3A_2068] : memref<819200x128xf32, #tpu.memory_space<hbm>> -> memref<80x128xf32, #tpu.memory_space<hbm>>
      %dma_wait3A_2070 = arith.constant 0 : i32
      %dma_wait3A_2071 = arith.constant 0 : i32
      %dma_wait3A_2072 = tpu.memref_slice %arg4[%dma_wait3A_2070, %dma_wait3A_2071] : memref<819200x128xf32, #tpu.memory_space<hbm>> -> memref<80x128xf32, #tpu.memory_space<hbm>>
      %dma_wait3A_2073 = arith.constant 0 : i32
      %dma_wait3A_2074 = arith.constant 0 : i32
      %dma_wait3A_2075 = tpu.memref_slice %arg7[%dma_wait3A_2062, %dma_wait3A_2073, %dma_wait3A_2074] : memref<4x80x128xf32, #tpu.memory_space<vmem>> -> memref<1x80x128xf32, #tpu.memory_space<vmem>>
      %dma_wait3A_2076 = tpu.memref_squeeze %dma_wait3A_2075 : memref<1x80x128xf32, #tpu.memory_space<vmem>> -> memref<80x128xf32, #tpu.memory_space<vmem>>
      tpu.wait_dma2 semaphore(%arg13 : memref<!tpu.dma_semaphore, #tpu.memory_space<semaphore_mem>>) src(%dma_wait3A_2076 : memref<80x128xf32, #tpu.memory_space<vmem>>) dst(%dma_wait3A_2072 : memref<80x128xf32, #tpu.memory_space<hbm>>)
      %add3A_2077 = arith.constant 2 : i32
      %add3A_2078 = arith.addi %add3A_2046, %add3A_2077 : i32
      %dma_start3A_2079 = arith.constant 1 : i32
      %dma_start3A_2080 = arith.constant 0 : i32
      %dma_start3A_2081 = arith.constant 0 : i32
      %dma_start3A_2082 = tpu.memref_slice %arg7[%dma_start3A_2079, %dma_start3A_2080, %dma_start3A_2081] : memref<4x80x128xf32, #tpu.memory_space<vmem>> -> memref<1x80x128xf32, #tpu.memory_space<vmem>>
      %dma_start3A_2083 = tpu.memref_squeeze %dma_start3A_2082 : memref<1x80x128xf32, #tpu.memory_space<vmem>> -> memref<80x128xf32, #tpu.memory_space<vmem>>
      %dma_start3A_2084 = arith.constant 0 : i32
      %dma_start3A_2085 = tpu.memref_slice %arg6[%add3A_2078, %dma_start3A_2084] : memref<80x80xi32, #tpu.memory_space<vmem>> -> memref<1x80xi32, #tpu.memory_space<vmem>>
      %dma_start3A_2086 = tpu.memref_squeeze %dma_start3A_2085 : memref<1x80xi32, #tpu.memory_space<vmem>> -> memref<80xi32, #tpu.memory_space<vmem>>
      %dma_start3A_2087 = arith.constant 0 : i32
      %dma_start3A_2088 = arith.constant 0 : i32
      %dma_start3A_2089 = tpu.memref_slice %arg5[%dma_start3A_2087, %dma_start3A_2088] : memref<9088x128xf32, #tpu.memory_space<vmem_shared>> -> memref<9088x128xf32, #tpu.memory_space<vmem_shared>>
      tpu.enqueue_indirect_dma source(%dma_start3A_2089 : memref<9088x128xf32, #tpu.memory_space<vmem_shared>>) target(%dma_start3A_2083 : memref<80x128xf32, #tpu.memory_space<vmem>>) offsets(%dma_start3A_2086 : memref<80xi32, #tpu.memory_space<vmem>>) semaphore(%arg9 : memref<!tpu.dma_semaphore, #tpu.memory_space<semaphore_mem>>)
      %add3A_2090 = arith.constant 0 : i32
      %add3A_2091 = arith.addi %add3A_2090, %add3A_2046 : i32
      %mul3A_2092 = arith.constant 80 : i32
      %mul3A_2093 = arith.muli %add3A_2091, %mul3A_2092 : i32
      %add3A_2094 = arith.addi %mul3A_2, %mul3A_2093 : i32
      %dma_start3A_2095 = arith.constant 3 : i32
      %dma_start3A_2096 = arith.constant 0 : i32
      %dma_start3A_2097 = arith.constant 0 : i32
      %dma_start3A_2098 = tpu.memref_slice %arg7[%dma_start3A_2095, %dma_start3A_2096, %dma_start3A_2097] : memref<4x80x128xf32, #tpu.memory_space<vmem>> -> memref<1x80x128xf32, #tpu.memory_space<vmem>>
      %dma_start3A_2099 = tpu.memref_squeeze %dma_start3A_2098 : memref<1x80x128xf32, #tpu.memory_space<vmem>> -> memref<80x128xf32, #tpu.memory_space<vmem>>
      %dma_start3A_2100 = arith.constant 0 : i32
      %dma_start3A_2101 = tpu.memref_slice %arg4[%add3A_2094, %dma_start3A_2100] : memref<819200x128xf32, #tpu.memory_space<hbm>> -> memref<80x128xf32, #tpu.memory_space<hbm>>
      %dma_start3A_2102 = arith.constant 0 : i32
      %dma_start3A_2103 = tpu.memref_slice %arg4[%add3A_2094, %dma_start3A_2102] : memref<819200x128xf32, #tpu.memory_space<hbm>> -> memref<80x128xf32, #tpu.memory_space<hbm>>
      %dma_start3A_2104 = arith.constant 0 : i32
      %dma_start3A_2105 = arith.constant 0 : i32
      %dma_start3A_2106 = tpu.memref_slice %arg7[%dma_start3A_2095, %dma_start3A_2104, %dma_start3A_2105] : memref<4x80x128xf32, #tpu.memory_space<vmem>> -> memref<1x80x128xf32, #tpu.memory_space<vmem>>
      %dma_start3A_2107 = tpu.memref_squeeze %dma_start3A_2106 : memref<1x80x128xf32, #tpu.memory_space<vmem>> -> memref<80x128xf32, #tpu.memory_space<vmem>>
      tpu.enqueue_dma source(%dma_start3A_2107 : memref<80x128xf32, #tpu.memory_space<vmem>>) target(%dma_start3A_2103 : memref<80x128xf32, #tpu.memory_space<hbm>>) target_semaphore(%arg15 : memref<!tpu.dma_semaphore, #tpu.memory_space<semaphore_mem>>)
    }
    %scan3A_230 = arith.constant 18 : i32
    %dma_wait3A_231 = arith.constant 0 : i32
    %dma_wait3A_232 = arith.constant 0 : i32
    %dma_wait3A_233 = arith.constant 0 : i32
    %dma_wait3A_234 = tpu.memref_slice %arg7[%dma_wait3A_231, %dma_wait3A_232, %dma_wait3A_233] : memref<4x80x128xf32, #tpu.memory_space<vmem>> -> memref<1x80x128xf32, #tpu.memory_space<vmem>>
    %dma_wait3A_235 = tpu.memref_squeeze %dma_wait3A_234 : memref<1x80x128xf32, #tpu.memory_space<vmem>> -> memref<80x128xf32, #tpu.memory_space<vmem>>
    %dma_wait3A_236 = arith.constant 0 : i32
    %dma_wait3A_237 = arith.constant 0 : i32
    %dma_wait3A_238 = tpu.memref_slice %arg2[%dma_wait3A_236, %dma_wait3A_237] : memref<9088x128xf32, #tpu.memory_space<hbm>> -> memref<80x128xf32, #tpu.memory_space<hbm>>
    %dma_wait3A_239 = arith.constant 0 : i32
    %dma_wait3A_240 = arith.constant 0 : i32
    %dma_wait3A_241 = tpu.memref_slice %arg7[%dma_wait3A_231, %dma_wait3A_239, %dma_wait3A_240] : memref<4x80x128xf32, #tpu.memory_space<vmem>> -> memref<1x80x128xf32, #tpu.memory_space<vmem>>
    %dma_wait3A_242 = tpu.memref_squeeze %dma_wait3A_241 : memref<1x80x128xf32, #tpu.memory_space<vmem>> -> memref<80x128xf32, #tpu.memory_space<vmem>>
    %dma_wait3A_243 = arith.constant 0 : i32
    %dma_wait3A_244 = arith.constant 0 : i32
    %dma_wait3A_245 = tpu.memref_slice %arg2[%dma_wait3A_243, %dma_wait3A_244] : memref<9088x128xf32, #tpu.memory_space<hbm>> -> memref<80x128xf32, #tpu.memory_space<hbm>>
    tpu.wait_dma2 semaphore(%arg8 : memref<!tpu.dma_semaphore, #tpu.memory_space<semaphore_mem>>) src(%dma_wait3A_245 : memref<80x128xf32, #tpu.memory_space<hbm>>) dst(%dma_wait3A_242 : memref<80x128xf32, #tpu.memory_space<vmem>>)
    %add3A_246 = arith.constant 6080 : i32
    %add3A_247 = arith.addi %mul3A_2, %add3A_246 : i32
    %dma_start3A_248 = arith.constant 0 : i32
    %dma_start3A_249 = arith.constant 0 : i32
    %dma_start3A_250 = arith.constant 0 : i32
    %dma_start3A_251 = tpu.memref_slice %arg7[%dma_start3A_248, %dma_start3A_249, %dma_start3A_250] : memref<4x80x128xf32, #tpu.memory_space<vmem>> -> memref<1x80x128xf32, #tpu.memory_space<vmem>>
    %dma_start3A_252 = tpu.memref_squeeze %dma_start3A_251 : memref<1x80x128xf32, #tpu.memory_space<vmem>> -> memref<80x128xf32, #tpu.memory_space<vmem>>
    %dma_start3A_253 = arith.constant 0 : i32
    %dma_start3A_254 = tpu.memref_slice %arg4[%add3A_247, %dma_start3A_253] : memref<819200x128xf32, #tpu.memory_space<hbm>> -> memref<80x128xf32, #tpu.memory_space<hbm>>
    %dma_start3A_255 = arith.constant 0 : i32
    %dma_start3A_256 = tpu.memref_slice %arg4[%add3A_247, %dma_start3A_255] : memref<819200x128xf32, #tpu.memory_space<hbm>> -> memref<80x128xf32, #tpu.memory_space<hbm>>
    %dma_start3A_257 = arith.constant 0 : i32
    %dma_start3A_258 = arith.constant 0 : i32
    %dma_start3A_259 = tpu.memref_slice %arg7[%dma_start3A_248, %dma_start3A_257, %dma_start3A_258] : memref<4x80x128xf32, #tpu.memory_space<vmem>> -> memref<1x80x128xf32, #tpu.memory_space<vmem>>
    %dma_start3A_260 = tpu.memref_squeeze %dma_start3A_259 : memref<1x80x128xf32, #tpu.memory_space<vmem>> -> memref<80x128xf32, #tpu.memory_space<vmem>>
    tpu.enqueue_dma source(%dma_start3A_260 : memref<80x128xf32, #tpu.memory_space<vmem>>) target(%dma_start3A_256 : memref<80x128xf32, #tpu.memory_space<hbm>>) target_semaphore(%arg12 : memref<!tpu.dma_semaphore, #tpu.memory_space<semaphore_mem>>)
    %dma_wait3A_261 = arith.constant 2 : i32
    %dma_wait3A_262 = arith.constant 0 : i32
    %dma_wait3A_263 = arith.constant 0 : i32
    %dma_wait3A_264 = tpu.memref_slice %arg7[%dma_wait3A_261, %dma_wait3A_262, %dma_wait3A_263] : memref<4x80x128xf32, #tpu.memory_space<vmem>> -> memref<1x80x128xf32, #tpu.memory_space<vmem>>
    %dma_wait3A_265 = tpu.memref_squeeze %dma_wait3A_264 : memref<1x80x128xf32, #tpu.memory_space<vmem>> -> memref<80x128xf32, #tpu.memory_space<vmem>>
    %dma_wait3A_266 = arith.constant 0 : i32
    %dma_wait3A_267 = arith.constant 0 : i32
    %dma_wait3A_268 = tpu.memref_slice %arg4[%dma_wait3A_266, %dma_wait3A_267] : memref<819200x128xf32, #tpu.memory_space<hbm>> -> memref<80x128xf32, #tpu.memory_space<hbm>>
    %dma_wait3A_269 = arith.constant 0 : i32
    %dma_wait3A_270 = arith.constant 0 : i32
    %dma_wait3A_271 = tpu.memref_slice %arg4[%dma_wait3A_269, %dma_wait3A_270] : memref<819200x128xf32, #tpu.memory_space<hbm>> -> memref<80x128xf32, #tpu.memory_space<hbm>>
    %dma_wait3A_272 = arith.constant 0 : i32
    %dma_wait3A_273 = arith.constant 0 : i32
    %dma_wait3A_274 = tpu.memref_slice %arg7[%dma_wait3A_261, %dma_wait3A_272, %dma_wait3A_273] : memref<4x80x128xf32, #tpu.memory_space<vmem>> -> memref<1x80x128xf32, #tpu.memory_space<vmem>>
    %dma_wait3A_275 = tpu.memref_squeeze %dma_wait3A_274 : memref<1x80x128xf32, #tpu.memory_space<vmem>> -> memref<80x128xf32, #tpu.memory_space<vmem>>
    tpu.wait_dma2 semaphore(%arg14 : memref<!tpu.dma_semaphore, #tpu.memory_space<semaphore_mem>>) src(%dma_wait3A_275 : memref<80x128xf32, #tpu.memory_space<vmem>>) dst(%dma_wait3A_271 : memref<80x128xf32, #tpu.memory_space<hbm>>)
    %dma_start3A_276 = arith.constant 78 : i32
    %dma_start3A_277 = arith.constant 2 : i32
    %dma_start3A_278 = arith.constant 0 : i32
    %dma_start3A_279 = arith.constant 0 : i32
    %dma_start3A_280 = tpu.memref_slice %arg7[%dma_start3A_277, %dma_start3A_278, %dma_start3A_279] : memref<4x80x128xf32, #tpu.memory_space<vmem>> -> memref<1x80x128xf32, #tpu.memory_space<vmem>>
    %dma_start3A_281 = tpu.memref_squeeze %dma_start3A_280 : memref<1x80x128xf32, #tpu.memory_space<vmem>> -> memref<80x128xf32, #tpu.memory_space<vmem>>
    %dma_start3A_282 = arith.constant 0 : i32
    %dma_start3A_283 = tpu.memref_slice %arg6[%dma_start3A_276, %dma_start3A_282] : memref<80x80xi32, #tpu.memory_space<vmem>> -> memref<1x80xi32, #tpu.memory_space<vmem>>
    %dma_start3A_284 = tpu.memref_squeeze %dma_start3A_283 : memref<1x80xi32, #tpu.memory_space<vmem>> -> memref<80xi32, #tpu.memory_space<vmem>>
    %dma_start3A_285 = arith.constant 0 : i32
    %dma_start3A_286 = arith.constant 0 : i32
    %dma_start3A_287 = tpu.memref_slice %arg5[%dma_start3A_285, %dma_start3A_286] : memref<9088x128xf32, #tpu.memory_space<vmem_shared>> -> memref<9088x128xf32, #tpu.memory_space<vmem_shared>>
    tpu.enqueue_indirect_dma source(%dma_start3A_287 : memref<9088x128xf32, #tpu.memory_space<vmem_shared>>) target(%dma_start3A_281 : memref<80x128xf32, #tpu.memory_space<vmem>>) offsets(%dma_start3A_284 : memref<80xi32, #tpu.memory_space<vmem>>) semaphore(%arg10 : memref<!tpu.dma_semaphore, #tpu.memory_space<semaphore_mem>>)
    %dma_wait3A_288 = arith.constant 1 : i32
    %dma_wait3A_289 = arith.constant 0 : i32
    %dma_wait3A_290 = arith.constant 0 : i32
    %dma_wait3A_291 = tpu.memref_slice %arg7[%dma_wait3A_288, %dma_wait3A_289, %dma_wait3A_290] : memref<4x80x128xf32, #tpu.memory_space<vmem>> -> memref<1x80x128xf32, #tpu.memory_space<vmem>>
    %dma_wait3A_292 = tpu.memref_squeeze %dma_wait3A_291 : memref<1x80x128xf32, #tpu.memory_space<vmem>> -> memref<80x128xf32, #tpu.memory_space<vmem>>
    %dma_wait3A_293 = arith.constant 0 : i32
    %dma_wait3A_294 = arith.constant 0 : i32
    %dma_wait3A_295 = tpu.memref_slice %arg2[%dma_wait3A_293, %dma_wait3A_294] : memref<9088x128xf32, #tpu.memory_space<hbm>> -> memref<80x128xf32, #tpu.memory_space<hbm>>
    %dma_wait3A_296 = arith.constant 0 : i32
    %dma_wait3A_297 = arith.constant 0 : i32
    %dma_wait3A_298 = tpu.memref_slice %arg7[%dma_wait3A_288, %dma_wait3A_296, %dma_wait3A_297] : memref<4x80x128xf32, #tpu.memory_space<vmem>> -> memref<1x80x128xf32, #tpu.memory_space<vmem>>
    %dma_wait3A_299 = tpu.memref_squeeze %dma_wait3A_298 : memref<1x80x128xf32, #tpu.memory_space<vmem>> -> memref<80x128xf32, #tpu.memory_space<vmem>>
    %dma_wait3A_300 = arith.constant 0 : i32
    %dma_wait3A_301 = arith.constant 0 : i32
    %dma_wait3A_302 = tpu.memref_slice %arg2[%dma_wait3A_300, %dma_wait3A_301] : memref<9088x128xf32, #tpu.memory_space<hbm>> -> memref<80x128xf32, #tpu.memory_space<hbm>>
    tpu.wait_dma2 semaphore(%arg9 : memref<!tpu.dma_semaphore, #tpu.memory_space<semaphore_mem>>) src(%dma_wait3A_302 : memref<80x128xf32, #tpu.memory_space<hbm>>) dst(%dma_wait3A_299 : memref<80x128xf32, #tpu.memory_space<vmem>>)
    %add3A_303 = arith.constant 6160 : i32
    %add3A_304 = arith.addi %mul3A_2, %add3A_303 : i32
    %dma_start3A_305 = arith.constant 1 : i32
    %dma_start3A_306 = arith.constant 0 : i32
    %dma_start3A_307 = arith.constant 0 : i32
    %dma_start3A_308 = tpu.memref_slice %arg7[%dma_start3A_305, %dma_start3A_306, %dma_start3A_307] : memref<4x80x128xf32, #tpu.memory_space<vmem>> -> memref<1x80x128xf32, #tpu.memory_space<vmem>>
    %dma_start3A_309 = tpu.memref_squeeze %dma_start3A_308 : memref<1x80x128xf32, #tpu.memory_space<vmem>> -> memref<80x128xf32, #tpu.memory_space<vmem>>
    %dma_start3A_310 = arith.constant 0 : i32
    %dma_start3A_311 = tpu.memref_slice %arg4[%add3A_304, %dma_start3A_310] : memref<819200x128xf32, #tpu.memory_space<hbm>> -> memref<80x128xf32, #tpu.memory_space<hbm>>
    %dma_start3A_312 = arith.constant 0 : i32
    %dma_start3A_313 = tpu.memref_slice %arg4[%add3A_304, %dma_start3A_312] : memref<819200x128xf32, #tpu.memory_space<hbm>> -> memref<80x128xf32, #tpu.memory_space<hbm>>
    %dma_start3A_314 = arith.constant 0 : i32
    %dma_start3A_315 = arith.constant 0 : i32
    %dma_start3A_316 = tpu.memref_slice %arg7[%dma_start3A_305, %dma_start3A_314, %dma_start3A_315] : memref<4x80x128xf32, #tpu.memory_space<vmem>> -> memref<1x80x128xf32, #tpu.memory_space<vmem>>
    %dma_start3A_317 = tpu.memref_squeeze %dma_start3A_316 : memref<1x80x128xf32, #tpu.memory_space<vmem>> -> memref<80x128xf32, #tpu.memory_space<vmem>>
    tpu.enqueue_dma source(%dma_start3A_317 : memref<80x128xf32, #tpu.memory_space<vmem>>) target(%dma_start3A_313 : memref<80x128xf32, #tpu.memory_space<hbm>>) target_semaphore(%arg13 : memref<!tpu.dma_semaphore, #tpu.memory_space<semaphore_mem>>)
    %dma_wait3A_318 = arith.constant 3 : i32
    %dma_wait3A_319 = arith.constant 0 : i32
    %dma_wait3A_320 = arith.constant 0 : i32
    %dma_wait3A_321 = tpu.memref_slice %arg7[%dma_wait3A_318, %dma_wait3A_319, %dma_wait3A_320] : memref<4x80x128xf32, #tpu.memory_space<vmem>> -> memref<1x80x128xf32, #tpu.memory_space<vmem>>
    %dma_wait3A_322 = tpu.memref_squeeze %dma_wait3A_321 : memref<1x80x128xf32, #tpu.memory_space<vmem>> -> memref<80x128xf32, #tpu.memory_space<vmem>>
    %dma_wait3A_323 = arith.constant 0 : i32
    %dma_wait3A_324 = arith.constant 0 : i32
    %dma_wait3A_325 = tpu.memref_slice %arg4[%dma_wait3A_323, %dma_wait3A_324] : memref<819200x128xf32, #tpu.memory_space<hbm>> -> memref<80x128xf32, #tpu.memory_space<hbm>>
    %dma_wait3A_326 = arith.constant 0 : i32
    %dma_wait3A_327 = arith.constant 0 : i32
    %dma_wait3A_328 = tpu.memref_slice %arg4[%dma_wait3A_326, %dma_wait3A_327] : memref<819200x128xf32, #tpu.memory_space<hbm>> -> memref<80x128xf32, #tpu.memory_space<hbm>>
    %dma_wait3A_329 = arith.constant 0 : i32
    %dma_wait3A_330 = arith.constant 0 : i32
    %dma_wait3A_331 = tpu.memref_slice %arg7[%dma_wait3A_318, %dma_wait3A_329, %dma_wait3A_330] : memref<4x80x128xf32, #tpu.memory_space<vmem>> -> memref<1x80x128xf32, #tpu.memory_space<vmem>>
    %dma_wait3A_332 = tpu.memref_squeeze %dma_wait3A_331 : memref<1x80x128xf32, #tpu.memory_space<vmem>> -> memref<80x128xf32, #tpu.memory_space<vmem>>
    tpu.wait_dma2 semaphore(%arg15 : memref<!tpu.dma_semaphore, #tpu.memory_space<semaphore_mem>>) src(%dma_wait3A_332 : memref<80x128xf32, #tpu.memory_space<vmem>>) dst(%dma_wait3A_328 : memref<80x128xf32, #tpu.memory_space<hbm>>)
    %dma_start3A_333 = arith.constant 79 : i32
    %dma_start3A_334 = arith.constant 3 : i32
    %dma_start3A_335 = arith.constant 0 : i32
    %dma_start3A_336 = arith.constant 0 : i32
    %dma_start3A_337 = tpu.memref_slice %arg7[%dma_start3A_334, %dma_start3A_335, %dma_start3A_336] : memref<4x80x128xf32, #tpu.memory_space<vmem>> -> memref<1x80x128xf32, #tpu.memory_space<vmem>>
    %dma_start3A_338 = tpu.memref_squeeze %dma_start3A_337 : memref<1x80x128xf32, #tpu.memory_space<vmem>> -> memref<80x128xf32, #tpu.memory_space<vmem>>
    %dma_start3A_339 = arith.constant 0 : i32
    %dma_start3A_340 = tpu.memref_slice %arg6[%dma_start3A_333, %dma_start3A_339] : memref<80x80xi32, #tpu.memory_space<vmem>> -> memref<1x80xi32, #tpu.memory_space<vmem>>
    %dma_start3A_341 = tpu.memref_squeeze %dma_start3A_340 : memref<1x80xi32, #tpu.memory_space<vmem>> -> memref<80xi32, #tpu.memory_space<vmem>>
    %dma_start3A_342 = arith.constant 0 : i32
    %dma_start3A_343 = arith.constant 0 : i32
    %dma_start3A_344 = tpu.memref_slice %arg5[%dma_start3A_342, %dma_start3A_343] : memref<9088x128xf32, #tpu.memory_space<vmem_shared>> -> memref<9088x128xf32, #tpu.memory_space<vmem_shared>>
    tpu.enqueue_indirect_dma source(%dma_start3A_344 : memref<9088x128xf32, #tpu.memory_space<vmem_shared>>) target(%dma_start3A_338 : memref<80x128xf32, #tpu.memory_space<vmem>>) offsets(%dma_start3A_341 : memref<80xi32, #tpu.memory_space<vmem>>) semaphore(%arg11 : memref<!tpu.dma_semaphore, #tpu.memory_space<semaphore_mem>>)
    %dma_wait3A_345 = arith.constant 2 : i32
    %dma_wait3A_346 = arith.constant 0 : i32
    %dma_wait3A_347 = arith.constant 0 : i32
    %dma_wait3A_348 = tpu.memref_slice %arg7[%dma_wait3A_345, %dma_wait3A_346, %dma_wait3A_347] : memref<4x80x128xf32, #tpu.memory_space<vmem>> -> memref<1x80x128xf32, #tpu.memory_space<vmem>>
    %dma_wait3A_349 = tpu.memref_squeeze %dma_wait3A_348 : memref<1x80x128xf32, #tpu.memory_space<vmem>> -> memref<80x128xf32, #tpu.memory_space<vmem>>
    %dma_wait3A_350 = arith.constant 0 : i32
    %dma_wait3A_351 = arith.constant 0 : i32
    %dma_wait3A_352 = tpu.memref_slice %arg2[%dma_wait3A_350, %dma_wait3A_351] : memref<9088x128xf32, #tpu.memory_space<hbm>> -> memref<80x128xf32, #tpu.memory_space<hbm>>
    %dma_wait3A_353 = arith.constant 0 : i32
    %dma_wait3A_354 = arith.constant 0 : i32
    %dma_wait3A_355 = tpu.memref_slice %arg7[%dma_wait3A_345, %dma_wait3A_353, %dma_wait3A_354] : memref<4x80x128xf32, #tpu.memory_space<vmem>> -> memref<1x80x128xf32, #tpu.memory_space<vmem>>
    %dma_wait3A_356 = tpu.memref_squeeze %dma_wait3A_355 : memref<1x80x128xf32, #tpu.memory_space<vmem>> -> memref<80x128xf32, #tpu.memory_space<vmem>>
    %dma_wait3A_357 = arith.constant 0 : i32
    %dma_wait3A_358 = arith.constant 0 : i32
    %dma_wait3A_359 = tpu.memref_slice %arg2[%dma_wait3A_357, %dma_wait3A_358] : memref<9088x128xf32, #tpu.memory_space<hbm>> -> memref<80x128xf32, #tpu.memory_space<hbm>>
    tpu.wait_dma2 semaphore(%arg10 : memref<!tpu.dma_semaphore, #tpu.memory_space<semaphore_mem>>) src(%dma_wait3A_359 : memref<80x128xf32, #tpu.memory_space<hbm>>) dst(%dma_wait3A_356 : memref<80x128xf32, #tpu.memory_space<vmem>>)
    %add3A_360 = arith.constant 6240 : i32
    %add3A_361 = arith.addi %mul3A_2, %add3A_360 : i32
    %dma_start3A_362 = arith.constant 2 : i32
    %dma_start3A_363 = arith.constant 0 : i32
    %dma_start3A_364 = arith.constant 0 : i32
    %dma_start3A_365 = tpu.memref_slice %arg7[%dma_start3A_362, %dma_start3A_363, %dma_start3A_364] : memref<4x80x128xf32, #tpu.memory_space<vmem>> -> memref<1x80x128xf32, #tpu.memory_space<vmem>>
    %dma_start3A_366 = tpu.memref_squeeze %dma_start3A_365 : memref<1x80x128xf32, #tpu.memory_space<vmem>> -> memref<80x128xf32, #tpu.memory_space<vmem>>
    %dma_start3A_367 = arith.constant 0 : i32
    %dma_start3A_368 = tpu.memref_slice %arg4[%add3A_361, %dma_start3A_367] : memref<819200x128xf32, #tpu.memory_space<hbm>> -> memref<80x128xf32, #tpu.memory_space<hbm>>
    %dma_start3A_369 = arith.constant 0 : i32
    %dma_start3A_370 = tpu.memref_slice %arg4[%add3A_361, %dma_start3A_369] : memref<819200x128xf32, #tpu.memory_space<hbm>> -> memref<80x128xf32, #tpu.memory_space<hbm>>
    %dma_start3A_371 = arith.constant 0 : i32
    %dma_start3A_372 = arith.constant 0 : i32
    %dma_start3A_373 = tpu.memref_slice %arg7[%dma_start3A_362, %dma_start3A_371, %dma_start3A_372] : memref<4x80x128xf32, #tpu.memory_space<vmem>> -> memref<1x80x128xf32, #tpu.memory_space<vmem>>
    %dma_start3A_374 = tpu.memref_squeeze %dma_start3A_373 : memref<1x80x128xf32, #tpu.memory_space<vmem>> -> memref<80x128xf32, #tpu.memory_space<vmem>>
    tpu.enqueue_dma source(%dma_start3A_374 : memref<80x128xf32, #tpu.memory_space<vmem>>) target(%dma_start3A_370 : memref<80x128xf32, #tpu.memory_space<hbm>>) target_semaphore(%arg14 : memref<!tpu.dma_semaphore, #tpu.memory_space<semaphore_mem>>)
    %dma_wait3A_375 = arith.constant 3 : i32
    %dma_wait3A_376 = arith.constant 0 : i32
    %dma_wait3A_377 = arith.constant 0 : i32
    %dma_wait3A_378 = tpu.memref_slice %arg7[%dma_wait3A_375, %dma_wait3A_376, %dma_wait3A_377] : memref<4x80x128xf32, #tpu.memory_space<vmem>> -> memref<1x80x128xf32, #tpu.memory_space<vmem>>
    %dma_wait3A_379 = tpu.memref_squeeze %dma_wait3A_378 : memref<1x80x128xf32, #tpu.memory_space<vmem>> -> memref<80x128xf32, #tpu.memory_space<vmem>>
    %dma_wait3A_380 = arith.constant 0 : i32
    %dma_wait3A_381 = arith.constant 0 : i32
    %dma_wait3A_382 = tpu.memref_slice %arg2[%dma_wait3A_380, %dma_wait3A_381] : memref<9088x128xf32, #tpu.memory_space<hbm>> -> memref<80x128xf32, #tpu.memory_space<hbm>>
    %dma_wait3A_383 = arith.constant 0 : i32
    %dma_wait3A_384 = arith.constant 0 : i32
    %dma_wait3A_385 = tpu.memref_slice %arg7[%dma_wait3A_375, %dma_wait3A_383, %dma_wait3A_384] : memref<4x80x128xf32, #tpu.memory_space<vmem>> -> memref<1x80x128xf32, #tpu.memory_space<vmem>>
    %dma_wait3A_386 = tpu.memref_squeeze %dma_wait3A_385 : memref<1x80x128xf32, #tpu.memory_space<vmem>> -> memref<80x128xf32, #tpu.memory_space<vmem>>
    %dma_wait3A_387 = arith.constant 0 : i32
    %dma_wait3A_388 = arith.constant 0 : i32
    %dma_wait3A_389 = tpu.memref_slice %arg2[%dma_wait3A_387, %dma_wait3A_388] : memref<9088x128xf32, #tpu.memory_space<hbm>> -> memref<80x128xf32, #tpu.memory_space<hbm>>
    tpu.wait_dma2 semaphore(%arg11 : memref<!tpu.dma_semaphore, #tpu.memory_space<semaphore_mem>>) src(%dma_wait3A_389 : memref<80x128xf32, #tpu.memory_space<hbm>>) dst(%dma_wait3A_386 : memref<80x128xf32, #tpu.memory_space<vmem>>)
    %add3A_390 = arith.constant 6320 : i32
    %add3A_391 = arith.addi %mul3A_2, %add3A_390 : i32
    %dma_start3A_392 = arith.constant 3 : i32
    %dma_start3A_393 = arith.constant 0 : i32
    %dma_start3A_394 = arith.constant 0 : i32
    %dma_start3A_395 = tpu.memref_slice %arg7[%dma_start3A_392, %dma_start3A_393, %dma_start3A_394] : memref<4x80x128xf32, #tpu.memory_space<vmem>> -> memref<1x80x128xf32, #tpu.memory_space<vmem>>
    %dma_start3A_396 = tpu.memref_squeeze %dma_start3A_395 : memref<1x80x128xf32, #tpu.memory_space<vmem>> -> memref<80x128xf32, #tpu.memory_space<vmem>>
    %dma_start3A_397 = arith.constant 0 : i32
    %dma_start3A_398 = tpu.memref_slice %arg4[%add3A_391, %dma_start3A_397] : memref<819200x128xf32, #tpu.memory_space<hbm>> -> memref<80x128xf32, #tpu.memory_space<hbm>>
    %dma_start3A_399 = arith.constant 0 : i32
    %dma_start3A_400 = tpu.memref_slice %arg4[%add3A_391, %dma_start3A_399] : memref<819200x128xf32, #tpu.memory_space<hbm>> -> memref<80x128xf32, #tpu.memory_space<hbm>>
    %dma_start3A_401 = arith.constant 0 : i32
    %dma_start3A_402 = arith.constant 0 : i32
    %dma_start3A_403 = tpu.memref_slice %arg7[%dma_start3A_392, %dma_start3A_401, %dma_start3A_402] : memref<4x80x128xf32, #tpu.memory_space<vmem>> -> memref<1x80x128xf32, #tpu.memory_space<vmem>>
    %dma_start3A_404 = tpu.memref_squeeze %dma_start3A_403 : memref<1x80x128xf32, #tpu.memory_space<vmem>> -> memref<80x128xf32, #tpu.memory_space<vmem>>
    tpu.enqueue_dma source(%dma_start3A_404 : memref<80x128xf32, #tpu.memory_space<vmem>>) target(%dma_start3A_400 : memref<80x128xf32, #tpu.memory_space<hbm>>) target_semaphore(%arg15 : memref<!tpu.dma_semaphore, #tpu.memory_space<semaphore_mem>>)
    %dma_wait3A_405 = arith.constant 0 : i32
    %dma_wait3A_406 = arith.constant 0 : i32
    %dma_wait3A_407 = arith.constant 0 : i32
    %dma_wait3A_408 = tpu.memref_slice %arg7[%dma_wait3A_405, %dma_wait3A_406, %dma_wait3A_407] : memref<4x80x128xf32, #tpu.memory_space<vmem>> -> memref<1x80x128xf32, #tpu.memory_space<vmem>>
    %dma_wait3A_409 = tpu.memref_squeeze %dma_wait3A_408 : memref<1x80x128xf32, #tpu.memory_space<vmem>> -> memref<80x128xf32, #tpu.memory_space<vmem>>
    %dma_wait3A_410 = arith.constant 0 : i32
    %dma_wait3A_411 = arith.constant 0 : i32
    %dma_wait3A_412 = tpu.memref_slice %arg4[%dma_wait3A_410, %dma_wait3A_411] : memref<819200x128xf32, #tpu.memory_space<hbm>> -> memref<80x128xf32, #tpu.memory_space<hbm>>
    %dma_wait3A_413 = arith.constant 0 : i32
    %dma_wait3A_414 = arith.constant 0 : i32
    %dma_wait3A_415 = tpu.memref_slice %arg4[%dma_wait3A_413, %dma_wait3A_414] : memref<819200x128xf32, #tpu.memory_space<hbm>> -> memref<80x128xf32, #tpu.memory_space<hbm>>
    %dma_wait3A_416 = arith.constant 0 : i32
    %dma_wait3A_417 = arith.constant 0 : i32
    %dma_wait3A_418 = tpu.memref_slice %arg7[%dma_wait3A_405, %dma_wait3A_416, %dma_wait3A_417] : memref<4x80x128xf32, #tpu.memory_space<vmem>> -> memref<1x80x128xf32, #tpu.memory_space<vmem>>
    %dma_wait3A_419 = tpu.memref_squeeze %dma_wait3A_418 : memref<1x80x128xf32, #tpu.memory_space<vmem>> -> memref<80x128xf32, #tpu.memory_space<vmem>>
    tpu.wait_dma2 semaphore(%arg12 : memref<!tpu.dma_semaphore, #tpu.memory_space<semaphore_mem>>) src(%dma_wait3A_419 : memref<80x128xf32, #tpu.memory_space<vmem>>) dst(%dma_wait3A_415 : memref<80x128xf32, #tpu.memory_space<hbm>>)
    %dma_wait3A_420 = arith.constant 1 : i32
    %dma_wait3A_421 = arith.constant 0 : i32
    %dma_wait3A_422 = arith.constant 0 : i32
    %dma_wait3A_423 = tpu.memref_slice %arg7[%dma_wait3A_420, %dma_wait3A_421, %dma_wait3A_422] : memref<4x80x128xf32, #tpu.memory_space<vmem>> -> memref<1x80x128xf32, #tpu.memory_space<vmem>>
    %dma_wait3A_424 = tpu.memref_squeeze %dma_wait3A_423 : memref<1x80x128xf32, #tpu.memory_space<vmem>> -> memref<80x128xf32, #tpu.memory_space<vmem>>
    %dma_wait3A_425 = arith.constant 0 : i32
    %dma_wait3A_426 = arith.constant 0 : i32
    %dma_wait3A_427 = tpu.memref_slice %arg4[%dma_wait3A_425, %dma_wait3A_426] : memref<819200x128xf32, #tpu.memory_space<hbm>> -> memref<80x128xf32, #tpu.memory_space<hbm>>
    %dma_wait3A_428 = arith.constant 0 : i32
    %dma_wait3A_429 = arith.constant 0 : i32
    %dma_wait3A_430 = tpu.memref_slice %arg4[%dma_wait3A_428, %dma_wait3A_429] : memref<819200x128xf32, #tpu.memory_space<hbm>> -> memref<80x128xf32, #tpu.memory_space<hbm>>
    %dma_wait3A_431 = arith.constant 0 : i32
    %dma_wait3A_432 = arith.constant 0 : i32
    %dma_wait3A_433 = tpu.memref_slice %arg7[%dma_wait3A_420, %dma_wait3A_431, %dma_wait3A_432] : memref<4x80x128xf32, #tpu.memory_space<vmem>> -> memref<1x80x128xf32, #tpu.memory_space<vmem>>
    %dma_wait3A_434 = tpu.memref_squeeze %dma_wait3A_433 : memref<1x80x128xf32, #tpu.memory_space<vmem>> -> memref<80x128xf32, #tpu.memory_space<vmem>>
    tpu.wait_dma2 semaphore(%arg13 : memref<!tpu.dma_semaphore, #tpu.memory_space<semaphore_mem>>) src(%dma_wait3A_434 : memref<80x128xf32, #tpu.memory_space<vmem>>) dst(%dma_wait3A_430 : memref<80x128xf32, #tpu.memory_space<hbm>>)
    %dma_wait3A_435 = arith.constant 2 : i32
    %dma_wait3A_436 = arith.constant 0 : i32
    %dma_wait3A_437 = arith.constant 0 : i32
    %dma_wait3A_438 = tpu.memref_slice %arg7[%dma_wait3A_435, %dma_wait3A_436, %dma_wait3A_437] : memref<4x80x128xf32, #tpu.memory_space<vmem>> -> memref<1x80x128xf32, #tpu.memory_space<vmem>>
    %dma_wait3A_439 = tpu.memref_squeeze %dma_wait3A_438 : memref<1x80x128xf32, #tpu.memory_space<vmem>> -> memref<80x128xf32, #tpu.memory_space<vmem>>
    %dma_wait3A_440 = arith.constant 0 : i32
    %dma_wait3A_441 = arith.constant 0 : i32
    %dma_wait3A_442 = tpu.memref_slice %arg4[%dma_wait3A_440, %dma_wait3A_441] : memref<819200x128xf32, #tpu.memory_space<hbm>> -> memref<80x128xf32, #tpu.memory_space<hbm>>
    %dma_wait3A_443 = arith.constant 0 : i32
    %dma_wait3A_444 = arith.constant 0 : i32
    %dma_wait3A_445 = tpu.memref_slice %arg4[%dma_wait3A_443, %dma_wait3A_444] : memref<819200x128xf32, #tpu.memory_space<hbm>> -> memref<80x128xf32, #tpu.memory_space<hbm>>
    %dma_wait3A_446 = arith.constant 0 : i32
    %dma_wait3A_447 = arith.constant 0 : i32
    %dma_wait3A_448 = tpu.memref_slice %arg7[%dma_wait3A_435, %dma_wait3A_446, %dma_wait3A_447] : memref<4x80x128xf32, #tpu.memory_space<vmem>> -> memref<1x80x128xf32, #tpu.memory_space<vmem>>
    %dma_wait3A_449 = tpu.memref_squeeze %dma_wait3A_448 : memref<1x80x128xf32, #tpu.memory_space<vmem>> -> memref<80x128xf32, #tpu.memory_space<vmem>>
    tpu.wait_dma2 semaphore(%arg14 : memref<!tpu.dma_semaphore, #tpu.memory_space<semaphore_mem>>) src(%dma_wait3A_449 : memref<80x128xf32, #tpu.memory_space<vmem>>) dst(%dma_wait3A_445 : memref<80x128xf32, #tpu.memory_space<hbm>>)
    %dma_wait3A_450 = arith.constant 3 : i32
    %dma_wait3A_451 = arith.constant 0 : i32
    %dma_wait3A_452 = arith.constant 0 : i32
    %dma_wait3A_453 = tpu.memref_slice %arg7[%dma_wait3A_450, %dma_wait3A_451, %dma_wait3A_452] : memref<4x80x128xf32, #tpu.memory_space<vmem>> -> memref<1x80x128xf32, #tpu.memory_space<vmem>>
    %dma_wait3A_454 = tpu.memref_squeeze %dma_wait3A_453 : memref<1x80x128xf32, #tpu.memory_space<vmem>> -> memref<80x128xf32, #tpu.memory_space<vmem>>
    %dma_wait3A_455 = arith.constant 0 : i32
    %dma_wait3A_456 = arith.constant 0 : i32
    %dma_wait3A_457 = tpu.memref_slice %arg4[%dma_wait3A_455, %dma_wait3A_456] : memref<819200x128xf32, #tpu.memory_space<hbm>> -> memref<80x128xf32, #tpu.memory_space<hbm>>
    %dma_wait3A_458 = arith.constant 0 : i32
    %dma_wait3A_459 = arith.constant 0 : i32
    %dma_wait3A_460 = tpu.memref_slice %arg4[%dma_wait3A_458, %dma_wait3A_459] : memref<819200x128xf32, #tpu.memory_space<hbm>> -> memref<80x128xf32, #tpu.memory_space<hbm>>
    %dma_wait3A_461 = arith.constant 0 : i32
    %dma_wait3A_462 = arith.constant 0 : i32
    %dma_wait3A_463 = tpu.memref_slice %arg7[%dma_wait3A_450, %dma_wait3A_461, %dma_wait3A_462] : memref<4x80x128xf32, #tpu.memory_space<vmem>> -> memref<1x80x128xf32, #tpu.memory_space<vmem>>
    %dma_wait3A_464 = tpu.memref_squeeze %dma_wait3A_463 : memref<1x80x128xf32, #tpu.memory_space<vmem>> -> memref<80x128xf32, #tpu.memory_space<vmem>>
    tpu.wait_dma2 semaphore(%arg15 : memref<!tpu.dma_semaphore, #tpu.memory_space<semaphore_mem>>) src(%dma_wait3A_464 : memref<80x128xf32, #tpu.memory_space<vmem>>) dst(%dma_wait3A_460 : memref<80x128xf32, #tpu.memory_space<hbm>>)
    %run_scoped3A_465 = arith.constant 1 : i32
    "tpu.region"() ({
      %run_scoped3A_1851 = tpu.sem_alloc : memref<!tpu.dma_semaphore, #tpu.memory_space<semaphore_mem>>
      %dma_start3A_1852 = arith.constant 0 : i32
      %dma_start3A_1853 = arith.constant 0 : i32
      %dma_start3A_1854 = arith.constant 0 : i32
      %dma_start3A_1855 = tpu.memref_slice %arg3[%add3A, %dma_start3A_1852, %dma_start3A_1853, %dma_start3A_1854] : memref<32x4x80x80xi32, #tpu.memory_space<hbm>> -> memref<1x4x80x80xi32, #tpu.memory_space<hbm>>
      %dma_start3A_1856 = tpu.memref_squeeze %dma_start3A_1855 : memref<1x4x80x80xi32, #tpu.memory_space<hbm>> -> memref<4x80x80xi32, #tpu.memory_space<hbm>>
      %dma_start3A_1857 = arith.constant 0 : i32
      %dma_start3A_1858 = arith.constant 0 : i32
      %dma_start3A_1859 = tpu.memref_slice %dma_start3A_1856[%run_scoped3A_465, %dma_start3A_1857, %dma_start3A_1858] : memref<4x80x80xi32, #tpu.memory_space<hbm>> -> memref<1x80x80xi32, #tpu.memory_space<hbm>>
      %dma_start3A_1860 = tpu.memref_squeeze %dma_start3A_1859 : memref<1x80x80xi32, #tpu.memory_space<hbm>> -> memref<80x80xi32, #tpu.memory_space<hbm>>
      %dma_start3A_1861 = arith.constant 0 : i32
      %dma_start3A_1862 = arith.constant 0 : i32
      %dma_start3A_1863 = arith.constant 0 : i32
      %dma_start3A_1864 = tpu.memref_slice %arg3[%add3A, %dma_start3A_1861, %dma_start3A_1862, %dma_start3A_1863] : memref<32x4x80x80xi32, #tpu.memory_space<hbm>> -> memref<1x4x80x80xi32, #tpu.memory_space<hbm>>
      %dma_start3A_1865 = tpu.memref_squeeze %dma_start3A_1864 : memref<1x4x80x80xi32, #tpu.memory_space<hbm>> -> memref<4x80x80xi32, #tpu.memory_space<hbm>>
      %dma_start3A_1866 = arith.constant 0 : i32
      %dma_start3A_1867 = arith.constant 0 : i32
      %dma_start3A_1868 = tpu.memref_slice %dma_start3A_1865[%run_scoped3A_465, %dma_start3A_1866, %dma_start3A_1867] : memref<4x80x80xi32, #tpu.memory_space<hbm>> -> memref<1x80x80xi32, #tpu.memory_space<hbm>>
      %dma_start3A_1869 = tpu.memref_squeeze %dma_start3A_1868 : memref<1x80x80xi32, #tpu.memory_space<hbm>> -> memref<80x80xi32, #tpu.memory_space<hbm>>
      tpu.enqueue_dma source(%dma_start3A_1869 : memref<80x80xi32, #tpu.memory_space<hbm>>) target(%arg6 : memref<80x80xi32, #tpu.memory_space<vmem>>) target_semaphore(%run_scoped3A_1851 : memref<!tpu.dma_semaphore, #tpu.memory_space<semaphore_mem>>)
      %dma_wait3A_1870 = arith.constant 0 : i32
      %dma_wait3A_1871 = arith.constant 0 : i32
      %dma_wait3A_1872 = arith.constant 0 : i32
      %dma_wait3A_1873 = tpu.memref_slice %arg3[%add3A, %dma_wait3A_1870, %dma_wait3A_1871, %dma_wait3A_1872] : memref<32x4x80x80xi32, #tpu.memory_space<hbm>> -> memref<1x4x80x80xi32, #tpu.memory_space<hbm>>
      %dma_wait3A_1874 = tpu.memref_squeeze %dma_wait3A_1873 : memref<1x4x80x80xi32, #tpu.memory_space<hbm>> -> memref<4x80x80xi32, #tpu.memory_space<hbm>>
      %dma_wait3A_1875 = arith.constant 0 : i32
      %dma_wait3A_1876 = arith.constant 0 : i32
      %dma_wait3A_1877 = tpu.memref_slice %dma_wait3A_1874[%run_scoped3A_465, %dma_wait3A_1875, %dma_wait3A_1876] : memref<4x80x80xi32, #tpu.memory_space<hbm>> -> memref<1x80x80xi32, #tpu.memory_space<hbm>>
      %dma_wait3A_1878 = tpu.memref_squeeze %dma_wait3A_1877 : memref<1x80x80xi32, #tpu.memory_space<hbm>> -> memref<80x80xi32, #tpu.memory_space<hbm>>
      %dma_wait3A_1879 = arith.constant 0 : i32
      %dma_wait3A_1880 = arith.constant 0 : i32
      %dma_wait3A_1881 = arith.constant 0 : i32
      %dma_wait3A_1882 = tpu.memref_slice %arg3[%add3A, %dma_wait3A_1879, %dma_wait3A_1880, %dma_wait3A_1881] : memref<32x4x80x80xi32, #tpu.memory_space<hbm>> -> memref<1x4x80x80xi32, #tpu.memory_space<hbm>>
      %dma_wait3A_1883 = tpu.memref_squeeze %dma_wait3A_1882 : memref<1x4x80x80xi32, #tpu.memory_space<hbm>> -> memref<4x80x80xi32, #tpu.memory_space<hbm>>
      %dma_wait3A_1884 = arith.constant 0 : i32
      %dma_wait3A_1885 = arith.constant 0 : i32
      %dma_wait3A_1886 = tpu.memref_slice %dma_wait3A_1883[%run_scoped3A_465, %dma_wait3A_1884, %dma_wait3A_1885] : memref<4x80x80xi32, #tpu.memory_space<hbm>> -> memref<1x80x80xi32, #tpu.memory_space<hbm>>
      %dma_wait3A_1887 = tpu.memref_squeeze %dma_wait3A_1886 : memref<1x80x80xi32, #tpu.memory_space<hbm>> -> memref<80x80xi32, #tpu.memory_space<hbm>>
      tpu.wait_dma2 semaphore(%run_scoped3A_1851 : memref<!tpu.dma_semaphore, #tpu.memory_space<semaphore_mem>>) src(%dma_wait3A_1887 : memref<80x80xi32, #tpu.memory_space<hbm>>) dst(%arg6 : memref<80x80xi32, #tpu.memory_space<vmem>>)
      tpu.yield
    }) : () -> ()
    %dma_start3A_466 = arith.constant 0 : i32
    %dma_start3A_467 = arith.constant 0 : i32
    %dma_start3A_468 = arith.constant 0 : i32
    %dma_start3A_469 = arith.constant 0 : i32
    %dma_start3A_470 = tpu.memref_slice %arg7[%dma_start3A_467, %dma_start3A_468, %dma_start3A_469] : memref<4x80x128xf32, #tpu.memory_space<vmem>> -> memref<1x80x128xf32, #tpu.memory_space<vmem>>
    %dma_start3A_471 = tpu.memref_squeeze %dma_start3A_470 : memref<1x80x128xf32, #tpu.memory_space<vmem>> -> memref<80x128xf32, #tpu.memory_space<vmem>>
    %dma_start3A_472 = arith.constant 0 : i32
    %dma_start3A_473 = tpu.memref_slice %arg6[%dma_start3A_466, %dma_start3A_472] : memref<80x80xi32, #tpu.memory_space<vmem>> -> memref<1x80xi32, #tpu.memory_space<vmem>>
    %dma_start3A_474 = tpu.memref_squeeze %dma_start3A_473 : memref<1x80xi32, #tpu.memory_space<vmem>> -> memref<80xi32, #tpu.memory_space<vmem>>
    %dma_start3A_475 = arith.constant 0 : i32
    %dma_start3A_476 = arith.constant 0 : i32
    %dma_start3A_477 = tpu.memref_slice %arg5[%dma_start3A_475, %dma_start3A_476] : memref<9088x128xf32, #tpu.memory_space<vmem_shared>> -> memref<9088x128xf32, #tpu.memory_space<vmem_shared>>
    tpu.enqueue_indirect_dma source(%dma_start3A_477 : memref<9088x128xf32, #tpu.memory_space<vmem_shared>>) target(%dma_start3A_471 : memref<80x128xf32, #tpu.memory_space<vmem>>) offsets(%dma_start3A_474 : memref<80xi32, #tpu.memory_space<vmem>>) semaphore(%arg8 : memref<!tpu.dma_semaphore, #tpu.memory_space<semaphore_mem>>)
    %dma_start3A_478 = arith.constant 1 : i32
    %dma_start3A_479 = arith.constant 1 : i32
    %dma_start3A_480 = arith.constant 0 : i32
    %dma_start3A_481 = arith.constant 0 : i32
    %dma_start3A_482 = tpu.memref_slice %arg7[%dma_start3A_479, %dma_start3A_480, %dma_start3A_481] : memref<4x80x128xf32, #tpu.memory_space<vmem>> -> memref<1x80x128xf32, #tpu.memory_space<vmem>>
    %dma_start3A_483 = tpu.memref_squeeze %dma_start3A_482 : memref<1x80x128xf32, #tpu.memory_space<vmem>> -> memref<80x128xf32, #tpu.memory_space<vmem>>
    %dma_start3A_484 = arith.constant 0 : i32
    %dma_start3A_485 = tpu.memref_slice %arg6[%dma_start3A_478, %dma_start3A_484] : memref<80x80xi32, #tpu.memory_space<vmem>> -> memref<1x80xi32, #tpu.memory_space<vmem>>
    %dma_start3A_486 = tpu.memref_squeeze %dma_start3A_485 : memref<1x80xi32, #tpu.memory_space<vmem>> -> memref<80xi32, #tpu.memory_space<vmem>>
    %dma_start3A_487 = arith.constant 0 : i32
    %dma_start3A_488 = arith.constant 0 : i32
    %dma_start3A_489 = tpu.memref_slice %arg5[%dma_start3A_487, %dma_start3A_488] : memref<9088x128xf32, #tpu.memory_space<vmem_shared>> -> memref<9088x128xf32, #tpu.memory_space<vmem_shared>>
    tpu.enqueue_indirect_dma source(%dma_start3A_489 : memref<9088x128xf32, #tpu.memory_space<vmem_shared>>) target(%dma_start3A_483 : memref<80x128xf32, #tpu.memory_space<vmem>>) offsets(%dma_start3A_486 : memref<80xi32, #tpu.memory_space<vmem>>) semaphore(%arg9 : memref<!tpu.dma_semaphore, #tpu.memory_space<semaphore_mem>>)
    %dma_wait3A_490 = arith.constant 0 : i32
    %dma_wait3A_491 = arith.constant 0 : i32
    %dma_wait3A_492 = arith.constant 0 : i32
    %dma_wait3A_493 = tpu.memref_slice %arg7[%dma_wait3A_490, %dma_wait3A_491, %dma_wait3A_492] : memref<4x80x128xf32, #tpu.memory_space<vmem>> -> memref<1x80x128xf32, #tpu.memory_space<vmem>>
    %dma_wait3A_494 = tpu.memref_squeeze %dma_wait3A_493 : memref<1x80x128xf32, #tpu.memory_space<vmem>> -> memref<80x128xf32, #tpu.memory_space<vmem>>
    %dma_wait3A_495 = arith.constant 0 : i32
    %dma_wait3A_496 = arith.constant 0 : i32
    %dma_wait3A_497 = tpu.memref_slice %arg2[%dma_wait3A_495, %dma_wait3A_496] : memref<9088x128xf32, #tpu.memory_space<hbm>> -> memref<80x128xf32, #tpu.memory_space<hbm>>
    %dma_wait3A_498 = arith.constant 0 : i32
    %dma_wait3A_499 = arith.constant 0 : i32
    %dma_wait3A_500 = tpu.memref_slice %arg7[%dma_wait3A_490, %dma_wait3A_498, %dma_wait3A_499] : memref<4x80x128xf32, #tpu.memory_space<vmem>> -> memref<1x80x128xf32, #tpu.memory_space<vmem>>
    %dma_wait3A_501 = tpu.memref_squeeze %dma_wait3A_500 : memref<1x80x128xf32, #tpu.memory_space<vmem>> -> memref<80x128xf32, #tpu.memory_space<vmem>>
    %dma_wait3A_502 = arith.constant 0 : i32
    %dma_wait3A_503 = arith.constant 0 : i32
    %dma_wait3A_504 = tpu.memref_slice %arg2[%dma_wait3A_502, %dma_wait3A_503] : memref<9088x128xf32, #tpu.memory_space<hbm>> -> memref<80x128xf32, #tpu.memory_space<hbm>>
    tpu.wait_dma2 semaphore(%arg8 : memref<!tpu.dma_semaphore, #tpu.memory_space<semaphore_mem>>) src(%dma_wait3A_504 : memref<80x128xf32, #tpu.memory_space<hbm>>) dst(%dma_wait3A_501 : memref<80x128xf32, #tpu.memory_space<vmem>>)
    %add3A_505 = arith.constant 6400 : i32
    %add3A_506 = arith.addi %mul3A_2, %add3A_505 : i32
    %dma_start3A_507 = arith.constant 0 : i32
    %dma_start3A_508 = arith.constant 0 : i32
    %dma_start3A_509 = arith.constant 0 : i32
    %dma_start3A_510 = tpu.memref_slice %arg7[%dma_start3A_507, %dma_start3A_508, %dma_start3A_509] : memref<4x80x128xf32, #tpu.memory_space<vmem>> -> memref<1x80x128xf32, #tpu.memory_space<vmem>>
    %dma_start3A_511 = tpu.memref_squeeze %dma_start3A_510 : memref<1x80x128xf32, #tpu.memory_space<vmem>> -> memref<80x128xf32, #tpu.memory_space<vmem>>
    %dma_start3A_512 = arith.constant 0 : i32
    %dma_start3A_513 = tpu.memref_slice %arg4[%add3A_506, %dma_start3A_512] : memref<819200x128xf32, #tpu.memory_space<hbm>> -> memref<80x128xf32, #tpu.memory_space<hbm>>
    %dma_start3A_514 = arith.constant 0 : i32
    %dma_start3A_515 = tpu.memref_slice %arg4[%add3A_506, %dma_start3A_514] : memref<819200x128xf32, #tpu.memory_space<hbm>> -> memref<80x128xf32, #tpu.memory_space<hbm>>
    %dma_start3A_516 = arith.constant 0 : i32
    %dma_start3A_517 = arith.constant 0 : i32
    %dma_start3A_518 = tpu.memref_slice %arg7[%dma_start3A_507, %dma_start3A_516, %dma_start3A_517] : memref<4x80x128xf32, #tpu.memory_space<vmem>> -> memref<1x80x128xf32, #tpu.memory_space<vmem>>
    %dma_start3A_519 = tpu.memref_squeeze %dma_start3A_518 : memref<1x80x128xf32, #tpu.memory_space<vmem>> -> memref<80x128xf32, #tpu.memory_space<vmem>>
    tpu.enqueue_dma source(%dma_start3A_519 : memref<80x128xf32, #tpu.memory_space<vmem>>) target(%dma_start3A_515 : memref<80x128xf32, #tpu.memory_space<hbm>>) target_semaphore(%arg12 : memref<!tpu.dma_semaphore, #tpu.memory_space<semaphore_mem>>)
    %dma_start3A_520 = arith.constant 2 : i32
    %dma_start3A_521 = arith.constant 2 : i32
    %dma_start3A_522 = arith.constant 0 : i32
    %dma_start3A_523 = arith.constant 0 : i32
    %dma_start3A_524 = tpu.memref_slice %arg7[%dma_start3A_521, %dma_start3A_522, %dma_start3A_523] : memref<4x80x128xf32, #tpu.memory_space<vmem>> -> memref<1x80x128xf32, #tpu.memory_space<vmem>>
    %dma_start3A_525 = tpu.memref_squeeze %dma_start3A_524 : memref<1x80x128xf32, #tpu.memory_space<vmem>> -> memref<80x128xf32, #tpu.memory_space<vmem>>
    %dma_start3A_526 = arith.constant 0 : i32
    %dma_start3A_527 = tpu.memref_slice %arg6[%dma_start3A_520, %dma_start3A_526] : memref<80x80xi32, #tpu.memory_space<vmem>> -> memref<1x80xi32, #tpu.memory_space<vmem>>
    %dma_start3A_528 = tpu.memref_squeeze %dma_start3A_527 : memref<1x80xi32, #tpu.memory_space<vmem>> -> memref<80xi32, #tpu.memory_space<vmem>>
    %dma_start3A_529 = arith.constant 0 : i32
    %dma_start3A_530 = arith.constant 0 : i32
    %dma_start3A_531 = tpu.memref_slice %arg5[%dma_start3A_529, %dma_start3A_530] : memref<9088x128xf32, #tpu.memory_space<vmem_shared>> -> memref<9088x128xf32, #tpu.memory_space<vmem_shared>>
    tpu.enqueue_indirect_dma source(%dma_start3A_531 : memref<9088x128xf32, #tpu.memory_space<vmem_shared>>) target(%dma_start3A_525 : memref<80x128xf32, #tpu.memory_space<vmem>>) offsets(%dma_start3A_528 : memref<80xi32, #tpu.memory_space<vmem>>) semaphore(%arg10 : memref<!tpu.dma_semaphore, #tpu.memory_space<semaphore_mem>>)
    %dma_wait3A_532 = arith.constant 1 : i32
    %dma_wait3A_533 = arith.constant 0 : i32
    %dma_wait3A_534 = arith.constant 0 : i32
    %dma_wait3A_535 = tpu.memref_slice %arg7[%dma_wait3A_532, %dma_wait3A_533, %dma_wait3A_534] : memref<4x80x128xf32, #tpu.memory_space<vmem>> -> memref<1x80x128xf32, #tpu.memory_space<vmem>>
    %dma_wait3A_536 = tpu.memref_squeeze %dma_wait3A_535 : memref<1x80x128xf32, #tpu.memory_space<vmem>> -> memref<80x128xf32, #tpu.memory_space<vmem>>
    %dma_wait3A_537 = arith.constant 0 : i32
    %dma_wait3A_538 = arith.constant 0 : i32
    %dma_wait3A_539 = tpu.memref_slice %arg2[%dma_wait3A_537, %dma_wait3A_538] : memref<9088x128xf32, #tpu.memory_space<hbm>> -> memref<80x128xf32, #tpu.memory_space<hbm>>
    %dma_wait3A_540 = arith.constant 0 : i32
    %dma_wait3A_541 = arith.constant 0 : i32
    %dma_wait3A_542 = tpu.memref_slice %arg7[%dma_wait3A_532, %dma_wait3A_540, %dma_wait3A_541] : memref<4x80x128xf32, #tpu.memory_space<vmem>> -> memref<1x80x128xf32, #tpu.memory_space<vmem>>
    %dma_wait3A_543 = tpu.memref_squeeze %dma_wait3A_542 : memref<1x80x128xf32, #tpu.memory_space<vmem>> -> memref<80x128xf32, #tpu.memory_space<vmem>>
    %dma_wait3A_544 = arith.constant 0 : i32
    %dma_wait3A_545 = arith.constant 0 : i32
    %dma_wait3A_546 = tpu.memref_slice %arg2[%dma_wait3A_544, %dma_wait3A_545] : memref<9088x128xf32, #tpu.memory_space<hbm>> -> memref<80x128xf32, #tpu.memory_space<hbm>>
    tpu.wait_dma2 semaphore(%arg9 : memref<!tpu.dma_semaphore, #tpu.memory_space<semaphore_mem>>) src(%dma_wait3A_546 : memref<80x128xf32, #tpu.memory_space<hbm>>) dst(%dma_wait3A_543 : memref<80x128xf32, #tpu.memory_space<vmem>>)
    %add3A_547 = arith.constant 6480 : i32
    %add3A_548 = arith.addi %mul3A_2, %add3A_547 : i32
    %dma_start3A_549 = arith.constant 1 : i32
    %dma_start3A_550 = arith.constant 0 : i32
    %dma_start3A_551 = arith.constant 0 : i32
    %dma_start3A_552 = tpu.memref_slice %arg7[%dma_start3A_549, %dma_start3A_550, %dma_start3A_551] : memref<4x80x128xf32, #tpu.memory_space<vmem>> -> memref<1x80x128xf32, #tpu.memory_space<vmem>>
    %dma_start3A_553 = tpu.memref_squeeze %dma_start3A_552 : memref<1x80x128xf32, #tpu.memory_space<vmem>> -> memref<80x128xf32, #tpu.memory_space<vmem>>
    %dma_start3A_554 = arith.constant 0 : i32
    %dma_start3A_555 = tpu.memref_slice %arg4[%add3A_548, %dma_start3A_554] : memref<819200x128xf32, #tpu.memory_space<hbm>> -> memref<80x128xf32, #tpu.memory_space<hbm>>
    %dma_start3A_556 = arith.constant 0 : i32
    %dma_start3A_557 = tpu.memref_slice %arg4[%add3A_548, %dma_start3A_556] : memref<819200x128xf32, #tpu.memory_space<hbm>> -> memref<80x128xf32, #tpu.memory_space<hbm>>
    %dma_start3A_558 = arith.constant 0 : i32
    %dma_start3A_559 = arith.constant 0 : i32
    %dma_start3A_560 = tpu.memref_slice %arg7[%dma_start3A_549, %dma_start3A_558, %dma_start3A_559] : memref<4x80x128xf32, #tpu.memory_space<vmem>> -> memref<1x80x128xf32, #tpu.memory_space<vmem>>
    %dma_start3A_561 = tpu.memref_squeeze %dma_start3A_560 : memref<1x80x128xf32, #tpu.memory_space<vmem>> -> memref<80x128xf32, #tpu.memory_space<vmem>>
    tpu.enqueue_dma source(%dma_start3A_561 : memref<80x128xf32, #tpu.memory_space<vmem>>) target(%dma_start3A_557 : memref<80x128xf32, #tpu.memory_space<hbm>>) target_semaphore(%arg13 : memref<!tpu.dma_semaphore, #tpu.memory_space<semaphore_mem>>)
    %dma_start3A_562 = arith.constant 3 : i32
    %dma_start3A_563 = arith.constant 3 : i32
    %dma_start3A_564 = arith.constant 0 : i32
    %dma_start3A_565 = arith.constant 0 : i32
    %dma_start3A_566 = tpu.memref_slice %arg7[%dma_start3A_563, %dma_start3A_564, %dma_start3A_565] : memref<4x80x128xf32, #tpu.memory_space<vmem>> -> memref<1x80x128xf32, #tpu.memory_space<vmem>>
    %dma_start3A_567 = tpu.memref_squeeze %dma_start3A_566 : memref<1x80x128xf32, #tpu.memory_space<vmem>> -> memref<80x128xf32, #tpu.memory_space<vmem>>
    %dma_start3A_568 = arith.constant 0 : i32
    %dma_start3A_569 = tpu.memref_slice %arg6[%dma_start3A_562, %dma_start3A_568] : memref<80x80xi32, #tpu.memory_space<vmem>> -> memref<1x80xi32, #tpu.memory_space<vmem>>
    %dma_start3A_570 = tpu.memref_squeeze %dma_start3A_569 : memref<1x80xi32, #tpu.memory_space<vmem>> -> memref<80xi32, #tpu.memory_space<vmem>>
    %dma_start3A_571 = arith.constant 0 : i32
    %dma_start3A_572 = arith.constant 0 : i32
    %dma_start3A_573 = tpu.memref_slice %arg5[%dma_start3A_571, %dma_start3A_572] : memref<9088x128xf32, #tpu.memory_space<vmem_shared>> -> memref<9088x128xf32, #tpu.memory_space<vmem_shared>>
    tpu.enqueue_indirect_dma source(%dma_start3A_573 : memref<9088x128xf32, #tpu.memory_space<vmem_shared>>) target(%dma_start3A_567 : memref<80x128xf32, #tpu.memory_space<vmem>>) offsets(%dma_start3A_570 : memref<80xi32, #tpu.memory_space<vmem>>) semaphore(%arg11 : memref<!tpu.dma_semaphore, #tpu.memory_space<semaphore_mem>>)
    %dma_wait3A_574 = arith.constant 2 : i32
    %dma_wait3A_575 = arith.constant 0 : i32
    %dma_wait3A_576 = arith.constant 0 : i32
    %dma_wait3A_577 = tpu.memref_slice %arg7[%dma_wait3A_574, %dma_wait3A_575, %dma_wait3A_576] : memref<4x80x128xf32, #tpu.memory_space<vmem>> -> memref<1x80x128xf32, #tpu.memory_space<vmem>>
    %dma_wait3A_578 = tpu.memref_squeeze %dma_wait3A_577 : memref<1x80x128xf32, #tpu.memory_space<vmem>> -> memref<80x128xf32, #tpu.memory_space<vmem>>
    %dma_wait3A_579 = arith.constant 0 : i32
    %dma_wait3A_580 = arith.constant 0 : i32
    %dma_wait3A_581 = tpu.memref_slice %arg2[%dma_wait3A_579, %dma_wait3A_580] : memref<9088x128xf32, #tpu.memory_space<hbm>> -> memref<80x128xf32, #tpu.memory_space<hbm>>
    %dma_wait3A_582 = arith.constant 0 : i32
    %dma_wait3A_583 = arith.constant 0 : i32
    %dma_wait3A_584 = tpu.memref_slice %arg7[%dma_wait3A_574, %dma_wait3A_582, %dma_wait3A_583] : memref<4x80x128xf32, #tpu.memory_space<vmem>> -> memref<1x80x128xf32, #tpu.memory_space<vmem>>
    %dma_wait3A_585 = tpu.memref_squeeze %dma_wait3A_584 : memref<1x80x128xf32, #tpu.memory_space<vmem>> -> memref<80x128xf32, #tpu.memory_space<vmem>>
    %dma_wait3A_586 = arith.constant 0 : i32
    %dma_wait3A_587 = arith.constant 0 : i32
    %dma_wait3A_588 = tpu.memref_slice %arg2[%dma_wait3A_586, %dma_wait3A_587] : memref<9088x128xf32, #tpu.memory_space<hbm>> -> memref<80x128xf32, #tpu.memory_space<hbm>>
    tpu.wait_dma2 semaphore(%arg10 : memref<!tpu.dma_semaphore, #tpu.memory_space<semaphore_mem>>) src(%dma_wait3A_588 : memref<80x128xf32, #tpu.memory_space<hbm>>) dst(%dma_wait3A_585 : memref<80x128xf32, #tpu.memory_space<vmem>>)
    %add3A_589 = arith.constant 6560 : i32
    %add3A_590 = arith.addi %mul3A_2, %add3A_589 : i32
    %dma_start3A_591 = arith.constant 2 : i32
    %dma_start3A_592 = arith.constant 0 : i32
    %dma_start3A_593 = arith.constant 0 : i32
    %dma_start3A_594 = tpu.memref_slice %arg7[%dma_start3A_591, %dma_start3A_592, %dma_start3A_593] : memref<4x80x128xf32, #tpu.memory_space<vmem>> -> memref<1x80x128xf32, #tpu.memory_space<vmem>>
    %dma_start3A_595 = tpu.memref_squeeze %dma_start3A_594 : memref<1x80x128xf32, #tpu.memory_space<vmem>> -> memref<80x128xf32, #tpu.memory_space<vmem>>
    %dma_start3A_596 = arith.constant 0 : i32
    %dma_start3A_597 = tpu.memref_slice %arg4[%add3A_590, %dma_start3A_596] : memref<819200x128xf32, #tpu.memory_space<hbm>> -> memref<80x128xf32, #tpu.memory_space<hbm>>
    %dma_start3A_598 = arith.constant 0 : i32
    %dma_start3A_599 = tpu.memref_slice %arg4[%add3A_590, %dma_start3A_598] : memref<819200x128xf32, #tpu.memory_space<hbm>> -> memref<80x128xf32, #tpu.memory_space<hbm>>
    %dma_start3A_600 = arith.constant 0 : i32
    %dma_start3A_601 = arith.constant 0 : i32
    %dma_start3A_602 = tpu.memref_slice %arg7[%dma_start3A_591, %dma_start3A_600, %dma_start3A_601] : memref<4x80x128xf32, #tpu.memory_space<vmem>> -> memref<1x80x128xf32, #tpu.memory_space<vmem>>
    %dma_start3A_603 = tpu.memref_squeeze %dma_start3A_602 : memref<1x80x128xf32, #tpu.memory_space<vmem>> -> memref<80x128xf32, #tpu.memory_space<vmem>>
    tpu.enqueue_dma source(%dma_start3A_603 : memref<80x128xf32, #tpu.memory_space<vmem>>) target(%dma_start3A_599 : memref<80x128xf32, #tpu.memory_space<hbm>>) target_semaphore(%arg14 : memref<!tpu.dma_semaphore, #tpu.memory_space<semaphore_mem>>)
    %dma_wait3A_604 = arith.constant 0 : i32
    %dma_wait3A_605 = arith.constant 0 : i32
    %dma_wait3A_606 = arith.constant 0 : i32
    %dma_wait3A_607 = tpu.memref_slice %arg7[%dma_wait3A_604, %dma_wait3A_605, %dma_wait3A_606] : memref<4x80x128xf32, #tpu.memory_space<vmem>> -> memref<1x80x128xf32, #tpu.memory_space<vmem>>
    %dma_wait3A_608 = tpu.memref_squeeze %dma_wait3A_607 : memref<1x80x128xf32, #tpu.memory_space<vmem>> -> memref<80x128xf32, #tpu.memory_space<vmem>>
    %dma_wait3A_609 = arith.constant 0 : i32
    %dma_wait3A_610 = arith.constant 0 : i32
    %dma_wait3A_611 = tpu.memref_slice %arg4[%dma_wait3A_609, %dma_wait3A_610] : memref<819200x128xf32, #tpu.memory_space<hbm>> -> memref<80x128xf32, #tpu.memory_space<hbm>>
    %dma_wait3A_612 = arith.constant 0 : i32
    %dma_wait3A_613 = arith.constant 0 : i32
    %dma_wait3A_614 = tpu.memref_slice %arg4[%dma_wait3A_612, %dma_wait3A_613] : memref<819200x128xf32, #tpu.memory_space<hbm>> -> memref<80x128xf32, #tpu.memory_space<hbm>>
    %dma_wait3A_615 = arith.constant 0 : i32
    %dma_wait3A_616 = arith.constant 0 : i32
    %dma_wait3A_617 = tpu.memref_slice %arg7[%dma_wait3A_604, %dma_wait3A_615, %dma_wait3A_616] : memref<4x80x128xf32, #tpu.memory_space<vmem>> -> memref<1x80x128xf32, #tpu.memory_space<vmem>>
    %dma_wait3A_618 = tpu.memref_squeeze %dma_wait3A_617 : memref<1x80x128xf32, #tpu.memory_space<vmem>> -> memref<80x128xf32, #tpu.memory_space<vmem>>
    tpu.wait_dma2 semaphore(%arg12 : memref<!tpu.dma_semaphore, #tpu.memory_space<semaphore_mem>>) src(%dma_wait3A_618 : memref<80x128xf32, #tpu.memory_space<vmem>>) dst(%dma_wait3A_614 : memref<80x128xf32, #tpu.memory_space<hbm>>)
    %dma_start3A_619 = arith.constant 4 : i32
    %dma_start3A_620 = arith.constant 0 : i32
    %dma_start3A_621 = arith.constant 0 : i32
    %dma_start3A_622 = arith.constant 0 : i32
    %dma_start3A_623 = tpu.memref_slice %arg7[%dma_start3A_620, %dma_start3A_621, %dma_start3A_622] : memref<4x80x128xf32, #tpu.memory_space<vmem>> -> memref<1x80x128xf32, #tpu.memory_space<vmem>>
    %dma_start3A_624 = tpu.memref_squeeze %dma_start3A_623 : memref<1x80x128xf32, #tpu.memory_space<vmem>> -> memref<80x128xf32, #tpu.memory_space<vmem>>
    %dma_start3A_625 = arith.constant 0 : i32
    %dma_start3A_626 = tpu.memref_slice %arg6[%dma_start3A_619, %dma_start3A_625] : memref<80x80xi32, #tpu.memory_space<vmem>> -> memref<1x80xi32, #tpu.memory_space<vmem>>
    %dma_start3A_627 = tpu.memref_squeeze %dma_start3A_626 : memref<1x80xi32, #tpu.memory_space<vmem>> -> memref<80xi32, #tpu.memory_space<vmem>>
    %dma_start3A_628 = arith.constant 0 : i32
    %dma_start3A_629 = arith.constant 0 : i32
    %dma_start3A_630 = tpu.memref_slice %arg5[%dma_start3A_628, %dma_start3A_629] : memref<9088x128xf32, #tpu.memory_space<vmem_shared>> -> memref<9088x128xf32, #tpu.memory_space<vmem_shared>>
    tpu.enqueue_indirect_dma source(%dma_start3A_630 : memref<9088x128xf32, #tpu.memory_space<vmem_shared>>) target(%dma_start3A_624 : memref<80x128xf32, #tpu.memory_space<vmem>>) offsets(%dma_start3A_627 : memref<80xi32, #tpu.memory_space<vmem>>) semaphore(%arg8 : memref<!tpu.dma_semaphore, #tpu.memory_space<semaphore_mem>>)
    %dma_wait3A_631 = arith.constant 3 : i32
    %dma_wait3A_632 = arith.constant 0 : i32
    %dma_wait3A_633 = arith.constant 0 : i32
    %dma_wait3A_634 = tpu.memref_slice %arg7[%dma_wait3A_631, %dma_wait3A_632, %dma_wait3A_633] : memref<4x80x128xf32, #tpu.memory_space<vmem>> -> memref<1x80x128xf32, #tpu.memory_space<vmem>>
    %dma_wait3A_635 = tpu.memref_squeeze %dma_wait3A_634 : memref<1x80x128xf32, #tpu.memory_space<vmem>> -> memref<80x128xf32, #tpu.memory_space<vmem>>
    %dma_wait3A_636 = arith.constant 0 : i32
    %dma_wait3A_637 = arith.constant 0 : i32
    %dma_wait3A_638 = tpu.memref_slice %arg2[%dma_wait3A_636, %dma_wait3A_637] : memref<9088x128xf32, #tpu.memory_space<hbm>> -> memref<80x128xf32, #tpu.memory_space<hbm>>
    %dma_wait3A_639 = arith.constant 0 : i32
    %dma_wait3A_640 = arith.constant 0 : i32
    %dma_wait3A_641 = tpu.memref_slice %arg7[%dma_wait3A_631, %dma_wait3A_639, %dma_wait3A_640] : memref<4x80x128xf32, #tpu.memory_space<vmem>> -> memref<1x80x128xf32, #tpu.memory_space<vmem>>
    %dma_wait3A_642 = tpu.memref_squeeze %dma_wait3A_641 : memref<1x80x128xf32, #tpu.memory_space<vmem>> -> memref<80x128xf32, #tpu.memory_space<vmem>>
    %dma_wait3A_643 = arith.constant 0 : i32
    %dma_wait3A_644 = arith.constant 0 : i32
    %dma_wait3A_645 = tpu.memref_slice %arg2[%dma_wait3A_643, %dma_wait3A_644] : memref<9088x128xf32, #tpu.memory_space<hbm>> -> memref<80x128xf32, #tpu.memory_space<hbm>>
    tpu.wait_dma2 semaphore(%arg11 : memref<!tpu.dma_semaphore, #tpu.memory_space<semaphore_mem>>) src(%dma_wait3A_645 : memref<80x128xf32, #tpu.memory_space<hbm>>) dst(%dma_wait3A_642 : memref<80x128xf32, #tpu.memory_space<vmem>>)
    %add3A_646 = arith.constant 6640 : i32
    %add3A_647 = arith.addi %mul3A_2, %add3A_646 : i32
    %dma_start3A_648 = arith.constant 3 : i32
    %dma_start3A_649 = arith.constant 0 : i32
    %dma_start3A_650 = arith.constant 0 : i32
    %dma_start3A_651 = tpu.memref_slice %arg7[%dma_start3A_648, %dma_start3A_649, %dma_start3A_650] : memref<4x80x128xf32, #tpu.memory_space<vmem>> -> memref<1x80x128xf32, #tpu.memory_space<vmem>>
    %dma_start3A_652 = tpu.memref_squeeze %dma_start3A_651 : memref<1x80x128xf32, #tpu.memory_space<vmem>> -> memref<80x128xf32, #tpu.memory_space<vmem>>
    %dma_start3A_653 = arith.constant 0 : i32
    %dma_start3A_654 = tpu.memref_slice %arg4[%add3A_647, %dma_start3A_653] : memref<819200x128xf32, #tpu.memory_space<hbm>> -> memref<80x128xf32, #tpu.memory_space<hbm>>
    %dma_start3A_655 = arith.constant 0 : i32
    %dma_start3A_656 = tpu.memref_slice %arg4[%add3A_647, %dma_start3A_655] : memref<819200x128xf32, #tpu.memory_space<hbm>> -> memref<80x128xf32, #tpu.memory_space<hbm>>
    %dma_start3A_657 = arith.constant 0 : i32
    %dma_start3A_658 = arith.constant 0 : i32
    %dma_start3A_659 = tpu.memref_slice %arg7[%dma_start3A_648, %dma_start3A_657, %dma_start3A_658] : memref<4x80x128xf32, #tpu.memory_space<vmem>> -> memref<1x80x128xf32, #tpu.memory_space<vmem>>
    %dma_start3A_660 = tpu.memref_squeeze %dma_start3A_659 : memref<1x80x128xf32, #tpu.memory_space<vmem>> -> memref<80x128xf32, #tpu.memory_space<vmem>>
    tpu.enqueue_dma source(%dma_start3A_660 : memref<80x128xf32, #tpu.memory_space<vmem>>) target(%dma_start3A_656 : memref<80x128xf32, #tpu.memory_space<hbm>>) target_semaphore(%arg15 : memref<!tpu.dma_semaphore, #tpu.memory_space<semaphore_mem>>)
    %dma_wait3A_661 = arith.constant 1 : i32
    %dma_wait3A_662 = arith.constant 0 : i32
    %dma_wait3A_663 = arith.constant 0 : i32
    %dma_wait3A_664 = tpu.memref_slice %arg7[%dma_wait3A_661, %dma_wait3A_662, %dma_wait3A_663] : memref<4x80x128xf32, #tpu.memory_space<vmem>> -> memref<1x80x128xf32, #tpu.memory_space<vmem>>
    %dma_wait3A_665 = tpu.memref_squeeze %dma_wait3A_664 : memref<1x80x128xf32, #tpu.memory_space<vmem>> -> memref<80x128xf32, #tpu.memory_space<vmem>>
    %dma_wait3A_666 = arith.constant 0 : i32
    %dma_wait3A_667 = arith.constant 0 : i32
    %dma_wait3A_668 = tpu.memref_slice %arg4[%dma_wait3A_666, %dma_wait3A_667] : memref<819200x128xf32, #tpu.memory_space<hbm>> -> memref<80x128xf32, #tpu.memory_space<hbm>>
    %dma_wait3A_669 = arith.constant 0 : i32
    %dma_wait3A_670 = arith.constant 0 : i32
    %dma_wait3A_671 = tpu.memref_slice %arg4[%dma_wait3A_669, %dma_wait3A_670] : memref<819200x128xf32, #tpu.memory_space<hbm>> -> memref<80x128xf32, #tpu.memory_space<hbm>>
    %dma_wait3A_672 = arith.constant 0 : i32
    %dma_wait3A_673 = arith.constant 0 : i32
    %dma_wait3A_674 = tpu.memref_slice %arg7[%dma_wait3A_661, %dma_wait3A_672, %dma_wait3A_673] : memref<4x80x128xf32, #tpu.memory_space<vmem>> -> memref<1x80x128xf32, #tpu.memory_space<vmem>>
    %dma_wait3A_675 = tpu.memref_squeeze %dma_wait3A_674 : memref<1x80x128xf32, #tpu.memory_space<vmem>> -> memref<80x128xf32, #tpu.memory_space<vmem>>
    tpu.wait_dma2 semaphore(%arg13 : memref<!tpu.dma_semaphore, #tpu.memory_space<semaphore_mem>>) src(%dma_wait3A_675 : memref<80x128xf32, #tpu.memory_space<vmem>>) dst(%dma_wait3A_671 : memref<80x128xf32, #tpu.memory_space<hbm>>)
    %dma_start3A_676 = arith.constant 5 : i32
    %dma_start3A_677 = arith.constant 1 : i32
    %dma_start3A_678 = arith.constant 0 : i32
    %dma_start3A_679 = arith.constant 0 : i32
    %dma_start3A_680 = tpu.memref_slice %arg7[%dma_start3A_677, %dma_start3A_678, %dma_start3A_679] : memref<4x80x128xf32, #tpu.memory_space<vmem>> -> memref<1x80x128xf32, #tpu.memory_space<vmem>>
    %dma_start3A_681 = tpu.memref_squeeze %dma_start3A_680 : memref<1x80x128xf32, #tpu.memory_space<vmem>> -> memref<80x128xf32, #tpu.memory_space<vmem>>
    %dma_start3A_682 = arith.constant 0 : i32
    %dma_start3A_683 = tpu.memref_slice %arg6[%dma_start3A_676, %dma_start3A_682] : memref<80x80xi32, #tpu.memory_space<vmem>> -> memref<1x80xi32, #tpu.memory_space<vmem>>
    %dma_start3A_684 = tpu.memref_squeeze %dma_start3A_683 : memref<1x80xi32, #tpu.memory_space<vmem>> -> memref<80xi32, #tpu.memory_space<vmem>>
    %dma_start3A_685 = arith.constant 0 : i32
    %dma_start3A_686 = arith.constant 0 : i32
    %dma_start3A_687 = tpu.memref_slice %arg5[%dma_start3A_685, %dma_start3A_686] : memref<9088x128xf32, #tpu.memory_space<vmem_shared>> -> memref<9088x128xf32, #tpu.memory_space<vmem_shared>>
    tpu.enqueue_indirect_dma source(%dma_start3A_687 : memref<9088x128xf32, #tpu.memory_space<vmem_shared>>) target(%dma_start3A_681 : memref<80x128xf32, #tpu.memory_space<vmem>>) offsets(%dma_start3A_684 : memref<80xi32, #tpu.memory_space<vmem>>) semaphore(%arg9 : memref<!tpu.dma_semaphore, #tpu.memory_space<semaphore_mem>>)
    %scan3A_688 = arith.constant 0 : i32
    %scan3A_689 = arith.constant 18 : i32
    %scan3A_690 = arith.addi %scan3A_688, %scan3A_689 : i32
    %scan3A_691 = arith.constant 1 : i32
    scf.for %scan3A_1851 = %scan3A_688 to %scan3A_690 step %scan3A_691  : i32 {
      %mul3A_1852 = arith.constant 4 : i32
      %mul3A_1853 = arith.muli %scan3A_1851, %mul3A_1852 : i32
      %add3A_1854 = arith.constant 4 : i32
      %add3A_1855 = arith.addi %add3A_1854, %mul3A_1853 : i32
      %add3A_1856 = arith.constant 0 : i32
      %add3A_1857 = arith.addi %add3A_1855, %add3A_1856 : i32
      %dma_wait3A_1858 = arith.constant 0 : i32
      %dma_wait3A_1859 = arith.constant 0 : i32
      %dma_wait3A_1860 = arith.constant 0 : i32
      %dma_wait3A_1861 = tpu.memref_slice %arg7[%dma_wait3A_1858, %dma_wait3A_1859, %dma_wait3A_1860] : memref<4x80x128xf32, #tpu.memory_space<vmem>> -> memref<1x80x128xf32, #tpu.memory_space<vmem>>
      %dma_wait3A_1862 = tpu.memref_squeeze %dma_wait3A_1861 : memref<1x80x128xf32, #tpu.memory_space<vmem>> -> memref<80x128xf32, #tpu.memory_space<vmem>>
      %dma_wait3A_1863 = arith.constant 0 : i32
      %dma_wait3A_1864 = arith.constant 0 : i32
      %dma_wait3A_1865 = tpu.memref_slice %arg2[%dma_wait3A_1863, %dma_wait3A_1864] : memref<9088x128xf32, #tpu.memory_space<hbm>> -> memref<80x128xf32, #tpu.memory_space<hbm>>
      %dma_wait3A_1866 = arith.constant 0 : i32
      %dma_wait3A_1867 = arith.constant 0 : i32
      %dma_wait3A_1868 = tpu.memref_slice %arg7[%dma_wait3A_1858, %dma_wait3A_1866, %dma_wait3A_1867] : memref<4x80x128xf32, #tpu.memory_space<vmem>> -> memref<1x80x128xf32, #tpu.memory_space<vmem>>
      %dma_wait3A_1869 = tpu.memref_squeeze %dma_wait3A_1868 : memref<1x80x128xf32, #tpu.memory_space<vmem>> -> memref<80x128xf32, #tpu.memory_space<vmem>>
      %dma_wait3A_1870 = arith.constant 0 : i32
      %dma_wait3A_1871 = arith.constant 0 : i32
      %dma_wait3A_1872 = tpu.memref_slice %arg2[%dma_wait3A_1870, %dma_wait3A_1871] : memref<9088x128xf32, #tpu.memory_space<hbm>> -> memref<80x128xf32, #tpu.memory_space<hbm>>
      tpu.wait_dma2 semaphore(%arg8 : memref<!tpu.dma_semaphore, #tpu.memory_space<semaphore_mem>>) src(%dma_wait3A_1872 : memref<80x128xf32, #tpu.memory_space<hbm>>) dst(%dma_wait3A_1869 : memref<80x128xf32, #tpu.memory_space<vmem>>)
      %dma_wait3A_1873 = arith.constant 2 : i32
      %dma_wait3A_1874 = arith.constant 0 : i32
      %dma_wait3A_1875 = arith.constant 0 : i32
      %dma_wait3A_1876 = tpu.memref_slice %arg7[%dma_wait3A_1873, %dma_wait3A_1874, %dma_wait3A_1875] : memref<4x80x128xf32, #tpu.memory_space<vmem>> -> memref<1x80x128xf32, #tpu.memory_space<vmem>>
      %dma_wait3A_1877 = tpu.memref_squeeze %dma_wait3A_1876 : memref<1x80x128xf32, #tpu.memory_space<vmem>> -> memref<80x128xf32, #tpu.memory_space<vmem>>
      %dma_wait3A_1878 = arith.constant 0 : i32
      %dma_wait3A_1879 = arith.constant 0 : i32
      %dma_wait3A_1880 = tpu.memref_slice %arg4[%dma_wait3A_1878, %dma_wait3A_1879] : memref<819200x128xf32, #tpu.memory_space<hbm>> -> memref<80x128xf32, #tpu.memory_space<hbm>>
      %dma_wait3A_1881 = arith.constant 0 : i32
      %dma_wait3A_1882 = arith.constant 0 : i32
      %dma_wait3A_1883 = tpu.memref_slice %arg4[%dma_wait3A_1881, %dma_wait3A_1882] : memref<819200x128xf32, #tpu.memory_space<hbm>> -> memref<80x128xf32, #tpu.memory_space<hbm>>
      %dma_wait3A_1884 = arith.constant 0 : i32
      %dma_wait3A_1885 = arith.constant 0 : i32
      %dma_wait3A_1886 = tpu.memref_slice %arg7[%dma_wait3A_1873, %dma_wait3A_1884, %dma_wait3A_1885] : memref<4x80x128xf32, #tpu.memory_space<vmem>> -> memref<1x80x128xf32, #tpu.memory_space<vmem>>
      %dma_wait3A_1887 = tpu.memref_squeeze %dma_wait3A_1886 : memref<1x80x128xf32, #tpu.memory_space<vmem>> -> memref<80x128xf32, #tpu.memory_space<vmem>>
      tpu.wait_dma2 semaphore(%arg14 : memref<!tpu.dma_semaphore, #tpu.memory_space<semaphore_mem>>) src(%dma_wait3A_1887 : memref<80x128xf32, #tpu.memory_space<vmem>>) dst(%dma_wait3A_1883 : memref<80x128xf32, #tpu.memory_space<hbm>>)
      %add3A_1888 = arith.constant 2 : i32
      %add3A_1889 = arith.addi %add3A_1857, %add3A_1888 : i32
      %dma_start3A_1890 = arith.constant 2 : i32
      %dma_start3A_1891 = arith.constant 0 : i32
      %dma_start3A_1892 = arith.constant 0 : i32
      %dma_start3A_1893 = tpu.memref_slice %arg7[%dma_start3A_1890, %dma_start3A_1891, %dma_start3A_1892] : memref<4x80x128xf32, #tpu.memory_space<vmem>> -> memref<1x80x128xf32, #tpu.memory_space<vmem>>
      %dma_start3A_1894 = tpu.memref_squeeze %dma_start3A_1893 : memref<1x80x128xf32, #tpu.memory_space<vmem>> -> memref<80x128xf32, #tpu.memory_space<vmem>>
      %dma_start3A_1895 = arith.constant 0 : i32
      %dma_start3A_1896 = tpu.memref_slice %arg6[%add3A_1889, %dma_start3A_1895] : memref<80x80xi32, #tpu.memory_space<vmem>> -> memref<1x80xi32, #tpu.memory_space<vmem>>
      %dma_start3A_1897 = tpu.memref_squeeze %dma_start3A_1896 : memref<1x80xi32, #tpu.memory_space<vmem>> -> memref<80xi32, #tpu.memory_space<vmem>>
      %dma_start3A_1898 = arith.constant 0 : i32
      %dma_start3A_1899 = arith.constant 0 : i32
      %dma_start3A_1900 = tpu.memref_slice %arg5[%dma_start3A_1898, %dma_start3A_1899] : memref<9088x128xf32, #tpu.memory_space<vmem_shared>> -> memref<9088x128xf32, #tpu.memory_space<vmem_shared>>
      tpu.enqueue_indirect_dma source(%dma_start3A_1900 : memref<9088x128xf32, #tpu.memory_space<vmem_shared>>) target(%dma_start3A_1894 : memref<80x128xf32, #tpu.memory_space<vmem>>) offsets(%dma_start3A_1897 : memref<80xi32, #tpu.memory_space<vmem>>) semaphore(%arg10 : memref<!tpu.dma_semaphore, #tpu.memory_space<semaphore_mem>>)
      %add3A_1901 = arith.constant 80 : i32
      %add3A_1902 = arith.addi %add3A_1901, %add3A_1857 : i32
      %mul3A_1903 = arith.constant 80 : i32
      %mul3A_1904 = arith.muli %add3A_1902, %mul3A_1903 : i32
      %add3A_1905 = arith.addi %mul3A_2, %mul3A_1904 : i32
      %dma_start3A_1906 = arith.constant 0 : i32
      %dma_start3A_1907 = arith.constant 0 : i32
      %dma_start3A_1908 = arith.constant 0 : i32
      %dma_start3A_1909 = tpu.memref_slice %arg7[%dma_start3A_1906, %dma_start3A_1907, %dma_start3A_1908] : memref<4x80x128xf32, #tpu.memory_space<vmem>> -> memref<1x80x128xf32, #tpu.memory_space<vmem>>
      %dma_start3A_1910 = tpu.memref_squeeze %dma_start3A_1909 : memref<1x80x128xf32, #tpu.memory_space<vmem>> -> memref<80x128xf32, #tpu.memory_space<vmem>>
      %dma_start3A_1911 = arith.constant 0 : i32
      %dma_start3A_1912 = tpu.memref_slice %arg4[%add3A_1905, %dma_start3A_1911] : memref<819200x128xf32, #tpu.memory_space<hbm>> -> memref<80x128xf32, #tpu.memory_space<hbm>>
      %dma_start3A_1913 = arith.constant 0 : i32
      %dma_start3A_1914 = tpu.memref_slice %arg4[%add3A_1905, %dma_start3A_1913] : memref<819200x128xf32, #tpu.memory_space<hbm>> -> memref<80x128xf32, #tpu.memory_space<hbm>>
      %dma_start3A_1915 = arith.constant 0 : i32
      %dma_start3A_1916 = arith.constant 0 : i32
      %dma_start3A_1917 = tpu.memref_slice %arg7[%dma_start3A_1906, %dma_start3A_1915, %dma_start3A_1916] : memref<4x80x128xf32, #tpu.memory_space<vmem>> -> memref<1x80x128xf32, #tpu.memory_space<vmem>>
      %dma_start3A_1918 = tpu.memref_squeeze %dma_start3A_1917 : memref<1x80x128xf32, #tpu.memory_space<vmem>> -> memref<80x128xf32, #tpu.memory_space<vmem>>
      tpu.enqueue_dma source(%dma_start3A_1918 : memref<80x128xf32, #tpu.memory_space<vmem>>) target(%dma_start3A_1914 : memref<80x128xf32, #tpu.memory_space<hbm>>) target_semaphore(%arg12 : memref<!tpu.dma_semaphore, #tpu.memory_space<semaphore_mem>>)
      %add3A_1919 = arith.constant 1 : i32
      %add3A_1920 = arith.addi %add3A_1855, %add3A_1919 : i32
      %dma_wait3A_1921 = arith.constant 1 : i32
      %dma_wait3A_1922 = arith.constant 0 : i32
      %dma_wait3A_1923 = arith.constant 0 : i32
      %dma_wait3A_1924 = tpu.memref_slice %arg7[%dma_wait3A_1921, %dma_wait3A_1922, %dma_wait3A_1923] : memref<4x80x128xf32, #tpu.memory_space<vmem>> -> memref<1x80x128xf32, #tpu.memory_space<vmem>>
      %dma_wait3A_1925 = tpu.memref_squeeze %dma_wait3A_1924 : memref<1x80x128xf32, #tpu.memory_space<vmem>> -> memref<80x128xf32, #tpu.memory_space<vmem>>
      %dma_wait3A_1926 = arith.constant 0 : i32
      %dma_wait3A_1927 = arith.constant 0 : i32
      %dma_wait3A_1928 = tpu.memref_slice %arg2[%dma_wait3A_1926, %dma_wait3A_1927] : memref<9088x128xf32, #tpu.memory_space<hbm>> -> memref<80x128xf32, #tpu.memory_space<hbm>>
      %dma_wait3A_1929 = arith.constant 0 : i32
      %dma_wait3A_1930 = arith.constant 0 : i32
      %dma_wait3A_1931 = tpu.memref_slice %arg7[%dma_wait3A_1921, %dma_wait3A_1929, %dma_wait3A_1930] : memref<4x80x128xf32, #tpu.memory_space<vmem>> -> memref<1x80x128xf32, #tpu.memory_space<vmem>>
      %dma_wait3A_1932 = tpu.memref_squeeze %dma_wait3A_1931 : memref<1x80x128xf32, #tpu.memory_space<vmem>> -> memref<80x128xf32, #tpu.memory_space<vmem>>
      %dma_wait3A_1933 = arith.constant 0 : i32
      %dma_wait3A_1934 = arith.constant 0 : i32
      %dma_wait3A_1935 = tpu.memref_slice %arg2[%dma_wait3A_1933, %dma_wait3A_1934] : memref<9088x128xf32, #tpu.memory_space<hbm>> -> memref<80x128xf32, #tpu.memory_space<hbm>>
      tpu.wait_dma2 semaphore(%arg9 : memref<!tpu.dma_semaphore, #tpu.memory_space<semaphore_mem>>) src(%dma_wait3A_1935 : memref<80x128xf32, #tpu.memory_space<hbm>>) dst(%dma_wait3A_1932 : memref<80x128xf32, #tpu.memory_space<vmem>>)
      %dma_wait3A_1936 = arith.constant 3 : i32
      %dma_wait3A_1937 = arith.constant 0 : i32
      %dma_wait3A_1938 = arith.constant 0 : i32
      %dma_wait3A_1939 = tpu.memref_slice %arg7[%dma_wait3A_1936, %dma_wait3A_1937, %dma_wait3A_1938] : memref<4x80x128xf32, #tpu.memory_space<vmem>> -> memref<1x80x128xf32, #tpu.memory_space<vmem>>
      %dma_wait3A_1940 = tpu.memref_squeeze %dma_wait3A_1939 : memref<1x80x128xf32, #tpu.memory_space<vmem>> -> memref<80x128xf32, #tpu.memory_space<vmem>>
      %dma_wait3A_1941 = arith.constant 0 : i32
      %dma_wait3A_1942 = arith.constant 0 : i32
      %dma_wait3A_1943 = tpu.memref_slice %arg4[%dma_wait3A_1941, %dma_wait3A_1942] : memref<819200x128xf32, #tpu.memory_space<hbm>> -> memref<80x128xf32, #tpu.memory_space<hbm>>
      %dma_wait3A_1944 = arith.constant 0 : i32
      %dma_wait3A_1945 = arith.constant 0 : i32
      %dma_wait3A_1946 = tpu.memref_slice %arg4[%dma_wait3A_1944, %dma_wait3A_1945] : memref<819200x128xf32, #tpu.memory_space<hbm>> -> memref<80x128xf32, #tpu.memory_space<hbm>>
      %dma_wait3A_1947 = arith.constant 0 : i32
      %dma_wait3A_1948 = arith.constant 0 : i32
      %dma_wait3A_1949 = tpu.memref_slice %arg7[%dma_wait3A_1936, %dma_wait3A_1947, %dma_wait3A_1948] : memref<4x80x128xf32, #tpu.memory_space<vmem>> -> memref<1x80x128xf32, #tpu.memory_space<vmem>>
      %dma_wait3A_1950 = tpu.memref_squeeze %dma_wait3A_1949 : memref<1x80x128xf32, #tpu.memory_space<vmem>> -> memref<80x128xf32, #tpu.memory_space<vmem>>
      tpu.wait_dma2 semaphore(%arg15 : memref<!tpu.dma_semaphore, #tpu.memory_space<semaphore_mem>>) src(%dma_wait3A_1950 : memref<80x128xf32, #tpu.memory_space<vmem>>) dst(%dma_wait3A_1946 : memref<80x128xf32, #tpu.memory_space<hbm>>)
      %add3A_1951 = arith.constant 2 : i32
      %add3A_1952 = arith.addi %add3A_1920, %add3A_1951 : i32
      %dma_start3A_1953 = arith.constant 3 : i32
      %dma_start3A_1954 = arith.constant 0 : i32
      %dma_start3A_1955 = arith.constant 0 : i32
      %dma_start3A_1956 = tpu.memref_slice %arg7[%dma_start3A_1953, %dma_start3A_1954, %dma_start3A_1955] : memref<4x80x128xf32, #tpu.memory_space<vmem>> -> memref<1x80x128xf32, #tpu.memory_space<vmem>>
      %dma_start3A_1957 = tpu.memref_squeeze %dma_start3A_1956 : memref<1x80x128xf32, #tpu.memory_space<vmem>> -> memref<80x128xf32, #tpu.memory_space<vmem>>
      %dma_start3A_1958 = arith.constant 0 : i32
      %dma_start3A_1959 = tpu.memref_slice %arg6[%add3A_1952, %dma_start3A_1958] : memref<80x80xi32, #tpu.memory_space<vmem>> -> memref<1x80xi32, #tpu.memory_space<vmem>>
      %dma_start3A_1960 = tpu.memref_squeeze %dma_start3A_1959 : memref<1x80xi32, #tpu.memory_space<vmem>> -> memref<80xi32, #tpu.memory_space<vmem>>
      %dma_start3A_1961 = arith.constant 0 : i32
      %dma_start3A_1962 = arith.constant 0 : i32
      %dma_start3A_1963 = tpu.memref_slice %arg5[%dma_start3A_1961, %dma_start3A_1962] : memref<9088x128xf32, #tpu.memory_space<vmem_shared>> -> memref<9088x128xf32, #tpu.memory_space<vmem_shared>>
      tpu.enqueue_indirect_dma source(%dma_start3A_1963 : memref<9088x128xf32, #tpu.memory_space<vmem_shared>>) target(%dma_start3A_1957 : memref<80x128xf32, #tpu.memory_space<vmem>>) offsets(%dma_start3A_1960 : memref<80xi32, #tpu.memory_space<vmem>>) semaphore(%arg11 : memref<!tpu.dma_semaphore, #tpu.memory_space<semaphore_mem>>)
      %add3A_1964 = arith.constant 80 : i32
      %add3A_1965 = arith.addi %add3A_1964, %add3A_1920 : i32
      %mul3A_1966 = arith.constant 80 : i32
      %mul3A_1967 = arith.muli %add3A_1965, %mul3A_1966 : i32
      %add3A_1968 = arith.addi %mul3A_2, %mul3A_1967 : i32
      %dma_start3A_1969 = arith.constant 1 : i32
      %dma_start3A_1970 = arith.constant 0 : i32
      %dma_start3A_1971 = arith.constant 0 : i32
      %dma_start3A_1972 = tpu.memref_slice %arg7[%dma_start3A_1969, %dma_start3A_1970, %dma_start3A_1971] : memref<4x80x128xf32, #tpu.memory_space<vmem>> -> memref<1x80x128xf32, #tpu.memory_space<vmem>>
      %dma_start3A_1973 = tpu.memref_squeeze %dma_start3A_1972 : memref<1x80x128xf32, #tpu.memory_space<vmem>> -> memref<80x128xf32, #tpu.memory_space<vmem>>
      %dma_start3A_1974 = arith.constant 0 : i32
      %dma_start3A_1975 = tpu.memref_slice %arg4[%add3A_1968, %dma_start3A_1974] : memref<819200x128xf32, #tpu.memory_space<hbm>> -> memref<80x128xf32, #tpu.memory_space<hbm>>
      %dma_start3A_1976 = arith.constant 0 : i32
      %dma_start3A_1977 = tpu.memref_slice %arg4[%add3A_1968, %dma_start3A_1976] : memref<819200x128xf32, #tpu.memory_space<hbm>> -> memref<80x128xf32, #tpu.memory_space<hbm>>
      %dma_start3A_1978 = arith.constant 0 : i32
      %dma_start3A_1979 = arith.constant 0 : i32
      %dma_start3A_1980 = tpu.memref_slice %arg7[%dma_start3A_1969, %dma_start3A_1978, %dma_start3A_1979] : memref<4x80x128xf32, #tpu.memory_space<vmem>> -> memref<1x80x128xf32, #tpu.memory_space<vmem>>
      %dma_start3A_1981 = tpu.memref_squeeze %dma_start3A_1980 : memref<1x80x128xf32, #tpu.memory_space<vmem>> -> memref<80x128xf32, #tpu.memory_space<vmem>>
      tpu.enqueue_dma source(%dma_start3A_1981 : memref<80x128xf32, #tpu.memory_space<vmem>>) target(%dma_start3A_1977 : memref<80x128xf32, #tpu.memory_space<hbm>>) target_semaphore(%arg13 : memref<!tpu.dma_semaphore, #tpu.memory_space<semaphore_mem>>)
      %add3A_1982 = arith.constant 2 : i32
      %add3A_1983 = arith.addi %add3A_1855, %add3A_1982 : i32
      %dma_wait3A_1984 = arith.constant 2 : i32
      %dma_wait3A_1985 = arith.constant 0 : i32
      %dma_wait3A_1986 = arith.constant 0 : i32
      %dma_wait3A_1987 = tpu.memref_slice %arg7[%dma_wait3A_1984, %dma_wait3A_1985, %dma_wait3A_1986] : memref<4x80x128xf32, #tpu.memory_space<vmem>> -> memref<1x80x128xf32, #tpu.memory_space<vmem>>
      %dma_wait3A_1988 = tpu.memref_squeeze %dma_wait3A_1987 : memref<1x80x128xf32, #tpu.memory_space<vmem>> -> memref<80x128xf32, #tpu.memory_space<vmem>>
      %dma_wait3A_1989 = arith.constant 0 : i32
      %dma_wait3A_1990 = arith.constant 0 : i32
      %dma_wait3A_1991 = tpu.memref_slice %arg2[%dma_wait3A_1989, %dma_wait3A_1990] : memref<9088x128xf32, #tpu.memory_space<hbm>> -> memref<80x128xf32, #tpu.memory_space<hbm>>
      %dma_wait3A_1992 = arith.constant 0 : i32
      %dma_wait3A_1993 = arith.constant 0 : i32
      %dma_wait3A_1994 = tpu.memref_slice %arg7[%dma_wait3A_1984, %dma_wait3A_1992, %dma_wait3A_1993] : memref<4x80x128xf32, #tpu.memory_space<vmem>> -> memref<1x80x128xf32, #tpu.memory_space<vmem>>
      %dma_wait3A_1995 = tpu.memref_squeeze %dma_wait3A_1994 : memref<1x80x128xf32, #tpu.memory_space<vmem>> -> memref<80x128xf32, #tpu.memory_space<vmem>>
      %dma_wait3A_1996 = arith.constant 0 : i32
      %dma_wait3A_1997 = arith.constant 0 : i32
      %dma_wait3A_1998 = tpu.memref_slice %arg2[%dma_wait3A_1996, %dma_wait3A_1997] : memref<9088x128xf32, #tpu.memory_space<hbm>> -> memref<80x128xf32, #tpu.memory_space<hbm>>
      tpu.wait_dma2 semaphore(%arg10 : memref<!tpu.dma_semaphore, #tpu.memory_space<semaphore_mem>>) src(%dma_wait3A_1998 : memref<80x128xf32, #tpu.memory_space<hbm>>) dst(%dma_wait3A_1995 : memref<80x128xf32, #tpu.memory_space<vmem>>)
      %dma_wait3A_1999 = arith.constant 0 : i32
      %dma_wait3A_2000 = arith.constant 0 : i32
      %dma_wait3A_2001 = arith.constant 0 : i32
      %dma_wait3A_2002 = tpu.memref_slice %arg7[%dma_wait3A_1999, %dma_wait3A_2000, %dma_wait3A_2001] : memref<4x80x128xf32, #tpu.memory_space<vmem>> -> memref<1x80x128xf32, #tpu.memory_space<vmem>>
      %dma_wait3A_2003 = tpu.memref_squeeze %dma_wait3A_2002 : memref<1x80x128xf32, #tpu.memory_space<vmem>> -> memref<80x128xf32, #tpu.memory_space<vmem>>
      %dma_wait3A_2004 = arith.constant 0 : i32
      %dma_wait3A_2005 = arith.constant 0 : i32
      %dma_wait3A_2006 = tpu.memref_slice %arg4[%dma_wait3A_2004, %dma_wait3A_2005] : memref<819200x128xf32, #tpu.memory_space<hbm>> -> memref<80x128xf32, #tpu.memory_space<hbm>>
      %dma_wait3A_2007 = arith.constant 0 : i32
      %dma_wait3A_2008 = arith.constant 0 : i32
      %dma_wait3A_2009 = tpu.memref_slice %arg4[%dma_wait3A_2007, %dma_wait3A_2008] : memref<819200x128xf32, #tpu.memory_space<hbm>> -> memref<80x128xf32, #tpu.memory_space<hbm>>
      %dma_wait3A_2010 = arith.constant 0 : i32
      %dma_wait3A_2011 = arith.constant 0 : i32
      %dma_wait3A_2012 = tpu.memref_slice %arg7[%dma_wait3A_1999, %dma_wait3A_2010, %dma_wait3A_2011] : memref<4x80x128xf32, #tpu.memory_space<vmem>> -> memref<1x80x128xf32, #tpu.memory_space<vmem>>
      %dma_wait3A_2013 = tpu.memref_squeeze %dma_wait3A_2012 : memref<1x80x128xf32, #tpu.memory_space<vmem>> -> memref<80x128xf32, #tpu.memory_space<vmem>>
      tpu.wait_dma2 semaphore(%arg12 : memref<!tpu.dma_semaphore, #tpu.memory_space<semaphore_mem>>) src(%dma_wait3A_2013 : memref<80x128xf32, #tpu.memory_space<vmem>>) dst(%dma_wait3A_2009 : memref<80x128xf32, #tpu.memory_space<hbm>>)
      %add3A_2014 = arith.constant 2 : i32
      %add3A_2015 = arith.addi %add3A_1983, %add3A_2014 : i32
      %dma_start3A_2016 = arith.constant 0 : i32
      %dma_start3A_2017 = arith.constant 0 : i32
      %dma_start3A_2018 = arith.constant 0 : i32
      %dma_start3A_2019 = tpu.memref_slice %arg7[%dma_start3A_2016, %dma_start3A_2017, %dma_start3A_2018] : memref<4x80x128xf32, #tpu.memory_space<vmem>> -> memref<1x80x128xf32, #tpu.memory_space<vmem>>
      %dma_start3A_2020 = tpu.memref_squeeze %dma_start3A_2019 : memref<1x80x128xf32, #tpu.memory_space<vmem>> -> memref<80x128xf32, #tpu.memory_space<vmem>>
      %dma_start3A_2021 = arith.constant 0 : i32
      %dma_start3A_2022 = tpu.memref_slice %arg6[%add3A_2015, %dma_start3A_2021] : memref<80x80xi32, #tpu.memory_space<vmem>> -> memref<1x80xi32, #tpu.memory_space<vmem>>
      %dma_start3A_2023 = tpu.memref_squeeze %dma_start3A_2022 : memref<1x80xi32, #tpu.memory_space<vmem>> -> memref<80xi32, #tpu.memory_space<vmem>>
      %dma_start3A_2024 = arith.constant 0 : i32
      %dma_start3A_2025 = arith.constant 0 : i32
      %dma_start3A_2026 = tpu.memref_slice %arg5[%dma_start3A_2024, %dma_start3A_2025] : memref<9088x128xf32, #tpu.memory_space<vmem_shared>> -> memref<9088x128xf32, #tpu.memory_space<vmem_shared>>
      tpu.enqueue_indirect_dma source(%dma_start3A_2026 : memref<9088x128xf32, #tpu.memory_space<vmem_shared>>) target(%dma_start3A_2020 : memref<80x128xf32, #tpu.memory_space<vmem>>) offsets(%dma_start3A_2023 : memref<80xi32, #tpu.memory_space<vmem>>) semaphore(%arg8 : memref<!tpu.dma_semaphore, #tpu.memory_space<semaphore_mem>>)
      %add3A_2027 = arith.constant 80 : i32
      %add3A_2028 = arith.addi %add3A_2027, %add3A_1983 : i32
      %mul3A_2029 = arith.constant 80 : i32
      %mul3A_2030 = arith.muli %add3A_2028, %mul3A_2029 : i32
      %add3A_2031 = arith.addi %mul3A_2, %mul3A_2030 : i32
      %dma_start3A_2032 = arith.constant 2 : i32
      %dma_start3A_2033 = arith.constant 0 : i32
      %dma_start3A_2034 = arith.constant 0 : i32
      %dma_start3A_2035 = tpu.memref_slice %arg7[%dma_start3A_2032, %dma_start3A_2033, %dma_start3A_2034] : memref<4x80x128xf32, #tpu.memory_space<vmem>> -> memref<1x80x128xf32, #tpu.memory_space<vmem>>
      %dma_start3A_2036 = tpu.memref_squeeze %dma_start3A_2035 : memref<1x80x128xf32, #tpu.memory_space<vmem>> -> memref<80x128xf32, #tpu.memory_space<vmem>>
      %dma_start3A_2037 = arith.constant 0 : i32
      %dma_start3A_2038 = tpu.memref_slice %arg4[%add3A_2031, %dma_start3A_2037] : memref<819200x128xf32, #tpu.memory_space<hbm>> -> memref<80x128xf32, #tpu.memory_space<hbm>>
      %dma_start3A_2039 = arith.constant 0 : i32
      %dma_start3A_2040 = tpu.memref_slice %arg4[%add3A_2031, %dma_start3A_2039] : memref<819200x128xf32, #tpu.memory_space<hbm>> -> memref<80x128xf32, #tpu.memory_space<hbm>>
      %dma_start3A_2041 = arith.constant 0 : i32
      %dma_start3A_2042 = arith.constant 0 : i32
      %dma_start3A_2043 = tpu.memref_slice %arg7[%dma_start3A_2032, %dma_start3A_2041, %dma_start3A_2042] : memref<4x80x128xf32, #tpu.memory_space<vmem>> -> memref<1x80x128xf32, #tpu.memory_space<vmem>>
      %dma_start3A_2044 = tpu.memref_squeeze %dma_start3A_2043 : memref<1x80x128xf32, #tpu.memory_space<vmem>> -> memref<80x128xf32, #tpu.memory_space<vmem>>
      tpu.enqueue_dma source(%dma_start3A_2044 : memref<80x128xf32, #tpu.memory_space<vmem>>) target(%dma_start3A_2040 : memref<80x128xf32, #tpu.memory_space<hbm>>) target_semaphore(%arg14 : memref<!tpu.dma_semaphore, #tpu.memory_space<semaphore_mem>>)
      %add3A_2045 = arith.constant 3 : i32
      %add3A_2046 = arith.addi %add3A_1855, %add3A_2045 : i32
      %dma_wait3A_2047 = arith.constant 3 : i32
      %dma_wait3A_2048 = arith.constant 0 : i32
      %dma_wait3A_2049 = arith.constant 0 : i32
      %dma_wait3A_2050 = tpu.memref_slice %arg7[%dma_wait3A_2047, %dma_wait3A_2048, %dma_wait3A_2049] : memref<4x80x128xf32, #tpu.memory_space<vmem>> -> memref<1x80x128xf32, #tpu.memory_space<vmem>>
      %dma_wait3A_2051 = tpu.memref_squeeze %dma_wait3A_2050 : memref<1x80x128xf32, #tpu.memory_space<vmem>> -> memref<80x128xf32, #tpu.memory_space<vmem>>
      %dma_wait3A_2052 = arith.constant 0 : i32
      %dma_wait3A_2053 = arith.constant 0 : i32
      %dma_wait3A_2054 = tpu.memref_slice %arg2[%dma_wait3A_2052, %dma_wait3A_2053] : memref<9088x128xf32, #tpu.memory_space<hbm>> -> memref<80x128xf32, #tpu.memory_space<hbm>>
      %dma_wait3A_2055 = arith.constant 0 : i32
      %dma_wait3A_2056 = arith.constant 0 : i32
      %dma_wait3A_2057 = tpu.memref_slice %arg7[%dma_wait3A_2047, %dma_wait3A_2055, %dma_wait3A_2056] : memref<4x80x128xf32, #tpu.memory_space<vmem>> -> memref<1x80x128xf32, #tpu.memory_space<vmem>>
      %dma_wait3A_2058 = tpu.memref_squeeze %dma_wait3A_2057 : memref<1x80x128xf32, #tpu.memory_space<vmem>> -> memref<80x128xf32, #tpu.memory_space<vmem>>
      %dma_wait3A_2059 = arith.constant 0 : i32
      %dma_wait3A_2060 = arith.constant 0 : i32
      %dma_wait3A_2061 = tpu.memref_slice %arg2[%dma_wait3A_2059, %dma_wait3A_2060] : memref<9088x128xf32, #tpu.memory_space<hbm>> -> memref<80x128xf32, #tpu.memory_space<hbm>>
      tpu.wait_dma2 semaphore(%arg11 : memref<!tpu.dma_semaphore, #tpu.memory_space<semaphore_mem>>) src(%dma_wait3A_2061 : memref<80x128xf32, #tpu.memory_space<hbm>>) dst(%dma_wait3A_2058 : memref<80x128xf32, #tpu.memory_space<vmem>>)
      %dma_wait3A_2062 = arith.constant 1 : i32
      %dma_wait3A_2063 = arith.constant 0 : i32
      %dma_wait3A_2064 = arith.constant 0 : i32
      %dma_wait3A_2065 = tpu.memref_slice %arg7[%dma_wait3A_2062, %dma_wait3A_2063, %dma_wait3A_2064] : memref<4x80x128xf32, #tpu.memory_space<vmem>> -> memref<1x80x128xf32, #tpu.memory_space<vmem>>
      %dma_wait3A_2066 = tpu.memref_squeeze %dma_wait3A_2065 : memref<1x80x128xf32, #tpu.memory_space<vmem>> -> memref<80x128xf32, #tpu.memory_space<vmem>>
      %dma_wait3A_2067 = arith.constant 0 : i32
      %dma_wait3A_2068 = arith.constant 0 : i32
      %dma_wait3A_2069 = tpu.memref_slice %arg4[%dma_wait3A_2067, %dma_wait3A_2068] : memref<819200x128xf32, #tpu.memory_space<hbm>> -> memref<80x128xf32, #tpu.memory_space<hbm>>
      %dma_wait3A_2070 = arith.constant 0 : i32
      %dma_wait3A_2071 = arith.constant 0 : i32
      %dma_wait3A_2072 = tpu.memref_slice %arg4[%dma_wait3A_2070, %dma_wait3A_2071] : memref<819200x128xf32, #tpu.memory_space<hbm>> -> memref<80x128xf32, #tpu.memory_space<hbm>>
      %dma_wait3A_2073 = arith.constant 0 : i32
      %dma_wait3A_2074 = arith.constant 0 : i32
      %dma_wait3A_2075 = tpu.memref_slice %arg7[%dma_wait3A_2062, %dma_wait3A_2073, %dma_wait3A_2074] : memref<4x80x128xf32, #tpu.memory_space<vmem>> -> memref<1x80x128xf32, #tpu.memory_space<vmem>>
      %dma_wait3A_2076 = tpu.memref_squeeze %dma_wait3A_2075 : memref<1x80x128xf32, #tpu.memory_space<vmem>> -> memref<80x128xf32, #tpu.memory_space<vmem>>
      tpu.wait_dma2 semaphore(%arg13 : memref<!tpu.dma_semaphore, #tpu.memory_space<semaphore_mem>>) src(%dma_wait3A_2076 : memref<80x128xf32, #tpu.memory_space<vmem>>) dst(%dma_wait3A_2072 : memref<80x128xf32, #tpu.memory_space<hbm>>)
      %add3A_2077 = arith.constant 2 : i32
      %add3A_2078 = arith.addi %add3A_2046, %add3A_2077 : i32
      %dma_start3A_2079 = arith.constant 1 : i32
      %dma_start3A_2080 = arith.constant 0 : i32
      %dma_start3A_2081 = arith.constant 0 : i32
      %dma_start3A_2082 = tpu.memref_slice %arg7[%dma_start3A_2079, %dma_start3A_2080, %dma_start3A_2081] : memref<4x80x128xf32, #tpu.memory_space<vmem>> -> memref<1x80x128xf32, #tpu.memory_space<vmem>>
      %dma_start3A_2083 = tpu.memref_squeeze %dma_start3A_2082 : memref<1x80x128xf32, #tpu.memory_space<vmem>> -> memref<80x128xf32, #tpu.memory_space<vmem>>
      %dma_start3A_2084 = arith.constant 0 : i32
      %dma_start3A_2085 = tpu.memref_slice %arg6[%add3A_2078, %dma_start3A_2084] : memref<80x80xi32, #tpu.memory_space<vmem>> -> memref<1x80xi32, #tpu.memory_space<vmem>>
      %dma_start3A_2086 = tpu.memref_squeeze %dma_start3A_2085 : memref<1x80xi32, #tpu.memory_space<vmem>> -> memref<80xi32, #tpu.memory_space<vmem>>
      %dma_start3A_2087 = arith.constant 0 : i32
      %dma_start3A_2088 = arith.constant 0 : i32
      %dma_start3A_2089 = tpu.memref_slice %arg5[%dma_start3A_2087, %dma_start3A_2088] : memref<9088x128xf32, #tpu.memory_space<vmem_shared>> -> memref<9088x128xf32, #tpu.memory_space<vmem_shared>>
      tpu.enqueue_indirect_dma source(%dma_start3A_2089 : memref<9088x128xf32, #tpu.memory_space<vmem_shared>>) target(%dma_start3A_2083 : memref<80x128xf32, #tpu.memory_space<vmem>>) offsets(%dma_start3A_2086 : memref<80xi32, #tpu.memory_space<vmem>>) semaphore(%arg9 : memref<!tpu.dma_semaphore, #tpu.memory_space<semaphore_mem>>)
      %add3A_2090 = arith.constant 80 : i32
      %add3A_2091 = arith.addi %add3A_2090, %add3A_2046 : i32
      %mul3A_2092 = arith.constant 80 : i32
      %mul3A_2093 = arith.muli %add3A_2091, %mul3A_2092 : i32
      %add3A_2094 = arith.addi %mul3A_2, %mul3A_2093 : i32
      %dma_start3A_2095 = arith.constant 3 : i32
      %dma_start3A_2096 = arith.constant 0 : i32
      %dma_start3A_2097 = arith.constant 0 : i32
      %dma_start3A_2098 = tpu.memref_slice %arg7[%dma_start3A_2095, %dma_start3A_2096, %dma_start3A_2097] : memref<4x80x128xf32, #tpu.memory_space<vmem>> -> memref<1x80x128xf32, #tpu.memory_space<vmem>>
      %dma_start3A_2099 = tpu.memref_squeeze %dma_start3A_2098 : memref<1x80x128xf32, #tpu.memory_space<vmem>> -> memref<80x128xf32, #tpu.memory_space<vmem>>
      %dma_start3A_2100 = arith.constant 0 : i32
      %dma_start3A_2101 = tpu.memref_slice %arg4[%add3A_2094, %dma_start3A_2100] : memref<819200x128xf32, #tpu.memory_space<hbm>> -> memref<80x128xf32, #tpu.memory_space<hbm>>
      %dma_start3A_2102 = arith.constant 0 : i32
      %dma_start3A_2103 = tpu.memref_slice %arg4[%add3A_2094, %dma_start3A_2102] : memref<819200x128xf32, #tpu.memory_space<hbm>> -> memref<80x128xf32, #tpu.memory_space<hbm>>
      %dma_start3A_2104 = arith.constant 0 : i32
      %dma_start3A_2105 = arith.constant 0 : i32
      %dma_start3A_2106 = tpu.memref_slice %arg7[%dma_start3A_2095, %dma_start3A_2104, %dma_start3A_2105] : memref<4x80x128xf32, #tpu.memory_space<vmem>> -> memref<1x80x128xf32, #tpu.memory_space<vmem>>
      %dma_start3A_2107 = tpu.memref_squeeze %dma_start3A_2106 : memref<1x80x128xf32, #tpu.memory_space<vmem>> -> memref<80x128xf32, #tpu.memory_space<vmem>>
      tpu.enqueue_dma source(%dma_start3A_2107 : memref<80x128xf32, #tpu.memory_space<vmem>>) target(%dma_start3A_2103 : memref<80x128xf32, #tpu.memory_space<hbm>>) target_semaphore(%arg15 : memref<!tpu.dma_semaphore, #tpu.memory_space<semaphore_mem>>)
    }
    %scan3A_692 = arith.constant 18 : i32
    %dma_wait3A_693 = arith.constant 0 : i32
    %dma_wait3A_694 = arith.constant 0 : i32
    %dma_wait3A_695 = arith.constant 0 : i32
    %dma_wait3A_696 = tpu.memref_slice %arg7[%dma_wait3A_693, %dma_wait3A_694, %dma_wait3A_695] : memref<4x80x128xf32, #tpu.memory_space<vmem>> -> memref<1x80x128xf32, #tpu.memory_space<vmem>>
    %dma_wait3A_697 = tpu.memref_squeeze %dma_wait3A_696 : memref<1x80x128xf32, #tpu.memory_space<vmem>> -> memref<80x128xf32, #tpu.memory_space<vmem>>
    %dma_wait3A_698 = arith.constant 0 : i32
    %dma_wait3A_699 = arith.constant 0 : i32
    %dma_wait3A_700 = tpu.memref_slice %arg2[%dma_wait3A_698, %dma_wait3A_699] : memref<9088x128xf32, #tpu.memory_space<hbm>> -> memref<80x128xf32, #tpu.memory_space<hbm>>
    %dma_wait3A_701 = arith.constant 0 : i32
    %dma_wait3A_702 = arith.constant 0 : i32
    %dma_wait3A_703 = tpu.memref_slice %arg7[%dma_wait3A_693, %dma_wait3A_701, %dma_wait3A_702] : memref<4x80x128xf32, #tpu.memory_space<vmem>> -> memref<1x80x128xf32, #tpu.memory_space<vmem>>
    %dma_wait3A_704 = tpu.memref_squeeze %dma_wait3A_703 : memref<1x80x128xf32, #tpu.memory_space<vmem>> -> memref<80x128xf32, #tpu.memory_space<vmem>>
    %dma_wait3A_705 = arith.constant 0 : i32
    %dma_wait3A_706 = arith.constant 0 : i32
    %dma_wait3A_707 = tpu.memref_slice %arg2[%dma_wait3A_705, %dma_wait3A_706] : memref<9088x128xf32, #tpu.memory_space<hbm>> -> memref<80x128xf32, #tpu.memory_space<hbm>>
    tpu.wait_dma2 semaphore(%arg8 : memref<!tpu.dma_semaphore, #tpu.memory_space<semaphore_mem>>) src(%dma_wait3A_707 : memref<80x128xf32, #tpu.memory_space<hbm>>) dst(%dma_wait3A_704 : memref<80x128xf32, #tpu.memory_space<vmem>>)
    %add3A_708 = arith.constant 12480 : i32
    %add3A_709 = arith.addi %mul3A_2, %add3A_708 : i32
    %dma_start3A_710 = arith.constant 0 : i32
    %dma_start3A_711 = arith.constant 0 : i32
    %dma_start3A_712 = arith.constant 0 : i32
    %dma_start3A_713 = tpu.memref_slice %arg7[%dma_start3A_710, %dma_start3A_711, %dma_start3A_712] : memref<4x80x128xf32, #tpu.memory_space<vmem>> -> memref<1x80x128xf32, #tpu.memory_space<vmem>>
    %dma_start3A_714 = tpu.memref_squeeze %dma_start3A_713 : memref<1x80x128xf32, #tpu.memory_space<vmem>> -> memref<80x128xf32, #tpu.memory_space<vmem>>
    %dma_start3A_715 = arith.constant 0 : i32
    %dma_start3A_716 = tpu.memref_slice %arg4[%add3A_709, %dma_start3A_715] : memref<819200x128xf32, #tpu.memory_space<hbm>> -> memref<80x128xf32, #tpu.memory_space<hbm>>
    %dma_start3A_717 = arith.constant 0 : i32
    %dma_start3A_718 = tpu.memref_slice %arg4[%add3A_709, %dma_start3A_717] : memref<819200x128xf32, #tpu.memory_space<hbm>> -> memref<80x128xf32, #tpu.memory_space<hbm>>
    %dma_start3A_719 = arith.constant 0 : i32
    %dma_start3A_720 = arith.constant 0 : i32
    %dma_start3A_721 = tpu.memref_slice %arg7[%dma_start3A_710, %dma_start3A_719, %dma_start3A_720] : memref<4x80x128xf32, #tpu.memory_space<vmem>> -> memref<1x80x128xf32, #tpu.memory_space<vmem>>
    %dma_start3A_722 = tpu.memref_squeeze %dma_start3A_721 : memref<1x80x128xf32, #tpu.memory_space<vmem>> -> memref<80x128xf32, #tpu.memory_space<vmem>>
    tpu.enqueue_dma source(%dma_start3A_722 : memref<80x128xf32, #tpu.memory_space<vmem>>) target(%dma_start3A_718 : memref<80x128xf32, #tpu.memory_space<hbm>>) target_semaphore(%arg12 : memref<!tpu.dma_semaphore, #tpu.memory_space<semaphore_mem>>)
    %dma_wait3A_723 = arith.constant 2 : i32
    %dma_wait3A_724 = arith.constant 0 : i32
    %dma_wait3A_725 = arith.constant 0 : i32
    %dma_wait3A_726 = tpu.memref_slice %arg7[%dma_wait3A_723, %dma_wait3A_724, %dma_wait3A_725] : memref<4x80x128xf32, #tpu.memory_space<vmem>> -> memref<1x80x128xf32, #tpu.memory_space<vmem>>
    %dma_wait3A_727 = tpu.memref_squeeze %dma_wait3A_726 : memref<1x80x128xf32, #tpu.memory_space<vmem>> -> memref<80x128xf32, #tpu.memory_space<vmem>>
    %dma_wait3A_728 = arith.constant 0 : i32
    %dma_wait3A_729 = arith.constant 0 : i32
    %dma_wait3A_730 = tpu.memref_slice %arg4[%dma_wait3A_728, %dma_wait3A_729] : memref<819200x128xf32, #tpu.memory_space<hbm>> -> memref<80x128xf32, #tpu.memory_space<hbm>>
    %dma_wait3A_731 = arith.constant 0 : i32
    %dma_wait3A_732 = arith.constant 0 : i32
    %dma_wait3A_733 = tpu.memref_slice %arg4[%dma_wait3A_731, %dma_wait3A_732] : memref<819200x128xf32, #tpu.memory_space<hbm>> -> memref<80x128xf32, #tpu.memory_space<hbm>>
    %dma_wait3A_734 = arith.constant 0 : i32
    %dma_wait3A_735 = arith.constant 0 : i32
    %dma_wait3A_736 = tpu.memref_slice %arg7[%dma_wait3A_723, %dma_wait3A_734, %dma_wait3A_735] : memref<4x80x128xf32, #tpu.memory_space<vmem>> -> memref<1x80x128xf32, #tpu.memory_space<vmem>>
    %dma_wait3A_737 = tpu.memref_squeeze %dma_wait3A_736 : memref<1x80x128xf32, #tpu.memory_space<vmem>> -> memref<80x128xf32, #tpu.memory_space<vmem>>
    tpu.wait_dma2 semaphore(%arg14 : memref<!tpu.dma_semaphore, #tpu.memory_space<semaphore_mem>>) src(%dma_wait3A_737 : memref<80x128xf32, #tpu.memory_space<vmem>>) dst(%dma_wait3A_733 : memref<80x128xf32, #tpu.memory_space<hbm>>)
    %dma_start3A_738 = arith.constant 78 : i32
    %dma_start3A_739 = arith.constant 2 : i32
    %dma_start3A_740 = arith.constant 0 : i32
    %dma_start3A_741 = arith.constant 0 : i32
    %dma_start3A_742 = tpu.memref_slice %arg7[%dma_start3A_739, %dma_start3A_740, %dma_start3A_741] : memref<4x80x128xf32, #tpu.memory_space<vmem>> -> memref<1x80x128xf32, #tpu.memory_space<vmem>>
    %dma_start3A_743 = tpu.memref_squeeze %dma_start3A_742 : memref<1x80x128xf32, #tpu.memory_space<vmem>> -> memref<80x128xf32, #tpu.memory_space<vmem>>
    %dma_start3A_744 = arith.constant 0 : i32
    %dma_start3A_745 = tpu.memref_slice %arg6[%dma_start3A_738, %dma_start3A_744] : memref<80x80xi32, #tpu.memory_space<vmem>> -> memref<1x80xi32, #tpu.memory_space<vmem>>
    %dma_start3A_746 = tpu.memref_squeeze %dma_start3A_745 : memref<1x80xi32, #tpu.memory_space<vmem>> -> memref<80xi32, #tpu.memory_space<vmem>>
    %dma_start3A_747 = arith.constant 0 : i32
    %dma_start3A_748 = arith.constant 0 : i32
    %dma_start3A_749 = tpu.memref_slice %arg5[%dma_start3A_747, %dma_start3A_748] : memref<9088x128xf32, #tpu.memory_space<vmem_shared>> -> memref<9088x128xf32, #tpu.memory_space<vmem_shared>>
    tpu.enqueue_indirect_dma source(%dma_start3A_749 : memref<9088x128xf32, #tpu.memory_space<vmem_shared>>) target(%dma_start3A_743 : memref<80x128xf32, #tpu.memory_space<vmem>>) offsets(%dma_start3A_746 : memref<80xi32, #tpu.memory_space<vmem>>) semaphore(%arg10 : memref<!tpu.dma_semaphore, #tpu.memory_space<semaphore_mem>>)
    %dma_wait3A_750 = arith.constant 1 : i32
    %dma_wait3A_751 = arith.constant 0 : i32
    %dma_wait3A_752 = arith.constant 0 : i32
    %dma_wait3A_753 = tpu.memref_slice %arg7[%dma_wait3A_750, %dma_wait3A_751, %dma_wait3A_752] : memref<4x80x128xf32, #tpu.memory_space<vmem>> -> memref<1x80x128xf32, #tpu.memory_space<vmem>>
    %dma_wait3A_754 = tpu.memref_squeeze %dma_wait3A_753 : memref<1x80x128xf32, #tpu.memory_space<vmem>> -> memref<80x128xf32, #tpu.memory_space<vmem>>
    %dma_wait3A_755 = arith.constant 0 : i32
    %dma_wait3A_756 = arith.constant 0 : i32
    %dma_wait3A_757 = tpu.memref_slice %arg2[%dma_wait3A_755, %dma_wait3A_756] : memref<9088x128xf32, #tpu.memory_space<hbm>> -> memref<80x128xf32, #tpu.memory_space<hbm>>
    %dma_wait3A_758 = arith.constant 0 : i32
    %dma_wait3A_759 = arith.constant 0 : i32
    %dma_wait3A_760 = tpu.memref_slice %arg7[%dma_wait3A_750, %dma_wait3A_758, %dma_wait3A_759] : memref<4x80x128xf32, #tpu.memory_space<vmem>> -> memref<1x80x128xf32, #tpu.memory_space<vmem>>
    %dma_wait3A_761 = tpu.memref_squeeze %dma_wait3A_760 : memref<1x80x128xf32, #tpu.memory_space<vmem>> -> memref<80x128xf32, #tpu.memory_space<vmem>>
    %dma_wait3A_762 = arith.constant 0 : i32
    %dma_wait3A_763 = arith.constant 0 : i32
    %dma_wait3A_764 = tpu.memref_slice %arg2[%dma_wait3A_762, %dma_wait3A_763] : memref<9088x128xf32, #tpu.memory_space<hbm>> -> memref<80x128xf32, #tpu.memory_space<hbm>>
    tpu.wait_dma2 semaphore(%arg9 : memref<!tpu.dma_semaphore, #tpu.memory_space<semaphore_mem>>) src(%dma_wait3A_764 : memref<80x128xf32, #tpu.memory_space<hbm>>) dst(%dma_wait3A_761 : memref<80x128xf32, #tpu.memory_space<vmem>>)
    %add3A_765 = arith.constant 12560 : i32
    %add3A_766 = arith.addi %mul3A_2, %add3A_765 : i32
    %dma_start3A_767 = arith.constant 1 : i32
    %dma_start3A_768 = arith.constant 0 : i32
    %dma_start3A_769 = arith.constant 0 : i32
    %dma_start3A_770 = tpu.memref_slice %arg7[%dma_start3A_767, %dma_start3A_768, %dma_start3A_769] : memref<4x80x128xf32, #tpu.memory_space<vmem>> -> memref<1x80x128xf32, #tpu.memory_space<vmem>>
    %dma_start3A_771 = tpu.memref_squeeze %dma_start3A_770 : memref<1x80x128xf32, #tpu.memory_space<vmem>> -> memref<80x128xf32, #tpu.memory_space<vmem>>
    %dma_start3A_772 = arith.constant 0 : i32
    %dma_start3A_773 = tpu.memref_slice %arg4[%add3A_766, %dma_start3A_772] : memref<819200x128xf32, #tpu.memory_space<hbm>> -> memref<80x128xf32, #tpu.memory_space<hbm>>
    %dma_start3A_774 = arith.constant 0 : i32
    %dma_start3A_775 = tpu.memref_slice %arg4[%add3A_766, %dma_start3A_774] : memref<819200x128xf32, #tpu.memory_space<hbm>> -> memref<80x128xf32, #tpu.memory_space<hbm>>
    %dma_start3A_776 = arith.constant 0 : i32
    %dma_start3A_777 = arith.constant 0 : i32
    %dma_start3A_778 = tpu.memref_slice %arg7[%dma_start3A_767, %dma_start3A_776, %dma_start3A_777] : memref<4x80x128xf32, #tpu.memory_space<vmem>> -> memref<1x80x128xf32, #tpu.memory_space<vmem>>
    %dma_start3A_779 = tpu.memref_squeeze %dma_start3A_778 : memref<1x80x128xf32, #tpu.memory_space<vmem>> -> memref<80x128xf32, #tpu.memory_space<vmem>>
    tpu.enqueue_dma source(%dma_start3A_779 : memref<80x128xf32, #tpu.memory_space<vmem>>) target(%dma_start3A_775 : memref<80x128xf32, #tpu.memory_space<hbm>>) target_semaphore(%arg13 : memref<!tpu.dma_semaphore, #tpu.memory_space<semaphore_mem>>)
    %dma_wait3A_780 = arith.constant 3 : i32
    %dma_wait3A_781 = arith.constant 0 : i32
    %dma_wait3A_782 = arith.constant 0 : i32
    %dma_wait3A_783 = tpu.memref_slice %arg7[%dma_wait3A_780, %dma_wait3A_781, %dma_wait3A_782] : memref<4x80x128xf32, #tpu.memory_space<vmem>> -> memref<1x80x128xf32, #tpu.memory_space<vmem>>
    %dma_wait3A_784 = tpu.memref_squeeze %dma_wait3A_783 : memref<1x80x128xf32, #tpu.memory_space<vmem>> -> memref<80x128xf32, #tpu.memory_space<vmem>>
    %dma_wait3A_785 = arith.constant 0 : i32
    %dma_wait3A_786 = arith.constant 0 : i32
    %dma_wait3A_787 = tpu.memref_slice %arg4[%dma_wait3A_785, %dma_wait3A_786] : memref<819200x128xf32, #tpu.memory_space<hbm>> -> memref<80x128xf32, #tpu.memory_space<hbm>>
    %dma_wait3A_788 = arith.constant 0 : i32
    %dma_wait3A_789 = arith.constant 0 : i32
    %dma_wait3A_790 = tpu.memref_slice %arg4[%dma_wait3A_788, %dma_wait3A_789] : memref<819200x128xf32, #tpu.memory_space<hbm>> -> memref<80x128xf32, #tpu.memory_space<hbm>>
    %dma_wait3A_791 = arith.constant 0 : i32
    %dma_wait3A_792 = arith.constant 0 : i32
    %dma_wait3A_793 = tpu.memref_slice %arg7[%dma_wait3A_780, %dma_wait3A_791, %dma_wait3A_792] : memref<4x80x128xf32, #tpu.memory_space<vmem>> -> memref<1x80x128xf32, #tpu.memory_space<vmem>>
    %dma_wait3A_794 = tpu.memref_squeeze %dma_wait3A_793 : memref<1x80x128xf32, #tpu.memory_space<vmem>> -> memref<80x128xf32, #tpu.memory_space<vmem>>
    tpu.wait_dma2 semaphore(%arg15 : memref<!tpu.dma_semaphore, #tpu.memory_space<semaphore_mem>>) src(%dma_wait3A_794 : memref<80x128xf32, #tpu.memory_space<vmem>>) dst(%dma_wait3A_790 : memref<80x128xf32, #tpu.memory_space<hbm>>)
    %dma_start3A_795 = arith.constant 79 : i32
    %dma_start3A_796 = arith.constant 3 : i32
    %dma_start3A_797 = arith.constant 0 : i32
    %dma_start3A_798 = arith.constant 0 : i32
    %dma_start3A_799 = tpu.memref_slice %arg7[%dma_start3A_796, %dma_start3A_797, %dma_start3A_798] : memref<4x80x128xf32, #tpu.memory_space<vmem>> -> memref<1x80x128xf32, #tpu.memory_space<vmem>>
    %dma_start3A_800 = tpu.memref_squeeze %dma_start3A_799 : memref<1x80x128xf32, #tpu.memory_space<vmem>> -> memref<80x128xf32, #tpu.memory_space<vmem>>
    %dma_start3A_801 = arith.constant 0 : i32
    %dma_start3A_802 = tpu.memref_slice %arg6[%dma_start3A_795, %dma_start3A_801] : memref<80x80xi32, #tpu.memory_space<vmem>> -> memref<1x80xi32, #tpu.memory_space<vmem>>
    %dma_start3A_803 = tpu.memref_squeeze %dma_start3A_802 : memref<1x80xi32, #tpu.memory_space<vmem>> -> memref<80xi32, #tpu.memory_space<vmem>>
    %dma_start3A_804 = arith.constant 0 : i32
    %dma_start3A_805 = arith.constant 0 : i32
    %dma_start3A_806 = tpu.memref_slice %arg5[%dma_start3A_804, %dma_start3A_805] : memref<9088x128xf32, #tpu.memory_space<vmem_shared>> -> memref<9088x128xf32, #tpu.memory_space<vmem_shared>>
    tpu.enqueue_indirect_dma source(%dma_start3A_806 : memref<9088x128xf32, #tpu.memory_space<vmem_shared>>) target(%dma_start3A_800 : memref<80x128xf32, #tpu.memory_space<vmem>>) offsets(%dma_start3A_803 : memref<80xi32, #tpu.memory_space<vmem>>) semaphore(%arg11 : memref<!tpu.dma_semaphore, #tpu.memory_space<semaphore_mem>>)
    %dma_wait3A_807 = arith.constant 2 : i32
    %dma_wait3A_808 = arith.constant 0 : i32
    %dma_wait3A_809 = arith.constant 0 : i32
    %dma_wait3A_810 = tpu.memref_slice %arg7[%dma_wait3A_807, %dma_wait3A_808, %dma_wait3A_809] : memref<4x80x128xf32, #tpu.memory_space<vmem>> -> memref<1x80x128xf32, #tpu.memory_space<vmem>>
    %dma_wait3A_811 = tpu.memref_squeeze %dma_wait3A_810 : memref<1x80x128xf32, #tpu.memory_space<vmem>> -> memref<80x128xf32, #tpu.memory_space<vmem>>
    %dma_wait3A_812 = arith.constant 0 : i32
    %dma_wait3A_813 = arith.constant 0 : i32
    %dma_wait3A_814 = tpu.memref_slice %arg2[%dma_wait3A_812, %dma_wait3A_813] : memref<9088x128xf32, #tpu.memory_space<hbm>> -> memref<80x128xf32, #tpu.memory_space<hbm>>
    %dma_wait3A_815 = arith.constant 0 : i32
    %dma_wait3A_816 = arith.constant 0 : i32
    %dma_wait3A_817 = tpu.memref_slice %arg7[%dma_wait3A_807, %dma_wait3A_815, %dma_wait3A_816] : memref<4x80x128xf32, #tpu.memory_space<vmem>> -> memref<1x80x128xf32, #tpu.memory_space<vmem>>
    %dma_wait3A_818 = tpu.memref_squeeze %dma_wait3A_817 : memref<1x80x128xf32, #tpu.memory_space<vmem>> -> memref<80x128xf32, #tpu.memory_space<vmem>>
    %dma_wait3A_819 = arith.constant 0 : i32
    %dma_wait3A_820 = arith.constant 0 : i32
    %dma_wait3A_821 = tpu.memref_slice %arg2[%dma_wait3A_819, %dma_wait3A_820] : memref<9088x128xf32, #tpu.memory_space<hbm>> -> memref<80x128xf32, #tpu.memory_space<hbm>>
    tpu.wait_dma2 semaphore(%arg10 : memref<!tpu.dma_semaphore, #tpu.memory_space<semaphore_mem>>) src(%dma_wait3A_821 : memref<80x128xf32, #tpu.memory_space<hbm>>) dst(%dma_wait3A_818 : memref<80x128xf32, #tpu.memory_space<vmem>>)
    %add3A_822 = arith.constant 12640 : i32
    %add3A_823 = arith.addi %mul3A_2, %add3A_822 : i32
    %dma_start3A_824 = arith.constant 2 : i32
    %dma_start3A_825 = arith.constant 0 : i32
    %dma_start3A_826 = arith.constant 0 : i32
    %dma_start3A_827 = tpu.memref_slice %arg7[%dma_start3A_824, %dma_start3A_825, %dma_start3A_826] : memref<4x80x128xf32, #tpu.memory_space<vmem>> -> memref<1x80x128xf32, #tpu.memory_space<vmem>>
    %dma_start3A_828 = tpu.memref_squeeze %dma_start3A_827 : memref<1x80x128xf32, #tpu.memory_space<vmem>> -> memref<80x128xf32, #tpu.memory_space<vmem>>
    %dma_start3A_829 = arith.constant 0 : i32
    %dma_start3A_830 = tpu.memref_slice %arg4[%add3A_823, %dma_start3A_829] : memref<819200x128xf32, #tpu.memory_space<hbm>> -> memref<80x128xf32, #tpu.memory_space<hbm>>
    %dma_start3A_831 = arith.constant 0 : i32
    %dma_start3A_832 = tpu.memref_slice %arg4[%add3A_823, %dma_start3A_831] : memref<819200x128xf32, #tpu.memory_space<hbm>> -> memref<80x128xf32, #tpu.memory_space<hbm>>
    %dma_start3A_833 = arith.constant 0 : i32
    %dma_start3A_834 = arith.constant 0 : i32
    %dma_start3A_835 = tpu.memref_slice %arg7[%dma_start3A_824, %dma_start3A_833, %dma_start3A_834] : memref<4x80x128xf32, #tpu.memory_space<vmem>> -> memref<1x80x128xf32, #tpu.memory_space<vmem>>
    %dma_start3A_836 = tpu.memref_squeeze %dma_start3A_835 : memref<1x80x128xf32, #tpu.memory_space<vmem>> -> memref<80x128xf32, #tpu.memory_space<vmem>>
    tpu.enqueue_dma source(%dma_start3A_836 : memref<80x128xf32, #tpu.memory_space<vmem>>) target(%dma_start3A_832 : memref<80x128xf32, #tpu.memory_space<hbm>>) target_semaphore(%arg14 : memref<!tpu.dma_semaphore, #tpu.memory_space<semaphore_mem>>)
    %dma_wait3A_837 = arith.constant 3 : i32
    %dma_wait3A_838 = arith.constant 0 : i32
    %dma_wait3A_839 = arith.constant 0 : i32
    %dma_wait3A_840 = tpu.memref_slice %arg7[%dma_wait3A_837, %dma_wait3A_838, %dma_wait3A_839] : memref<4x80x128xf32, #tpu.memory_space<vmem>> -> memref<1x80x128xf32, #tpu.memory_space<vmem>>
    %dma_wait3A_841 = tpu.memref_squeeze %dma_wait3A_840 : memref<1x80x128xf32, #tpu.memory_space<vmem>> -> memref<80x128xf32, #tpu.memory_space<vmem>>
    %dma_wait3A_842 = arith.constant 0 : i32
    %dma_wait3A_843 = arith.constant 0 : i32
    %dma_wait3A_844 = tpu.memref_slice %arg2[%dma_wait3A_842, %dma_wait3A_843] : memref<9088x128xf32, #tpu.memory_space<hbm>> -> memref<80x128xf32, #tpu.memory_space<hbm>>
    %dma_wait3A_845 = arith.constant 0 : i32
    %dma_wait3A_846 = arith.constant 0 : i32
    %dma_wait3A_847 = tpu.memref_slice %arg7[%dma_wait3A_837, %dma_wait3A_845, %dma_wait3A_846] : memref<4x80x128xf32, #tpu.memory_space<vmem>> -> memref<1x80x128xf32, #tpu.memory_space<vmem>>
    %dma_wait3A_848 = tpu.memref_squeeze %dma_wait3A_847 : memref<1x80x128xf32, #tpu.memory_space<vmem>> -> memref<80x128xf32, #tpu.memory_space<vmem>>
    %dma_wait3A_849 = arith.constant 0 : i32
    %dma_wait3A_850 = arith.constant 0 : i32
    %dma_wait3A_851 = tpu.memref_slice %arg2[%dma_wait3A_849, %dma_wait3A_850] : memref<9088x128xf32, #tpu.memory_space<hbm>> -> memref<80x128xf32, #tpu.memory_space<hbm>>
    tpu.wait_dma2 semaphore(%arg11 : memref<!tpu.dma_semaphore, #tpu.memory_space<semaphore_mem>>) src(%dma_wait3A_851 : memref<80x128xf32, #tpu.memory_space<hbm>>) dst(%dma_wait3A_848 : memref<80x128xf32, #tpu.memory_space<vmem>>)
    %add3A_852 = arith.constant 12720 : i32
    %add3A_853 = arith.addi %mul3A_2, %add3A_852 : i32
    %dma_start3A_854 = arith.constant 3 : i32
    %dma_start3A_855 = arith.constant 0 : i32
    %dma_start3A_856 = arith.constant 0 : i32
    %dma_start3A_857 = tpu.memref_slice %arg7[%dma_start3A_854, %dma_start3A_855, %dma_start3A_856] : memref<4x80x128xf32, #tpu.memory_space<vmem>> -> memref<1x80x128xf32, #tpu.memory_space<vmem>>
    %dma_start3A_858 = tpu.memref_squeeze %dma_start3A_857 : memref<1x80x128xf32, #tpu.memory_space<vmem>> -> memref<80x128xf32, #tpu.memory_space<vmem>>
    %dma_start3A_859 = arith.constant 0 : i32
    %dma_start3A_860 = tpu.memref_slice %arg4[%add3A_853, %dma_start3A_859] : memref<819200x128xf32, #tpu.memory_space<hbm>> -> memref<80x128xf32, #tpu.memory_space<hbm>>
    %dma_start3A_861 = arith.constant 0 : i32
    %dma_start3A_862 = tpu.memref_slice %arg4[%add3A_853, %dma_start3A_861] : memref<819200x128xf32, #tpu.memory_space<hbm>> -> memref<80x128xf32, #tpu.memory_space<hbm>>
    %dma_start3A_863 = arith.constant 0 : i32
    %dma_start3A_864 = arith.constant 0 : i32
    %dma_start3A_865 = tpu.memref_slice %arg7[%dma_start3A_854, %dma_start3A_863, %dma_start3A_864] : memref<4x80x128xf32, #tpu.memory_space<vmem>> -> memref<1x80x128xf32, #tpu.memory_space<vmem>>
    %dma_start3A_866 = tpu.memref_squeeze %dma_start3A_865 : memref<1x80x128xf32, #tpu.memory_space<vmem>> -> memref<80x128xf32, #tpu.memory_space<vmem>>
    tpu.enqueue_dma source(%dma_start3A_866 : memref<80x128xf32, #tpu.memory_space<vmem>>) target(%dma_start3A_862 : memref<80x128xf32, #tpu.memory_space<hbm>>) target_semaphore(%arg15 : memref<!tpu.dma_semaphore, #tpu.memory_space<semaphore_mem>>)
    %dma_wait3A_867 = arith.constant 0 : i32
    %dma_wait3A_868 = arith.constant 0 : i32
    %dma_wait3A_869 = arith.constant 0 : i32
    %dma_wait3A_870 = tpu.memref_slice %arg7[%dma_wait3A_867, %dma_wait3A_868, %dma_wait3A_869] : memref<4x80x128xf32, #tpu.memory_space<vmem>> -> memref<1x80x128xf32, #tpu.memory_space<vmem>>
    %dma_wait3A_871 = tpu.memref_squeeze %dma_wait3A_870 : memref<1x80x128xf32, #tpu.memory_space<vmem>> -> memref<80x128xf32, #tpu.memory_space<vmem>>
    %dma_wait3A_872 = arith.constant 0 : i32
    %dma_wait3A_873 = arith.constant 0 : i32
    %dma_wait3A_874 = tpu.memref_slice %arg4[%dma_wait3A_872, %dma_wait3A_873] : memref<819200x128xf32, #tpu.memory_space<hbm>> -> memref<80x128xf32, #tpu.memory_space<hbm>>
    %dma_wait3A_875 = arith.constant 0 : i32
    %dma_wait3A_876 = arith.constant 0 : i32
    %dma_wait3A_877 = tpu.memref_slice %arg4[%dma_wait3A_875, %dma_wait3A_876] : memref<819200x128xf32, #tpu.memory_space<hbm>> -> memref<80x128xf32, #tpu.memory_space<hbm>>
    %dma_wait3A_878 = arith.constant 0 : i32
    %dma_wait3A_879 = arith.constant 0 : i32
    %dma_wait3A_880 = tpu.memref_slice %arg7[%dma_wait3A_867, %dma_wait3A_878, %dma_wait3A_879] : memref<4x80x128xf32, #tpu.memory_space<vmem>> -> memref<1x80x128xf32, #tpu.memory_space<vmem>>
    %dma_wait3A_881 = tpu.memref_squeeze %dma_wait3A_880 : memref<1x80x128xf32, #tpu.memory_space<vmem>> -> memref<80x128xf32, #tpu.memory_space<vmem>>
    tpu.wait_dma2 semaphore(%arg12 : memref<!tpu.dma_semaphore, #tpu.memory_space<semaphore_mem>>) src(%dma_wait3A_881 : memref<80x128xf32, #tpu.memory_space<vmem>>) dst(%dma_wait3A_877 : memref<80x128xf32, #tpu.memory_space<hbm>>)
    %dma_wait3A_882 = arith.constant 1 : i32
    %dma_wait3A_883 = arith.constant 0 : i32
    %dma_wait3A_884 = arith.constant 0 : i32
    %dma_wait3A_885 = tpu.memref_slice %arg7[%dma_wait3A_882, %dma_wait3A_883, %dma_wait3A_884] : memref<4x80x128xf32, #tpu.memory_space<vmem>> -> memref<1x80x128xf32, #tpu.memory_space<vmem>>
    %dma_wait3A_886 = tpu.memref_squeeze %dma_wait3A_885 : memref<1x80x128xf32, #tpu.memory_space<vmem>> -> memref<80x128xf32, #tpu.memory_space<vmem>>
    %dma_wait3A_887 = arith.constant 0 : i32
    %dma_wait3A_888 = arith.constant 0 : i32
    %dma_wait3A_889 = tpu.memref_slice %arg4[%dma_wait3A_887, %dma_wait3A_888] : memref<819200x128xf32, #tpu.memory_space<hbm>> -> memref<80x128xf32, #tpu.memory_space<hbm>>
    %dma_wait3A_890 = arith.constant 0 : i32
    %dma_wait3A_891 = arith.constant 0 : i32
    %dma_wait3A_892 = tpu.memref_slice %arg4[%dma_wait3A_890, %dma_wait3A_891] : memref<819200x128xf32, #tpu.memory_space<hbm>> -> memref<80x128xf32, #tpu.memory_space<hbm>>
    %dma_wait3A_893 = arith.constant 0 : i32
    %dma_wait3A_894 = arith.constant 0 : i32
    %dma_wait3A_895 = tpu.memref_slice %arg7[%dma_wait3A_882, %dma_wait3A_893, %dma_wait3A_894] : memref<4x80x128xf32, #tpu.memory_space<vmem>> -> memref<1x80x128xf32, #tpu.memory_space<vmem>>
    %dma_wait3A_896 = tpu.memref_squeeze %dma_wait3A_895 : memref<1x80x128xf32, #tpu.memory_space<vmem>> -> memref<80x128xf32, #tpu.memory_space<vmem>>
    tpu.wait_dma2 semaphore(%arg13 : memref<!tpu.dma_semaphore, #tpu.memory_space<semaphore_mem>>) src(%dma_wait3A_896 : memref<80x128xf32, #tpu.memory_space<vmem>>) dst(%dma_wait3A_892 : memref<80x128xf32, #tpu.memory_space<hbm>>)
    %dma_wait3A_897 = arith.constant 2 : i32
    %dma_wait3A_898 = arith.constant 0 : i32
    %dma_wait3A_899 = arith.constant 0 : i32
    %dma_wait3A_900 = tpu.memref_slice %arg7[%dma_wait3A_897, %dma_wait3A_898, %dma_wait3A_899] : memref<4x80x128xf32, #tpu.memory_space<vmem>> -> memref<1x80x128xf32, #tpu.memory_space<vmem>>
    %dma_wait3A_901 = tpu.memref_squeeze %dma_wait3A_900 : memref<1x80x128xf32, #tpu.memory_space<vmem>> -> memref<80x128xf32, #tpu.memory_space<vmem>>
    %dma_wait3A_902 = arith.constant 0 : i32
    %dma_wait3A_903 = arith.constant 0 : i32
    %dma_wait3A_904 = tpu.memref_slice %arg4[%dma_wait3A_902, %dma_wait3A_903] : memref<819200x128xf32, #tpu.memory_space<hbm>> -> memref<80x128xf32, #tpu.memory_space<hbm>>
    %dma_wait3A_905 = arith.constant 0 : i32
    %dma_wait3A_906 = arith.constant 0 : i32
    %dma_wait3A_907 = tpu.memref_slice %arg4[%dma_wait3A_905, %dma_wait3A_906] : memref<819200x128xf32, #tpu.memory_space<hbm>> -> memref<80x128xf32, #tpu.memory_space<hbm>>
    %dma_wait3A_908 = arith.constant 0 : i32
    %dma_wait3A_909 = arith.constant 0 : i32
    %dma_wait3A_910 = tpu.memref_slice %arg7[%dma_wait3A_897, %dma_wait3A_908, %dma_wait3A_909] : memref<4x80x128xf32, #tpu.memory_space<vmem>> -> memref<1x80x128xf32, #tpu.memory_space<vmem>>
    %dma_wait3A_911 = tpu.memref_squeeze %dma_wait3A_910 : memref<1x80x128xf32, #tpu.memory_space<vmem>> -> memref<80x128xf32, #tpu.memory_space<vmem>>
    tpu.wait_dma2 semaphore(%arg14 : memref<!tpu.dma_semaphore, #tpu.memory_space<semaphore_mem>>) src(%dma_wait3A_911 : memref<80x128xf32, #tpu.memory_space<vmem>>) dst(%dma_wait3A_907 : memref<80x128xf32, #tpu.memory_space<hbm>>)
    %dma_wait3A_912 = arith.constant 3 : i32
    %dma_wait3A_913 = arith.constant 0 : i32
    %dma_wait3A_914 = arith.constant 0 : i32
    %dma_wait3A_915 = tpu.memref_slice %arg7[%dma_wait3A_912, %dma_wait3A_913, %dma_wait3A_914] : memref<4x80x128xf32, #tpu.memory_space<vmem>> -> memref<1x80x128xf32, #tpu.memory_space<vmem>>
    %dma_wait3A_916 = tpu.memref_squeeze %dma_wait3A_915 : memref<1x80x128xf32, #tpu.memory_space<vmem>> -> memref<80x128xf32, #tpu.memory_space<vmem>>
    %dma_wait3A_917 = arith.constant 0 : i32
    %dma_wait3A_918 = arith.constant 0 : i32
    %dma_wait3A_919 = tpu.memref_slice %arg4[%dma_wait3A_917, %dma_wait3A_918] : memref<819200x128xf32, #tpu.memory_space<hbm>> -> memref<80x128xf32, #tpu.memory_space<hbm>>
    %dma_wait3A_920 = arith.constant 0 : i32
    %dma_wait3A_921 = arith.constant 0 : i32
    %dma_wait3A_922 = tpu.memref_slice %arg4[%dma_wait3A_920, %dma_wait3A_921] : memref<819200x128xf32, #tpu.memory_space<hbm>> -> memref<80x128xf32, #tpu.memory_space<hbm>>
    %dma_wait3A_923 = arith.constant 0 : i32
    %dma_wait3A_924 = arith.constant 0 : i32
    %dma_wait3A_925 = tpu.memref_slice %arg7[%dma_wait3A_912, %dma_wait3A_923, %dma_wait3A_924] : memref<4x80x128xf32, #tpu.memory_space<vmem>> -> memref<1x80x128xf32, #tpu.memory_space<vmem>>
    %dma_wait3A_926 = tpu.memref_squeeze %dma_wait3A_925 : memref<1x80x128xf32, #tpu.memory_space<vmem>> -> memref<80x128xf32, #tpu.memory_space<vmem>>
    tpu.wait_dma2 semaphore(%arg15 : memref<!tpu.dma_semaphore, #tpu.memory_space<semaphore_mem>>) src(%dma_wait3A_926 : memref<80x128xf32, #tpu.memory_space<vmem>>) dst(%dma_wait3A_922 : memref<80x128xf32, #tpu.memory_space<hbm>>)
    %run_scoped3A_927 = arith.constant 2 : i32
    "tpu.region"() ({
      %run_scoped3A_1851 = tpu.sem_alloc : memref<!tpu.dma_semaphore, #tpu.memory_space<semaphore_mem>>
      %dma_start3A_1852 = arith.constant 0 : i32
      %dma_start3A_1853 = arith.constant 0 : i32
      %dma_start3A_1854 = arith.constant 0 : i32
      %dma_start3A_1855 = tpu.memref_slice %arg3[%add3A, %dma_start3A_1852, %dma_start3A_1853, %dma_start3A_1854] : memref<32x4x80x80xi32, #tpu.memory_space<hbm>> -> memref<1x4x80x80xi32, #tpu.memory_space<hbm>>
      %dma_start3A_1856 = tpu.memref_squeeze %dma_start3A_1855 : memref<1x4x80x80xi32, #tpu.memory_space<hbm>> -> memref<4x80x80xi32, #tpu.memory_space<hbm>>
      %dma_start3A_1857 = arith.constant 0 : i32
      %dma_start3A_1858 = arith.constant 0 : i32
      %dma_start3A_1859 = tpu.memref_slice %dma_start3A_1856[%run_scoped3A_927, %dma_start3A_1857, %dma_start3A_1858] : memref<4x80x80xi32, #tpu.memory_space<hbm>> -> memref<1x80x80xi32, #tpu.memory_space<hbm>>
      %dma_start3A_1860 = tpu.memref_squeeze %dma_start3A_1859 : memref<1x80x80xi32, #tpu.memory_space<hbm>> -> memref<80x80xi32, #tpu.memory_space<hbm>>
      %dma_start3A_1861 = arith.constant 0 : i32
      %dma_start3A_1862 = arith.constant 0 : i32
      %dma_start3A_1863 = arith.constant 0 : i32
      %dma_start3A_1864 = tpu.memref_slice %arg3[%add3A, %dma_start3A_1861, %dma_start3A_1862, %dma_start3A_1863] : memref<32x4x80x80xi32, #tpu.memory_space<hbm>> -> memref<1x4x80x80xi32, #tpu.memory_space<hbm>>
      %dma_start3A_1865 = tpu.memref_squeeze %dma_start3A_1864 : memref<1x4x80x80xi32, #tpu.memory_space<hbm>> -> memref<4x80x80xi32, #tpu.memory_space<hbm>>
      %dma_start3A_1866 = arith.constant 0 : i32
      %dma_start3A_1867 = arith.constant 0 : i32
      %dma_start3A_1868 = tpu.memref_slice %dma_start3A_1865[%run_scoped3A_927, %dma_start3A_1866, %dma_start3A_1867] : memref<4x80x80xi32, #tpu.memory_space<hbm>> -> memref<1x80x80xi32, #tpu.memory_space<hbm>>
      %dma_start3A_1869 = tpu.memref_squeeze %dma_start3A_1868 : memref<1x80x80xi32, #tpu.memory_space<hbm>> -> memref<80x80xi32, #tpu.memory_space<hbm>>
      tpu.enqueue_dma source(%dma_start3A_1869 : memref<80x80xi32, #tpu.memory_space<hbm>>) target(%arg6 : memref<80x80xi32, #tpu.memory_space<vmem>>) target_semaphore(%run_scoped3A_1851 : memref<!tpu.dma_semaphore, #tpu.memory_space<semaphore_mem>>)
      %dma_wait3A_1870 = arith.constant 0 : i32
      %dma_wait3A_1871 = arith.constant 0 : i32
      %dma_wait3A_1872 = arith.constant 0 : i32
      %dma_wait3A_1873 = tpu.memref_slice %arg3[%add3A, %dma_wait3A_1870, %dma_wait3A_1871, %dma_wait3A_1872] : memref<32x4x80x80xi32, #tpu.memory_space<hbm>> -> memref<1x4x80x80xi32, #tpu.memory_space<hbm>>
      %dma_wait3A_1874 = tpu.memref_squeeze %dma_wait3A_1873 : memref<1x4x80x80xi32, #tpu.memory_space<hbm>> -> memref<4x80x80xi32, #tpu.memory_space<hbm>>
      %dma_wait3A_1875 = arith.constant 0 : i32
      %dma_wait3A_1876 = arith.constant 0 : i32
      %dma_wait3A_1877 = tpu.memref_slice %dma_wait3A_1874[%run_scoped3A_927, %dma_wait3A_1875, %dma_wait3A_1876] : memref<4x80x80xi32, #tpu.memory_space<hbm>> -> memref<1x80x80xi32, #tpu.memory_space<hbm>>
      %dma_wait3A_1878 = tpu.memref_squeeze %dma_wait3A_1877 : memref<1x80x80xi32, #tpu.memory_space<hbm>> -> memref<80x80xi32, #tpu.memory_space<hbm>>
      %dma_wait3A_1879 = arith.constant 0 : i32
      %dma_wait3A_1880 = arith.constant 0 : i32
      %dma_wait3A_1881 = arith.constant 0 : i32
      %dma_wait3A_1882 = tpu.memref_slice %arg3[%add3A, %dma_wait3A_1879, %dma_wait3A_1880, %dma_wait3A_1881] : memref<32x4x80x80xi32, #tpu.memory_space<hbm>> -> memref<1x4x80x80xi32, #tpu.memory_space<hbm>>
      %dma_wait3A_1883 = tpu.memref_squeeze %dma_wait3A_1882 : memref<1x4x80x80xi32, #tpu.memory_space<hbm>> -> memref<4x80x80xi32, #tpu.memory_space<hbm>>
      %dma_wait3A_1884 = arith.constant 0 : i32
      %dma_wait3A_1885 = arith.constant 0 : i32
      %dma_wait3A_1886 = tpu.memref_slice %dma_wait3A_1883[%run_scoped3A_927, %dma_wait3A_1884, %dma_wait3A_1885] : memref<4x80x80xi32, #tpu.memory_space<hbm>> -> memref<1x80x80xi32, #tpu.memory_space<hbm>>
      %dma_wait3A_1887 = tpu.memref_squeeze %dma_wait3A_1886 : memref<1x80x80xi32, #tpu.memory_space<hbm>> -> memref<80x80xi32, #tpu.memory_space<hbm>>
      tpu.wait_dma2 semaphore(%run_scoped3A_1851 : memref<!tpu.dma_semaphore, #tpu.memory_space<semaphore_mem>>) src(%dma_wait3A_1887 : memref<80x80xi32, #tpu.memory_space<hbm>>) dst(%arg6 : memref<80x80xi32, #tpu.memory_space<vmem>>)
      tpu.yield
    }) : () -> ()
    %dma_start3A_928 = arith.constant 0 : i32
    %dma_start3A_929 = arith.constant 0 : i32
    %dma_start3A_930 = arith.constant 0 : i32
    %dma_start3A_931 = arith.constant 0 : i32
    %dma_start3A_932 = tpu.memref_slice %arg7[%dma_start3A_929, %dma_start3A_930, %dma_start3A_931] : memref<4x80x128xf32, #tpu.memory_space<vmem>> -> memref<1x80x128xf32, #tpu.memory_space<vmem>>
    %dma_start3A_933 = tpu.memref_squeeze %dma_start3A_932 : memref<1x80x128xf32, #tpu.memory_space<vmem>> -> memref<80x128xf32, #tpu.memory_space<vmem>>
    %dma_start3A_934 = arith.constant 0 : i32
    %dma_start3A_935 = tpu.memref_slice %arg6[%dma_start3A_928, %dma_start3A_934] : memref<80x80xi32, #tpu.memory_space<vmem>> -> memref<1x80xi32, #tpu.memory_space<vmem>>
    %dma_start3A_936 = tpu.memref_squeeze %dma_start3A_935 : memref<1x80xi32, #tpu.memory_space<vmem>> -> memref<80xi32, #tpu.memory_space<vmem>>
    %dma_start3A_937 = arith.constant 0 : i32
    %dma_start3A_938 = arith.constant 0 : i32
    %dma_start3A_939 = tpu.memref_slice %arg5[%dma_start3A_937, %dma_start3A_938] : memref<9088x128xf32, #tpu.memory_space<vmem_shared>> -> memref<9088x128xf32, #tpu.memory_space<vmem_shared>>
    tpu.enqueue_indirect_dma source(%dma_start3A_939 : memref<9088x128xf32, #tpu.memory_space<vmem_shared>>) target(%dma_start3A_933 : memref<80x128xf32, #tpu.memory_space<vmem>>) offsets(%dma_start3A_936 : memref<80xi32, #tpu.memory_space<vmem>>) semaphore(%arg8 : memref<!tpu.dma_semaphore, #tpu.memory_space<semaphore_mem>>)
    %dma_start3A_940 = arith.constant 1 : i32
    %dma_start3A_941 = arith.constant 1 : i32
    %dma_start3A_942 = arith.constant 0 : i32
    %dma_start3A_943 = arith.constant 0 : i32
    %dma_start3A_944 = tpu.memref_slice %arg7[%dma_start3A_941, %dma_start3A_942, %dma_start3A_943] : memref<4x80x128xf32, #tpu.memory_space<vmem>> -> memref<1x80x128xf32, #tpu.memory_space<vmem>>
    %dma_start3A_945 = tpu.memref_squeeze %dma_start3A_944 : memref<1x80x128xf32, #tpu.memory_space<vmem>> -> memref<80x128xf32, #tpu.memory_space<vmem>>
    %dma_start3A_946 = arith.constant 0 : i32
    %dma_start3A_947 = tpu.memref_slice %arg6[%dma_start3A_940, %dma_start3A_946] : memref<80x80xi32, #tpu.memory_space<vmem>> -> memref<1x80xi32, #tpu.memory_space<vmem>>
    %dma_start3A_948 = tpu.memref_squeeze %dma_start3A_947 : memref<1x80xi32, #tpu.memory_space<vmem>> -> memref<80xi32, #tpu.memory_space<vmem>>
    %dma_start3A_949 = arith.constant 0 : i32
    %dma_start3A_950 = arith.constant 0 : i32
    %dma_start3A_951 = tpu.memref_slice %arg5[%dma_start3A_949, %dma_start3A_950] : memref<9088x128xf32, #tpu.memory_space<vmem_shared>> -> memref<9088x128xf32, #tpu.memory_space<vmem_shared>>
    tpu.enqueue_indirect_dma source(%dma_start3A_951 : memref<9088x128xf32, #tpu.memory_space<vmem_shared>>) target(%dma_start3A_945 : memref<80x128xf32, #tpu.memory_space<vmem>>) offsets(%dma_start3A_948 : memref<80xi32, #tpu.memory_space<vmem>>) semaphore(%arg9 : memref<!tpu.dma_semaphore, #tpu.memory_space<semaphore_mem>>)
    %dma_wait3A_952 = arith.constant 0 : i32
    %dma_wait3A_953 = arith.constant 0 : i32
    %dma_wait3A_954 = arith.constant 0 : i32
    %dma_wait3A_955 = tpu.memref_slice %arg7[%dma_wait3A_952, %dma_wait3A_953, %dma_wait3A_954] : memref<4x80x128xf32, #tpu.memory_space<vmem>> -> memref<1x80x128xf32, #tpu.memory_space<vmem>>
    %dma_wait3A_956 = tpu.memref_squeeze %dma_wait3A_955 : memref<1x80x128xf32, #tpu.memory_space<vmem>> -> memref<80x128xf32, #tpu.memory_space<vmem>>
    %dma_wait3A_957 = arith.constant 0 : i32
    %dma_wait3A_958 = arith.constant 0 : i32
    %dma_wait3A_959 = tpu.memref_slice %arg2[%dma_wait3A_957, %dma_wait3A_958] : memref<9088x128xf32, #tpu.memory_space<hbm>> -> memref<80x128xf32, #tpu.memory_space<hbm>>
    %dma_wait3A_960 = arith.constant 0 : i32
    %dma_wait3A_961 = arith.constant 0 : i32
    %dma_wait3A_962 = tpu.memref_slice %arg7[%dma_wait3A_952, %dma_wait3A_960, %dma_wait3A_961] : memref<4x80x128xf32, #tpu.memory_space<vmem>> -> memref<1x80x128xf32, #tpu.memory_space<vmem>>
    %dma_wait3A_963 = tpu.memref_squeeze %dma_wait3A_962 : memref<1x80x128xf32, #tpu.memory_space<vmem>> -> memref<80x128xf32, #tpu.memory_space<vmem>>
    %dma_wait3A_964 = arith.constant 0 : i32
    %dma_wait3A_965 = arith.constant 0 : i32
    %dma_wait3A_966 = tpu.memref_slice %arg2[%dma_wait3A_964, %dma_wait3A_965] : memref<9088x128xf32, #tpu.memory_space<hbm>> -> memref<80x128xf32, #tpu.memory_space<hbm>>
    tpu.wait_dma2 semaphore(%arg8 : memref<!tpu.dma_semaphore, #tpu.memory_space<semaphore_mem>>) src(%dma_wait3A_966 : memref<80x128xf32, #tpu.memory_space<hbm>>) dst(%dma_wait3A_963 : memref<80x128xf32, #tpu.memory_space<vmem>>)
    %add3A_967 = arith.constant 12800 : i32
    %add3A_968 = arith.addi %mul3A_2, %add3A_967 : i32
    %dma_start3A_969 = arith.constant 0 : i32
    %dma_start3A_970 = arith.constant 0 : i32
    %dma_start3A_971 = arith.constant 0 : i32
    %dma_start3A_972 = tpu.memref_slice %arg7[%dma_start3A_969, %dma_start3A_970, %dma_start3A_971] : memref<4x80x128xf32, #tpu.memory_space<vmem>> -> memref<1x80x128xf32, #tpu.memory_space<vmem>>
    %dma_start3A_973 = tpu.memref_squeeze %dma_start3A_972 : memref<1x80x128xf32, #tpu.memory_space<vmem>> -> memref<80x128xf32, #tpu.memory_space<vmem>>
    %dma_start3A_974 = arith.constant 0 : i32
    %dma_start3A_975 = tpu.memref_slice %arg4[%add3A_968, %dma_start3A_974] : memref<819200x128xf32, #tpu.memory_space<hbm>> -> memref<80x128xf32, #tpu.memory_space<hbm>>
    %dma_start3A_976 = arith.constant 0 : i32
    %dma_start3A_977 = tpu.memref_slice %arg4[%add3A_968, %dma_start3A_976] : memref<819200x128xf32, #tpu.memory_space<hbm>> -> memref<80x128xf32, #tpu.memory_space<hbm>>
    %dma_start3A_978 = arith.constant 0 : i32
    %dma_start3A_979 = arith.constant 0 : i32
    %dma_start3A_980 = tpu.memref_slice %arg7[%dma_start3A_969, %dma_start3A_978, %dma_start3A_979] : memref<4x80x128xf32, #tpu.memory_space<vmem>> -> memref<1x80x128xf32, #tpu.memory_space<vmem>>
    %dma_start3A_981 = tpu.memref_squeeze %dma_start3A_980 : memref<1x80x128xf32, #tpu.memory_space<vmem>> -> memref<80x128xf32, #tpu.memory_space<vmem>>
    tpu.enqueue_dma source(%dma_start3A_981 : memref<80x128xf32, #tpu.memory_space<vmem>>) target(%dma_start3A_977 : memref<80x128xf32, #tpu.memory_space<hbm>>) target_semaphore(%arg12 : memref<!tpu.dma_semaphore, #tpu.memory_space<semaphore_mem>>)
    %dma_start3A_982 = arith.constant 2 : i32
    %dma_start3A_983 = arith.constant 2 : i32
    %dma_start3A_984 = arith.constant 0 : i32
    %dma_start3A_985 = arith.constant 0 : i32
    %dma_start3A_986 = tpu.memref_slice %arg7[%dma_start3A_983, %dma_start3A_984, %dma_start3A_985] : memref<4x80x128xf32, #tpu.memory_space<vmem>> -> memref<1x80x128xf32, #tpu.memory_space<vmem>>
    %dma_start3A_987 = tpu.memref_squeeze %dma_start3A_986 : memref<1x80x128xf32, #tpu.memory_space<vmem>> -> memref<80x128xf32, #tpu.memory_space<vmem>>
    %dma_start3A_988 = arith.constant 0 : i32
    %dma_start3A_989 = tpu.memref_slice %arg6[%dma_start3A_982, %dma_start3A_988] : memref<80x80xi32, #tpu.memory_space<vmem>> -> memref<1x80xi32, #tpu.memory_space<vmem>>
    %dma_start3A_990 = tpu.memref_squeeze %dma_start3A_989 : memref<1x80xi32, #tpu.memory_space<vmem>> -> memref<80xi32, #tpu.memory_space<vmem>>
    %dma_start3A_991 = arith.constant 0 : i32
    %dma_start3A_992 = arith.constant 0 : i32
    %dma_start3A_993 = tpu.memref_slice %arg5[%dma_start3A_991, %dma_start3A_992] : memref<9088x128xf32, #tpu.memory_space<vmem_shared>> -> memref<9088x128xf32, #tpu.memory_space<vmem_shared>>
    tpu.enqueue_indirect_dma source(%dma_start3A_993 : memref<9088x128xf32, #tpu.memory_space<vmem_shared>>) target(%dma_start3A_987 : memref<80x128xf32, #tpu.memory_space<vmem>>) offsets(%dma_start3A_990 : memref<80xi32, #tpu.memory_space<vmem>>) semaphore(%arg10 : memref<!tpu.dma_semaphore, #tpu.memory_space<semaphore_mem>>)
    %dma_wait3A_994 = arith.constant 1 : i32
    %dma_wait3A_995 = arith.constant 0 : i32
    %dma_wait3A_996 = arith.constant 0 : i32
    %dma_wait3A_997 = tpu.memref_slice %arg7[%dma_wait3A_994, %dma_wait3A_995, %dma_wait3A_996] : memref<4x80x128xf32, #tpu.memory_space<vmem>> -> memref<1x80x128xf32, #tpu.memory_space<vmem>>
    %dma_wait3A_998 = tpu.memref_squeeze %dma_wait3A_997 : memref<1x80x128xf32, #tpu.memory_space<vmem>> -> memref<80x128xf32, #tpu.memory_space<vmem>>
    %dma_wait3A_999 = arith.constant 0 : i32
    %dma_wait3A_1000 = arith.constant 0 : i32
    %dma_wait3A_1001 = tpu.memref_slice %arg2[%dma_wait3A_999, %dma_wait3A_1000] : memref<9088x128xf32, #tpu.memory_space<hbm>> -> memref<80x128xf32, #tpu.memory_space<hbm>>
    %dma_wait3A_1002 = arith.constant 0 : i32
    %dma_wait3A_1003 = arith.constant 0 : i32
    %dma_wait3A_1004 = tpu.memref_slice %arg7[%dma_wait3A_994, %dma_wait3A_1002, %dma_wait3A_1003] : memref<4x80x128xf32, #tpu.memory_space<vmem>> -> memref<1x80x128xf32, #tpu.memory_space<vmem>>
    %dma_wait3A_1005 = tpu.memref_squeeze %dma_wait3A_1004 : memref<1x80x128xf32, #tpu.memory_space<vmem>> -> memref<80x128xf32, #tpu.memory_space<vmem>>
    %dma_wait3A_1006 = arith.constant 0 : i32
    %dma_wait3A_1007 = arith.constant 0 : i32
    %dma_wait3A_1008 = tpu.memref_slice %arg2[%dma_wait3A_1006, %dma_wait3A_1007] : memref<9088x128xf32, #tpu.memory_space<hbm>> -> memref<80x128xf32, #tpu.memory_space<hbm>>
    tpu.wait_dma2 semaphore(%arg9 : memref<!tpu.dma_semaphore, #tpu.memory_space<semaphore_mem>>) src(%dma_wait3A_1008 : memref<80x128xf32, #tpu.memory_space<hbm>>) dst(%dma_wait3A_1005 : memref<80x128xf32, #tpu.memory_space<vmem>>)
    %add3A_1009 = arith.constant 12880 : i32
    %add3A_1010 = arith.addi %mul3A_2, %add3A_1009 : i32
    %dma_start3A_1011 = arith.constant 1 : i32
    %dma_start3A_1012 = arith.constant 0 : i32
    %dma_start3A_1013 = arith.constant 0 : i32
    %dma_start3A_1014 = tpu.memref_slice %arg7[%dma_start3A_1011, %dma_start3A_1012, %dma_start3A_1013] : memref<4x80x128xf32, #tpu.memory_space<vmem>> -> memref<1x80x128xf32, #tpu.memory_space<vmem>>
    %dma_start3A_1015 = tpu.memref_squeeze %dma_start3A_1014 : memref<1x80x128xf32, #tpu.memory_space<vmem>> -> memref<80x128xf32, #tpu.memory_space<vmem>>
    %dma_start3A_1016 = arith.constant 0 : i32
    %dma_start3A_1017 = tpu.memref_slice %arg4[%add3A_1010, %dma_start3A_1016] : memref<819200x128xf32, #tpu.memory_space<hbm>> -> memref<80x128xf32, #tpu.memory_space<hbm>>
    %dma_start3A_1018 = arith.constant 0 : i32
    %dma_start3A_1019 = tpu.memref_slice %arg4[%add3A_1010, %dma_start3A_1018] : memref<819200x128xf32, #tpu.memory_space<hbm>> -> memref<80x128xf32, #tpu.memory_space<hbm>>
    %dma_start3A_1020 = arith.constant 0 : i32
    %dma_start3A_1021 = arith.constant 0 : i32
    %dma_start3A_1022 = tpu.memref_slice %arg7[%dma_start3A_1011, %dma_start3A_1020, %dma_start3A_1021] : memref<4x80x128xf32, #tpu.memory_space<vmem>> -> memref<1x80x128xf32, #tpu.memory_space<vmem>>
    %dma_start3A_1023 = tpu.memref_squeeze %dma_start3A_1022 : memref<1x80x128xf32, #tpu.memory_space<vmem>> -> memref<80x128xf32, #tpu.memory_space<vmem>>
    tpu.enqueue_dma source(%dma_start3A_1023 : memref<80x128xf32, #tpu.memory_space<vmem>>) target(%dma_start3A_1019 : memref<80x128xf32, #tpu.memory_space<hbm>>) target_semaphore(%arg13 : memref<!tpu.dma_semaphore, #tpu.memory_space<semaphore_mem>>)
    %dma_start3A_1024 = arith.constant 3 : i32
    %dma_start3A_1025 = arith.constant 3 : i32
    %dma_start3A_1026 = arith.constant 0 : i32
    %dma_start3A_1027 = arith.constant 0 : i32
    %dma_start3A_1028 = tpu.memref_slice %arg7[%dma_start3A_1025, %dma_start3A_1026, %dma_start3A_1027] : memref<4x80x128xf32, #tpu.memory_space<vmem>> -> memref<1x80x128xf32, #tpu.memory_space<vmem>>
    %dma_start3A_1029 = tpu.memref_squeeze %dma_start3A_1028 : memref<1x80x128xf32, #tpu.memory_space<vmem>> -> memref<80x128xf32, #tpu.memory_space<vmem>>
    %dma_start3A_1030 = arith.constant 0 : i32
    %dma_start3A_1031 = tpu.memref_slice %arg6[%dma_start3A_1024, %dma_start3A_1030] : memref<80x80xi32, #tpu.memory_space<vmem>> -> memref<1x80xi32, #tpu.memory_space<vmem>>
    %dma_start3A_1032 = tpu.memref_squeeze %dma_start3A_1031 : memref<1x80xi32, #tpu.memory_space<vmem>> -> memref<80xi32, #tpu.memory_space<vmem>>
    %dma_start3A_1033 = arith.constant 0 : i32
    %dma_start3A_1034 = arith.constant 0 : i32
    %dma_start3A_1035 = tpu.memref_slice %arg5[%dma_start3A_1033, %dma_start3A_1034] : memref<9088x128xf32, #tpu.memory_space<vmem_shared>> -> memref<9088x128xf32, #tpu.memory_space<vmem_shared>>
    tpu.enqueue_indirect_dma source(%dma_start3A_1035 : memref<9088x128xf32, #tpu.memory_space<vmem_shared>>) target(%dma_start3A_1029 : memref<80x128xf32, #tpu.memory_space<vmem>>) offsets(%dma_start3A_1032 : memref<80xi32, #tpu.memory_space<vmem>>) semaphore(%arg11 : memref<!tpu.dma_semaphore, #tpu.memory_space<semaphore_mem>>)
    %dma_wait3A_1036 = arith.constant 2 : i32
    %dma_wait3A_1037 = arith.constant 0 : i32
    %dma_wait3A_1038 = arith.constant 0 : i32
    %dma_wait3A_1039 = tpu.memref_slice %arg7[%dma_wait3A_1036, %dma_wait3A_1037, %dma_wait3A_1038] : memref<4x80x128xf32, #tpu.memory_space<vmem>> -> memref<1x80x128xf32, #tpu.memory_space<vmem>>
    %dma_wait3A_1040 = tpu.memref_squeeze %dma_wait3A_1039 : memref<1x80x128xf32, #tpu.memory_space<vmem>> -> memref<80x128xf32, #tpu.memory_space<vmem>>
    %dma_wait3A_1041 = arith.constant 0 : i32
    %dma_wait3A_1042 = arith.constant 0 : i32
    %dma_wait3A_1043 = tpu.memref_slice %arg2[%dma_wait3A_1041, %dma_wait3A_1042] : memref<9088x128xf32, #tpu.memory_space<hbm>> -> memref<80x128xf32, #tpu.memory_space<hbm>>
    %dma_wait3A_1044 = arith.constant 0 : i32
    %dma_wait3A_1045 = arith.constant 0 : i32
    %dma_wait3A_1046 = tpu.memref_slice %arg7[%dma_wait3A_1036, %dma_wait3A_1044, %dma_wait3A_1045] : memref<4x80x128xf32, #tpu.memory_space<vmem>> -> memref<1x80x128xf32, #tpu.memory_space<vmem>>
    %dma_wait3A_1047 = tpu.memref_squeeze %dma_wait3A_1046 : memref<1x80x128xf32, #tpu.memory_space<vmem>> -> memref<80x128xf32, #tpu.memory_space<vmem>>
    %dma_wait3A_1048 = arith.constant 0 : i32
    %dma_wait3A_1049 = arith.constant 0 : i32
    %dma_wait3A_1050 = tpu.memref_slice %arg2[%dma_wait3A_1048, %dma_wait3A_1049] : memref<9088x128xf32, #tpu.memory_space<hbm>> -> memref<80x128xf32, #tpu.memory_space<hbm>>
    tpu.wait_dma2 semaphore(%arg10 : memref<!tpu.dma_semaphore, #tpu.memory_space<semaphore_mem>>) src(%dma_wait3A_1050 : memref<80x128xf32, #tpu.memory_space<hbm>>) dst(%dma_wait3A_1047 : memref<80x128xf32, #tpu.memory_space<vmem>>)
    %add3A_1051 = arith.constant 12960 : i32
    %add3A_1052 = arith.addi %mul3A_2, %add3A_1051 : i32
    %dma_start3A_1053 = arith.constant 2 : i32
    %dma_start3A_1054 = arith.constant 0 : i32
    %dma_start3A_1055 = arith.constant 0 : i32
    %dma_start3A_1056 = tpu.memref_slice %arg7[%dma_start3A_1053, %dma_start3A_1054, %dma_start3A_1055] : memref<4x80x128xf32, #tpu.memory_space<vmem>> -> memref<1x80x128xf32, #tpu.memory_space<vmem>>
    %dma_start3A_1057 = tpu.memref_squeeze %dma_start3A_1056 : memref<1x80x128xf32, #tpu.memory_space<vmem>> -> memref<80x128xf32, #tpu.memory_space<vmem>>
    %dma_start3A_1058 = arith.constant 0 : i32
    %dma_start3A_1059 = tpu.memref_slice %arg4[%add3A_1052, %dma_start3A_1058] : memref<819200x128xf32, #tpu.memory_space<hbm>> -> memref<80x128xf32, #tpu.memory_space<hbm>>
    %dma_start3A_1060 = arith.constant 0 : i32
    %dma_start3A_1061 = tpu.memref_slice %arg4[%add3A_1052, %dma_start3A_1060] : memref<819200x128xf32, #tpu.memory_space<hbm>> -> memref<80x128xf32, #tpu.memory_space<hbm>>
    %dma_start3A_1062 = arith.constant 0 : i32
    %dma_start3A_1063 = arith.constant 0 : i32
    %dma_start3A_1064 = tpu.memref_slice %arg7[%dma_start3A_1053, %dma_start3A_1062, %dma_start3A_1063] : memref<4x80x128xf32, #tpu.memory_space<vmem>> -> memref<1x80x128xf32, #tpu.memory_space<vmem>>
    %dma_start3A_1065 = tpu.memref_squeeze %dma_start3A_1064 : memref<1x80x128xf32, #tpu.memory_space<vmem>> -> memref<80x128xf32, #tpu.memory_space<vmem>>
    tpu.enqueue_dma source(%dma_start3A_1065 : memref<80x128xf32, #tpu.memory_space<vmem>>) target(%dma_start3A_1061 : memref<80x128xf32, #tpu.memory_space<hbm>>) target_semaphore(%arg14 : memref<!tpu.dma_semaphore, #tpu.memory_space<semaphore_mem>>)
    %dma_wait3A_1066 = arith.constant 0 : i32
    %dma_wait3A_1067 = arith.constant 0 : i32
    %dma_wait3A_1068 = arith.constant 0 : i32
    %dma_wait3A_1069 = tpu.memref_slice %arg7[%dma_wait3A_1066, %dma_wait3A_1067, %dma_wait3A_1068] : memref<4x80x128xf32, #tpu.memory_space<vmem>> -> memref<1x80x128xf32, #tpu.memory_space<vmem>>
    %dma_wait3A_1070 = tpu.memref_squeeze %dma_wait3A_1069 : memref<1x80x128xf32, #tpu.memory_space<vmem>> -> memref<80x128xf32, #tpu.memory_space<vmem>>
    %dma_wait3A_1071 = arith.constant 0 : i32
    %dma_wait3A_1072 = arith.constant 0 : i32
    %dma_wait3A_1073 = tpu.memref_slice %arg4[%dma_wait3A_1071, %dma_wait3A_1072] : memref<819200x128xf32, #tpu.memory_space<hbm>> -> memref<80x128xf32, #tpu.memory_space<hbm>>
    %dma_wait3A_1074 = arith.constant 0 : i32
    %dma_wait3A_1075 = arith.constant 0 : i32
    %dma_wait3A_1076 = tpu.memref_slice %arg4[%dma_wait3A_1074, %dma_wait3A_1075] : memref<819200x128xf32, #tpu.memory_space<hbm>> -> memref<80x128xf32, #tpu.memory_space<hbm>>
    %dma_wait3A_1077 = arith.constant 0 : i32
    %dma_wait3A_1078 = arith.constant 0 : i32
    %dma_wait3A_1079 = tpu.memref_slice %arg7[%dma_wait3A_1066, %dma_wait3A_1077, %dma_wait3A_1078] : memref<4x80x128xf32, #tpu.memory_space<vmem>> -> memref<1x80x128xf32, #tpu.memory_space<vmem>>
    %dma_wait3A_1080 = tpu.memref_squeeze %dma_wait3A_1079 : memref<1x80x128xf32, #tpu.memory_space<vmem>> -> memref<80x128xf32, #tpu.memory_space<vmem>>
    tpu.wait_dma2 semaphore(%arg12 : memref<!tpu.dma_semaphore, #tpu.memory_space<semaphore_mem>>) src(%dma_wait3A_1080 : memref<80x128xf32, #tpu.memory_space<vmem>>) dst(%dma_wait3A_1076 : memref<80x128xf32, #tpu.memory_space<hbm>>)
    %dma_start3A_1081 = arith.constant 4 : i32
    %dma_start3A_1082 = arith.constant 0 : i32
    %dma_start3A_1083 = arith.constant 0 : i32
    %dma_start3A_1084 = arith.constant 0 : i32
    %dma_start3A_1085 = tpu.memref_slice %arg7[%dma_start3A_1082, %dma_start3A_1083, %dma_start3A_1084] : memref<4x80x128xf32, #tpu.memory_space<vmem>> -> memref<1x80x128xf32, #tpu.memory_space<vmem>>
    %dma_start3A_1086 = tpu.memref_squeeze %dma_start3A_1085 : memref<1x80x128xf32, #tpu.memory_space<vmem>> -> memref<80x128xf32, #tpu.memory_space<vmem>>
    %dma_start3A_1087 = arith.constant 0 : i32
    %dma_start3A_1088 = tpu.memref_slice %arg6[%dma_start3A_1081, %dma_start3A_1087] : memref<80x80xi32, #tpu.memory_space<vmem>> -> memref<1x80xi32, #tpu.memory_space<vmem>>
    %dma_start3A_1089 = tpu.memref_squeeze %dma_start3A_1088 : memref<1x80xi32, #tpu.memory_space<vmem>> -> memref<80xi32, #tpu.memory_space<vmem>>
    %dma_start3A_1090 = arith.constant 0 : i32
    %dma_start3A_1091 = arith.constant 0 : i32
    %dma_start3A_1092 = tpu.memref_slice %arg5[%dma_start3A_1090, %dma_start3A_1091] : memref<9088x128xf32, #tpu.memory_space<vmem_shared>> -> memref<9088x128xf32, #tpu.memory_space<vmem_shared>>
    tpu.enqueue_indirect_dma source(%dma_start3A_1092 : memref<9088x128xf32, #tpu.memory_space<vmem_shared>>) target(%dma_start3A_1086 : memref<80x128xf32, #tpu.memory_space<vmem>>) offsets(%dma_start3A_1089 : memref<80xi32, #tpu.memory_space<vmem>>) semaphore(%arg8 : memref<!tpu.dma_semaphore, #tpu.memory_space<semaphore_mem>>)
    %dma_wait3A_1093 = arith.constant 3 : i32
    %dma_wait3A_1094 = arith.constant 0 : i32
    %dma_wait3A_1095 = arith.constant 0 : i32
    %dma_wait3A_1096 = tpu.memref_slice %arg7[%dma_wait3A_1093, %dma_wait3A_1094, %dma_wait3A_1095] : memref<4x80x128xf32, #tpu.memory_space<vmem>> -> memref<1x80x128xf32, #tpu.memory_space<vmem>>
    %dma_wait3A_1097 = tpu.memref_squeeze %dma_wait3A_1096 : memref<1x80x128xf32, #tpu.memory_space<vmem>> -> memref<80x128xf32, #tpu.memory_space<vmem>>
    %dma_wait3A_1098 = arith.constant 0 : i32
    %dma_wait3A_1099 = arith.constant 0 : i32
    %dma_wait3A_1100 = tpu.memref_slice %arg2[%dma_wait3A_1098, %dma_wait3A_1099] : memref<9088x128xf32, #tpu.memory_space<hbm>> -> memref<80x128xf32, #tpu.memory_space<hbm>>
    %dma_wait3A_1101 = arith.constant 0 : i32
    %dma_wait3A_1102 = arith.constant 0 : i32
    %dma_wait3A_1103 = tpu.memref_slice %arg7[%dma_wait3A_1093, %dma_wait3A_1101, %dma_wait3A_1102] : memref<4x80x128xf32, #tpu.memory_space<vmem>> -> memref<1x80x128xf32, #tpu.memory_space<vmem>>
    %dma_wait3A_1104 = tpu.memref_squeeze %dma_wait3A_1103 : memref<1x80x128xf32, #tpu.memory_space<vmem>> -> memref<80x128xf32, #tpu.memory_space<vmem>>
    %dma_wait3A_1105 = arith.constant 0 : i32
    %dma_wait3A_1106 = arith.constant 0 : i32
    %dma_wait3A_1107 = tpu.memref_slice %arg2[%dma_wait3A_1105, %dma_wait3A_1106] : memref<9088x128xf32, #tpu.memory_space<hbm>> -> memref<80x128xf32, #tpu.memory_space<hbm>>
    tpu.wait_dma2 semaphore(%arg11 : memref<!tpu.dma_semaphore, #tpu.memory_space<semaphore_mem>>) src(%dma_wait3A_1107 : memref<80x128xf32, #tpu.memory_space<hbm>>) dst(%dma_wait3A_1104 : memref<80x128xf32, #tpu.memory_space<vmem>>)
    %add3A_1108 = arith.constant 13040 : i32
    %add3A_1109 = arith.addi %mul3A_2, %add3A_1108 : i32
    %dma_start3A_1110 = arith.constant 3 : i32
    %dma_start3A_1111 = arith.constant 0 : i32
    %dma_start3A_1112 = arith.constant 0 : i32
    %dma_start3A_1113 = tpu.memref_slice %arg7[%dma_start3A_1110, %dma_start3A_1111, %dma_start3A_1112] : memref<4x80x128xf32, #tpu.memory_space<vmem>> -> memref<1x80x128xf32, #tpu.memory_space<vmem>>
    %dma_start3A_1114 = tpu.memref_squeeze %dma_start3A_1113 : memref<1x80x128xf32, #tpu.memory_space<vmem>> -> memref<80x128xf32, #tpu.memory_space<vmem>>
    %dma_start3A_1115 = arith.constant 0 : i32
    %dma_start3A_1116 = tpu.memref_slice %arg4[%add3A_1109, %dma_start3A_1115] : memref<819200x128xf32, #tpu.memory_space<hbm>> -> memref<80x128xf32, #tpu.memory_space<hbm>>
    %dma_start3A_1117 = arith.constant 0 : i32
    %dma_start3A_1118 = tpu.memref_slice %arg4[%add3A_1109, %dma_start3A_1117] : memref<819200x128xf32, #tpu.memory_space<hbm>> -> memref<80x128xf32, #tpu.memory_space<hbm>>
    %dma_start3A_1119 = arith.constant 0 : i32
    %dma_start3A_1120 = arith.constant 0 : i32
    %dma_start3A_1121 = tpu.memref_slice %arg7[%dma_start3A_1110, %dma_start3A_1119, %dma_start3A_1120] : memref<4x80x128xf32, #tpu.memory_space<vmem>> -> memref<1x80x128xf32, #tpu.memory_space<vmem>>
    %dma_start3A_1122 = tpu.memref_squeeze %dma_start3A_1121 : memref<1x80x128xf32, #tpu.memory_space<vmem>> -> memref<80x128xf32, #tpu.memory_space<vmem>>
    tpu.enqueue_dma source(%dma_start3A_1122 : memref<80x128xf32, #tpu.memory_space<vmem>>) target(%dma_start3A_1118 : memref<80x128xf32, #tpu.memory_space<hbm>>) target_semaphore(%arg15 : memref<!tpu.dma_semaphore, #tpu.memory_space<semaphore_mem>>)
    %dma_wait3A_1123 = arith.constant 1 : i32
    %dma_wait3A_1124 = arith.constant 0 : i32
    %dma_wait3A_1125 = arith.constant 0 : i32
    %dma_wait3A_1126 = tpu.memref_slice %arg7[%dma_wait3A_1123, %dma_wait3A_1124, %dma_wait3A_1125] : memref<4x80x128xf32, #tpu.memory_space<vmem>> -> memref<1x80x128xf32, #tpu.memory_space<vmem>>
    %dma_wait3A_1127 = tpu.memref_squeeze %dma_wait3A_1126 : memref<1x80x128xf32, #tpu.memory_space<vmem>> -> memref<80x128xf32, #tpu.memory_space<vmem>>
    %dma_wait3A_1128 = arith.constant 0 : i32
    %dma_wait3A_1129 = arith.constant 0 : i32
    %dma_wait3A_1130 = tpu.memref_slice %arg4[%dma_wait3A_1128, %dma_wait3A_1129] : memref<819200x128xf32, #tpu.memory_space<hbm>> -> memref<80x128xf32, #tpu.memory_space<hbm>>
    %dma_wait3A_1131 = arith.constant 0 : i32
    %dma_wait3A_1132 = arith.constant 0 : i32
    %dma_wait3A_1133 = tpu.memref_slice %arg4[%dma_wait3A_1131, %dma_wait3A_1132] : memref<819200x128xf32, #tpu.memory_space<hbm>> -> memref<80x128xf32, #tpu.memory_space<hbm>>
    %dma_wait3A_1134 = arith.constant 0 : i32
    %dma_wait3A_1135 = arith.constant 0 : i32
    %dma_wait3A_1136 = tpu.memref_slice %arg7[%dma_wait3A_1123, %dma_wait3A_1134, %dma_wait3A_1135] : memref<4x80x128xf32, #tpu.memory_space<vmem>> -> memref<1x80x128xf32, #tpu.memory_space<vmem>>
    %dma_wait3A_1137 = tpu.memref_squeeze %dma_wait3A_1136 : memref<1x80x128xf32, #tpu.memory_space<vmem>> -> memref<80x128xf32, #tpu.memory_space<vmem>>
    tpu.wait_dma2 semaphore(%arg13 : memref<!tpu.dma_semaphore, #tpu.memory_space<semaphore_mem>>) src(%dma_wait3A_1137 : memref<80x128xf32, #tpu.memory_space<vmem>>) dst(%dma_wait3A_1133 : memref<80x128xf32, #tpu.memory_space<hbm>>)
    %dma_start3A_1138 = arith.constant 5 : i32
    %dma_start3A_1139 = arith.constant 1 : i32
    %dma_start3A_1140 = arith.constant 0 : i32
    %dma_start3A_1141 = arith.constant 0 : i32
    %dma_start3A_1142 = tpu.memref_slice %arg7[%dma_start3A_1139, %dma_start3A_1140, %dma_start3A_1141] : memref<4x80x128xf32, #tpu.memory_space<vmem>> -> memref<1x80x128xf32, #tpu.memory_space<vmem>>
    %dma_start3A_1143 = tpu.memref_squeeze %dma_start3A_1142 : memref<1x80x128xf32, #tpu.memory_space<vmem>> -> memref<80x128xf32, #tpu.memory_space<vmem>>
    %dma_start3A_1144 = arith.constant 0 : i32
    %dma_start3A_1145 = tpu.memref_slice %arg6[%dma_start3A_1138, %dma_start3A_1144] : memref<80x80xi32, #tpu.memory_space<vmem>> -> memref<1x80xi32, #tpu.memory_space<vmem>>
    %dma_start3A_1146 = tpu.memref_squeeze %dma_start3A_1145 : memref<1x80xi32, #tpu.memory_space<vmem>> -> memref<80xi32, #tpu.memory_space<vmem>>
    %dma_start3A_1147 = arith.constant 0 : i32
    %dma_start3A_1148 = arith.constant 0 : i32
    %dma_start3A_1149 = tpu.memref_slice %arg5[%dma_start3A_1147, %dma_start3A_1148] : memref<9088x128xf32, #tpu.memory_space<vmem_shared>> -> memref<9088x128xf32, #tpu.memory_space<vmem_shared>>
    tpu.enqueue_indirect_dma source(%dma_start3A_1149 : memref<9088x128xf32, #tpu.memory_space<vmem_shared>>) target(%dma_start3A_1143 : memref<80x128xf32, #tpu.memory_space<vmem>>) offsets(%dma_start3A_1146 : memref<80xi32, #tpu.memory_space<vmem>>) semaphore(%arg9 : memref<!tpu.dma_semaphore, #tpu.memory_space<semaphore_mem>>)
    %scan3A_1150 = arith.constant 0 : i32
    %scan3A_1151 = arith.constant 18 : i32
    %scan3A_1152 = arith.addi %scan3A_1150, %scan3A_1151 : i32
    %scan3A_1153 = arith.constant 1 : i32
    scf.for %scan3A_1851 = %scan3A_1150 to %scan3A_1152 step %scan3A_1153  : i32 {
      %mul3A_1852 = arith.constant 4 : i32
      %mul3A_1853 = arith.muli %scan3A_1851, %mul3A_1852 : i32
      %add3A_1854 = arith.constant 4 : i32
      %add3A_1855 = arith.addi %add3A_1854, %mul3A_1853 : i32
      %add3A_1856 = arith.constant 0 : i32
      %add3A_1857 = arith.addi %add3A_1855, %add3A_1856 : i32
      %dma_wait3A_1858 = arith.constant 0 : i32
      %dma_wait3A_1859 = arith.constant 0 : i32
      %dma_wait3A_1860 = arith.constant 0 : i32
      %dma_wait3A_1861 = tpu.memref_slice %arg7[%dma_wait3A_1858, %dma_wait3A_1859, %dma_wait3A_1860] : memref<4x80x128xf32, #tpu.memory_space<vmem>> -> memref<1x80x128xf32, #tpu.memory_space<vmem>>
      %dma_wait3A_1862 = tpu.memref_squeeze %dma_wait3A_1861 : memref<1x80x128xf32, #tpu.memory_space<vmem>> -> memref<80x128xf32, #tpu.memory_space<vmem>>
      %dma_wait3A_1863 = arith.constant 0 : i32
      %dma_wait3A_1864 = arith.constant 0 : i32
      %dma_wait3A_1865 = tpu.memref_slice %arg2[%dma_wait3A_1863, %dma_wait3A_1864] : memref<9088x128xf32, #tpu.memory_space<hbm>> -> memref<80x128xf32, #tpu.memory_space<hbm>>
      %dma_wait3A_1866 = arith.constant 0 : i32
      %dma_wait3A_1867 = arith.constant 0 : i32
      %dma_wait3A_1868 = tpu.memref_slice %arg7[%dma_wait3A_1858, %dma_wait3A_1866, %dma_wait3A_1867] : memref<4x80x128xf32, #tpu.memory_space<vmem>> -> memref<1x80x128xf32, #tpu.memory_space<vmem>>
      %dma_wait3A_1869 = tpu.memref_squeeze %dma_wait3A_1868 : memref<1x80x128xf32, #tpu.memory_space<vmem>> -> memref<80x128xf32, #tpu.memory_space<vmem>>
      %dma_wait3A_1870 = arith.constant 0 : i32
      %dma_wait3A_1871 = arith.constant 0 : i32
      %dma_wait3A_1872 = tpu.memref_slice %arg2[%dma_wait3A_1870, %dma_wait3A_1871] : memref<9088x128xf32, #tpu.memory_space<hbm>> -> memref<80x128xf32, #tpu.memory_space<hbm>>
      tpu.wait_dma2 semaphore(%arg8 : memref<!tpu.dma_semaphore, #tpu.memory_space<semaphore_mem>>) src(%dma_wait3A_1872 : memref<80x128xf32, #tpu.memory_space<hbm>>) dst(%dma_wait3A_1869 : memref<80x128xf32, #tpu.memory_space<vmem>>)
      %dma_wait3A_1873 = arith.constant 2 : i32
      %dma_wait3A_1874 = arith.constant 0 : i32
      %dma_wait3A_1875 = arith.constant 0 : i32
      %dma_wait3A_1876 = tpu.memref_slice %arg7[%dma_wait3A_1873, %dma_wait3A_1874, %dma_wait3A_1875] : memref<4x80x128xf32, #tpu.memory_space<vmem>> -> memref<1x80x128xf32, #tpu.memory_space<vmem>>
      %dma_wait3A_1877 = tpu.memref_squeeze %dma_wait3A_1876 : memref<1x80x128xf32, #tpu.memory_space<vmem>> -> memref<80x128xf32, #tpu.memory_space<vmem>>
      %dma_wait3A_1878 = arith.constant 0 : i32
      %dma_wait3A_1879 = arith.constant 0 : i32
      %dma_wait3A_1880 = tpu.memref_slice %arg4[%dma_wait3A_1878, %dma_wait3A_1879] : memref<819200x128xf32, #tpu.memory_space<hbm>> -> memref<80x128xf32, #tpu.memory_space<hbm>>
      %dma_wait3A_1881 = arith.constant 0 : i32
      %dma_wait3A_1882 = arith.constant 0 : i32
      %dma_wait3A_1883 = tpu.memref_slice %arg4[%dma_wait3A_1881, %dma_wait3A_1882] : memref<819200x128xf32, #tpu.memory_space<hbm>> -> memref<80x128xf32, #tpu.memory_space<hbm>>
      %dma_wait3A_1884 = arith.constant 0 : i32
      %dma_wait3A_1885 = arith.constant 0 : i32
      %dma_wait3A_1886 = tpu.memref_slice %arg7[%dma_wait3A_1873, %dma_wait3A_1884, %dma_wait3A_1885] : memref<4x80x128xf32, #tpu.memory_space<vmem>> -> memref<1x80x128xf32, #tpu.memory_space<vmem>>
      %dma_wait3A_1887 = tpu.memref_squeeze %dma_wait3A_1886 : memref<1x80x128xf32, #tpu.memory_space<vmem>> -> memref<80x128xf32, #tpu.memory_space<vmem>>
      tpu.wait_dma2 semaphore(%arg14 : memref<!tpu.dma_semaphore, #tpu.memory_space<semaphore_mem>>) src(%dma_wait3A_1887 : memref<80x128xf32, #tpu.memory_space<vmem>>) dst(%dma_wait3A_1883 : memref<80x128xf32, #tpu.memory_space<hbm>>)
      %add3A_1888 = arith.constant 2 : i32
      %add3A_1889 = arith.addi %add3A_1857, %add3A_1888 : i32
      %dma_start3A_1890 = arith.constant 2 : i32
      %dma_start3A_1891 = arith.constant 0 : i32
      %dma_start3A_1892 = arith.constant 0 : i32
      %dma_start3A_1893 = tpu.memref_slice %arg7[%dma_start3A_1890, %dma_start3A_1891, %dma_start3A_1892] : memref<4x80x128xf32, #tpu.memory_space<vmem>> -> memref<1x80x128xf32, #tpu.memory_space<vmem>>
      %dma_start3A_1894 = tpu.memref_squeeze %dma_start3A_1893 : memref<1x80x128xf32, #tpu.memory_space<vmem>> -> memref<80x128xf32, #tpu.memory_space<vmem>>
      %dma_start3A_1895 = arith.constant 0 : i32
      %dma_start3A_1896 = tpu.memref_slice %arg6[%add3A_1889, %dma_start3A_1895] : memref<80x80xi32, #tpu.memory_space<vmem>> -> memref<1x80xi32, #tpu.memory_space<vmem>>
      %dma_start3A_1897 = tpu.memref_squeeze %dma_start3A_1896 : memref<1x80xi32, #tpu.memory_space<vmem>> -> memref<80xi32, #tpu.memory_space<vmem>>
      %dma_start3A_1898 = arith.constant 0 : i32
      %dma_start3A_1899 = arith.constant 0 : i32
      %dma_start3A_1900 = tpu.memref_slice %arg5[%dma_start3A_1898, %dma_start3A_1899] : memref<9088x128xf32, #tpu.memory_space<vmem_shared>> -> memref<9088x128xf32, #tpu.memory_space<vmem_shared>>
      tpu.enqueue_indirect_dma source(%dma_start3A_1900 : memref<9088x128xf32, #tpu.memory_space<vmem_shared>>) target(%dma_start3A_1894 : memref<80x128xf32, #tpu.memory_space<vmem>>) offsets(%dma_start3A_1897 : memref<80xi32, #tpu.memory_space<vmem>>) semaphore(%arg10 : memref<!tpu.dma_semaphore, #tpu.memory_space<semaphore_mem>>)
      %add3A_1901 = arith.constant 160 : i32
      %add3A_1902 = arith.addi %add3A_1901, %add3A_1857 : i32
      %mul3A_1903 = arith.constant 80 : i32
      %mul3A_1904 = arith.muli %add3A_1902, %mul3A_1903 : i32
      %add3A_1905 = arith.addi %mul3A_2, %mul3A_1904 : i32
      %dma_start3A_1906 = arith.constant 0 : i32
      %dma_start3A_1907 = arith.constant 0 : i32
      %dma_start3A_1908 = arith.constant 0 : i32
      %dma_start3A_1909 = tpu.memref_slice %arg7[%dma_start3A_1906, %dma_start3A_1907, %dma_start3A_1908] : memref<4x80x128xf32, #tpu.memory_space<vmem>> -> memref<1x80x128xf32, #tpu.memory_space<vmem>>
      %dma_start3A_1910 = tpu.memref_squeeze %dma_start3A_1909 : memref<1x80x128xf32, #tpu.memory_space<vmem>> -> memref<80x128xf32, #tpu.memory_space<vmem>>
      %dma_start3A_1911 = arith.constant 0 : i32
      %dma_start3A_1912 = tpu.memref_slice %arg4[%add3A_1905, %dma_start3A_1911] : memref<819200x128xf32, #tpu.memory_space<hbm>> -> memref<80x128xf32, #tpu.memory_space<hbm>>
      %dma_start3A_1913 = arith.constant 0 : i32
      %dma_start3A_1914 = tpu.memref_slice %arg4[%add3A_1905, %dma_start3A_1913] : memref<819200x128xf32, #tpu.memory_space<hbm>> -> memref<80x128xf32, #tpu.memory_space<hbm>>
      %dma_start3A_1915 = arith.constant 0 : i32
      %dma_start3A_1916 = arith.constant 0 : i32
      %dma_start3A_1917 = tpu.memref_slice %arg7[%dma_start3A_1906, %dma_start3A_1915, %dma_start3A_1916] : memref<4x80x128xf32, #tpu.memory_space<vmem>> -> memref<1x80x128xf32, #tpu.memory_space<vmem>>
      %dma_start3A_1918 = tpu.memref_squeeze %dma_start3A_1917 : memref<1x80x128xf32, #tpu.memory_space<vmem>> -> memref<80x128xf32, #tpu.memory_space<vmem>>
      tpu.enqueue_dma source(%dma_start3A_1918 : memref<80x128xf32, #tpu.memory_space<vmem>>) target(%dma_start3A_1914 : memref<80x128xf32, #tpu.memory_space<hbm>>) target_semaphore(%arg12 : memref<!tpu.dma_semaphore, #tpu.memory_space<semaphore_mem>>)
      %add3A_1919 = arith.constant 1 : i32
      %add3A_1920 = arith.addi %add3A_1855, %add3A_1919 : i32
      %dma_wait3A_1921 = arith.constant 1 : i32
      %dma_wait3A_1922 = arith.constant 0 : i32
      %dma_wait3A_1923 = arith.constant 0 : i32
      %dma_wait3A_1924 = tpu.memref_slice %arg7[%dma_wait3A_1921, %dma_wait3A_1922, %dma_wait3A_1923] : memref<4x80x128xf32, #tpu.memory_space<vmem>> -> memref<1x80x128xf32, #tpu.memory_space<vmem>>
      %dma_wait3A_1925 = tpu.memref_squeeze %dma_wait3A_1924 : memref<1x80x128xf32, #tpu.memory_space<vmem>> -> memref<80x128xf32, #tpu.memory_space<vmem>>
      %dma_wait3A_1926 = arith.constant 0 : i32
      %dma_wait3A_1927 = arith.constant 0 : i32
      %dma_wait3A_1928 = tpu.memref_slice %arg2[%dma_wait3A_1926, %dma_wait3A_1927] : memref<9088x128xf32, #tpu.memory_space<hbm>> -> memref<80x128xf32, #tpu.memory_space<hbm>>
      %dma_wait3A_1929 = arith.constant 0 : i32
      %dma_wait3A_1930 = arith.constant 0 : i32
      %dma_wait3A_1931 = tpu.memref_slice %arg7[%dma_wait3A_1921, %dma_wait3A_1929, %dma_wait3A_1930] : memref<4x80x128xf32, #tpu.memory_space<vmem>> -> memref<1x80x128xf32, #tpu.memory_space<vmem>>
      %dma_wait3A_1932 = tpu.memref_squeeze %dma_wait3A_1931 : memref<1x80x128xf32, #tpu.memory_space<vmem>> -> memref<80x128xf32, #tpu.memory_space<vmem>>
      %dma_wait3A_1933 = arith.constant 0 : i32
      %dma_wait3A_1934 = arith.constant 0 : i32
      %dma_wait3A_1935 = tpu.memref_slice %arg2[%dma_wait3A_1933, %dma_wait3A_1934] : memref<9088x128xf32, #tpu.memory_space<hbm>> -> memref<80x128xf32, #tpu.memory_space<hbm>>
      tpu.wait_dma2 semaphore(%arg9 : memref<!tpu.dma_semaphore, #tpu.memory_space<semaphore_mem>>) src(%dma_wait3A_1935 : memref<80x128xf32, #tpu.memory_space<hbm>>) dst(%dma_wait3A_1932 : memref<80x128xf32, #tpu.memory_space<vmem>>)
      %dma_wait3A_1936 = arith.constant 3 : i32
      %dma_wait3A_1937 = arith.constant 0 : i32
      %dma_wait3A_1938 = arith.constant 0 : i32
      %dma_wait3A_1939 = tpu.memref_slice %arg7[%dma_wait3A_1936, %dma_wait3A_1937, %dma_wait3A_1938] : memref<4x80x128xf32, #tpu.memory_space<vmem>> -> memref<1x80x128xf32, #tpu.memory_space<vmem>>
      %dma_wait3A_1940 = tpu.memref_squeeze %dma_wait3A_1939 : memref<1x80x128xf32, #tpu.memory_space<vmem>> -> memref<80x128xf32, #tpu.memory_space<vmem>>
      %dma_wait3A_1941 = arith.constant 0 : i32
      %dma_wait3A_1942 = arith.constant 0 : i32
      %dma_wait3A_1943 = tpu.memref_slice %arg4[%dma_wait3A_1941, %dma_wait3A_1942] : memref<819200x128xf32, #tpu.memory_space<hbm>> -> memref<80x128xf32, #tpu.memory_space<hbm>>
      %dma_wait3A_1944 = arith.constant 0 : i32
      %dma_wait3A_1945 = arith.constant 0 : i32
      %dma_wait3A_1946 = tpu.memref_slice %arg4[%dma_wait3A_1944, %dma_wait3A_1945] : memref<819200x128xf32, #tpu.memory_space<hbm>> -> memref<80x128xf32, #tpu.memory_space<hbm>>
      %dma_wait3A_1947 = arith.constant 0 : i32
      %dma_wait3A_1948 = arith.constant 0 : i32
      %dma_wait3A_1949 = tpu.memref_slice %arg7[%dma_wait3A_1936, %dma_wait3A_1947, %dma_wait3A_1948] : memref<4x80x128xf32, #tpu.memory_space<vmem>> -> memref<1x80x128xf32, #tpu.memory_space<vmem>>
      %dma_wait3A_1950 = tpu.memref_squeeze %dma_wait3A_1949 : memref<1x80x128xf32, #tpu.memory_space<vmem>> -> memref<80x128xf32, #tpu.memory_space<vmem>>
      tpu.wait_dma2 semaphore(%arg15 : memref<!tpu.dma_semaphore, #tpu.memory_space<semaphore_mem>>) src(%dma_wait3A_1950 : memref<80x128xf32, #tpu.memory_space<vmem>>) dst(%dma_wait3A_1946 : memref<80x128xf32, #tpu.memory_space<hbm>>)
      %add3A_1951 = arith.constant 2 : i32
      %add3A_1952 = arith.addi %add3A_1920, %add3A_1951 : i32
      %dma_start3A_1953 = arith.constant 3 : i32
      %dma_start3A_1954 = arith.constant 0 : i32
      %dma_start3A_1955 = arith.constant 0 : i32
      %dma_start3A_1956 = tpu.memref_slice %arg7[%dma_start3A_1953, %dma_start3A_1954, %dma_start3A_1955] : memref<4x80x128xf32, #tpu.memory_space<vmem>> -> memref<1x80x128xf32, #tpu.memory_space<vmem>>
      %dma_start3A_1957 = tpu.memref_squeeze %dma_start3A_1956 : memref<1x80x128xf32, #tpu.memory_space<vmem>> -> memref<80x128xf32, #tpu.memory_space<vmem>>
      %dma_start3A_1958 = arith.constant 0 : i32
      %dma_start3A_1959 = tpu.memref_slice %arg6[%add3A_1952, %dma_start3A_1958] : memref<80x80xi32, #tpu.memory_space<vmem>> -> memref<1x80xi32, #tpu.memory_space<vmem>>
      %dma_start3A_1960 = tpu.memref_squeeze %dma_start3A_1959 : memref<1x80xi32, #tpu.memory_space<vmem>> -> memref<80xi32, #tpu.memory_space<vmem>>
      %dma_start3A_1961 = arith.constant 0 : i32
      %dma_start3A_1962 = arith.constant 0 : i32
      %dma_start3A_1963 = tpu.memref_slice %arg5[%dma_start3A_1961, %dma_start3A_1962] : memref<9088x128xf32, #tpu.memory_space<vmem_shared>> -> memref<9088x128xf32, #tpu.memory_space<vmem_shared>>
      tpu.enqueue_indirect_dma source(%dma_start3A_1963 : memref<9088x128xf32, #tpu.memory_space<vmem_shared>>) target(%dma_start3A_1957 : memref<80x128xf32, #tpu.memory_space<vmem>>) offsets(%dma_start3A_1960 : memref<80xi32, #tpu.memory_space<vmem>>) semaphore(%arg11 : memref<!tpu.dma_semaphore, #tpu.memory_space<semaphore_mem>>)
      %add3A_1964 = arith.constant 160 : i32
      %add3A_1965 = arith.addi %add3A_1964, %add3A_1920 : i32
      %mul3A_1966 = arith.constant 80 : i32
      %mul3A_1967 = arith.muli %add3A_1965, %mul3A_1966 : i32
      %add3A_1968 = arith.addi %mul3A_2, %mul3A_1967 : i32
      %dma_start3A_1969 = arith.constant 1 : i32
      %dma_start3A_1970 = arith.constant 0 : i32
      %dma_start3A_1971 = arith.constant 0 : i32
      %dma_start3A_1972 = tpu.memref_slice %arg7[%dma_start3A_1969, %dma_start3A_1970, %dma_start3A_1971] : memref<4x80x128xf32, #tpu.memory_space<vmem>> -> memref<1x80x128xf32, #tpu.memory_space<vmem>>
      %dma_start3A_1973 = tpu.memref_squeeze %dma_start3A_1972 : memref<1x80x128xf32, #tpu.memory_space<vmem>> -> memref<80x128xf32, #tpu.memory_space<vmem>>
      %dma_start3A_1974 = arith.constant 0 : i32
      %dma_start3A_1975 = tpu.memref_slice %arg4[%add3A_1968, %dma_start3A_1974] : memref<819200x128xf32, #tpu.memory_space<hbm>> -> memref<80x128xf32, #tpu.memory_space<hbm>>
      %dma_start3A_1976 = arith.constant 0 : i32
      %dma_start3A_1977 = tpu.memref_slice %arg4[%add3A_1968, %dma_start3A_1976] : memref<819200x128xf32, #tpu.memory_space<hbm>> -> memref<80x128xf32, #tpu.memory_space<hbm>>
      %dma_start3A_1978 = arith.constant 0 : i32
      %dma_start3A_1979 = arith.constant 0 : i32
      %dma_start3A_1980 = tpu.memref_slice %arg7[%dma_start3A_1969, %dma_start3A_1978, %dma_start3A_1979] : memref<4x80x128xf32, #tpu.memory_space<vmem>> -> memref<1x80x128xf32, #tpu.memory_space<vmem>>
      %dma_start3A_1981 = tpu.memref_squeeze %dma_start3A_1980 : memref<1x80x128xf32, #tpu.memory_space<vmem>> -> memref<80x128xf32, #tpu.memory_space<vmem>>
      tpu.enqueue_dma source(%dma_start3A_1981 : memref<80x128xf32, #tpu.memory_space<vmem>>) target(%dma_start3A_1977 : memref<80x128xf32, #tpu.memory_space<hbm>>) target_semaphore(%arg13 : memref<!tpu.dma_semaphore, #tpu.memory_space<semaphore_mem>>)
      %add3A_1982 = arith.constant 2 : i32
      %add3A_1983 = arith.addi %add3A_1855, %add3A_1982 : i32
      %dma_wait3A_1984 = arith.constant 2 : i32
      %dma_wait3A_1985 = arith.constant 0 : i32
      %dma_wait3A_1986 = arith.constant 0 : i32
      %dma_wait3A_1987 = tpu.memref_slice %arg7[%dma_wait3A_1984, %dma_wait3A_1985, %dma_wait3A_1986] : memref<4x80x128xf32, #tpu.memory_space<vmem>> -> memref<1x80x128xf32, #tpu.memory_space<vmem>>
      %dma_wait3A_1988 = tpu.memref_squeeze %dma_wait3A_1987 : memref<1x80x128xf32, #tpu.memory_space<vmem>> -> memref<80x128xf32, #tpu.memory_space<vmem>>
      %dma_wait3A_1989 = arith.constant 0 : i32
      %dma_wait3A_1990 = arith.constant 0 : i32
      %dma_wait3A_1991 = tpu.memref_slice %arg2[%dma_wait3A_1989, %dma_wait3A_1990] : memref<9088x128xf32, #tpu.memory_space<hbm>> -> memref<80x128xf32, #tpu.memory_space<hbm>>
      %dma_wait3A_1992 = arith.constant 0 : i32
      %dma_wait3A_1993 = arith.constant 0 : i32
      %dma_wait3A_1994 = tpu.memref_slice %arg7[%dma_wait3A_1984, %dma_wait3A_1992, %dma_wait3A_1993] : memref<4x80x128xf32, #tpu.memory_space<vmem>> -> memref<1x80x128xf32, #tpu.memory_space<vmem>>
      %dma_wait3A_1995 = tpu.memref_squeeze %dma_wait3A_1994 : memref<1x80x128xf32, #tpu.memory_space<vmem>> -> memref<80x128xf32, #tpu.memory_space<vmem>>
      %dma_wait3A_1996 = arith.constant 0 : i32
      %dma_wait3A_1997 = arith.constant 0 : i32
      %dma_wait3A_1998 = tpu.memref_slice %arg2[%dma_wait3A_1996, %dma_wait3A_1997] : memref<9088x128xf32, #tpu.memory_space<hbm>> -> memref<80x128xf32, #tpu.memory_space<hbm>>
      tpu.wait_dma2 semaphore(%arg10 : memref<!tpu.dma_semaphore, #tpu.memory_space<semaphore_mem>>) src(%dma_wait3A_1998 : memref<80x128xf32, #tpu.memory_space<hbm>>) dst(%dma_wait3A_1995 : memref<80x128xf32, #tpu.memory_space<vmem>>)
      %dma_wait3A_1999 = arith.constant 0 : i32
      %dma_wait3A_2000 = arith.constant 0 : i32
      %dma_wait3A_2001 = arith.constant 0 : i32
      %dma_wait3A_2002 = tpu.memref_slice %arg7[%dma_wait3A_1999, %dma_wait3A_2000, %dma_wait3A_2001] : memref<4x80x128xf32, #tpu.memory_space<vmem>> -> memref<1x80x128xf32, #tpu.memory_space<vmem>>
      %dma_wait3A_2003 = tpu.memref_squeeze %dma_wait3A_2002 : memref<1x80x128xf32, #tpu.memory_space<vmem>> -> memref<80x128xf32, #tpu.memory_space<vmem>>
      %dma_wait3A_2004 = arith.constant 0 : i32
      %dma_wait3A_2005 = arith.constant 0 : i32
      %dma_wait3A_2006 = tpu.memref_slice %arg4[%dma_wait3A_2004, %dma_wait3A_2005] : memref<819200x128xf32, #tpu.memory_space<hbm>> -> memref<80x128xf32, #tpu.memory_space<hbm>>
      %dma_wait3A_2007 = arith.constant 0 : i32
      %dma_wait3A_2008 = arith.constant 0 : i32
      %dma_wait3A_2009 = tpu.memref_slice %arg4[%dma_wait3A_2007, %dma_wait3A_2008] : memref<819200x128xf32, #tpu.memory_space<hbm>> -> memref<80x128xf32, #tpu.memory_space<hbm>>
      %dma_wait3A_2010 = arith.constant 0 : i32
      %dma_wait3A_2011 = arith.constant 0 : i32
      %dma_wait3A_2012 = tpu.memref_slice %arg7[%dma_wait3A_1999, %dma_wait3A_2010, %dma_wait3A_2011] : memref<4x80x128xf32, #tpu.memory_space<vmem>> -> memref<1x80x128xf32, #tpu.memory_space<vmem>>
      %dma_wait3A_2013 = tpu.memref_squeeze %dma_wait3A_2012 : memref<1x80x128xf32, #tpu.memory_space<vmem>> -> memref<80x128xf32, #tpu.memory_space<vmem>>
      tpu.wait_dma2 semaphore(%arg12 : memref<!tpu.dma_semaphore, #tpu.memory_space<semaphore_mem>>) src(%dma_wait3A_2013 : memref<80x128xf32, #tpu.memory_space<vmem>>) dst(%dma_wait3A_2009 : memref<80x128xf32, #tpu.memory_space<hbm>>)
      %add3A_2014 = arith.constant 2 : i32
      %add3A_2015 = arith.addi %add3A_1983, %add3A_2014 : i32
      %dma_start3A_2016 = arith.constant 0 : i32
      %dma_start3A_2017 = arith.constant 0 : i32
      %dma_start3A_2018 = arith.constant 0 : i32
      %dma_start3A_2019 = tpu.memref_slice %arg7[%dma_start3A_2016, %dma_start3A_2017, %dma_start3A_2018] : memref<4x80x128xf32, #tpu.memory_space<vmem>> -> memref<1x80x128xf32, #tpu.memory_space<vmem>>
      %dma_start3A_2020 = tpu.memref_squeeze %dma_start3A_2019 : memref<1x80x128xf32, #tpu.memory_space<vmem>> -> memref<80x128xf32, #tpu.memory_space<vmem>>
      %dma_start3A_2021 = arith.constant 0 : i32
      %dma_start3A_2022 = tpu.memref_slice %arg6[%add3A_2015, %dma_start3A_2021] : memref<80x80xi32, #tpu.memory_space<vmem>> -> memref<1x80xi32, #tpu.memory_space<vmem>>
      %dma_start3A_2023 = tpu.memref_squeeze %dma_start3A_2022 : memref<1x80xi32, #tpu.memory_space<vmem>> -> memref<80xi32, #tpu.memory_space<vmem>>
      %dma_start3A_2024 = arith.constant 0 : i32
      %dma_start3A_2025 = arith.constant 0 : i32
      %dma_start3A_2026 = tpu.memref_slice %arg5[%dma_start3A_2024, %dma_start3A_2025] : memref<9088x128xf32, #tpu.memory_space<vmem_shared>> -> memref<9088x128xf32, #tpu.memory_space<vmem_shared>>
      tpu.enqueue_indirect_dma source(%dma_start3A_2026 : memref<9088x128xf32, #tpu.memory_space<vmem_shared>>) target(%dma_start3A_2020 : memref<80x128xf32, #tpu.memory_space<vmem>>) offsets(%dma_start3A_2023 : memref<80xi32, #tpu.memory_space<vmem>>) semaphore(%arg8 : memref<!tpu.dma_semaphore, #tpu.memory_space<semaphore_mem>>)
      %add3A_2027 = arith.constant 160 : i32
      %add3A_2028 = arith.addi %add3A_2027, %add3A_1983 : i32
      %mul3A_2029 = arith.constant 80 : i32
      %mul3A_2030 = arith.muli %add3A_2028, %mul3A_2029 : i32
      %add3A_2031 = arith.addi %mul3A_2, %mul3A_2030 : i32
      %dma_start3A_2032 = arith.constant 2 : i32
      %dma_start3A_2033 = arith.constant 0 : i32
      %dma_start3A_2034 = arith.constant 0 : i32
      %dma_start3A_2035 = tpu.memref_slice %arg7[%dma_start3A_2032, %dma_start3A_2033, %dma_start3A_2034] : memref<4x80x128xf32, #tpu.memory_space<vmem>> -> memref<1x80x128xf32, #tpu.memory_space<vmem>>
      %dma_start3A_2036 = tpu.memref_squeeze %dma_start3A_2035 : memref<1x80x128xf32, #tpu.memory_space<vmem>> -> memref<80x128xf32, #tpu.memory_space<vmem>>
      %dma_start3A_2037 = arith.constant 0 : i32
      %dma_start3A_2038 = tpu.memref_slice %arg4[%add3A_2031, %dma_start3A_2037] : memref<819200x128xf32, #tpu.memory_space<hbm>> -> memref<80x128xf32, #tpu.memory_space<hbm>>
      %dma_start3A_2039 = arith.constant 0 : i32
      %dma_start3A_2040 = tpu.memref_slice %arg4[%add3A_2031, %dma_start3A_2039] : memref<819200x128xf32, #tpu.memory_space<hbm>> -> memref<80x128xf32, #tpu.memory_space<hbm>>
      %dma_start3A_2041 = arith.constant 0 : i32
      %dma_start3A_2042 = arith.constant 0 : i32
      %dma_start3A_2043 = tpu.memref_slice %arg7[%dma_start3A_2032, %dma_start3A_2041, %dma_start3A_2042] : memref<4x80x128xf32, #tpu.memory_space<vmem>> -> memref<1x80x128xf32, #tpu.memory_space<vmem>>
      %dma_start3A_2044 = tpu.memref_squeeze %dma_start3A_2043 : memref<1x80x128xf32, #tpu.memory_space<vmem>> -> memref<80x128xf32, #tpu.memory_space<vmem>>
      tpu.enqueue_dma source(%dma_start3A_2044 : memref<80x128xf32, #tpu.memory_space<vmem>>) target(%dma_start3A_2040 : memref<80x128xf32, #tpu.memory_space<hbm>>) target_semaphore(%arg14 : memref<!tpu.dma_semaphore, #tpu.memory_space<semaphore_mem>>)
      %add3A_2045 = arith.constant 3 : i32
      %add3A_2046 = arith.addi %add3A_1855, %add3A_2045 : i32
      %dma_wait3A_2047 = arith.constant 3 : i32
      %dma_wait3A_2048 = arith.constant 0 : i32
      %dma_wait3A_2049 = arith.constant 0 : i32
      %dma_wait3A_2050 = tpu.memref_slice %arg7[%dma_wait3A_2047, %dma_wait3A_2048, %dma_wait3A_2049] : memref<4x80x128xf32, #tpu.memory_space<vmem>> -> memref<1x80x128xf32, #tpu.memory_space<vmem>>
      %dma_wait3A_2051 = tpu.memref_squeeze %dma_wait3A_2050 : memref<1x80x128xf32, #tpu.memory_space<vmem>> -> memref<80x128xf32, #tpu.memory_space<vmem>>
      %dma_wait3A_2052 = arith.constant 0 : i32
      %dma_wait3A_2053 = arith.constant 0 : i32
      %dma_wait3A_2054 = tpu.memref_slice %arg2[%dma_wait3A_2052, %dma_wait3A_2053] : memref<9088x128xf32, #tpu.memory_space<hbm>> -> memref<80x128xf32, #tpu.memory_space<hbm>>
      %dma_wait3A_2055 = arith.constant 0 : i32
      %dma_wait3A_2056 = arith.constant 0 : i32
      %dma_wait3A_2057 = tpu.memref_slice %arg7[%dma_wait3A_2047, %dma_wait3A_2055, %dma_wait3A_2056] : memref<4x80x128xf32, #tpu.memory_space<vmem>> -> memref<1x80x128xf32, #tpu.memory_space<vmem>>
      %dma_wait3A_2058 = tpu.memref_squeeze %dma_wait3A_2057 : memref<1x80x128xf32, #tpu.memory_space<vmem>> -> memref<80x128xf32, #tpu.memory_space<vmem>>
      %dma_wait3A_2059 = arith.constant 0 : i32
      %dma_wait3A_2060 = arith.constant 0 : i32
      %dma_wait3A_2061 = tpu.memref_slice %arg2[%dma_wait3A_2059, %dma_wait3A_2060] : memref<9088x128xf32, #tpu.memory_space<hbm>> -> memref<80x128xf32, #tpu.memory_space<hbm>>
      tpu.wait_dma2 semaphore(%arg11 : memref<!tpu.dma_semaphore, #tpu.memory_space<semaphore_mem>>) src(%dma_wait3A_2061 : memref<80x128xf32, #tpu.memory_space<hbm>>) dst(%dma_wait3A_2058 : memref<80x128xf32, #tpu.memory_space<vmem>>)
      %dma_wait3A_2062 = arith.constant 1 : i32
      %dma_wait3A_2063 = arith.constant 0 : i32
      %dma_wait3A_2064 = arith.constant 0 : i32
      %dma_wait3A_2065 = tpu.memref_slice %arg7[%dma_wait3A_2062, %dma_wait3A_2063, %dma_wait3A_2064] : memref<4x80x128xf32, #tpu.memory_space<vmem>> -> memref<1x80x128xf32, #tpu.memory_space<vmem>>
      %dma_wait3A_2066 = tpu.memref_squeeze %dma_wait3A_2065 : memref<1x80x128xf32, #tpu.memory_space<vmem>> -> memref<80x128xf32, #tpu.memory_space<vmem>>
      %dma_wait3A_2067 = arith.constant 0 : i32
      %dma_wait3A_2068 = arith.constant 0 : i32
      %dma_wait3A_2069 = tpu.memref_slice %arg4[%dma_wait3A_2067, %dma_wait3A_2068] : memref<819200x128xf32, #tpu.memory_space<hbm>> -> memref<80x128xf32, #tpu.memory_space<hbm>>
      %dma_wait3A_2070 = arith.constant 0 : i32
      %dma_wait3A_2071 = arith.constant 0 : i32
      %dma_wait3A_2072 = tpu.memref_slice %arg4[%dma_wait3A_2070, %dma_wait3A_2071] : memref<819200x128xf32, #tpu.memory_space<hbm>> -> memref<80x128xf32, #tpu.memory_space<hbm>>
      %dma_wait3A_2073 = arith.constant 0 : i32
      %dma_wait3A_2074 = arith.constant 0 : i32
      %dma_wait3A_2075 = tpu.memref_slice %arg7[%dma_wait3A_2062, %dma_wait3A_2073, %dma_wait3A_2074] : memref<4x80x128xf32, #tpu.memory_space<vmem>> -> memref<1x80x128xf32, #tpu.memory_space<vmem>>
      %dma_wait3A_2076 = tpu.memref_squeeze %dma_wait3A_2075 : memref<1x80x128xf32, #tpu.memory_space<vmem>> -> memref<80x128xf32, #tpu.memory_space<vmem>>
      tpu.wait_dma2 semaphore(%arg13 : memref<!tpu.dma_semaphore, #tpu.memory_space<semaphore_mem>>) src(%dma_wait3A_2076 : memref<80x128xf32, #tpu.memory_space<vmem>>) dst(%dma_wait3A_2072 : memref<80x128xf32, #tpu.memory_space<hbm>>)
      %add3A_2077 = arith.constant 2 : i32
      %add3A_2078 = arith.addi %add3A_2046, %add3A_2077 : i32
      %dma_start3A_2079 = arith.constant 1 : i32
      %dma_start3A_2080 = arith.constant 0 : i32
      %dma_start3A_2081 = arith.constant 0 : i32
      %dma_start3A_2082 = tpu.memref_slice %arg7[%dma_start3A_2079, %dma_start3A_2080, %dma_start3A_2081] : memref<4x80x128xf32, #tpu.memory_space<vmem>> -> memref<1x80x128xf32, #tpu.memory_space<vmem>>
      %dma_start3A_2083 = tpu.memref_squeeze %dma_start3A_2082 : memref<1x80x128xf32, #tpu.memory_space<vmem>> -> memref<80x128xf32, #tpu.memory_space<vmem>>
      %dma_start3A_2084 = arith.constant 0 : i32
      %dma_start3A_2085 = tpu.memref_slice %arg6[%add3A_2078, %dma_start3A_2084] : memref<80x80xi32, #tpu.memory_space<vmem>> -> memref<1x80xi32, #tpu.memory_space<vmem>>
      %dma_start3A_2086 = tpu.memref_squeeze %dma_start3A_2085 : memref<1x80xi32, #tpu.memory_space<vmem>> -> memref<80xi32, #tpu.memory_space<vmem>>
      %dma_start3A_2087 = arith.constant 0 : i32
      %dma_start3A_2088 = arith.constant 0 : i32
      %dma_start3A_2089 = tpu.memref_slice %arg5[%dma_start3A_2087, %dma_start3A_2088] : memref<9088x128xf32, #tpu.memory_space<vmem_shared>> -> memref<9088x128xf32, #tpu.memory_space<vmem_shared>>
      tpu.enqueue_indirect_dma source(%dma_start3A_2089 : memref<9088x128xf32, #tpu.memory_space<vmem_shared>>) target(%dma_start3A_2083 : memref<80x128xf32, #tpu.memory_space<vmem>>) offsets(%dma_start3A_2086 : memref<80xi32, #tpu.memory_space<vmem>>) semaphore(%arg9 : memref<!tpu.dma_semaphore, #tpu.memory_space<semaphore_mem>>)
      %add3A_2090 = arith.constant 160 : i32
      %add3A_2091 = arith.addi %add3A_2090, %add3A_2046 : i32
      %mul3A_2092 = arith.constant 80 : i32
      %mul3A_2093 = arith.muli %add3A_2091, %mul3A_2092 : i32
      %add3A_2094 = arith.addi %mul3A_2, %mul3A_2093 : i32
      %dma_start3A_2095 = arith.constant 3 : i32
      %dma_start3A_2096 = arith.constant 0 : i32
      %dma_start3A_2097 = arith.constant 0 : i32
      %dma_start3A_2098 = tpu.memref_slice %arg7[%dma_start3A_2095, %dma_start3A_2096, %dma_start3A_2097] : memref<4x80x128xf32, #tpu.memory_space<vmem>> -> memref<1x80x128xf32, #tpu.memory_space<vmem>>
      %dma_start3A_2099 = tpu.memref_squeeze %dma_start3A_2098 : memref<1x80x128xf32, #tpu.memory_space<vmem>> -> memref<80x128xf32, #tpu.memory_space<vmem>>
      %dma_start3A_2100 = arith.constant 0 : i32
      %dma_start3A_2101 = tpu.memref_slice %arg4[%add3A_2094, %dma_start3A_2100] : memref<819200x128xf32, #tpu.memory_space<hbm>> -> memref<80x128xf32, #tpu.memory_space<hbm>>
      %dma_start3A_2102 = arith.constant 0 : i32
      %dma_start3A_2103 = tpu.memref_slice %arg4[%add3A_2094, %dma_start3A_2102] : memref<819200x128xf32, #tpu.memory_space<hbm>> -> memref<80x128xf32, #tpu.memory_space<hbm>>
      %dma_start3A_2104 = arith.constant 0 : i32
      %dma_start3A_2105 = arith.constant 0 : i32
      %dma_start3A_2106 = tpu.memref_slice %arg7[%dma_start3A_2095, %dma_start3A_2104, %dma_start3A_2105] : memref<4x80x128xf32, #tpu.memory_space<vmem>> -> memref<1x80x128xf32, #tpu.memory_space<vmem>>
      %dma_start3A_2107 = tpu.memref_squeeze %dma_start3A_2106 : memref<1x80x128xf32, #tpu.memory_space<vmem>> -> memref<80x128xf32, #tpu.memory_space<vmem>>
      tpu.enqueue_dma source(%dma_start3A_2107 : memref<80x128xf32, #tpu.memory_space<vmem>>) target(%dma_start3A_2103 : memref<80x128xf32, #tpu.memory_space<hbm>>) target_semaphore(%arg15 : memref<!tpu.dma_semaphore, #tpu.memory_space<semaphore_mem>>)
    }
    %scan3A_1154 = arith.constant 18 : i32
    %dma_wait3A_1155 = arith.constant 0 : i32
    %dma_wait3A_1156 = arith.constant 0 : i32
    %dma_wait3A_1157 = arith.constant 0 : i32
    %dma_wait3A_1158 = tpu.memref_slice %arg7[%dma_wait3A_1155, %dma_wait3A_1156, %dma_wait3A_1157] : memref<4x80x128xf32, #tpu.memory_space<vmem>> -> memref<1x80x128xf32, #tpu.memory_space<vmem>>
    %dma_wait3A_1159 = tpu.memref_squeeze %dma_wait3A_1158 : memref<1x80x128xf32, #tpu.memory_space<vmem>> -> memref<80x128xf32, #tpu.memory_space<vmem>>
    %dma_wait3A_1160 = arith.constant 0 : i32
    %dma_wait3A_1161 = arith.constant 0 : i32
    %dma_wait3A_1162 = tpu.memref_slice %arg2[%dma_wait3A_1160, %dma_wait3A_1161] : memref<9088x128xf32, #tpu.memory_space<hbm>> -> memref<80x128xf32, #tpu.memory_space<hbm>>
    %dma_wait3A_1163 = arith.constant 0 : i32
    %dma_wait3A_1164 = arith.constant 0 : i32
    %dma_wait3A_1165 = tpu.memref_slice %arg7[%dma_wait3A_1155, %dma_wait3A_1163, %dma_wait3A_1164] : memref<4x80x128xf32, #tpu.memory_space<vmem>> -> memref<1x80x128xf32, #tpu.memory_space<vmem>>
    %dma_wait3A_1166 = tpu.memref_squeeze %dma_wait3A_1165 : memref<1x80x128xf32, #tpu.memory_space<vmem>> -> memref<80x128xf32, #tpu.memory_space<vmem>>
    %dma_wait3A_1167 = arith.constant 0 : i32
    %dma_wait3A_1168 = arith.constant 0 : i32
    %dma_wait3A_1169 = tpu.memref_slice %arg2[%dma_wait3A_1167, %dma_wait3A_1168] : memref<9088x128xf32, #tpu.memory_space<hbm>> -> memref<80x128xf32, #tpu.memory_space<hbm>>
    tpu.wait_dma2 semaphore(%arg8 : memref<!tpu.dma_semaphore, #tpu.memory_space<semaphore_mem>>) src(%dma_wait3A_1169 : memref<80x128xf32, #tpu.memory_space<hbm>>) dst(%dma_wait3A_1166 : memref<80x128xf32, #tpu.memory_space<vmem>>)
    %add3A_1170 = arith.constant 18880 : i32
    %add3A_1171 = arith.addi %mul3A_2, %add3A_1170 : i32
    %dma_start3A_1172 = arith.constant 0 : i32
    %dma_start3A_1173 = arith.constant 0 : i32
    %dma_start3A_1174 = arith.constant 0 : i32
    %dma_start3A_1175 = tpu.memref_slice %arg7[%dma_start3A_1172, %dma_start3A_1173, %dma_start3A_1174] : memref<4x80x128xf32, #tpu.memory_space<vmem>> -> memref<1x80x128xf32, #tpu.memory_space<vmem>>
    %dma_start3A_1176 = tpu.memref_squeeze %dma_start3A_1175 : memref<1x80x128xf32, #tpu.memory_space<vmem>> -> memref<80x128xf32, #tpu.memory_space<vmem>>
    %dma_start3A_1177 = arith.constant 0 : i32
    %dma_start3A_1178 = tpu.memref_slice %arg4[%add3A_1171, %dma_start3A_1177] : memref<819200x128xf32, #tpu.memory_space<hbm>> -> memref<80x128xf32, #tpu.memory_space<hbm>>
    %dma_start3A_1179 = arith.constant 0 : i32
    %dma_start3A_1180 = tpu.memref_slice %arg4[%add3A_1171, %dma_start3A_1179] : memref<819200x128xf32, #tpu.memory_space<hbm>> -> memref<80x128xf32, #tpu.memory_space<hbm>>
    %dma_start3A_1181 = arith.constant 0 : i32
    %dma_start3A_1182 = arith.constant 0 : i32
    %dma_start3A_1183 = tpu.memref_slice %arg7[%dma_start3A_1172, %dma_start3A_1181, %dma_start3A_1182] : memref<4x80x128xf32, #tpu.memory_space<vmem>> -> memref<1x80x128xf32, #tpu.memory_space<vmem>>
    %dma_start3A_1184 = tpu.memref_squeeze %dma_start3A_1183 : memref<1x80x128xf32, #tpu.memory_space<vmem>> -> memref<80x128xf32, #tpu.memory_space<vmem>>
    tpu.enqueue_dma source(%dma_start3A_1184 : memref<80x128xf32, #tpu.memory_space<vmem>>) target(%dma_start3A_1180 : memref<80x128xf32, #tpu.memory_space<hbm>>) target_semaphore(%arg12 : memref<!tpu.dma_semaphore, #tpu.memory_space<semaphore_mem>>)
    %dma_wait3A_1185 = arith.constant 2 : i32
    %dma_wait3A_1186 = arith.constant 0 : i32
    %dma_wait3A_1187 = arith.constant 0 : i32
    %dma_wait3A_1188 = tpu.memref_slice %arg7[%dma_wait3A_1185, %dma_wait3A_1186, %dma_wait3A_1187] : memref<4x80x128xf32, #tpu.memory_space<vmem>> -> memref<1x80x128xf32, #tpu.memory_space<vmem>>
    %dma_wait3A_1189 = tpu.memref_squeeze %dma_wait3A_1188 : memref<1x80x128xf32, #tpu.memory_space<vmem>> -> memref<80x128xf32, #tpu.memory_space<vmem>>
    %dma_wait3A_1190 = arith.constant 0 : i32
    %dma_wait3A_1191 = arith.constant 0 : i32
    %dma_wait3A_1192 = tpu.memref_slice %arg4[%dma_wait3A_1190, %dma_wait3A_1191] : memref<819200x128xf32, #tpu.memory_space<hbm>> -> memref<80x128xf32, #tpu.memory_space<hbm>>
    %dma_wait3A_1193 = arith.constant 0 : i32
    %dma_wait3A_1194 = arith.constant 0 : i32
    %dma_wait3A_1195 = tpu.memref_slice %arg4[%dma_wait3A_1193, %dma_wait3A_1194] : memref<819200x128xf32, #tpu.memory_space<hbm>> -> memref<80x128xf32, #tpu.memory_space<hbm>>
    %dma_wait3A_1196 = arith.constant 0 : i32
    %dma_wait3A_1197 = arith.constant 0 : i32
    %dma_wait3A_1198 = tpu.memref_slice %arg7[%dma_wait3A_1185, %dma_wait3A_1196, %dma_wait3A_1197] : memref<4x80x128xf32, #tpu.memory_space<vmem>> -> memref<1x80x128xf32, #tpu.memory_space<vmem>>
    %dma_wait3A_1199 = tpu.memref_squeeze %dma_wait3A_1198 : memref<1x80x128xf32, #tpu.memory_space<vmem>> -> memref<80x128xf32, #tpu.memory_space<vmem>>
    tpu.wait_dma2 semaphore(%arg14 : memref<!tpu.dma_semaphore, #tpu.memory_space<semaphore_mem>>) src(%dma_wait3A_1199 : memref<80x128xf32, #tpu.memory_space<vmem>>) dst(%dma_wait3A_1195 : memref<80x128xf32, #tpu.memory_space<hbm>>)
    %dma_start3A_1200 = arith.constant 78 : i32
    %dma_start3A_1201 = arith.constant 2 : i32
    %dma_start3A_1202 = arith.constant 0 : i32
    %dma_start3A_1203 = arith.constant 0 : i32
    %dma_start3A_1204 = tpu.memref_slice %arg7[%dma_start3A_1201, %dma_start3A_1202, %dma_start3A_1203] : memref<4x80x128xf32, #tpu.memory_space<vmem>> -> memref<1x80x128xf32, #tpu.memory_space<vmem>>
    %dma_start3A_1205 = tpu.memref_squeeze %dma_start3A_1204 : memref<1x80x128xf32, #tpu.memory_space<vmem>> -> memref<80x128xf32, #tpu.memory_space<vmem>>
    %dma_start3A_1206 = arith.constant 0 : i32
    %dma_start3A_1207 = tpu.memref_slice %arg6[%dma_start3A_1200, %dma_start3A_1206] : memref<80x80xi32, #tpu.memory_space<vmem>> -> memref<1x80xi32, #tpu.memory_space<vmem>>
    %dma_start3A_1208 = tpu.memref_squeeze %dma_start3A_1207 : memref<1x80xi32, #tpu.memory_space<vmem>> -> memref<80xi32, #tpu.memory_space<vmem>>
    %dma_start3A_1209 = arith.constant 0 : i32
    %dma_start3A_1210 = arith.constant 0 : i32
    %dma_start3A_1211 = tpu.memref_slice %arg5[%dma_start3A_1209, %dma_start3A_1210] : memref<9088x128xf32, #tpu.memory_space<vmem_shared>> -> memref<9088x128xf32, #tpu.memory_space<vmem_shared>>
    tpu.enqueue_indirect_dma source(%dma_start3A_1211 : memref<9088x128xf32, #tpu.memory_space<vmem_shared>>) target(%dma_start3A_1205 : memref<80x128xf32, #tpu.memory_space<vmem>>) offsets(%dma_start3A_1208 : memref<80xi32, #tpu.memory_space<vmem>>) semaphore(%arg10 : memref<!tpu.dma_semaphore, #tpu.memory_space<semaphore_mem>>)
    %dma_wait3A_1212 = arith.constant 1 : i32
    %dma_wait3A_1213 = arith.constant 0 : i32
    %dma_wait3A_1214 = arith.constant 0 : i32
    %dma_wait3A_1215 = tpu.memref_slice %arg7[%dma_wait3A_1212, %dma_wait3A_1213, %dma_wait3A_1214] : memref<4x80x128xf32, #tpu.memory_space<vmem>> -> memref<1x80x128xf32, #tpu.memory_space<vmem>>
    %dma_wait3A_1216 = tpu.memref_squeeze %dma_wait3A_1215 : memref<1x80x128xf32, #tpu.memory_space<vmem>> -> memref<80x128xf32, #tpu.memory_space<vmem>>
    %dma_wait3A_1217 = arith.constant 0 : i32
    %dma_wait3A_1218 = arith.constant 0 : i32
    %dma_wait3A_1219 = tpu.memref_slice %arg2[%dma_wait3A_1217, %dma_wait3A_1218] : memref<9088x128xf32, #tpu.memory_space<hbm>> -> memref<80x128xf32, #tpu.memory_space<hbm>>
    %dma_wait3A_1220 = arith.constant 0 : i32
    %dma_wait3A_1221 = arith.constant 0 : i32
    %dma_wait3A_1222 = tpu.memref_slice %arg7[%dma_wait3A_1212, %dma_wait3A_1220, %dma_wait3A_1221] : memref<4x80x128xf32, #tpu.memory_space<vmem>> -> memref<1x80x128xf32, #tpu.memory_space<vmem>>
    %dma_wait3A_1223 = tpu.memref_squeeze %dma_wait3A_1222 : memref<1x80x128xf32, #tpu.memory_space<vmem>> -> memref<80x128xf32, #tpu.memory_space<vmem>>
    %dma_wait3A_1224 = arith.constant 0 : i32
    %dma_wait3A_1225 = arith.constant 0 : i32
    %dma_wait3A_1226 = tpu.memref_slice %arg2[%dma_wait3A_1224, %dma_wait3A_1225] : memref<9088x128xf32, #tpu.memory_space<hbm>> -> memref<80x128xf32, #tpu.memory_space<hbm>>
    tpu.wait_dma2 semaphore(%arg9 : memref<!tpu.dma_semaphore, #tpu.memory_space<semaphore_mem>>) src(%dma_wait3A_1226 : memref<80x128xf32, #tpu.memory_space<hbm>>) dst(%dma_wait3A_1223 : memref<80x128xf32, #tpu.memory_space<vmem>>)
    %add3A_1227 = arith.constant 18960 : i32
    %add3A_1228 = arith.addi %mul3A_2, %add3A_1227 : i32
    %dma_start3A_1229 = arith.constant 1 : i32
    %dma_start3A_1230 = arith.constant 0 : i32
    %dma_start3A_1231 = arith.constant 0 : i32
    %dma_start3A_1232 = tpu.memref_slice %arg7[%dma_start3A_1229, %dma_start3A_1230, %dma_start3A_1231] : memref<4x80x128xf32, #tpu.memory_space<vmem>> -> memref<1x80x128xf32, #tpu.memory_space<vmem>>
    %dma_start3A_1233 = tpu.memref_squeeze %dma_start3A_1232 : memref<1x80x128xf32, #tpu.memory_space<vmem>> -> memref<80x128xf32, #tpu.memory_space<vmem>>
    %dma_start3A_1234 = arith.constant 0 : i32
    %dma_start3A_1235 = tpu.memref_slice %arg4[%add3A_1228, %dma_start3A_1234] : memref<819200x128xf32, #tpu.memory_space<hbm>> -> memref<80x128xf32, #tpu.memory_space<hbm>>
    %dma_start3A_1236 = arith.constant 0 : i32
    %dma_start3A_1237 = tpu.memref_slice %arg4[%add3A_1228, %dma_start3A_1236] : memref<819200x128xf32, #tpu.memory_space<hbm>> -> memref<80x128xf32, #tpu.memory_space<hbm>>
    %dma_start3A_1238 = arith.constant 0 : i32
    %dma_start3A_1239 = arith.constant 0 : i32
    %dma_start3A_1240 = tpu.memref_slice %arg7[%dma_start3A_1229, %dma_start3A_1238, %dma_start3A_1239] : memref<4x80x128xf32, #tpu.memory_space<vmem>> -> memref<1x80x128xf32, #tpu.memory_space<vmem>>
    %dma_start3A_1241 = tpu.memref_squeeze %dma_start3A_1240 : memref<1x80x128xf32, #tpu.memory_space<vmem>> -> memref<80x128xf32, #tpu.memory_space<vmem>>
    tpu.enqueue_dma source(%dma_start3A_1241 : memref<80x128xf32, #tpu.memory_space<vmem>>) target(%dma_start3A_1237 : memref<80x128xf32, #tpu.memory_space<hbm>>) target_semaphore(%arg13 : memref<!tpu.dma_semaphore, #tpu.memory_space<semaphore_mem>>)
    %dma_wait3A_1242 = arith.constant 3 : i32
    %dma_wait3A_1243 = arith.constant 0 : i32
    %dma_wait3A_1244 = arith.constant 0 : i32
    %dma_wait3A_1245 = tpu.memref_slice %arg7[%dma_wait3A_1242, %dma_wait3A_1243, %dma_wait3A_1244] : memref<4x80x128xf32, #tpu.memory_space<vmem>> -> memref<1x80x128xf32, #tpu.memory_space<vmem>>
    %dma_wait3A_1246 = tpu.memref_squeeze %dma_wait3A_1245 : memref<1x80x128xf32, #tpu.memory_space<vmem>> -> memref<80x128xf32, #tpu.memory_space<vmem>>
    %dma_wait3A_1247 = arith.constant 0 : i32
    %dma_wait3A_1248 = arith.constant 0 : i32
    %dma_wait3A_1249 = tpu.memref_slice %arg4[%dma_wait3A_1247, %dma_wait3A_1248] : memref<819200x128xf32, #tpu.memory_space<hbm>> -> memref<80x128xf32, #tpu.memory_space<hbm>>
    %dma_wait3A_1250 = arith.constant 0 : i32
    %dma_wait3A_1251 = arith.constant 0 : i32
    %dma_wait3A_1252 = tpu.memref_slice %arg4[%dma_wait3A_1250, %dma_wait3A_1251] : memref<819200x128xf32, #tpu.memory_space<hbm>> -> memref<80x128xf32, #tpu.memory_space<hbm>>
    %dma_wait3A_1253 = arith.constant 0 : i32
    %dma_wait3A_1254 = arith.constant 0 : i32
    %dma_wait3A_1255 = tpu.memref_slice %arg7[%dma_wait3A_1242, %dma_wait3A_1253, %dma_wait3A_1254] : memref<4x80x128xf32, #tpu.memory_space<vmem>> -> memref<1x80x128xf32, #tpu.memory_space<vmem>>
    %dma_wait3A_1256 = tpu.memref_squeeze %dma_wait3A_1255 : memref<1x80x128xf32, #tpu.memory_space<vmem>> -> memref<80x128xf32, #tpu.memory_space<vmem>>
    tpu.wait_dma2 semaphore(%arg15 : memref<!tpu.dma_semaphore, #tpu.memory_space<semaphore_mem>>) src(%dma_wait3A_1256 : memref<80x128xf32, #tpu.memory_space<vmem>>) dst(%dma_wait3A_1252 : memref<80x128xf32, #tpu.memory_space<hbm>>)
    %dma_start3A_1257 = arith.constant 79 : i32
    %dma_start3A_1258 = arith.constant 3 : i32
    %dma_start3A_1259 = arith.constant 0 : i32
    %dma_start3A_1260 = arith.constant 0 : i32
    %dma_start3A_1261 = tpu.memref_slice %arg7[%dma_start3A_1258, %dma_start3A_1259, %dma_start3A_1260] : memref<4x80x128xf32, #tpu.memory_space<vmem>> -> memref<1x80x128xf32, #tpu.memory_space<vmem>>
    %dma_start3A_1262 = tpu.memref_squeeze %dma_start3A_1261 : memref<1x80x128xf32, #tpu.memory_space<vmem>> -> memref<80x128xf32, #tpu.memory_space<vmem>>
    %dma_start3A_1263 = arith.constant 0 : i32
    %dma_start3A_1264 = tpu.memref_slice %arg6[%dma_start3A_1257, %dma_start3A_1263] : memref<80x80xi32, #tpu.memory_space<vmem>> -> memref<1x80xi32, #tpu.memory_space<vmem>>
    %dma_start3A_1265 = tpu.memref_squeeze %dma_start3A_1264 : memref<1x80xi32, #tpu.memory_space<vmem>> -> memref<80xi32, #tpu.memory_space<vmem>>
    %dma_start3A_1266 = arith.constant 0 : i32
    %dma_start3A_1267 = arith.constant 0 : i32
    %dma_start3A_1268 = tpu.memref_slice %arg5[%dma_start3A_1266, %dma_start3A_1267] : memref<9088x128xf32, #tpu.memory_space<vmem_shared>> -> memref<9088x128xf32, #tpu.memory_space<vmem_shared>>
    tpu.enqueue_indirect_dma source(%dma_start3A_1268 : memref<9088x128xf32, #tpu.memory_space<vmem_shared>>) target(%dma_start3A_1262 : memref<80x128xf32, #tpu.memory_space<vmem>>) offsets(%dma_start3A_1265 : memref<80xi32, #tpu.memory_space<vmem>>) semaphore(%arg11 : memref<!tpu.dma_semaphore, #tpu.memory_space<semaphore_mem>>)
    %dma_wait3A_1269 = arith.constant 2 : i32
    %dma_wait3A_1270 = arith.constant 0 : i32
    %dma_wait3A_1271 = arith.constant 0 : i32
    %dma_wait3A_1272 = tpu.memref_slice %arg7[%dma_wait3A_1269, %dma_wait3A_1270, %dma_wait3A_1271] : memref<4x80x128xf32, #tpu.memory_space<vmem>> -> memref<1x80x128xf32, #tpu.memory_space<vmem>>
    %dma_wait3A_1273 = tpu.memref_squeeze %dma_wait3A_1272 : memref<1x80x128xf32, #tpu.memory_space<vmem>> -> memref<80x128xf32, #tpu.memory_space<vmem>>
    %dma_wait3A_1274 = arith.constant 0 : i32
    %dma_wait3A_1275 = arith.constant 0 : i32
    %dma_wait3A_1276 = tpu.memref_slice %arg2[%dma_wait3A_1274, %dma_wait3A_1275] : memref<9088x128xf32, #tpu.memory_space<hbm>> -> memref<80x128xf32, #tpu.memory_space<hbm>>
    %dma_wait3A_1277 = arith.constant 0 : i32
    %dma_wait3A_1278 = arith.constant 0 : i32
    %dma_wait3A_1279 = tpu.memref_slice %arg7[%dma_wait3A_1269, %dma_wait3A_1277, %dma_wait3A_1278] : memref<4x80x128xf32, #tpu.memory_space<vmem>> -> memref<1x80x128xf32, #tpu.memory_space<vmem>>
    %dma_wait3A_1280 = tpu.memref_squeeze %dma_wait3A_1279 : memref<1x80x128xf32, #tpu.memory_space<vmem>> -> memref<80x128xf32, #tpu.memory_space<vmem>>
    %dma_wait3A_1281 = arith.constant 0 : i32
    %dma_wait3A_1282 = arith.constant 0 : i32
    %dma_wait3A_1283 = tpu.memref_slice %arg2[%dma_wait3A_1281, %dma_wait3A_1282] : memref<9088x128xf32, #tpu.memory_space<hbm>> -> memref<80x128xf32, #tpu.memory_space<hbm>>
    tpu.wait_dma2 semaphore(%arg10 : memref<!tpu.dma_semaphore, #tpu.memory_space<semaphore_mem>>) src(%dma_wait3A_1283 : memref<80x128xf32, #tpu.memory_space<hbm>>) dst(%dma_wait3A_1280 : memref<80x128xf32, #tpu.memory_space<vmem>>)
    %add3A_1284 = arith.constant 19040 : i32
    %add3A_1285 = arith.addi %mul3A_2, %add3A_1284 : i32
    %dma_start3A_1286 = arith.constant 2 : i32
    %dma_start3A_1287 = arith.constant 0 : i32
    %dma_start3A_1288 = arith.constant 0 : i32
    %dma_start3A_1289 = tpu.memref_slice %arg7[%dma_start3A_1286, %dma_start3A_1287, %dma_start3A_1288] : memref<4x80x128xf32, #tpu.memory_space<vmem>> -> memref<1x80x128xf32, #tpu.memory_space<vmem>>
    %dma_start3A_1290 = tpu.memref_squeeze %dma_start3A_1289 : memref<1x80x128xf32, #tpu.memory_space<vmem>> -> memref<80x128xf32, #tpu.memory_space<vmem>>
    %dma_start3A_1291 = arith.constant 0 : i32
    %dma_start3A_1292 = tpu.memref_slice %arg4[%add3A_1285, %dma_start3A_1291] : memref<819200x128xf32, #tpu.memory_space<hbm>> -> memref<80x128xf32, #tpu.memory_space<hbm>>
    %dma_start3A_1293 = arith.constant 0 : i32
    %dma_start3A_1294 = tpu.memref_slice %arg4[%add3A_1285, %dma_start3A_1293] : memref<819200x128xf32, #tpu.memory_space<hbm>> -> memref<80x128xf32, #tpu.memory_space<hbm>>
    %dma_start3A_1295 = arith.constant 0 : i32
    %dma_start3A_1296 = arith.constant 0 : i32
    %dma_start3A_1297 = tpu.memref_slice %arg7[%dma_start3A_1286, %dma_start3A_1295, %dma_start3A_1296] : memref<4x80x128xf32, #tpu.memory_space<vmem>> -> memref<1x80x128xf32, #tpu.memory_space<vmem>>
    %dma_start3A_1298 = tpu.memref_squeeze %dma_start3A_1297 : memref<1x80x128xf32, #tpu.memory_space<vmem>> -> memref<80x128xf32, #tpu.memory_space<vmem>>
    tpu.enqueue_dma source(%dma_start3A_1298 : memref<80x128xf32, #tpu.memory_space<vmem>>) target(%dma_start3A_1294 : memref<80x128xf32, #tpu.memory_space<hbm>>) target_semaphore(%arg14 : memref<!tpu.dma_semaphore, #tpu.memory_space<semaphore_mem>>)
    %dma_wait3A_1299 = arith.constant 3 : i32
    %dma_wait3A_1300 = arith.constant 0 : i32
    %dma_wait3A_1301 = arith.constant 0 : i32
    %dma_wait3A_1302 = tpu.memref_slice %arg7[%dma_wait3A_1299, %dma_wait3A_1300, %dma_wait3A_1301] : memref<4x80x128xf32, #tpu.memory_space<vmem>> -> memref<1x80x128xf32, #tpu.memory_space<vmem>>
    %dma_wait3A_1303 = tpu.memref_squeeze %dma_wait3A_1302 : memref<1x80x128xf32, #tpu.memory_space<vmem>> -> memref<80x128xf32, #tpu.memory_space<vmem>>
    %dma_wait3A_1304 = arith.constant 0 : i32
    %dma_wait3A_1305 = arith.constant 0 : i32
    %dma_wait3A_1306 = tpu.memref_slice %arg2[%dma_wait3A_1304, %dma_wait3A_1305] : memref<9088x128xf32, #tpu.memory_space<hbm>> -> memref<80x128xf32, #tpu.memory_space<hbm>>
    %dma_wait3A_1307 = arith.constant 0 : i32
    %dma_wait3A_1308 = arith.constant 0 : i32
    %dma_wait3A_1309 = tpu.memref_slice %arg7[%dma_wait3A_1299, %dma_wait3A_1307, %dma_wait3A_1308] : memref<4x80x128xf32, #tpu.memory_space<vmem>> -> memref<1x80x128xf32, #tpu.memory_space<vmem>>
    %dma_wait3A_1310 = tpu.memref_squeeze %dma_wait3A_1309 : memref<1x80x128xf32, #tpu.memory_space<vmem>> -> memref<80x128xf32, #tpu.memory_space<vmem>>
    %dma_wait3A_1311 = arith.constant 0 : i32
    %dma_wait3A_1312 = arith.constant 0 : i32
    %dma_wait3A_1313 = tpu.memref_slice %arg2[%dma_wait3A_1311, %dma_wait3A_1312] : memref<9088x128xf32, #tpu.memory_space<hbm>> -> memref<80x128xf32, #tpu.memory_space<hbm>>
    tpu.wait_dma2 semaphore(%arg11 : memref<!tpu.dma_semaphore, #tpu.memory_space<semaphore_mem>>) src(%dma_wait3A_1313 : memref<80x128xf32, #tpu.memory_space<hbm>>) dst(%dma_wait3A_1310 : memref<80x128xf32, #tpu.memory_space<vmem>>)
    %add3A_1314 = arith.constant 19120 : i32
    %add3A_1315 = arith.addi %mul3A_2, %add3A_1314 : i32
    %dma_start3A_1316 = arith.constant 3 : i32
    %dma_start3A_1317 = arith.constant 0 : i32
    %dma_start3A_1318 = arith.constant 0 : i32
    %dma_start3A_1319 = tpu.memref_slice %arg7[%dma_start3A_1316, %dma_start3A_1317, %dma_start3A_1318] : memref<4x80x128xf32, #tpu.memory_space<vmem>> -> memref<1x80x128xf32, #tpu.memory_space<vmem>>
    %dma_start3A_1320 = tpu.memref_squeeze %dma_start3A_1319 : memref<1x80x128xf32, #tpu.memory_space<vmem>> -> memref<80x128xf32, #tpu.memory_space<vmem>>
    %dma_start3A_1321 = arith.constant 0 : i32
    %dma_start3A_1322 = tpu.memref_slice %arg4[%add3A_1315, %dma_start3A_1321] : memref<819200x128xf32, #tpu.memory_space<hbm>> -> memref<80x128xf32, #tpu.memory_space<hbm>>
    %dma_start3A_1323 = arith.constant 0 : i32
    %dma_start3A_1324 = tpu.memref_slice %arg4[%add3A_1315, %dma_start3A_1323] : memref<819200x128xf32, #tpu.memory_space<hbm>> -> memref<80x128xf32, #tpu.memory_space<hbm>>
    %dma_start3A_1325 = arith.constant 0 : i32
    %dma_start3A_1326 = arith.constant 0 : i32
    %dma_start3A_1327 = tpu.memref_slice %arg7[%dma_start3A_1316, %dma_start3A_1325, %dma_start3A_1326] : memref<4x80x128xf32, #tpu.memory_space<vmem>> -> memref<1x80x128xf32, #tpu.memory_space<vmem>>
    %dma_start3A_1328 = tpu.memref_squeeze %dma_start3A_1327 : memref<1x80x128xf32, #tpu.memory_space<vmem>> -> memref<80x128xf32, #tpu.memory_space<vmem>>
    tpu.enqueue_dma source(%dma_start3A_1328 : memref<80x128xf32, #tpu.memory_space<vmem>>) target(%dma_start3A_1324 : memref<80x128xf32, #tpu.memory_space<hbm>>) target_semaphore(%arg15 : memref<!tpu.dma_semaphore, #tpu.memory_space<semaphore_mem>>)
    %dma_wait3A_1329 = arith.constant 0 : i32
    %dma_wait3A_1330 = arith.constant 0 : i32
    %dma_wait3A_1331 = arith.constant 0 : i32
    %dma_wait3A_1332 = tpu.memref_slice %arg7[%dma_wait3A_1329, %dma_wait3A_1330, %dma_wait3A_1331] : memref<4x80x128xf32, #tpu.memory_space<vmem>> -> memref<1x80x128xf32, #tpu.memory_space<vmem>>
    %dma_wait3A_1333 = tpu.memref_squeeze %dma_wait3A_1332 : memref<1x80x128xf32, #tpu.memory_space<vmem>> -> memref<80x128xf32, #tpu.memory_space<vmem>>
    %dma_wait3A_1334 = arith.constant 0 : i32
    %dma_wait3A_1335 = arith.constant 0 : i32
    %dma_wait3A_1336 = tpu.memref_slice %arg4[%dma_wait3A_1334, %dma_wait3A_1335] : memref<819200x128xf32, #tpu.memory_space<hbm>> -> memref<80x128xf32, #tpu.memory_space<hbm>>
    %dma_wait3A_1337 = arith.constant 0 : i32
    %dma_wait3A_1338 = arith.constant 0 : i32
    %dma_wait3A_1339 = tpu.memref_slice %arg4[%dma_wait3A_1337, %dma_wait3A_1338] : memref<819200x128xf32, #tpu.memory_space<hbm>> -> memref<80x128xf32, #tpu.memory_space<hbm>>
    %dma_wait3A_1340 = arith.constant 0 : i32
    %dma_wait3A_1341 = arith.constant 0 : i32
    %dma_wait3A_1342 = tpu.memref_slice %arg7[%dma_wait3A_1329, %dma_wait3A_1340, %dma_wait3A_1341] : memref<4x80x128xf32, #tpu.memory_space<vmem>> -> memref<1x80x128xf32, #tpu.memory_space<vmem>>
    %dma_wait3A_1343 = tpu.memref_squeeze %dma_wait3A_1342 : memref<1x80x128xf32, #tpu.memory_space<vmem>> -> memref<80x128xf32, #tpu.memory_space<vmem>>
    tpu.wait_dma2 semaphore(%arg12 : memref<!tpu.dma_semaphore, #tpu.memory_space<semaphore_mem>>) src(%dma_wait3A_1343 : memref<80x128xf32, #tpu.memory_space<vmem>>) dst(%dma_wait3A_1339 : memref<80x128xf32, #tpu.memory_space<hbm>>)
    %dma_wait3A_1344 = arith.constant 1 : i32
    %dma_wait3A_1345 = arith.constant 0 : i32
    %dma_wait3A_1346 = arith.constant 0 : i32
    %dma_wait3A_1347 = tpu.memref_slice %arg7[%dma_wait3A_1344, %dma_wait3A_1345, %dma_wait3A_1346] : memref<4x80x128xf32, #tpu.memory_space<vmem>> -> memref<1x80x128xf32, #tpu.memory_space<vmem>>
    %dma_wait3A_1348 = tpu.memref_squeeze %dma_wait3A_1347 : memref<1x80x128xf32, #tpu.memory_space<vmem>> -> memref<80x128xf32, #tpu.memory_space<vmem>>
    %dma_wait3A_1349 = arith.constant 0 : i32
    %dma_wait3A_1350 = arith.constant 0 : i32
    %dma_wait3A_1351 = tpu.memref_slice %arg4[%dma_wait3A_1349, %dma_wait3A_1350] : memref<819200x128xf32, #tpu.memory_space<hbm>> -> memref<80x128xf32, #tpu.memory_space<hbm>>
    %dma_wait3A_1352 = arith.constant 0 : i32
    %dma_wait3A_1353 = arith.constant 0 : i32
    %dma_wait3A_1354 = tpu.memref_slice %arg4[%dma_wait3A_1352, %dma_wait3A_1353] : memref<819200x128xf32, #tpu.memory_space<hbm>> -> memref<80x128xf32, #tpu.memory_space<hbm>>
    %dma_wait3A_1355 = arith.constant 0 : i32
    %dma_wait3A_1356 = arith.constant 0 : i32
    %dma_wait3A_1357 = tpu.memref_slice %arg7[%dma_wait3A_1344, %dma_wait3A_1355, %dma_wait3A_1356] : memref<4x80x128xf32, #tpu.memory_space<vmem>> -> memref<1x80x128xf32, #tpu.memory_space<vmem>>
    %dma_wait3A_1358 = tpu.memref_squeeze %dma_wait3A_1357 : memref<1x80x128xf32, #tpu.memory_space<vmem>> -> memref<80x128xf32, #tpu.memory_space<vmem>>
    tpu.wait_dma2 semaphore(%arg13 : memref<!tpu.dma_semaphore, #tpu.memory_space<semaphore_mem>>) src(%dma_wait3A_1358 : memref<80x128xf32, #tpu.memory_space<vmem>>) dst(%dma_wait3A_1354 : memref<80x128xf32, #tpu.memory_space<hbm>>)
    %dma_wait3A_1359 = arith.constant 2 : i32
    %dma_wait3A_1360 = arith.constant 0 : i32
    %dma_wait3A_1361 = arith.constant 0 : i32
    %dma_wait3A_1362 = tpu.memref_slice %arg7[%dma_wait3A_1359, %dma_wait3A_1360, %dma_wait3A_1361] : memref<4x80x128xf32, #tpu.memory_space<vmem>> -> memref<1x80x128xf32, #tpu.memory_space<vmem>>
    %dma_wait3A_1363 = tpu.memref_squeeze %dma_wait3A_1362 : memref<1x80x128xf32, #tpu.memory_space<vmem>> -> memref<80x128xf32, #tpu.memory_space<vmem>>
    %dma_wait3A_1364 = arith.constant 0 : i32
    %dma_wait3A_1365 = arith.constant 0 : i32
    %dma_wait3A_1366 = tpu.memref_slice %arg4[%dma_wait3A_1364, %dma_wait3A_1365] : memref<819200x128xf32, #tpu.memory_space<hbm>> -> memref<80x128xf32, #tpu.memory_space<hbm>>
    %dma_wait3A_1367 = arith.constant 0 : i32
    %dma_wait3A_1368 = arith.constant 0 : i32
    %dma_wait3A_1369 = tpu.memref_slice %arg4[%dma_wait3A_1367, %dma_wait3A_1368] : memref<819200x128xf32, #tpu.memory_space<hbm>> -> memref<80x128xf32, #tpu.memory_space<hbm>>
    %dma_wait3A_1370 = arith.constant 0 : i32
    %dma_wait3A_1371 = arith.constant 0 : i32
    %dma_wait3A_1372 = tpu.memref_slice %arg7[%dma_wait3A_1359, %dma_wait3A_1370, %dma_wait3A_1371] : memref<4x80x128xf32, #tpu.memory_space<vmem>> -> memref<1x80x128xf32, #tpu.memory_space<vmem>>
    %dma_wait3A_1373 = tpu.memref_squeeze %dma_wait3A_1372 : memref<1x80x128xf32, #tpu.memory_space<vmem>> -> memref<80x128xf32, #tpu.memory_space<vmem>>
    tpu.wait_dma2 semaphore(%arg14 : memref<!tpu.dma_semaphore, #tpu.memory_space<semaphore_mem>>) src(%dma_wait3A_1373 : memref<80x128xf32, #tpu.memory_space<vmem>>) dst(%dma_wait3A_1369 : memref<80x128xf32, #tpu.memory_space<hbm>>)
    %dma_wait3A_1374 = arith.constant 3 : i32
    %dma_wait3A_1375 = arith.constant 0 : i32
    %dma_wait3A_1376 = arith.constant 0 : i32
    %dma_wait3A_1377 = tpu.memref_slice %arg7[%dma_wait3A_1374, %dma_wait3A_1375, %dma_wait3A_1376] : memref<4x80x128xf32, #tpu.memory_space<vmem>> -> memref<1x80x128xf32, #tpu.memory_space<vmem>>
    %dma_wait3A_1378 = tpu.memref_squeeze %dma_wait3A_1377 : memref<1x80x128xf32, #tpu.memory_space<vmem>> -> memref<80x128xf32, #tpu.memory_space<vmem>>
    %dma_wait3A_1379 = arith.constant 0 : i32
    %dma_wait3A_1380 = arith.constant 0 : i32
    %dma_wait3A_1381 = tpu.memref_slice %arg4[%dma_wait3A_1379, %dma_wait3A_1380] : memref<819200x128xf32, #tpu.memory_space<hbm>> -> memref<80x128xf32, #tpu.memory_space<hbm>>
    %dma_wait3A_1382 = arith.constant 0 : i32
    %dma_wait3A_1383 = arith.constant 0 : i32
    %dma_wait3A_1384 = tpu.memref_slice %arg4[%dma_wait3A_1382, %dma_wait3A_1383] : memref<819200x128xf32, #tpu.memory_space<hbm>> -> memref<80x128xf32, #tpu.memory_space<hbm>>
    %dma_wait3A_1385 = arith.constant 0 : i32
    %dma_wait3A_1386 = arith.constant 0 : i32
    %dma_wait3A_1387 = tpu.memref_slice %arg7[%dma_wait3A_1374, %dma_wait3A_1385, %dma_wait3A_1386] : memref<4x80x128xf32, #tpu.memory_space<vmem>> -> memref<1x80x128xf32, #tpu.memory_space<vmem>>
    %dma_wait3A_1388 = tpu.memref_squeeze %dma_wait3A_1387 : memref<1x80x128xf32, #tpu.memory_space<vmem>> -> memref<80x128xf32, #tpu.memory_space<vmem>>
    tpu.wait_dma2 semaphore(%arg15 : memref<!tpu.dma_semaphore, #tpu.memory_space<semaphore_mem>>) src(%dma_wait3A_1388 : memref<80x128xf32, #tpu.memory_space<vmem>>) dst(%dma_wait3A_1384 : memref<80x128xf32, #tpu.memory_space<hbm>>)
    %run_scoped3A_1389 = arith.constant 3 : i32
    "tpu.region"() ({
      %run_scoped3A_1851 = tpu.sem_alloc : memref<!tpu.dma_semaphore, #tpu.memory_space<semaphore_mem>>
      %dma_start3A_1852 = arith.constant 0 : i32
      %dma_start3A_1853 = arith.constant 0 : i32
      %dma_start3A_1854 = arith.constant 0 : i32
      %dma_start3A_1855 = tpu.memref_slice %arg3[%add3A, %dma_start3A_1852, %dma_start3A_1853, %dma_start3A_1854] : memref<32x4x80x80xi32, #tpu.memory_space<hbm>> -> memref<1x4x80x80xi32, #tpu.memory_space<hbm>>
      %dma_start3A_1856 = tpu.memref_squeeze %dma_start3A_1855 : memref<1x4x80x80xi32, #tpu.memory_space<hbm>> -> memref<4x80x80xi32, #tpu.memory_space<hbm>>
      %dma_start3A_1857 = arith.constant 0 : i32
      %dma_start3A_1858 = arith.constant 0 : i32
      %dma_start3A_1859 = tpu.memref_slice %dma_start3A_1856[%run_scoped3A_1389, %dma_start3A_1857, %dma_start3A_1858] : memref<4x80x80xi32, #tpu.memory_space<hbm>> -> memref<1x80x80xi32, #tpu.memory_space<hbm>>
      %dma_start3A_1860 = tpu.memref_squeeze %dma_start3A_1859 : memref<1x80x80xi32, #tpu.memory_space<hbm>> -> memref<80x80xi32, #tpu.memory_space<hbm>>
      %dma_start3A_1861 = arith.constant 0 : i32
      %dma_start3A_1862 = arith.constant 0 : i32
      %dma_start3A_1863 = arith.constant 0 : i32
      %dma_start3A_1864 = tpu.memref_slice %arg3[%add3A, %dma_start3A_1861, %dma_start3A_1862, %dma_start3A_1863] : memref<32x4x80x80xi32, #tpu.memory_space<hbm>> -> memref<1x4x80x80xi32, #tpu.memory_space<hbm>>
      %dma_start3A_1865 = tpu.memref_squeeze %dma_start3A_1864 : memref<1x4x80x80xi32, #tpu.memory_space<hbm>> -> memref<4x80x80xi32, #tpu.memory_space<hbm>>
      %dma_start3A_1866 = arith.constant 0 : i32
      %dma_start3A_1867 = arith.constant 0 : i32
      %dma_start3A_1868 = tpu.memref_slice %dma_start3A_1865[%run_scoped3A_1389, %dma_start3A_1866, %dma_start3A_1867] : memref<4x80x80xi32, #tpu.memory_space<hbm>> -> memref<1x80x80xi32, #tpu.memory_space<hbm>>
      %dma_start3A_1869 = tpu.memref_squeeze %dma_start3A_1868 : memref<1x80x80xi32, #tpu.memory_space<hbm>> -> memref<80x80xi32, #tpu.memory_space<hbm>>
      tpu.enqueue_dma source(%dma_start3A_1869 : memref<80x80xi32, #tpu.memory_space<hbm>>) target(%arg6 : memref<80x80xi32, #tpu.memory_space<vmem>>) target_semaphore(%run_scoped3A_1851 : memref<!tpu.dma_semaphore, #tpu.memory_space<semaphore_mem>>)
      %dma_wait3A_1870 = arith.constant 0 : i32
      %dma_wait3A_1871 = arith.constant 0 : i32
      %dma_wait3A_1872 = arith.constant 0 : i32
      %dma_wait3A_1873 = tpu.memref_slice %arg3[%add3A, %dma_wait3A_1870, %dma_wait3A_1871, %dma_wait3A_1872] : memref<32x4x80x80xi32, #tpu.memory_space<hbm>> -> memref<1x4x80x80xi32, #tpu.memory_space<hbm>>
      %dma_wait3A_1874 = tpu.memref_squeeze %dma_wait3A_1873 : memref<1x4x80x80xi32, #tpu.memory_space<hbm>> -> memref<4x80x80xi32, #tpu.memory_space<hbm>>
      %dma_wait3A_1875 = arith.constant 0 : i32
      %dma_wait3A_1876 = arith.constant 0 : i32
      %dma_wait3A_1877 = tpu.memref_slice %dma_wait3A_1874[%run_scoped3A_1389, %dma_wait3A_1875, %dma_wait3A_1876] : memref<4x80x80xi32, #tpu.memory_space<hbm>> -> memref<1x80x80xi32, #tpu.memory_space<hbm>>
      %dma_wait3A_1878 = tpu.memref_squeeze %dma_wait3A_1877 : memref<1x80x80xi32, #tpu.memory_space<hbm>> -> memref<80x80xi32, #tpu.memory_space<hbm>>
      %dma_wait3A_1879 = arith.constant 0 : i32
      %dma_wait3A_1880 = arith.constant 0 : i32
      %dma_wait3A_1881 = arith.constant 0 : i32
      %dma_wait3A_1882 = tpu.memref_slice %arg3[%add3A, %dma_wait3A_1879, %dma_wait3A_1880, %dma_wait3A_1881] : memref<32x4x80x80xi32, #tpu.memory_space<hbm>> -> memref<1x4x80x80xi32, #tpu.memory_space<hbm>>
      %dma_wait3A_1883 = tpu.memref_squeeze %dma_wait3A_1882 : memref<1x4x80x80xi32, #tpu.memory_space<hbm>> -> memref<4x80x80xi32, #tpu.memory_space<hbm>>
      %dma_wait3A_1884 = arith.constant 0 : i32
      %dma_wait3A_1885 = arith.constant 0 : i32
      %dma_wait3A_1886 = tpu.memref_slice %dma_wait3A_1883[%run_scoped3A_1389, %dma_wait3A_1884, %dma_wait3A_1885] : memref<4x80x80xi32, #tpu.memory_space<hbm>> -> memref<1x80x80xi32, #tpu.memory_space<hbm>>
      %dma_wait3A_1887 = tpu.memref_squeeze %dma_wait3A_1886 : memref<1x80x80xi32, #tpu.memory_space<hbm>> -> memref<80x80xi32, #tpu.memory_space<hbm>>
      tpu.wait_dma2 semaphore(%run_scoped3A_1851 : memref<!tpu.dma_semaphore, #tpu.memory_space<semaphore_mem>>) src(%dma_wait3A_1887 : memref<80x80xi32, #tpu.memory_space<hbm>>) dst(%arg6 : memref<80x80xi32, #tpu.memory_space<vmem>>)
      tpu.yield
    }) : () -> ()
    %dma_start3A_1390 = arith.constant 0 : i32
    %dma_start3A_1391 = arith.constant 0 : i32
    %dma_start3A_1392 = arith.constant 0 : i32
    %dma_start3A_1393 = arith.constant 0 : i32
    %dma_start3A_1394 = tpu.memref_slice %arg7[%dma_start3A_1391, %dma_start3A_1392, %dma_start3A_1393] : memref<4x80x128xf32, #tpu.memory_space<vmem>> -> memref<1x80x128xf32, #tpu.memory_space<vmem>>
    %dma_start3A_1395 = tpu.memref_squeeze %dma_start3A_1394 : memref<1x80x128xf32, #tpu.memory_space<vmem>> -> memref<80x128xf32, #tpu.memory_space<vmem>>
    %dma_start3A_1396 = arith.constant 0 : i32
    %dma_start3A_1397 = tpu.memref_slice %arg6[%dma_start3A_1390, %dma_start3A_1396] : memref<80x80xi32, #tpu.memory_space<vmem>> -> memref<1x80xi32, #tpu.memory_space<vmem>>
    %dma_start3A_1398 = tpu.memref_squeeze %dma_start3A_1397 : memref<1x80xi32, #tpu.memory_space<vmem>> -> memref<80xi32, #tpu.memory_space<vmem>>
    %dma_start3A_1399 = arith.constant 0 : i32
    %dma_start3A_1400 = arith.constant 0 : i32
    %dma_start3A_1401 = tpu.memref_slice %arg5[%dma_start3A_1399, %dma_start3A_1400] : memref<9088x128xf32, #tpu.memory_space<vmem_shared>> -> memref<9088x128xf32, #tpu.memory_space<vmem_shared>>
    tpu.enqueue_indirect_dma source(%dma_start3A_1401 : memref<9088x128xf32, #tpu.memory_space<vmem_shared>>) target(%dma_start3A_1395 : memref<80x128xf32, #tpu.memory_space<vmem>>) offsets(%dma_start3A_1398 : memref<80xi32, #tpu.memory_space<vmem>>) semaphore(%arg8 : memref<!tpu.dma_semaphore, #tpu.memory_space<semaphore_mem>>)
    %dma_start3A_1402 = arith.constant 1 : i32
    %dma_start3A_1403 = arith.constant 1 : i32
    %dma_start3A_1404 = arith.constant 0 : i32
    %dma_start3A_1405 = arith.constant 0 : i32
    %dma_start3A_1406 = tpu.memref_slice %arg7[%dma_start3A_1403, %dma_start3A_1404, %dma_start3A_1405] : memref<4x80x128xf32, #tpu.memory_space<vmem>> -> memref<1x80x128xf32, #tpu.memory_space<vmem>>
    %dma_start3A_1407 = tpu.memref_squeeze %dma_start3A_1406 : memref<1x80x128xf32, #tpu.memory_space<vmem>> -> memref<80x128xf32, #tpu.memory_space<vmem>>
    %dma_start3A_1408 = arith.constant 0 : i32
    %dma_start3A_1409 = tpu.memref_slice %arg6[%dma_start3A_1402, %dma_start3A_1408] : memref<80x80xi32, #tpu.memory_space<vmem>> -> memref<1x80xi32, #tpu.memory_space<vmem>>
    %dma_start3A_1410 = tpu.memref_squeeze %dma_start3A_1409 : memref<1x80xi32, #tpu.memory_space<vmem>> -> memref<80xi32, #tpu.memory_space<vmem>>
    %dma_start3A_1411 = arith.constant 0 : i32
    %dma_start3A_1412 = arith.constant 0 : i32
    %dma_start3A_1413 = tpu.memref_slice %arg5[%dma_start3A_1411, %dma_start3A_1412] : memref<9088x128xf32, #tpu.memory_space<vmem_shared>> -> memref<9088x128xf32, #tpu.memory_space<vmem_shared>>
    tpu.enqueue_indirect_dma source(%dma_start3A_1413 : memref<9088x128xf32, #tpu.memory_space<vmem_shared>>) target(%dma_start3A_1407 : memref<80x128xf32, #tpu.memory_space<vmem>>) offsets(%dma_start3A_1410 : memref<80xi32, #tpu.memory_space<vmem>>) semaphore(%arg9 : memref<!tpu.dma_semaphore, #tpu.memory_space<semaphore_mem>>)
    %dma_wait3A_1414 = arith.constant 0 : i32
    %dma_wait3A_1415 = arith.constant 0 : i32
    %dma_wait3A_1416 = arith.constant 0 : i32
    %dma_wait3A_1417 = tpu.memref_slice %arg7[%dma_wait3A_1414, %dma_wait3A_1415, %dma_wait3A_1416] : memref<4x80x128xf32, #tpu.memory_space<vmem>> -> memref<1x80x128xf32, #tpu.memory_space<vmem>>
    %dma_wait3A_1418 = tpu.memref_squeeze %dma_wait3A_1417 : memref<1x80x128xf32, #tpu.memory_space<vmem>> -> memref<80x128xf32, #tpu.memory_space<vmem>>
    %dma_wait3A_1419 = arith.constant 0 : i32
    %dma_wait3A_1420 = arith.constant 0 : i32
    %dma_wait3A_1421 = tpu.memref_slice %arg2[%dma_wait3A_1419, %dma_wait3A_1420] : memref<9088x128xf32, #tpu.memory_space<hbm>> -> memref<80x128xf32, #tpu.memory_space<hbm>>
    %dma_wait3A_1422 = arith.constant 0 : i32
    %dma_wait3A_1423 = arith.constant 0 : i32
    %dma_wait3A_1424 = tpu.memref_slice %arg7[%dma_wait3A_1414, %dma_wait3A_1422, %dma_wait3A_1423] : memref<4x80x128xf32, #tpu.memory_space<vmem>> -> memref<1x80x128xf32, #tpu.memory_space<vmem>>
    %dma_wait3A_1425 = tpu.memref_squeeze %dma_wait3A_1424 : memref<1x80x128xf32, #tpu.memory_space<vmem>> -> memref<80x128xf32, #tpu.memory_space<vmem>>
    %dma_wait3A_1426 = arith.constant 0 : i32
    %dma_wait3A_1427 = arith.constant 0 : i32
    %dma_wait3A_1428 = tpu.memref_slice %arg2[%dma_wait3A_1426, %dma_wait3A_1427] : memref<9088x128xf32, #tpu.memory_space<hbm>> -> memref<80x128xf32, #tpu.memory_space<hbm>>
    tpu.wait_dma2 semaphore(%arg8 : memref<!tpu.dma_semaphore, #tpu.memory_space<semaphore_mem>>) src(%dma_wait3A_1428 : memref<80x128xf32, #tpu.memory_space<hbm>>) dst(%dma_wait3A_1425 : memref<80x128xf32, #tpu.memory_space<vmem>>)
    %add3A_1429 = arith.constant 19200 : i32
    %add3A_1430 = arith.addi %mul3A_2, %add3A_1429 : i32
    %dma_start3A_1431 = arith.constant 0 : i32
    %dma_start3A_1432 = arith.constant 0 : i32
    %dma_start3A_1433 = arith.constant 0 : i32
    %dma_start3A_1434 = tpu.memref_slice %arg7[%dma_start3A_1431, %dma_start3A_1432, %dma_start3A_1433] : memref<4x80x128xf32, #tpu.memory_space<vmem>> -> memref<1x80x128xf32, #tpu.memory_space<vmem>>
    %dma_start3A_1435 = tpu.memref_squeeze %dma_start3A_1434 : memref<1x80x128xf32, #tpu.memory_space<vmem>> -> memref<80x128xf32, #tpu.memory_space<vmem>>
    %dma_start3A_1436 = arith.constant 0 : i32
    %dma_start3A_1437 = tpu.memref_slice %arg4[%add3A_1430, %dma_start3A_1436] : memref<819200x128xf32, #tpu.memory_space<hbm>> -> memref<80x128xf32, #tpu.memory_space<hbm>>
    %dma_start3A_1438 = arith.constant 0 : i32
    %dma_start3A_1439 = tpu.memref_slice %arg4[%add3A_1430, %dma_start3A_1438] : memref<819200x128xf32, #tpu.memory_space<hbm>> -> memref<80x128xf32, #tpu.memory_space<hbm>>
    %dma_start3A_1440 = arith.constant 0 : i32
    %dma_start3A_1441 = arith.constant 0 : i32
    %dma_start3A_1442 = tpu.memref_slice %arg7[%dma_start3A_1431, %dma_start3A_1440, %dma_start3A_1441] : memref<4x80x128xf32, #tpu.memory_space<vmem>> -> memref<1x80x128xf32, #tpu.memory_space<vmem>>
    %dma_start3A_1443 = tpu.memref_squeeze %dma_start3A_1442 : memref<1x80x128xf32, #tpu.memory_space<vmem>> -> memref<80x128xf32, #tpu.memory_space<vmem>>
    tpu.enqueue_dma source(%dma_start3A_1443 : memref<80x128xf32, #tpu.memory_space<vmem>>) target(%dma_start3A_1439 : memref<80x128xf32, #tpu.memory_space<hbm>>) target_semaphore(%arg12 : memref<!tpu.dma_semaphore, #tpu.memory_space<semaphore_mem>>)
    %dma_start3A_1444 = arith.constant 2 : i32
    %dma_start3A_1445 = arith.constant 2 : i32
    %dma_start3A_1446 = arith.constant 0 : i32
    %dma_start3A_1447 = arith.constant 0 : i32
    %dma_start3A_1448 = tpu.memref_slice %arg7[%dma_start3A_1445, %dma_start3A_1446, %dma_start3A_1447] : memref<4x80x128xf32, #tpu.memory_space<vmem>> -> memref<1x80x128xf32, #tpu.memory_space<vmem>>
    %dma_start3A_1449 = tpu.memref_squeeze %dma_start3A_1448 : memref<1x80x128xf32, #tpu.memory_space<vmem>> -> memref<80x128xf32, #tpu.memory_space<vmem>>
    %dma_start3A_1450 = arith.constant 0 : i32
    %dma_start3A_1451 = tpu.memref_slice %arg6[%dma_start3A_1444, %dma_start3A_1450] : memref<80x80xi32, #tpu.memory_space<vmem>> -> memref<1x80xi32, #tpu.memory_space<vmem>>
    %dma_start3A_1452 = tpu.memref_squeeze %dma_start3A_1451 : memref<1x80xi32, #tpu.memory_space<vmem>> -> memref<80xi32, #tpu.memory_space<vmem>>
    %dma_start3A_1453 = arith.constant 0 : i32
    %dma_start3A_1454 = arith.constant 0 : i32
    %dma_start3A_1455 = tpu.memref_slice %arg5[%dma_start3A_1453, %dma_start3A_1454] : memref<9088x128xf32, #tpu.memory_space<vmem_shared>> -> memref<9088x128xf32, #tpu.memory_space<vmem_shared>>
    tpu.enqueue_indirect_dma source(%dma_start3A_1455 : memref<9088x128xf32, #tpu.memory_space<vmem_shared>>) target(%dma_start3A_1449 : memref<80x128xf32, #tpu.memory_space<vmem>>) offsets(%dma_start3A_1452 : memref<80xi32, #tpu.memory_space<vmem>>) semaphore(%arg10 : memref<!tpu.dma_semaphore, #tpu.memory_space<semaphore_mem>>)
    %dma_wait3A_1456 = arith.constant 1 : i32
    %dma_wait3A_1457 = arith.constant 0 : i32
    %dma_wait3A_1458 = arith.constant 0 : i32
    %dma_wait3A_1459 = tpu.memref_slice %arg7[%dma_wait3A_1456, %dma_wait3A_1457, %dma_wait3A_1458] : memref<4x80x128xf32, #tpu.memory_space<vmem>> -> memref<1x80x128xf32, #tpu.memory_space<vmem>>
    %dma_wait3A_1460 = tpu.memref_squeeze %dma_wait3A_1459 : memref<1x80x128xf32, #tpu.memory_space<vmem>> -> memref<80x128xf32, #tpu.memory_space<vmem>>
    %dma_wait3A_1461 = arith.constant 0 : i32
    %dma_wait3A_1462 = arith.constant 0 : i32
    %dma_wait3A_1463 = tpu.memref_slice %arg2[%dma_wait3A_1461, %dma_wait3A_1462] : memref<9088x128xf32, #tpu.memory_space<hbm>> -> memref<80x128xf32, #tpu.memory_space<hbm>>
    %dma_wait3A_1464 = arith.constant 0 : i32
    %dma_wait3A_1465 = arith.constant 0 : i32
    %dma_wait3A_1466 = tpu.memref_slice %arg7[%dma_wait3A_1456, %dma_wait3A_1464, %dma_wait3A_1465] : memref<4x80x128xf32, #tpu.memory_space<vmem>> -> memref<1x80x128xf32, #tpu.memory_space<vmem>>
    %dma_wait3A_1467 = tpu.memref_squeeze %dma_wait3A_1466 : memref<1x80x128xf32, #tpu.memory_space<vmem>> -> memref<80x128xf32, #tpu.memory_space<vmem>>
    %dma_wait3A_1468 = arith.constant 0 : i32
    %dma_wait3A_1469 = arith.constant 0 : i32
    %dma_wait3A_1470 = tpu.memref_slice %arg2[%dma_wait3A_1468, %dma_wait3A_1469] : memref<9088x128xf32, #tpu.memory_space<hbm>> -> memref<80x128xf32, #tpu.memory_space<hbm>>
    tpu.wait_dma2 semaphore(%arg9 : memref<!tpu.dma_semaphore, #tpu.memory_space<semaphore_mem>>) src(%dma_wait3A_1470 : memref<80x128xf32, #tpu.memory_space<hbm>>) dst(%dma_wait3A_1467 : memref<80x128xf32, #tpu.memory_space<vmem>>)
    %add3A_1471 = arith.constant 19280 : i32
    %add3A_1472 = arith.addi %mul3A_2, %add3A_1471 : i32
    %dma_start3A_1473 = arith.constant 1 : i32
    %dma_start3A_1474 = arith.constant 0 : i32
    %dma_start3A_1475 = arith.constant 0 : i32
    %dma_start3A_1476 = tpu.memref_slice %arg7[%dma_start3A_1473, %dma_start3A_1474, %dma_start3A_1475] : memref<4x80x128xf32, #tpu.memory_space<vmem>> -> memref<1x80x128xf32, #tpu.memory_space<vmem>>
    %dma_start3A_1477 = tpu.memref_squeeze %dma_start3A_1476 : memref<1x80x128xf32, #tpu.memory_space<vmem>> -> memref<80x128xf32, #tpu.memory_space<vmem>>
    %dma_start3A_1478 = arith.constant 0 : i32
    %dma_start3A_1479 = tpu.memref_slice %arg4[%add3A_1472, %dma_start3A_1478] : memref<819200x128xf32, #tpu.memory_space<hbm>> -> memref<80x128xf32, #tpu.memory_space<hbm>>
    %dma_start3A_1480 = arith.constant 0 : i32
    %dma_start3A_1481 = tpu.memref_slice %arg4[%add3A_1472, %dma_start3A_1480] : memref<819200x128xf32, #tpu.memory_space<hbm>> -> memref<80x128xf32, #tpu.memory_space<hbm>>
    %dma_start3A_1482 = arith.constant 0 : i32
    %dma_start3A_1483 = arith.constant 0 : i32
    %dma_start3A_1484 = tpu.memref_slice %arg7[%dma_start3A_1473, %dma_start3A_1482, %dma_start3A_1483] : memref<4x80x128xf32, #tpu.memory_space<vmem>> -> memref<1x80x128xf32, #tpu.memory_space<vmem>>
    %dma_start3A_1485 = tpu.memref_squeeze %dma_start3A_1484 : memref<1x80x128xf32, #tpu.memory_space<vmem>> -> memref<80x128xf32, #tpu.memory_space<vmem>>
    tpu.enqueue_dma source(%dma_start3A_1485 : memref<80x128xf32, #tpu.memory_space<vmem>>) target(%dma_start3A_1481 : memref<80x128xf32, #tpu.memory_space<hbm>>) target_semaphore(%arg13 : memref<!tpu.dma_semaphore, #tpu.memory_space<semaphore_mem>>)
    %dma_start3A_1486 = arith.constant 3 : i32
    %dma_start3A_1487 = arith.constant 3 : i32
    %dma_start3A_1488 = arith.constant 0 : i32
    %dma_start3A_1489 = arith.constant 0 : i32
    %dma_start3A_1490 = tpu.memref_slice %arg7[%dma_start3A_1487, %dma_start3A_1488, %dma_start3A_1489] : memref<4x80x128xf32, #tpu.memory_space<vmem>> -> memref<1x80x128xf32, #tpu.memory_space<vmem>>
    %dma_start3A_1491 = tpu.memref_squeeze %dma_start3A_1490 : memref<1x80x128xf32, #tpu.memory_space<vmem>> -> memref<80x128xf32, #tpu.memory_space<vmem>>
    %dma_start3A_1492 = arith.constant 0 : i32
    %dma_start3A_1493 = tpu.memref_slice %arg6[%dma_start3A_1486, %dma_start3A_1492] : memref<80x80xi32, #tpu.memory_space<vmem>> -> memref<1x80xi32, #tpu.memory_space<vmem>>
    %dma_start3A_1494 = tpu.memref_squeeze %dma_start3A_1493 : memref<1x80xi32, #tpu.memory_space<vmem>> -> memref<80xi32, #tpu.memory_space<vmem>>
    %dma_start3A_1495 = arith.constant 0 : i32
    %dma_start3A_1496 = arith.constant 0 : i32
    %dma_start3A_1497 = tpu.memref_slice %arg5[%dma_start3A_1495, %dma_start3A_1496] : memref<9088x128xf32, #tpu.memory_space<vmem_shared>> -> memref<9088x128xf32, #tpu.memory_space<vmem_shared>>
    tpu.enqueue_indirect_dma source(%dma_start3A_1497 : memref<9088x128xf32, #tpu.memory_space<vmem_shared>>) target(%dma_start3A_1491 : memref<80x128xf32, #tpu.memory_space<vmem>>) offsets(%dma_start3A_1494 : memref<80xi32, #tpu.memory_space<vmem>>) semaphore(%arg11 : memref<!tpu.dma_semaphore, #tpu.memory_space<semaphore_mem>>)
    %dma_wait3A_1498 = arith.constant 2 : i32
    %dma_wait3A_1499 = arith.constant 0 : i32
    %dma_wait3A_1500 = arith.constant 0 : i32
    %dma_wait3A_1501 = tpu.memref_slice %arg7[%dma_wait3A_1498, %dma_wait3A_1499, %dma_wait3A_1500] : memref<4x80x128xf32, #tpu.memory_space<vmem>> -> memref<1x80x128xf32, #tpu.memory_space<vmem>>
    %dma_wait3A_1502 = tpu.memref_squeeze %dma_wait3A_1501 : memref<1x80x128xf32, #tpu.memory_space<vmem>> -> memref<80x128xf32, #tpu.memory_space<vmem>>
    %dma_wait3A_1503 = arith.constant 0 : i32
    %dma_wait3A_1504 = arith.constant 0 : i32
    %dma_wait3A_1505 = tpu.memref_slice %arg2[%dma_wait3A_1503, %dma_wait3A_1504] : memref<9088x128xf32, #tpu.memory_space<hbm>> -> memref<80x128xf32, #tpu.memory_space<hbm>>
    %dma_wait3A_1506 = arith.constant 0 : i32
    %dma_wait3A_1507 = arith.constant 0 : i32
    %dma_wait3A_1508 = tpu.memref_slice %arg7[%dma_wait3A_1498, %dma_wait3A_1506, %dma_wait3A_1507] : memref<4x80x128xf32, #tpu.memory_space<vmem>> -> memref<1x80x128xf32, #tpu.memory_space<vmem>>
    %dma_wait3A_1509 = tpu.memref_squeeze %dma_wait3A_1508 : memref<1x80x128xf32, #tpu.memory_space<vmem>> -> memref<80x128xf32, #tpu.memory_space<vmem>>
    %dma_wait3A_1510 = arith.constant 0 : i32
    %dma_wait3A_1511 = arith.constant 0 : i32
    %dma_wait3A_1512 = tpu.memref_slice %arg2[%dma_wait3A_1510, %dma_wait3A_1511] : memref<9088x128xf32, #tpu.memory_space<hbm>> -> memref<80x128xf32, #tpu.memory_space<hbm>>
    tpu.wait_dma2 semaphore(%arg10 : memref<!tpu.dma_semaphore, #tpu.memory_space<semaphore_mem>>) src(%dma_wait3A_1512 : memref<80x128xf32, #tpu.memory_space<hbm>>) dst(%dma_wait3A_1509 : memref<80x128xf32, #tpu.memory_space<vmem>>)
    %add3A_1513 = arith.constant 19360 : i32
    %add3A_1514 = arith.addi %mul3A_2, %add3A_1513 : i32
    %dma_start3A_1515 = arith.constant 2 : i32
    %dma_start3A_1516 = arith.constant 0 : i32
    %dma_start3A_1517 = arith.constant 0 : i32
    %dma_start3A_1518 = tpu.memref_slice %arg7[%dma_start3A_1515, %dma_start3A_1516, %dma_start3A_1517] : memref<4x80x128xf32, #tpu.memory_space<vmem>> -> memref<1x80x128xf32, #tpu.memory_space<vmem>>
    %dma_start3A_1519 = tpu.memref_squeeze %dma_start3A_1518 : memref<1x80x128xf32, #tpu.memory_space<vmem>> -> memref<80x128xf32, #tpu.memory_space<vmem>>
    %dma_start3A_1520 = arith.constant 0 : i32
    %dma_start3A_1521 = tpu.memref_slice %arg4[%add3A_1514, %dma_start3A_1520] : memref<819200x128xf32, #tpu.memory_space<hbm>> -> memref<80x128xf32, #tpu.memory_space<hbm>>
    %dma_start3A_1522 = arith.constant 0 : i32
    %dma_start3A_1523 = tpu.memref_slice %arg4[%add3A_1514, %dma_start3A_1522] : memref<819200x128xf32, #tpu.memory_space<hbm>> -> memref<80x128xf32, #tpu.memory_space<hbm>>
    %dma_start3A_1524 = arith.constant 0 : i32
    %dma_start3A_1525 = arith.constant 0 : i32
    %dma_start3A_1526 = tpu.memref_slice %arg7[%dma_start3A_1515, %dma_start3A_1524, %dma_start3A_1525] : memref<4x80x128xf32, #tpu.memory_space<vmem>> -> memref<1x80x128xf32, #tpu.memory_space<vmem>>
    %dma_start3A_1527 = tpu.memref_squeeze %dma_start3A_1526 : memref<1x80x128xf32, #tpu.memory_space<vmem>> -> memref<80x128xf32, #tpu.memory_space<vmem>>
    tpu.enqueue_dma source(%dma_start3A_1527 : memref<80x128xf32, #tpu.memory_space<vmem>>) target(%dma_start3A_1523 : memref<80x128xf32, #tpu.memory_space<hbm>>) target_semaphore(%arg14 : memref<!tpu.dma_semaphore, #tpu.memory_space<semaphore_mem>>)
    %dma_wait3A_1528 = arith.constant 0 : i32
    %dma_wait3A_1529 = arith.constant 0 : i32
    %dma_wait3A_1530 = arith.constant 0 : i32
    %dma_wait3A_1531 = tpu.memref_slice %arg7[%dma_wait3A_1528, %dma_wait3A_1529, %dma_wait3A_1530] : memref<4x80x128xf32, #tpu.memory_space<vmem>> -> memref<1x80x128xf32, #tpu.memory_space<vmem>>
    %dma_wait3A_1532 = tpu.memref_squeeze %dma_wait3A_1531 : memref<1x80x128xf32, #tpu.memory_space<vmem>> -> memref<80x128xf32, #tpu.memory_space<vmem>>
    %dma_wait3A_1533 = arith.constant 0 : i32
    %dma_wait3A_1534 = arith.constant 0 : i32
    %dma_wait3A_1535 = tpu.memref_slice %arg4[%dma_wait3A_1533, %dma_wait3A_1534] : memref<819200x128xf32, #tpu.memory_space<hbm>> -> memref<80x128xf32, #tpu.memory_space<hbm>>
    %dma_wait3A_1536 = arith.constant 0 : i32
    %dma_wait3A_1537 = arith.constant 0 : i32
    %dma_wait3A_1538 = tpu.memref_slice %arg4[%dma_wait3A_1536, %dma_wait3A_1537] : memref<819200x128xf32, #tpu.memory_space<hbm>> -> memref<80x128xf32, #tpu.memory_space<hbm>>
    %dma_wait3A_1539 = arith.constant 0 : i32
    %dma_wait3A_1540 = arith.constant 0 : i32
    %dma_wait3A_1541 = tpu.memref_slice %arg7[%dma_wait3A_1528, %dma_wait3A_1539, %dma_wait3A_1540] : memref<4x80x128xf32, #tpu.memory_space<vmem>> -> memref<1x80x128xf32, #tpu.memory_space<vmem>>
    %dma_wait3A_1542 = tpu.memref_squeeze %dma_wait3A_1541 : memref<1x80x128xf32, #tpu.memory_space<vmem>> -> memref<80x128xf32, #tpu.memory_space<vmem>>
    tpu.wait_dma2 semaphore(%arg12 : memref<!tpu.dma_semaphore, #tpu.memory_space<semaphore_mem>>) src(%dma_wait3A_1542 : memref<80x128xf32, #tpu.memory_space<vmem>>) dst(%dma_wait3A_1538 : memref<80x128xf32, #tpu.memory_space<hbm>>)
    %dma_start3A_1543 = arith.constant 4 : i32
    %dma_start3A_1544 = arith.constant 0 : i32
    %dma_start3A_1545 = arith.constant 0 : i32
    %dma_start3A_1546 = arith.constant 0 : i32
    %dma_start3A_1547 = tpu.memref_slice %arg7[%dma_start3A_1544, %dma_start3A_1545, %dma_start3A_1546] : memref<4x80x128xf32, #tpu.memory_space<vmem>> -> memref<1x80x128xf32, #tpu.memory_space<vmem>>
    %dma_start3A_1548 = tpu.memref_squeeze %dma_start3A_1547 : memref<1x80x128xf32, #tpu.memory_space<vmem>> -> memref<80x128xf32, #tpu.memory_space<vmem>>
    %dma_start3A_1549 = arith.constant 0 : i32
    %dma_start3A_1550 = tpu.memref_slice %arg6[%dma_start3A_1543, %dma_start3A_1549] : memref<80x80xi32, #tpu.memory_space<vmem>> -> memref<1x80xi32, #tpu.memory_space<vmem>>
    %dma_start3A_1551 = tpu.memref_squeeze %dma_start3A_1550 : memref<1x80xi32, #tpu.memory_space<vmem>> -> memref<80xi32, #tpu.memory_space<vmem>>
    %dma_start3A_1552 = arith.constant 0 : i32
    %dma_start3A_1553 = arith.constant 0 : i32
    %dma_start3A_1554 = tpu.memref_slice %arg5[%dma_start3A_1552, %dma_start3A_1553] : memref<9088x128xf32, #tpu.memory_space<vmem_shared>> -> memref<9088x128xf32, #tpu.memory_space<vmem_shared>>
    tpu.enqueue_indirect_dma source(%dma_start3A_1554 : memref<9088x128xf32, #tpu.memory_space<vmem_shared>>) target(%dma_start3A_1548 : memref<80x128xf32, #tpu.memory_space<vmem>>) offsets(%dma_start3A_1551 : memref<80xi32, #tpu.memory_space<vmem>>) semaphore(%arg8 : memref<!tpu.dma_semaphore, #tpu.memory_space<semaphore_mem>>)
    %dma_wait3A_1555 = arith.constant 3 : i32
    %dma_wait3A_1556 = arith.constant 0 : i32
    %dma_wait3A_1557 = arith.constant 0 : i32
    %dma_wait3A_1558 = tpu.memref_slice %arg7[%dma_wait3A_1555, %dma_wait3A_1556, %dma_wait3A_1557] : memref<4x80x128xf32, #tpu.memory_space<vmem>> -> memref<1x80x128xf32, #tpu.memory_space<vmem>>
    %dma_wait3A_1559 = tpu.memref_squeeze %dma_wait3A_1558 : memref<1x80x128xf32, #tpu.memory_space<vmem>> -> memref<80x128xf32, #tpu.memory_space<vmem>>
    %dma_wait3A_1560 = arith.constant 0 : i32
    %dma_wait3A_1561 = arith.constant 0 : i32
    %dma_wait3A_1562 = tpu.memref_slice %arg2[%dma_wait3A_1560, %dma_wait3A_1561] : memref<9088x128xf32, #tpu.memory_space<hbm>> -> memref<80x128xf32, #tpu.memory_space<hbm>>
    %dma_wait3A_1563 = arith.constant 0 : i32
    %dma_wait3A_1564 = arith.constant 0 : i32
    %dma_wait3A_1565 = tpu.memref_slice %arg7[%dma_wait3A_1555, %dma_wait3A_1563, %dma_wait3A_1564] : memref<4x80x128xf32, #tpu.memory_space<vmem>> -> memref<1x80x128xf32, #tpu.memory_space<vmem>>
    %dma_wait3A_1566 = tpu.memref_squeeze %dma_wait3A_1565 : memref<1x80x128xf32, #tpu.memory_space<vmem>> -> memref<80x128xf32, #tpu.memory_space<vmem>>
    %dma_wait3A_1567 = arith.constant 0 : i32
    %dma_wait3A_1568 = arith.constant 0 : i32
    %dma_wait3A_1569 = tpu.memref_slice %arg2[%dma_wait3A_1567, %dma_wait3A_1568] : memref<9088x128xf32, #tpu.memory_space<hbm>> -> memref<80x128xf32, #tpu.memory_space<hbm>>
    tpu.wait_dma2 semaphore(%arg11 : memref<!tpu.dma_semaphore, #tpu.memory_space<semaphore_mem>>) src(%dma_wait3A_1569 : memref<80x128xf32, #tpu.memory_space<hbm>>) dst(%dma_wait3A_1566 : memref<80x128xf32, #tpu.memory_space<vmem>>)
    %add3A_1570 = arith.constant 19440 : i32
    %add3A_1571 = arith.addi %mul3A_2, %add3A_1570 : i32
    %dma_start3A_1572 = arith.constant 3 : i32
    %dma_start3A_1573 = arith.constant 0 : i32
    %dma_start3A_1574 = arith.constant 0 : i32
    %dma_start3A_1575 = tpu.memref_slice %arg7[%dma_start3A_1572, %dma_start3A_1573, %dma_start3A_1574] : memref<4x80x128xf32, #tpu.memory_space<vmem>> -> memref<1x80x128xf32, #tpu.memory_space<vmem>>
    %dma_start3A_1576 = tpu.memref_squeeze %dma_start3A_1575 : memref<1x80x128xf32, #tpu.memory_space<vmem>> -> memref<80x128xf32, #tpu.memory_space<vmem>>
    %dma_start3A_1577 = arith.constant 0 : i32
    %dma_start3A_1578 = tpu.memref_slice %arg4[%add3A_1571, %dma_start3A_1577] : memref<819200x128xf32, #tpu.memory_space<hbm>> -> memref<80x128xf32, #tpu.memory_space<hbm>>
    %dma_start3A_1579 = arith.constant 0 : i32
    %dma_start3A_1580 = tpu.memref_slice %arg4[%add3A_1571, %dma_start3A_1579] : memref<819200x128xf32, #tpu.memory_space<hbm>> -> memref<80x128xf32, #tpu.memory_space<hbm>>
    %dma_start3A_1581 = arith.constant 0 : i32
    %dma_start3A_1582 = arith.constant 0 : i32
    %dma_start3A_1583 = tpu.memref_slice %arg7[%dma_start3A_1572, %dma_start3A_1581, %dma_start3A_1582] : memref<4x80x128xf32, #tpu.memory_space<vmem>> -> memref<1x80x128xf32, #tpu.memory_space<vmem>>
    %dma_start3A_1584 = tpu.memref_squeeze %dma_start3A_1583 : memref<1x80x128xf32, #tpu.memory_space<vmem>> -> memref<80x128xf32, #tpu.memory_space<vmem>>
    tpu.enqueue_dma source(%dma_start3A_1584 : memref<80x128xf32, #tpu.memory_space<vmem>>) target(%dma_start3A_1580 : memref<80x128xf32, #tpu.memory_space<hbm>>) target_semaphore(%arg15 : memref<!tpu.dma_semaphore, #tpu.memory_space<semaphore_mem>>)
    %dma_wait3A_1585 = arith.constant 1 : i32
    %dma_wait3A_1586 = arith.constant 0 : i32
    %dma_wait3A_1587 = arith.constant 0 : i32
    %dma_wait3A_1588 = tpu.memref_slice %arg7[%dma_wait3A_1585, %dma_wait3A_1586, %dma_wait3A_1587] : memref<4x80x128xf32, #tpu.memory_space<vmem>> -> memref<1x80x128xf32, #tpu.memory_space<vmem>>
    %dma_wait3A_1589 = tpu.memref_squeeze %dma_wait3A_1588 : memref<1x80x128xf32, #tpu.memory_space<vmem>> -> memref<80x128xf32, #tpu.memory_space<vmem>>
    %dma_wait3A_1590 = arith.constant 0 : i32
    %dma_wait3A_1591 = arith.constant 0 : i32
    %dma_wait3A_1592 = tpu.memref_slice %arg4[%dma_wait3A_1590, %dma_wait3A_1591] : memref<819200x128xf32, #tpu.memory_space<hbm>> -> memref<80x128xf32, #tpu.memory_space<hbm>>
    %dma_wait3A_1593 = arith.constant 0 : i32
    %dma_wait3A_1594 = arith.constant 0 : i32
    %dma_wait3A_1595 = tpu.memref_slice %arg4[%dma_wait3A_1593, %dma_wait3A_1594] : memref<819200x128xf32, #tpu.memory_space<hbm>> -> memref<80x128xf32, #tpu.memory_space<hbm>>
    %dma_wait3A_1596 = arith.constant 0 : i32
    %dma_wait3A_1597 = arith.constant 0 : i32
    %dma_wait3A_1598 = tpu.memref_slice %arg7[%dma_wait3A_1585, %dma_wait3A_1596, %dma_wait3A_1597] : memref<4x80x128xf32, #tpu.memory_space<vmem>> -> memref<1x80x128xf32, #tpu.memory_space<vmem>>
    %dma_wait3A_1599 = tpu.memref_squeeze %dma_wait3A_1598 : memref<1x80x128xf32, #tpu.memory_space<vmem>> -> memref<80x128xf32, #tpu.memory_space<vmem>>
    tpu.wait_dma2 semaphore(%arg13 : memref<!tpu.dma_semaphore, #tpu.memory_space<semaphore_mem>>) src(%dma_wait3A_1599 : memref<80x128xf32, #tpu.memory_space<vmem>>) dst(%dma_wait3A_1595 : memref<80x128xf32, #tpu.memory_space<hbm>>)
    %dma_start3A_1600 = arith.constant 5 : i32
    %dma_start3A_1601 = arith.constant 1 : i32
    %dma_start3A_1602 = arith.constant 0 : i32
    %dma_start3A_1603 = arith.constant 0 : i32
    %dma_start3A_1604 = tpu.memref_slice %arg7[%dma_start3A_1601, %dma_start3A_1602, %dma_start3A_1603] : memref<4x80x128xf32, #tpu.memory_space<vmem>> -> memref<1x80x128xf32, #tpu.memory_space<vmem>>
    %dma_start3A_1605 = tpu.memref_squeeze %dma_start3A_1604 : memref<1x80x128xf32, #tpu.memory_space<vmem>> -> memref<80x128xf32, #tpu.memory_space<vmem>>
    %dma_start3A_1606 = arith.constant 0 : i32
    %dma_start3A_1607 = tpu.memref_slice %arg6[%dma_start3A_1600, %dma_start3A_1606] : memref<80x80xi32, #tpu.memory_space<vmem>> -> memref<1x80xi32, #tpu.memory_space<vmem>>
    %dma_start3A_1608 = tpu.memref_squeeze %dma_start3A_1607 : memref<1x80xi32, #tpu.memory_space<vmem>> -> memref<80xi32, #tpu.memory_space<vmem>>
    %dma_start3A_1609 = arith.constant 0 : i32
    %dma_start3A_1610 = arith.constant 0 : i32
    %dma_start3A_1611 = tpu.memref_slice %arg5[%dma_start3A_1609, %dma_start3A_1610] : memref<9088x128xf32, #tpu.memory_space<vmem_shared>> -> memref<9088x128xf32, #tpu.memory_space<vmem_shared>>
    tpu.enqueue_indirect_dma source(%dma_start3A_1611 : memref<9088x128xf32, #tpu.memory_space<vmem_shared>>) target(%dma_start3A_1605 : memref<80x128xf32, #tpu.memory_space<vmem>>) offsets(%dma_start3A_1608 : memref<80xi32, #tpu.memory_space<vmem>>) semaphore(%arg9 : memref<!tpu.dma_semaphore, #tpu.memory_space<semaphore_mem>>)
    %scan3A_1612 = arith.constant 0 : i32
    %scan3A_1613 = arith.constant 18 : i32
    %scan3A_1614 = arith.addi %scan3A_1612, %scan3A_1613 : i32
    %scan3A_1615 = arith.constant 1 : i32
    scf.for %scan3A_1851 = %scan3A_1612 to %scan3A_1614 step %scan3A_1615  : i32 {
      %mul3A_1852 = arith.constant 4 : i32
      %mul3A_1853 = arith.muli %scan3A_1851, %mul3A_1852 : i32
      %add3A_1854 = arith.constant 4 : i32
      %add3A_1855 = arith.addi %add3A_1854, %mul3A_1853 : i32
      %add3A_1856 = arith.constant 0 : i32
      %add3A_1857 = arith.addi %add3A_1855, %add3A_1856 : i32
      %dma_wait3A_1858 = arith.constant 0 : i32
      %dma_wait3A_1859 = arith.constant 0 : i32
      %dma_wait3A_1860 = arith.constant 0 : i32
      %dma_wait3A_1861 = tpu.memref_slice %arg7[%dma_wait3A_1858, %dma_wait3A_1859, %dma_wait3A_1860] : memref<4x80x128xf32, #tpu.memory_space<vmem>> -> memref<1x80x128xf32, #tpu.memory_space<vmem>>
      %dma_wait3A_1862 = tpu.memref_squeeze %dma_wait3A_1861 : memref<1x80x128xf32, #tpu.memory_space<vmem>> -> memref<80x128xf32, #tpu.memory_space<vmem>>
      %dma_wait3A_1863 = arith.constant 0 : i32
      %dma_wait3A_1864 = arith.constant 0 : i32
      %dma_wait3A_1865 = tpu.memref_slice %arg2[%dma_wait3A_1863, %dma_wait3A_1864] : memref<9088x128xf32, #tpu.memory_space<hbm>> -> memref<80x128xf32, #tpu.memory_space<hbm>>
      %dma_wait3A_1866 = arith.constant 0 : i32
      %dma_wait3A_1867 = arith.constant 0 : i32
      %dma_wait3A_1868 = tpu.memref_slice %arg7[%dma_wait3A_1858, %dma_wait3A_1866, %dma_wait3A_1867] : memref<4x80x128xf32, #tpu.memory_space<vmem>> -> memref<1x80x128xf32, #tpu.memory_space<vmem>>
      %dma_wait3A_1869 = tpu.memref_squeeze %dma_wait3A_1868 : memref<1x80x128xf32, #tpu.memory_space<vmem>> -> memref<80x128xf32, #tpu.memory_space<vmem>>
      %dma_wait3A_1870 = arith.constant 0 : i32
      %dma_wait3A_1871 = arith.constant 0 : i32
      %dma_wait3A_1872 = tpu.memref_slice %arg2[%dma_wait3A_1870, %dma_wait3A_1871] : memref<9088x128xf32, #tpu.memory_space<hbm>> -> memref<80x128xf32, #tpu.memory_space<hbm>>
      tpu.wait_dma2 semaphore(%arg8 : memref<!tpu.dma_semaphore, #tpu.memory_space<semaphore_mem>>) src(%dma_wait3A_1872 : memref<80x128xf32, #tpu.memory_space<hbm>>) dst(%dma_wait3A_1869 : memref<80x128xf32, #tpu.memory_space<vmem>>)
      %dma_wait3A_1873 = arith.constant 2 : i32
      %dma_wait3A_1874 = arith.constant 0 : i32
      %dma_wait3A_1875 = arith.constant 0 : i32
      %dma_wait3A_1876 = tpu.memref_slice %arg7[%dma_wait3A_1873, %dma_wait3A_1874, %dma_wait3A_1875] : memref<4x80x128xf32, #tpu.memory_space<vmem>> -> memref<1x80x128xf32, #tpu.memory_space<vmem>>
      %dma_wait3A_1877 = tpu.memref_squeeze %dma_wait3A_1876 : memref<1x80x128xf32, #tpu.memory_space<vmem>> -> memref<80x128xf32, #tpu.memory_space<vmem>>
      %dma_wait3A_1878 = arith.constant 0 : i32
      %dma_wait3A_1879 = arith.constant 0 : i32
      %dma_wait3A_1880 = tpu.memref_slice %arg4[%dma_wait3A_1878, %dma_wait3A_1879] : memref<819200x128xf32, #tpu.memory_space<hbm>> -> memref<80x128xf32, #tpu.memory_space<hbm>>
      %dma_wait3A_1881 = arith.constant 0 : i32
      %dma_wait3A_1882 = arith.constant 0 : i32
      %dma_wait3A_1883 = tpu.memref_slice %arg4[%dma_wait3A_1881, %dma_wait3A_1882] : memref<819200x128xf32, #tpu.memory_space<hbm>> -> memref<80x128xf32, #tpu.memory_space<hbm>>
      %dma_wait3A_1884 = arith.constant 0 : i32
      %dma_wait3A_1885 = arith.constant 0 : i32
      %dma_wait3A_1886 = tpu.memref_slice %arg7[%dma_wait3A_1873, %dma_wait3A_1884, %dma_wait3A_1885] : memref<4x80x128xf32, #tpu.memory_space<vmem>> -> memref<1x80x128xf32, #tpu.memory_space<vmem>>
      %dma_wait3A_1887 = tpu.memref_squeeze %dma_wait3A_1886 : memref<1x80x128xf32, #tpu.memory_space<vmem>> -> memref<80x128xf32, #tpu.memory_space<vmem>>
      tpu.wait_dma2 semaphore(%arg14 : memref<!tpu.dma_semaphore, #tpu.memory_space<semaphore_mem>>) src(%dma_wait3A_1887 : memref<80x128xf32, #tpu.memory_space<vmem>>) dst(%dma_wait3A_1883 : memref<80x128xf32, #tpu.memory_space<hbm>>)
      %add3A_1888 = arith.constant 2 : i32
      %add3A_1889 = arith.addi %add3A_1857, %add3A_1888 : i32
      %dma_start3A_1890 = arith.constant 2 : i32
      %dma_start3A_1891 = arith.constant 0 : i32
      %dma_start3A_1892 = arith.constant 0 : i32
      %dma_start3A_1893 = tpu.memref_slice %arg7[%dma_start3A_1890, %dma_start3A_1891, %dma_start3A_1892] : memref<4x80x128xf32, #tpu.memory_space<vmem>> -> memref<1x80x128xf32, #tpu.memory_space<vmem>>
      %dma_start3A_1894 = tpu.memref_squeeze %dma_start3A_1893 : memref<1x80x128xf32, #tpu.memory_space<vmem>> -> memref<80x128xf32, #tpu.memory_space<vmem>>
      %dma_start3A_1895 = arith.constant 0 : i32
      %dma_start3A_1896 = tpu.memref_slice %arg6[%add3A_1889, %dma_start3A_1895] : memref<80x80xi32, #tpu.memory_space<vmem>> -> memref<1x80xi32, #tpu.memory_space<vmem>>
      %dma_start3A_1897 = tpu.memref_squeeze %dma_start3A_1896 : memref<1x80xi32, #tpu.memory_space<vmem>> -> memref<80xi32, #tpu.memory_space<vmem>>
      %dma_start3A_1898 = arith.constant 0 : i32
      %dma_start3A_1899 = arith.constant 0 : i32
      %dma_start3A_1900 = tpu.memref_slice %arg5[%dma_start3A_1898, %dma_start3A_1899] : memref<9088x128xf32, #tpu.memory_space<vmem_shared>> -> memref<9088x128xf32, #tpu.memory_space<vmem_shared>>
      tpu.enqueue_indirect_dma source(%dma_start3A_1900 : memref<9088x128xf32, #tpu.memory_space<vmem_shared>>) target(%dma_start3A_1894 : memref<80x128xf32, #tpu.memory_space<vmem>>) offsets(%dma_start3A_1897 : memref<80xi32, #tpu.memory_space<vmem>>) semaphore(%arg10 : memref<!tpu.dma_semaphore, #tpu.memory_space<semaphore_mem>>)
      %add3A_1901 = arith.constant 240 : i32
      %add3A_1902 = arith.addi %add3A_1901, %add3A_1857 : i32
      %mul3A_1903 = arith.constant 80 : i32
      %mul3A_1904 = arith.muli %add3A_1902, %mul3A_1903 : i32
      %add3A_1905 = arith.addi %mul3A_2, %mul3A_1904 : i32
      %dma_start3A_1906 = arith.constant 0 : i32
      %dma_start3A_1907 = arith.constant 0 : i32
      %dma_start3A_1908 = arith.constant 0 : i32
      %dma_start3A_1909 = tpu.memref_slice %arg7[%dma_start3A_1906, %dma_start3A_1907, %dma_start3A_1908] : memref<4x80x128xf32, #tpu.memory_space<vmem>> -> memref<1x80x128xf32, #tpu.memory_space<vmem>>
      %dma_start3A_1910 = tpu.memref_squeeze %dma_start3A_1909 : memref<1x80x128xf32, #tpu.memory_space<vmem>> -> memref<80x128xf32, #tpu.memory_space<vmem>>
      %dma_start3A_1911 = arith.constant 0 : i32
      %dma_start3A_1912 = tpu.memref_slice %arg4[%add3A_1905, %dma_start3A_1911] : memref<819200x128xf32, #tpu.memory_space<hbm>> -> memref<80x128xf32, #tpu.memory_space<hbm>>
      %dma_start3A_1913 = arith.constant 0 : i32
      %dma_start3A_1914 = tpu.memref_slice %arg4[%add3A_1905, %dma_start3A_1913] : memref<819200x128xf32, #tpu.memory_space<hbm>> -> memref<80x128xf32, #tpu.memory_space<hbm>>
      %dma_start3A_1915 = arith.constant 0 : i32
      %dma_start3A_1916 = arith.constant 0 : i32
      %dma_start3A_1917 = tpu.memref_slice %arg7[%dma_start3A_1906, %dma_start3A_1915, %dma_start3A_1916] : memref<4x80x128xf32, #tpu.memory_space<vmem>> -> memref<1x80x128xf32, #tpu.memory_space<vmem>>
      %dma_start3A_1918 = tpu.memref_squeeze %dma_start3A_1917 : memref<1x80x128xf32, #tpu.memory_space<vmem>> -> memref<80x128xf32, #tpu.memory_space<vmem>>
      tpu.enqueue_dma source(%dma_start3A_1918 : memref<80x128xf32, #tpu.memory_space<vmem>>) target(%dma_start3A_1914 : memref<80x128xf32, #tpu.memory_space<hbm>>) target_semaphore(%arg12 : memref<!tpu.dma_semaphore, #tpu.memory_space<semaphore_mem>>)
      %add3A_1919 = arith.constant 1 : i32
      %add3A_1920 = arith.addi %add3A_1855, %add3A_1919 : i32
      %dma_wait3A_1921 = arith.constant 1 : i32
      %dma_wait3A_1922 = arith.constant 0 : i32
      %dma_wait3A_1923 = arith.constant 0 : i32
      %dma_wait3A_1924 = tpu.memref_slice %arg7[%dma_wait3A_1921, %dma_wait3A_1922, %dma_wait3A_1923] : memref<4x80x128xf32, #tpu.memory_space<vmem>> -> memref<1x80x128xf32, #tpu.memory_space<vmem>>
      %dma_wait3A_1925 = tpu.memref_squeeze %dma_wait3A_1924 : memref<1x80x128xf32, #tpu.memory_space<vmem>> -> memref<80x128xf32, #tpu.memory_space<vmem>>
      %dma_wait3A_1926 = arith.constant 0 : i32
      %dma_wait3A_1927 = arith.constant 0 : i32
      %dma_wait3A_1928 = tpu.memref_slice %arg2[%dma_wait3A_1926, %dma_wait3A_1927] : memref<9088x128xf32, #tpu.memory_space<hbm>> -> memref<80x128xf32, #tpu.memory_space<hbm>>
      %dma_wait3A_1929 = arith.constant 0 : i32
      %dma_wait3A_1930 = arith.constant 0 : i32
      %dma_wait3A_1931 = tpu.memref_slice %arg7[%dma_wait3A_1921, %dma_wait3A_1929, %dma_wait3A_1930] : memref<4x80x128xf32, #tpu.memory_space<vmem>> -> memref<1x80x128xf32, #tpu.memory_space<vmem>>
      %dma_wait3A_1932 = tpu.memref_squeeze %dma_wait3A_1931 : memref<1x80x128xf32, #tpu.memory_space<vmem>> -> memref<80x128xf32, #tpu.memory_space<vmem>>
      %dma_wait3A_1933 = arith.constant 0 : i32
      %dma_wait3A_1934 = arith.constant 0 : i32
      %dma_wait3A_1935 = tpu.memref_slice %arg2[%dma_wait3A_1933, %dma_wait3A_1934] : memref<9088x128xf32, #tpu.memory_space<hbm>> -> memref<80x128xf32, #tpu.memory_space<hbm>>
      tpu.wait_dma2 semaphore(%arg9 : memref<!tpu.dma_semaphore, #tpu.memory_space<semaphore_mem>>) src(%dma_wait3A_1935 : memref<80x128xf32, #tpu.memory_space<hbm>>) dst(%dma_wait3A_1932 : memref<80x128xf32, #tpu.memory_space<vmem>>)
      %dma_wait3A_1936 = arith.constant 3 : i32
      %dma_wait3A_1937 = arith.constant 0 : i32
      %dma_wait3A_1938 = arith.constant 0 : i32
      %dma_wait3A_1939 = tpu.memref_slice %arg7[%dma_wait3A_1936, %dma_wait3A_1937, %dma_wait3A_1938] : memref<4x80x128xf32, #tpu.memory_space<vmem>> -> memref<1x80x128xf32, #tpu.memory_space<vmem>>
      %dma_wait3A_1940 = tpu.memref_squeeze %dma_wait3A_1939 : memref<1x80x128xf32, #tpu.memory_space<vmem>> -> memref<80x128xf32, #tpu.memory_space<vmem>>
      %dma_wait3A_1941 = arith.constant 0 : i32
      %dma_wait3A_1942 = arith.constant 0 : i32
      %dma_wait3A_1943 = tpu.memref_slice %arg4[%dma_wait3A_1941, %dma_wait3A_1942] : memref<819200x128xf32, #tpu.memory_space<hbm>> -> memref<80x128xf32, #tpu.memory_space<hbm>>
      %dma_wait3A_1944 = arith.constant 0 : i32
      %dma_wait3A_1945 = arith.constant 0 : i32
      %dma_wait3A_1946 = tpu.memref_slice %arg4[%dma_wait3A_1944, %dma_wait3A_1945] : memref<819200x128xf32, #tpu.memory_space<hbm>> -> memref<80x128xf32, #tpu.memory_space<hbm>>
      %dma_wait3A_1947 = arith.constant 0 : i32
      %dma_wait3A_1948 = arith.constant 0 : i32
      %dma_wait3A_1949 = tpu.memref_slice %arg7[%dma_wait3A_1936, %dma_wait3A_1947, %dma_wait3A_1948] : memref<4x80x128xf32, #tpu.memory_space<vmem>> -> memref<1x80x128xf32, #tpu.memory_space<vmem>>
      %dma_wait3A_1950 = tpu.memref_squeeze %dma_wait3A_1949 : memref<1x80x128xf32, #tpu.memory_space<vmem>> -> memref<80x128xf32, #tpu.memory_space<vmem>>
      tpu.wait_dma2 semaphore(%arg15 : memref<!tpu.dma_semaphore, #tpu.memory_space<semaphore_mem>>) src(%dma_wait3A_1950 : memref<80x128xf32, #tpu.memory_space<vmem>>) dst(%dma_wait3A_1946 : memref<80x128xf32, #tpu.memory_space<hbm>>)
      %add3A_1951 = arith.constant 2 : i32
      %add3A_1952 = arith.addi %add3A_1920, %add3A_1951 : i32
      %dma_start3A_1953 = arith.constant 3 : i32
      %dma_start3A_1954 = arith.constant 0 : i32
      %dma_start3A_1955 = arith.constant 0 : i32
      %dma_start3A_1956 = tpu.memref_slice %arg7[%dma_start3A_1953, %dma_start3A_1954, %dma_start3A_1955] : memref<4x80x128xf32, #tpu.memory_space<vmem>> -> memref<1x80x128xf32, #tpu.memory_space<vmem>>
      %dma_start3A_1957 = tpu.memref_squeeze %dma_start3A_1956 : memref<1x80x128xf32, #tpu.memory_space<vmem>> -> memref<80x128xf32, #tpu.memory_space<vmem>>
      %dma_start3A_1958 = arith.constant 0 : i32
      %dma_start3A_1959 = tpu.memref_slice %arg6[%add3A_1952, %dma_start3A_1958] : memref<80x80xi32, #tpu.memory_space<vmem>> -> memref<1x80xi32, #tpu.memory_space<vmem>>
      %dma_start3A_1960 = tpu.memref_squeeze %dma_start3A_1959 : memref<1x80xi32, #tpu.memory_space<vmem>> -> memref<80xi32, #tpu.memory_space<vmem>>
      %dma_start3A_1961 = arith.constant 0 : i32
      %dma_start3A_1962 = arith.constant 0 : i32
      %dma_start3A_1963 = tpu.memref_slice %arg5[%dma_start3A_1961, %dma_start3A_1962] : memref<9088x128xf32, #tpu.memory_space<vmem_shared>> -> memref<9088x128xf32, #tpu.memory_space<vmem_shared>>
      tpu.enqueue_indirect_dma source(%dma_start3A_1963 : memref<9088x128xf32, #tpu.memory_space<vmem_shared>>) target(%dma_start3A_1957 : memref<80x128xf32, #tpu.memory_space<vmem>>) offsets(%dma_start3A_1960 : memref<80xi32, #tpu.memory_space<vmem>>) semaphore(%arg11 : memref<!tpu.dma_semaphore, #tpu.memory_space<semaphore_mem>>)
      %add3A_1964 = arith.constant 240 : i32
      %add3A_1965 = arith.addi %add3A_1964, %add3A_1920 : i32
      %mul3A_1966 = arith.constant 80 : i32
      %mul3A_1967 = arith.muli %add3A_1965, %mul3A_1966 : i32
      %add3A_1968 = arith.addi %mul3A_2, %mul3A_1967 : i32
      %dma_start3A_1969 = arith.constant 1 : i32
      %dma_start3A_1970 = arith.constant 0 : i32
      %dma_start3A_1971 = arith.constant 0 : i32
      %dma_start3A_1972 = tpu.memref_slice %arg7[%dma_start3A_1969, %dma_start3A_1970, %dma_start3A_1971] : memref<4x80x128xf32, #tpu.memory_space<vmem>> -> memref<1x80x128xf32, #tpu.memory_space<vmem>>
      %dma_start3A_1973 = tpu.memref_squeeze %dma_start3A_1972 : memref<1x80x128xf32, #tpu.memory_space<vmem>> -> memref<80x128xf32, #tpu.memory_space<vmem>>
      %dma_start3A_1974 = arith.constant 0 : i32
      %dma_start3A_1975 = tpu.memref_slice %arg4[%add3A_1968, %dma_start3A_1974] : memref<819200x128xf32, #tpu.memory_space<hbm>> -> memref<80x128xf32, #tpu.memory_space<hbm>>
      %dma_start3A_1976 = arith.constant 0 : i32
      %dma_start3A_1977 = tpu.memref_slice %arg4[%add3A_1968, %dma_start3A_1976] : memref<819200x128xf32, #tpu.memory_space<hbm>> -> memref<80x128xf32, #tpu.memory_space<hbm>>
      %dma_start3A_1978 = arith.constant 0 : i32
      %dma_start3A_1979 = arith.constant 0 : i32
      %dma_start3A_1980 = tpu.memref_slice %arg7[%dma_start3A_1969, %dma_start3A_1978, %dma_start3A_1979] : memref<4x80x128xf32, #tpu.memory_space<vmem>> -> memref<1x80x128xf32, #tpu.memory_space<vmem>>
      %dma_start3A_1981 = tpu.memref_squeeze %dma_start3A_1980 : memref<1x80x128xf32, #tpu.memory_space<vmem>> -> memref<80x128xf32, #tpu.memory_space<vmem>>
      tpu.enqueue_dma source(%dma_start3A_1981 : memref<80x128xf32, #tpu.memory_space<vmem>>) target(%dma_start3A_1977 : memref<80x128xf32, #tpu.memory_space<hbm>>) target_semaphore(%arg13 : memref<!tpu.dma_semaphore, #tpu.memory_space<semaphore_mem>>)
      %add3A_1982 = arith.constant 2 : i32
      %add3A_1983 = arith.addi %add3A_1855, %add3A_1982 : i32
      %dma_wait3A_1984 = arith.constant 2 : i32
      %dma_wait3A_1985 = arith.constant 0 : i32
      %dma_wait3A_1986 = arith.constant 0 : i32
      %dma_wait3A_1987 = tpu.memref_slice %arg7[%dma_wait3A_1984, %dma_wait3A_1985, %dma_wait3A_1986] : memref<4x80x128xf32, #tpu.memory_space<vmem>> -> memref<1x80x128xf32, #tpu.memory_space<vmem>>
      %dma_wait3A_1988 = tpu.memref_squeeze %dma_wait3A_1987 : memref<1x80x128xf32, #tpu.memory_space<vmem>> -> memref<80x128xf32, #tpu.memory_space<vmem>>
      %dma_wait3A_1989 = arith.constant 0 : i32
      %dma_wait3A_1990 = arith.constant 0 : i32
      %dma_wait3A_1991 = tpu.memref_slice %arg2[%dma_wait3A_1989, %dma_wait3A_1990] : memref<9088x128xf32, #tpu.memory_space<hbm>> -> memref<80x128xf32, #tpu.memory_space<hbm>>
      %dma_wait3A_1992 = arith.constant 0 : i32
      %dma_wait3A_1993 = arith.constant 0 : i32
      %dma_wait3A_1994 = tpu.memref_slice %arg7[%dma_wait3A_1984, %dma_wait3A_1992, %dma_wait3A_1993] : memref<4x80x128xf32, #tpu.memory_space<vmem>> -> memref<1x80x128xf32, #tpu.memory_space<vmem>>
      %dma_wait3A_1995 = tpu.memref_squeeze %dma_wait3A_1994 : memref<1x80x128xf32, #tpu.memory_space<vmem>> -> memref<80x128xf32, #tpu.memory_space<vmem>>
      %dma_wait3A_1996 = arith.constant 0 : i32
      %dma_wait3A_1997 = arith.constant 0 : i32
      %dma_wait3A_1998 = tpu.memref_slice %arg2[%dma_wait3A_1996, %dma_wait3A_1997] : memref<9088x128xf32, #tpu.memory_space<hbm>> -> memref<80x128xf32, #tpu.memory_space<hbm>>
      tpu.wait_dma2 semaphore(%arg10 : memref<!tpu.dma_semaphore, #tpu.memory_space<semaphore_mem>>) src(%dma_wait3A_1998 : memref<80x128xf32, #tpu.memory_space<hbm>>) dst(%dma_wait3A_1995 : memref<80x128xf32, #tpu.memory_space<vmem>>)
      %dma_wait3A_1999 = arith.constant 0 : i32
      %dma_wait3A_2000 = arith.constant 0 : i32
      %dma_wait3A_2001 = arith.constant 0 : i32
      %dma_wait3A_2002 = tpu.memref_slice %arg7[%dma_wait3A_1999, %dma_wait3A_2000, %dma_wait3A_2001] : memref<4x80x128xf32, #tpu.memory_space<vmem>> -> memref<1x80x128xf32, #tpu.memory_space<vmem>>
      %dma_wait3A_2003 = tpu.memref_squeeze %dma_wait3A_2002 : memref<1x80x128xf32, #tpu.memory_space<vmem>> -> memref<80x128xf32, #tpu.memory_space<vmem>>
      %dma_wait3A_2004 = arith.constant 0 : i32
      %dma_wait3A_2005 = arith.constant 0 : i32
      %dma_wait3A_2006 = tpu.memref_slice %arg4[%dma_wait3A_2004, %dma_wait3A_2005] : memref<819200x128xf32, #tpu.memory_space<hbm>> -> memref<80x128xf32, #tpu.memory_space<hbm>>
      %dma_wait3A_2007 = arith.constant 0 : i32
      %dma_wait3A_2008 = arith.constant 0 : i32
      %dma_wait3A_2009 = tpu.memref_slice %arg4[%dma_wait3A_2007, %dma_wait3A_2008] : memref<819200x128xf32, #tpu.memory_space<hbm>> -> memref<80x128xf32, #tpu.memory_space<hbm>>
      %dma_wait3A_2010 = arith.constant 0 : i32
      %dma_wait3A_2011 = arith.constant 0 : i32
      %dma_wait3A_2012 = tpu.memref_slice %arg7[%dma_wait3A_1999, %dma_wait3A_2010, %dma_wait3A_2011] : memref<4x80x128xf32, #tpu.memory_space<vmem>> -> memref<1x80x128xf32, #tpu.memory_space<vmem>>
      %dma_wait3A_2013 = tpu.memref_squeeze %dma_wait3A_2012 : memref<1x80x128xf32, #tpu.memory_space<vmem>> -> memref<80x128xf32, #tpu.memory_space<vmem>>
      tpu.wait_dma2 semaphore(%arg12 : memref<!tpu.dma_semaphore, #tpu.memory_space<semaphore_mem>>) src(%dma_wait3A_2013 : memref<80x128xf32, #tpu.memory_space<vmem>>) dst(%dma_wait3A_2009 : memref<80x128xf32, #tpu.memory_space<hbm>>)
      %add3A_2014 = arith.constant 2 : i32
      %add3A_2015 = arith.addi %add3A_1983, %add3A_2014 : i32
      %dma_start3A_2016 = arith.constant 0 : i32
      %dma_start3A_2017 = arith.constant 0 : i32
      %dma_start3A_2018 = arith.constant 0 : i32
      %dma_start3A_2019 = tpu.memref_slice %arg7[%dma_start3A_2016, %dma_start3A_2017, %dma_start3A_2018] : memref<4x80x128xf32, #tpu.memory_space<vmem>> -> memref<1x80x128xf32, #tpu.memory_space<vmem>>
      %dma_start3A_2020 = tpu.memref_squeeze %dma_start3A_2019 : memref<1x80x128xf32, #tpu.memory_space<vmem>> -> memref<80x128xf32, #tpu.memory_space<vmem>>
      %dma_start3A_2021 = arith.constant 0 : i32
      %dma_start3A_2022 = tpu.memref_slice %arg6[%add3A_2015, %dma_start3A_2021] : memref<80x80xi32, #tpu.memory_space<vmem>> -> memref<1x80xi32, #tpu.memory_space<vmem>>
      %dma_start3A_2023 = tpu.memref_squeeze %dma_start3A_2022 : memref<1x80xi32, #tpu.memory_space<vmem>> -> memref<80xi32, #tpu.memory_space<vmem>>
      %dma_start3A_2024 = arith.constant 0 : i32
      %dma_start3A_2025 = arith.constant 0 : i32
      %dma_start3A_2026 = tpu.memref_slice %arg5[%dma_start3A_2024, %dma_start3A_2025] : memref<9088x128xf32, #tpu.memory_space<vmem_shared>> -> memref<9088x128xf32, #tpu.memory_space<vmem_shared>>
      tpu.enqueue_indirect_dma source(%dma_start3A_2026 : memref<9088x128xf32, #tpu.memory_space<vmem_shared>>) target(%dma_start3A_2020 : memref<80x128xf32, #tpu.memory_space<vmem>>) offsets(%dma_start3A_2023 : memref<80xi32, #tpu.memory_space<vmem>>) semaphore(%arg8 : memref<!tpu.dma_semaphore, #tpu.memory_space<semaphore_mem>>)
      %add3A_2027 = arith.constant 240 : i32
      %add3A_2028 = arith.addi %add3A_2027, %add3A_1983 : i32
      %mul3A_2029 = arith.constant 80 : i32
      %mul3A_2030 = arith.muli %add3A_2028, %mul3A_2029 : i32
      %add3A_2031 = arith.addi %mul3A_2, %mul3A_2030 : i32
      %dma_start3A_2032 = arith.constant 2 : i32
      %dma_start3A_2033 = arith.constant 0 : i32
      %dma_start3A_2034 = arith.constant 0 : i32
      %dma_start3A_2035 = tpu.memref_slice %arg7[%dma_start3A_2032, %dma_start3A_2033, %dma_start3A_2034] : memref<4x80x128xf32, #tpu.memory_space<vmem>> -> memref<1x80x128xf32, #tpu.memory_space<vmem>>
      %dma_start3A_2036 = tpu.memref_squeeze %dma_start3A_2035 : memref<1x80x128xf32, #tpu.memory_space<vmem>> -> memref<80x128xf32, #tpu.memory_space<vmem>>
      %dma_start3A_2037 = arith.constant 0 : i32
      %dma_start3A_2038 = tpu.memref_slice %arg4[%add3A_2031, %dma_start3A_2037] : memref<819200x128xf32, #tpu.memory_space<hbm>> -> memref<80x128xf32, #tpu.memory_space<hbm>>
      %dma_start3A_2039 = arith.constant 0 : i32
      %dma_start3A_2040 = tpu.memref_slice %arg4[%add3A_2031, %dma_start3A_2039] : memref<819200x128xf32, #tpu.memory_space<hbm>> -> memref<80x128xf32, #tpu.memory_space<hbm>>
      %dma_start3A_2041 = arith.constant 0 : i32
      %dma_start3A_2042 = arith.constant 0 : i32
      %dma_start3A_2043 = tpu.memref_slice %arg7[%dma_start3A_2032, %dma_start3A_2041, %dma_start3A_2042] : memref<4x80x128xf32, #tpu.memory_space<vmem>> -> memref<1x80x128xf32, #tpu.memory_space<vmem>>
      %dma_start3A_2044 = tpu.memref_squeeze %dma_start3A_2043 : memref<1x80x128xf32, #tpu.memory_space<vmem>> -> memref<80x128xf32, #tpu.memory_space<vmem>>
      tpu.enqueue_dma source(%dma_start3A_2044 : memref<80x128xf32, #tpu.memory_space<vmem>>) target(%dma_start3A_2040 : memref<80x128xf32, #tpu.memory_space<hbm>>) target_semaphore(%arg14 : memref<!tpu.dma_semaphore, #tpu.memory_space<semaphore_mem>>)
      %add3A_2045 = arith.constant 3 : i32
      %add3A_2046 = arith.addi %add3A_1855, %add3A_2045 : i32
      %dma_wait3A_2047 = arith.constant 3 : i32
      %dma_wait3A_2048 = arith.constant 0 : i32
      %dma_wait3A_2049 = arith.constant 0 : i32
      %dma_wait3A_2050 = tpu.memref_slice %arg7[%dma_wait3A_2047, %dma_wait3A_2048, %dma_wait3A_2049] : memref<4x80x128xf32, #tpu.memory_space<vmem>> -> memref<1x80x128xf32, #tpu.memory_space<vmem>>
      %dma_wait3A_2051 = tpu.memref_squeeze %dma_wait3A_2050 : memref<1x80x128xf32, #tpu.memory_space<vmem>> -> memref<80x128xf32, #tpu.memory_space<vmem>>
      %dma_wait3A_2052 = arith.constant 0 : i32
      %dma_wait3A_2053 = arith.constant 0 : i32
      %dma_wait3A_2054 = tpu.memref_slice %arg2[%dma_wait3A_2052, %dma_wait3A_2053] : memref<9088x128xf32, #tpu.memory_space<hbm>> -> memref<80x128xf32, #tpu.memory_space<hbm>>
      %dma_wait3A_2055 = arith.constant 0 : i32
      %dma_wait3A_2056 = arith.constant 0 : i32
      %dma_wait3A_2057 = tpu.memref_slice %arg7[%dma_wait3A_2047, %dma_wait3A_2055, %dma_wait3A_2056] : memref<4x80x128xf32, #tpu.memory_space<vmem>> -> memref<1x80x128xf32, #tpu.memory_space<vmem>>
      %dma_wait3A_2058 = tpu.memref_squeeze %dma_wait3A_2057 : memref<1x80x128xf32, #tpu.memory_space<vmem>> -> memref<80x128xf32, #tpu.memory_space<vmem>>
      %dma_wait3A_2059 = arith.constant 0 : i32
      %dma_wait3A_2060 = arith.constant 0 : i32
      %dma_wait3A_2061 = tpu.memref_slice %arg2[%dma_wait3A_2059, %dma_wait3A_2060] : memref<9088x128xf32, #tpu.memory_space<hbm>> -> memref<80x128xf32, #tpu.memory_space<hbm>>
      tpu.wait_dma2 semaphore(%arg11 : memref<!tpu.dma_semaphore, #tpu.memory_space<semaphore_mem>>) src(%dma_wait3A_2061 : memref<80x128xf32, #tpu.memory_space<hbm>>) dst(%dma_wait3A_2058 : memref<80x128xf32, #tpu.memory_space<vmem>>)
      %dma_wait3A_2062 = arith.constant 1 : i32
      %dma_wait3A_2063 = arith.constant 0 : i32
      %dma_wait3A_2064 = arith.constant 0 : i32
      %dma_wait3A_2065 = tpu.memref_slice %arg7[%dma_wait3A_2062, %dma_wait3A_2063, %dma_wait3A_2064] : memref<4x80x128xf32, #tpu.memory_space<vmem>> -> memref<1x80x128xf32, #tpu.memory_space<vmem>>
      %dma_wait3A_2066 = tpu.memref_squeeze %dma_wait3A_2065 : memref<1x80x128xf32, #tpu.memory_space<vmem>> -> memref<80x128xf32, #tpu.memory_space<vmem>>
      %dma_wait3A_2067 = arith.constant 0 : i32
      %dma_wait3A_2068 = arith.constant 0 : i32
      %dma_wait3A_2069 = tpu.memref_slice %arg4[%dma_wait3A_2067, %dma_wait3A_2068] : memref<819200x128xf32, #tpu.memory_space<hbm>> -> memref<80x128xf32, #tpu.memory_space<hbm>>
      %dma_wait3A_2070 = arith.constant 0 : i32
      %dma_wait3A_2071 = arith.constant 0 : i32
      %dma_wait3A_2072 = tpu.memref_slice %arg4[%dma_wait3A_2070, %dma_wait3A_2071] : memref<819200x128xf32, #tpu.memory_space<hbm>> -> memref<80x128xf32, #tpu.memory_space<hbm>>
      %dma_wait3A_2073 = arith.constant 0 : i32
      %dma_wait3A_2074 = arith.constant 0 : i32
      %dma_wait3A_2075 = tpu.memref_slice %arg7[%dma_wait3A_2062, %dma_wait3A_2073, %dma_wait3A_2074] : memref<4x80x128xf32, #tpu.memory_space<vmem>> -> memref<1x80x128xf32, #tpu.memory_space<vmem>>
      %dma_wait3A_2076 = tpu.memref_squeeze %dma_wait3A_2075 : memref<1x80x128xf32, #tpu.memory_space<vmem>> -> memref<80x128xf32, #tpu.memory_space<vmem>>
      tpu.wait_dma2 semaphore(%arg13 : memref<!tpu.dma_semaphore, #tpu.memory_space<semaphore_mem>>) src(%dma_wait3A_2076 : memref<80x128xf32, #tpu.memory_space<vmem>>) dst(%dma_wait3A_2072 : memref<80x128xf32, #tpu.memory_space<hbm>>)
      %add3A_2077 = arith.constant 2 : i32
      %add3A_2078 = arith.addi %add3A_2046, %add3A_2077 : i32
      %dma_start3A_2079 = arith.constant 1 : i32
      %dma_start3A_2080 = arith.constant 0 : i32
      %dma_start3A_2081 = arith.constant 0 : i32
      %dma_start3A_2082 = tpu.memref_slice %arg7[%dma_start3A_2079, %dma_start3A_2080, %dma_start3A_2081] : memref<4x80x128xf32, #tpu.memory_space<vmem>> -> memref<1x80x128xf32, #tpu.memory_space<vmem>>
      %dma_start3A_2083 = tpu.memref_squeeze %dma_start3A_2082 : memref<1x80x128xf32, #tpu.memory_space<vmem>> -> memref<80x128xf32, #tpu.memory_space<vmem>>
      %dma_start3A_2084 = arith.constant 0 : i32
      %dma_start3A_2085 = tpu.memref_slice %arg6[%add3A_2078, %dma_start3A_2084] : memref<80x80xi32, #tpu.memory_space<vmem>> -> memref<1x80xi32, #tpu.memory_space<vmem>>
      %dma_start3A_2086 = tpu.memref_squeeze %dma_start3A_2085 : memref<1x80xi32, #tpu.memory_space<vmem>> -> memref<80xi32, #tpu.memory_space<vmem>>
      %dma_start3A_2087 = arith.constant 0 : i32
      %dma_start3A_2088 = arith.constant 0 : i32
      %dma_start3A_2089 = tpu.memref_slice %arg5[%dma_start3A_2087, %dma_start3A_2088] : memref<9088x128xf32, #tpu.memory_space<vmem_shared>> -> memref<9088x128xf32, #tpu.memory_space<vmem_shared>>
      tpu.enqueue_indirect_dma source(%dma_start3A_2089 : memref<9088x128xf32, #tpu.memory_space<vmem_shared>>) target(%dma_start3A_2083 : memref<80x128xf32, #tpu.memory_space<vmem>>) offsets(%dma_start3A_2086 : memref<80xi32, #tpu.memory_space<vmem>>) semaphore(%arg9 : memref<!tpu.dma_semaphore, #tpu.memory_space<semaphore_mem>>)
      %add3A_2090 = arith.constant 240 : i32
      %add3A_2091 = arith.addi %add3A_2090, %add3A_2046 : i32
      %mul3A_2092 = arith.constant 80 : i32
      %mul3A_2093 = arith.muli %add3A_2091, %mul3A_2092 : i32
      %add3A_2094 = arith.addi %mul3A_2, %mul3A_2093 : i32
      %dma_start3A_2095 = arith.constant 3 : i32
      %dma_start3A_2096 = arith.constant 0 : i32
      %dma_start3A_2097 = arith.constant 0 : i32
      %dma_start3A_2098 = tpu.memref_slice %arg7[%dma_start3A_2095, %dma_start3A_2096, %dma_start3A_2097] : memref<4x80x128xf32, #tpu.memory_space<vmem>> -> memref<1x80x128xf32, #tpu.memory_space<vmem>>
      %dma_start3A_2099 = tpu.memref_squeeze %dma_start3A_2098 : memref<1x80x128xf32, #tpu.memory_space<vmem>> -> memref<80x128xf32, #tpu.memory_space<vmem>>
      %dma_start3A_2100 = arith.constant 0 : i32
      %dma_start3A_2101 = tpu.memref_slice %arg4[%add3A_2094, %dma_start3A_2100] : memref<819200x128xf32, #tpu.memory_space<hbm>> -> memref<80x128xf32, #tpu.memory_space<hbm>>
      %dma_start3A_2102 = arith.constant 0 : i32
      %dma_start3A_2103 = tpu.memref_slice %arg4[%add3A_2094, %dma_start3A_2102] : memref<819200x128xf32, #tpu.memory_space<hbm>> -> memref<80x128xf32, #tpu.memory_space<hbm>>
      %dma_start3A_2104 = arith.constant 0 : i32
      %dma_start3A_2105 = arith.constant 0 : i32
      %dma_start3A_2106 = tpu.memref_slice %arg7[%dma_start3A_2095, %dma_start3A_2104, %dma_start3A_2105] : memref<4x80x128xf32, #tpu.memory_space<vmem>> -> memref<1x80x128xf32, #tpu.memory_space<vmem>>
      %dma_start3A_2107 = tpu.memref_squeeze %dma_start3A_2106 : memref<1x80x128xf32, #tpu.memory_space<vmem>> -> memref<80x128xf32, #tpu.memory_space<vmem>>
      tpu.enqueue_dma source(%dma_start3A_2107 : memref<80x128xf32, #tpu.memory_space<vmem>>) target(%dma_start3A_2103 : memref<80x128xf32, #tpu.memory_space<hbm>>) target_semaphore(%arg15 : memref<!tpu.dma_semaphore, #tpu.memory_space<semaphore_mem>>)
    }
    %scan3A_1616 = arith.constant 18 : i32
    %dma_wait3A_1617 = arith.constant 0 : i32
    %dma_wait3A_1618 = arith.constant 0 : i32
    %dma_wait3A_1619 = arith.constant 0 : i32
    %dma_wait3A_1620 = tpu.memref_slice %arg7[%dma_wait3A_1617, %dma_wait3A_1618, %dma_wait3A_1619] : memref<4x80x128xf32, #tpu.memory_space<vmem>> -> memref<1x80x128xf32, #tpu.memory_space<vmem>>
    %dma_wait3A_1621 = tpu.memref_squeeze %dma_wait3A_1620 : memref<1x80x128xf32, #tpu.memory_space<vmem>> -> memref<80x128xf32, #tpu.memory_space<vmem>>
    %dma_wait3A_1622 = arith.constant 0 : i32
    %dma_wait3A_1623 = arith.constant 0 : i32
    %dma_wait3A_1624 = tpu.memref_slice %arg2[%dma_wait3A_1622, %dma_wait3A_1623] : memref<9088x128xf32, #tpu.memory_space<hbm>> -> memref<80x128xf32, #tpu.memory_space<hbm>>
    %dma_wait3A_1625 = arith.constant 0 : i32
    %dma_wait3A_1626 = arith.constant 0 : i32
    %dma_wait3A_1627 = tpu.memref_slice %arg7[%dma_wait3A_1617, %dma_wait3A_1625, %dma_wait3A_1626] : memref<4x80x128xf32, #tpu.memory_space<vmem>> -> memref<1x80x128xf32, #tpu.memory_space<vmem>>
    %dma_wait3A_1628 = tpu.memref_squeeze %dma_wait3A_1627 : memref<1x80x128xf32, #tpu.memory_space<vmem>> -> memref<80x128xf32, #tpu.memory_space<vmem>>
    %dma_wait3A_1629 = arith.constant 0 : i32
    %dma_wait3A_1630 = arith.constant 0 : i32
    %dma_wait3A_1631 = tpu.memref_slice %arg2[%dma_wait3A_1629, %dma_wait3A_1630] : memref<9088x128xf32, #tpu.memory_space<hbm>> -> memref<80x128xf32, #tpu.memory_space<hbm>>
    tpu.wait_dma2 semaphore(%arg8 : memref<!tpu.dma_semaphore, #tpu.memory_space<semaphore_mem>>) src(%dma_wait3A_1631 : memref<80x128xf32, #tpu.memory_space<hbm>>) dst(%dma_wait3A_1628 : memref<80x128xf32, #tpu.memory_space<vmem>>)
    %add3A_1632 = arith.constant 25280 : i32
    %add3A_1633 = arith.addi %mul3A_2, %add3A_1632 : i32
    %dma_start3A_1634 = arith.constant 0 : i32
    %dma_start3A_1635 = arith.constant 0 : i32
    %dma_start3A_1636 = arith.constant 0 : i32
    %dma_start3A_1637 = tpu.memref_slice %arg7[%dma_start3A_1634, %dma_start3A_1635, %dma_start3A_1636] : memref<4x80x128xf32, #tpu.memory_space<vmem>> -> memref<1x80x128xf32, #tpu.memory_space<vmem>>
    %dma_start3A_1638 = tpu.memref_squeeze %dma_start3A_1637 : memref<1x80x128xf32, #tpu.memory_space<vmem>> -> memref<80x128xf32, #tpu.memory_space<vmem>>
    %dma_start3A_1639 = arith.constant 0 : i32
    %dma_start3A_1640 = tpu.memref_slice %arg4[%add3A_1633, %dma_start3A_1639] : memref<819200x128xf32, #tpu.memory_space<hbm>> -> memref<80x128xf32, #tpu.memory_space<hbm>>
    %dma_start3A_1641 = arith.constant 0 : i32
    %dma_start3A_1642 = tpu.memref_slice %arg4[%add3A_1633, %dma_start3A_1641] : memref<819200x128xf32, #tpu.memory_space<hbm>> -> memref<80x128xf32, #tpu.memory_space<hbm>>
    %dma_start3A_1643 = arith.constant 0 : i32
    %dma_start3A_1644 = arith.constant 0 : i32
    %dma_start3A_1645 = tpu.memref_slice %arg7[%dma_start3A_1634, %dma_start3A_1643, %dma_start3A_1644] : memref<4x80x128xf32, #tpu.memory_space<vmem>> -> memref<1x80x128xf32, #tpu.memory_space<vmem>>
    %dma_start3A_1646 = tpu.memref_squeeze %dma_start3A_1645 : memref<1x80x128xf32, #tpu.memory_space<vmem>> -> memref<80x128xf32, #tpu.memory_space<vmem>>
    tpu.enqueue_dma source(%dma_start3A_1646 : memref<80x128xf32, #tpu.memory_space<vmem>>) target(%dma_start3A_1642 : memref<80x128xf32, #tpu.memory_space<hbm>>) target_semaphore(%arg12 : memref<!tpu.dma_semaphore, #tpu.memory_space<semaphore_mem>>)
    %dma_wait3A_1647 = arith.constant 2 : i32
    %dma_wait3A_1648 = arith.constant 0 : i32
    %dma_wait3A_1649 = arith.constant 0 : i32
    %dma_wait3A_1650 = tpu.memref_slice %arg7[%dma_wait3A_1647, %dma_wait3A_1648, %dma_wait3A_1649] : memref<4x80x128xf32, #tpu.memory_space<vmem>> -> memref<1x80x128xf32, #tpu.memory_space<vmem>>
    %dma_wait3A_1651 = tpu.memref_squeeze %dma_wait3A_1650 : memref<1x80x128xf32, #tpu.memory_space<vmem>> -> memref<80x128xf32, #tpu.memory_space<vmem>>
    %dma_wait3A_1652 = arith.constant 0 : i32
    %dma_wait3A_1653 = arith.constant 0 : i32
    %dma_wait3A_1654 = tpu.memref_slice %arg4[%dma_wait3A_1652, %dma_wait3A_1653] : memref<819200x128xf32, #tpu.memory_space<hbm>> -> memref<80x128xf32, #tpu.memory_space<hbm>>
    %dma_wait3A_1655 = arith.constant 0 : i32
    %dma_wait3A_1656 = arith.constant 0 : i32
    %dma_wait3A_1657 = tpu.memref_slice %arg4[%dma_wait3A_1655, %dma_wait3A_1656] : memref<819200x128xf32, #tpu.memory_space<hbm>> -> memref<80x128xf32, #tpu.memory_space<hbm>>
    %dma_wait3A_1658 = arith.constant 0 : i32
    %dma_wait3A_1659 = arith.constant 0 : i32
    %dma_wait3A_1660 = tpu.memref_slice %arg7[%dma_wait3A_1647, %dma_wait3A_1658, %dma_wait3A_1659] : memref<4x80x128xf32, #tpu.memory_space<vmem>> -> memref<1x80x128xf32, #tpu.memory_space<vmem>>
    %dma_wait3A_1661 = tpu.memref_squeeze %dma_wait3A_1660 : memref<1x80x128xf32, #tpu.memory_space<vmem>> -> memref<80x128xf32, #tpu.memory_space<vmem>>
    tpu.wait_dma2 semaphore(%arg14 : memref<!tpu.dma_semaphore, #tpu.memory_space<semaphore_mem>>) src(%dma_wait3A_1661 : memref<80x128xf32, #tpu.memory_space<vmem>>) dst(%dma_wait3A_1657 : memref<80x128xf32, #tpu.memory_space<hbm>>)
    %dma_start3A_1662 = arith.constant 78 : i32
    %dma_start3A_1663 = arith.constant 2 : i32
    %dma_start3A_1664 = arith.constant 0 : i32
    %dma_start3A_1665 = arith.constant 0 : i32
    %dma_start3A_1666 = tpu.memref_slice %arg7[%dma_start3A_1663, %dma_start3A_1664, %dma_start3A_1665] : memref<4x80x128xf32, #tpu.memory_space<vmem>> -> memref<1x80x128xf32, #tpu.memory_space<vmem>>
    %dma_start3A_1667 = tpu.memref_squeeze %dma_start3A_1666 : memref<1x80x128xf32, #tpu.memory_space<vmem>> -> memref<80x128xf32, #tpu.memory_space<vmem>>
    %dma_start3A_1668 = arith.constant 0 : i32
    %dma_start3A_1669 = tpu.memref_slice %arg6[%dma_start3A_1662, %dma_start3A_1668] : memref<80x80xi32, #tpu.memory_space<vmem>> -> memref<1x80xi32, #tpu.memory_space<vmem>>
    %dma_start3A_1670 = tpu.memref_squeeze %dma_start3A_1669 : memref<1x80xi32, #tpu.memory_space<vmem>> -> memref<80xi32, #tpu.memory_space<vmem>>
    %dma_start3A_1671 = arith.constant 0 : i32
    %dma_start3A_1672 = arith.constant 0 : i32
    %dma_start3A_1673 = tpu.memref_slice %arg5[%dma_start3A_1671, %dma_start3A_1672] : memref<9088x128xf32, #tpu.memory_space<vmem_shared>> -> memref<9088x128xf32, #tpu.memory_space<vmem_shared>>
    tpu.enqueue_indirect_dma source(%dma_start3A_1673 : memref<9088x128xf32, #tpu.memory_space<vmem_shared>>) target(%dma_start3A_1667 : memref<80x128xf32, #tpu.memory_space<vmem>>) offsets(%dma_start3A_1670 : memref<80xi32, #tpu.memory_space<vmem>>) semaphore(%arg10 : memref<!tpu.dma_semaphore, #tpu.memory_space<semaphore_mem>>)
    %dma_wait3A_1674 = arith.constant 1 : i32
    %dma_wait3A_1675 = arith.constant 0 : i32
    %dma_wait3A_1676 = arith.constant 0 : i32
    %dma_wait3A_1677 = tpu.memref_slice %arg7[%dma_wait3A_1674, %dma_wait3A_1675, %dma_wait3A_1676] : memref<4x80x128xf32, #tpu.memory_space<vmem>> -> memref<1x80x128xf32, #tpu.memory_space<vmem>>
    %dma_wait3A_1678 = tpu.memref_squeeze %dma_wait3A_1677 : memref<1x80x128xf32, #tpu.memory_space<vmem>> -> memref<80x128xf32, #tpu.memory_space<vmem>>
    %dma_wait3A_1679 = arith.constant 0 : i32
    %dma_wait3A_1680 = arith.constant 0 : i32
    %dma_wait3A_1681 = tpu.memref_slice %arg2[%dma_wait3A_1679, %dma_wait3A_1680] : memref<9088x128xf32, #tpu.memory_space<hbm>> -> memref<80x128xf32, #tpu.memory_space<hbm>>
    %dma_wait3A_1682 = arith.constant 0 : i32
    %dma_wait3A_1683 = arith.constant 0 : i32
    %dma_wait3A_1684 = tpu.memref_slice %arg7[%dma_wait3A_1674, %dma_wait3A_1682, %dma_wait3A_1683] : memref<4x80x128xf32, #tpu.memory_space<vmem>> -> memref<1x80x128xf32, #tpu.memory_space<vmem>>
    %dma_wait3A_1685 = tpu.memref_squeeze %dma_wait3A_1684 : memref<1x80x128xf32, #tpu.memory_space<vmem>> -> memref<80x128xf32, #tpu.memory_space<vmem>>
    %dma_wait3A_1686 = arith.constant 0 : i32
    %dma_wait3A_1687 = arith.constant 0 : i32
    %dma_wait3A_1688 = tpu.memref_slice %arg2[%dma_wait3A_1686, %dma_wait3A_1687] : memref<9088x128xf32, #tpu.memory_space<hbm>> -> memref<80x128xf32, #tpu.memory_space<hbm>>
    tpu.wait_dma2 semaphore(%arg9 : memref<!tpu.dma_semaphore, #tpu.memory_space<semaphore_mem>>) src(%dma_wait3A_1688 : memref<80x128xf32, #tpu.memory_space<hbm>>) dst(%dma_wait3A_1685 : memref<80x128xf32, #tpu.memory_space<vmem>>)
    %add3A_1689 = arith.constant 25360 : i32
    %add3A_1690 = arith.addi %mul3A_2, %add3A_1689 : i32
    %dma_start3A_1691 = arith.constant 1 : i32
    %dma_start3A_1692 = arith.constant 0 : i32
    %dma_start3A_1693 = arith.constant 0 : i32
    %dma_start3A_1694 = tpu.memref_slice %arg7[%dma_start3A_1691, %dma_start3A_1692, %dma_start3A_1693] : memref<4x80x128xf32, #tpu.memory_space<vmem>> -> memref<1x80x128xf32, #tpu.memory_space<vmem>>
    %dma_start3A_1695 = tpu.memref_squeeze %dma_start3A_1694 : memref<1x80x128xf32, #tpu.memory_space<vmem>> -> memref<80x128xf32, #tpu.memory_space<vmem>>
    %dma_start3A_1696 = arith.constant 0 : i32
    %dma_start3A_1697 = tpu.memref_slice %arg4[%add3A_1690, %dma_start3A_1696] : memref<819200x128xf32, #tpu.memory_space<hbm>> -> memref<80x128xf32, #tpu.memory_space<hbm>>
    %dma_start3A_1698 = arith.constant 0 : i32
    %dma_start3A_1699 = tpu.memref_slice %arg4[%add3A_1690, %dma_start3A_1698] : memref<819200x128xf32, #tpu.memory_space<hbm>> -> memref<80x128xf32, #tpu.memory_space<hbm>>
    %dma_start3A_1700 = arith.constant 0 : i32
    %dma_start3A_1701 = arith.constant 0 : i32
    %dma_start3A_1702 = tpu.memref_slice %arg7[%dma_start3A_1691, %dma_start3A_1700, %dma_start3A_1701] : memref<4x80x128xf32, #tpu.memory_space<vmem>> -> memref<1x80x128xf32, #tpu.memory_space<vmem>>
    %dma_start3A_1703 = tpu.memref_squeeze %dma_start3A_1702 : memref<1x80x128xf32, #tpu.memory_space<vmem>> -> memref<80x128xf32, #tpu.memory_space<vmem>>
    tpu.enqueue_dma source(%dma_start3A_1703 : memref<80x128xf32, #tpu.memory_space<vmem>>) target(%dma_start3A_1699 : memref<80x128xf32, #tpu.memory_space<hbm>>) target_semaphore(%arg13 : memref<!tpu.dma_semaphore, #tpu.memory_space<semaphore_mem>>)
    %dma_wait3A_1704 = arith.constant 3 : i32
    %dma_wait3A_1705 = arith.constant 0 : i32
    %dma_wait3A_1706 = arith.constant 0 : i32
    %dma_wait3A_1707 = tpu.memref_slice %arg7[%dma_wait3A_1704, %dma_wait3A_1705, %dma_wait3A_1706] : memref<4x80x128xf32, #tpu.memory_space<vmem>> -> memref<1x80x128xf32, #tpu.memory_space<vmem>>
    %dma_wait3A_1708 = tpu.memref_squeeze %dma_wait3A_1707 : memref<1x80x128xf32, #tpu.memory_space<vmem>> -> memref<80x128xf32, #tpu.memory_space<vmem>>
    %dma_wait3A_1709 = arith.constant 0 : i32
    %dma_wait3A_1710 = arith.constant 0 : i32
    %dma_wait3A_1711 = tpu.memref_slice %arg4[%dma_wait3A_1709, %dma_wait3A_1710] : memref<819200x128xf32, #tpu.memory_space<hbm>> -> memref<80x128xf32, #tpu.memory_space<hbm>>
    %dma_wait3A_1712 = arith.constant 0 : i32
    %dma_wait3A_1713 = arith.constant 0 : i32
    %dma_wait3A_1714 = tpu.memref_slice %arg4[%dma_wait3A_1712, %dma_wait3A_1713] : memref<819200x128xf32, #tpu.memory_space<hbm>> -> memref<80x128xf32, #tpu.memory_space<hbm>>
    %dma_wait3A_1715 = arith.constant 0 : i32
    %dma_wait3A_1716 = arith.constant 0 : i32
    %dma_wait3A_1717 = tpu.memref_slice %arg7[%dma_wait3A_1704, %dma_wait3A_1715, %dma_wait3A_1716] : memref<4x80x128xf32, #tpu.memory_space<vmem>> -> memref<1x80x128xf32, #tpu.memory_space<vmem>>
    %dma_wait3A_1718 = tpu.memref_squeeze %dma_wait3A_1717 : memref<1x80x128xf32, #tpu.memory_space<vmem>> -> memref<80x128xf32, #tpu.memory_space<vmem>>
    tpu.wait_dma2 semaphore(%arg15 : memref<!tpu.dma_semaphore, #tpu.memory_space<semaphore_mem>>) src(%dma_wait3A_1718 : memref<80x128xf32, #tpu.memory_space<vmem>>) dst(%dma_wait3A_1714 : memref<80x128xf32, #tpu.memory_space<hbm>>)
    %dma_start3A_1719 = arith.constant 79 : i32
    %dma_start3A_1720 = arith.constant 3 : i32
    %dma_start3A_1721 = arith.constant 0 : i32
    %dma_start3A_1722 = arith.constant 0 : i32
    %dma_start3A_1723 = tpu.memref_slice %arg7[%dma_start3A_1720, %dma_start3A_1721, %dma_start3A_1722] : memref<4x80x128xf32, #tpu.memory_space<vmem>> -> memref<1x80x128xf32, #tpu.memory_space<vmem>>
    %dma_start3A_1724 = tpu.memref_squeeze %dma_start3A_1723 : memref<1x80x128xf32, #tpu.memory_space<vmem>> -> memref<80x128xf32, #tpu.memory_space<vmem>>
    %dma_start3A_1725 = arith.constant 0 : i32
    %dma_start3A_1726 = tpu.memref_slice %arg6[%dma_start3A_1719, %dma_start3A_1725] : memref<80x80xi32, #tpu.memory_space<vmem>> -> memref<1x80xi32, #tpu.memory_space<vmem>>
    %dma_start3A_1727 = tpu.memref_squeeze %dma_start3A_1726 : memref<1x80xi32, #tpu.memory_space<vmem>> -> memref<80xi32, #tpu.memory_space<vmem>>
    %dma_start3A_1728 = arith.constant 0 : i32
    %dma_start3A_1729 = arith.constant 0 : i32
    %dma_start3A_1730 = tpu.memref_slice %arg5[%dma_start3A_1728, %dma_start3A_1729] : memref<9088x128xf32, #tpu.memory_space<vmem_shared>> -> memref<9088x128xf32, #tpu.memory_space<vmem_shared>>
    tpu.enqueue_indirect_dma source(%dma_start3A_1730 : memref<9088x128xf32, #tpu.memory_space<vmem_shared>>) target(%dma_start3A_1724 : memref<80x128xf32, #tpu.memory_space<vmem>>) offsets(%dma_start3A_1727 : memref<80xi32, #tpu.memory_space<vmem>>) semaphore(%arg11 : memref<!tpu.dma_semaphore, #tpu.memory_space<semaphore_mem>>)
    %dma_wait3A_1731 = arith.constant 2 : i32
    %dma_wait3A_1732 = arith.constant 0 : i32
    %dma_wait3A_1733 = arith.constant 0 : i32
    %dma_wait3A_1734 = tpu.memref_slice %arg7[%dma_wait3A_1731, %dma_wait3A_1732, %dma_wait3A_1733] : memref<4x80x128xf32, #tpu.memory_space<vmem>> -> memref<1x80x128xf32, #tpu.memory_space<vmem>>
    %dma_wait3A_1735 = tpu.memref_squeeze %dma_wait3A_1734 : memref<1x80x128xf32, #tpu.memory_space<vmem>> -> memref<80x128xf32, #tpu.memory_space<vmem>>
    %dma_wait3A_1736 = arith.constant 0 : i32
    %dma_wait3A_1737 = arith.constant 0 : i32
    %dma_wait3A_1738 = tpu.memref_slice %arg2[%dma_wait3A_1736, %dma_wait3A_1737] : memref<9088x128xf32, #tpu.memory_space<hbm>> -> memref<80x128xf32, #tpu.memory_space<hbm>>
    %dma_wait3A_1739 = arith.constant 0 : i32
    %dma_wait3A_1740 = arith.constant 0 : i32
    %dma_wait3A_1741 = tpu.memref_slice %arg7[%dma_wait3A_1731, %dma_wait3A_1739, %dma_wait3A_1740] : memref<4x80x128xf32, #tpu.memory_space<vmem>> -> memref<1x80x128xf32, #tpu.memory_space<vmem>>
    %dma_wait3A_1742 = tpu.memref_squeeze %dma_wait3A_1741 : memref<1x80x128xf32, #tpu.memory_space<vmem>> -> memref<80x128xf32, #tpu.memory_space<vmem>>
    %dma_wait3A_1743 = arith.constant 0 : i32
    %dma_wait3A_1744 = arith.constant 0 : i32
    %dma_wait3A_1745 = tpu.memref_slice %arg2[%dma_wait3A_1743, %dma_wait3A_1744] : memref<9088x128xf32, #tpu.memory_space<hbm>> -> memref<80x128xf32, #tpu.memory_space<hbm>>
    tpu.wait_dma2 semaphore(%arg10 : memref<!tpu.dma_semaphore, #tpu.memory_space<semaphore_mem>>) src(%dma_wait3A_1745 : memref<80x128xf32, #tpu.memory_space<hbm>>) dst(%dma_wait3A_1742 : memref<80x128xf32, #tpu.memory_space<vmem>>)
    %add3A_1746 = arith.constant 25440 : i32
    %add3A_1747 = arith.addi %mul3A_2, %add3A_1746 : i32
    %dma_start3A_1748 = arith.constant 2 : i32
    %dma_start3A_1749 = arith.constant 0 : i32
    %dma_start3A_1750 = arith.constant 0 : i32
    %dma_start3A_1751 = tpu.memref_slice %arg7[%dma_start3A_1748, %dma_start3A_1749, %dma_start3A_1750] : memref<4x80x128xf32, #tpu.memory_space<vmem>> -> memref<1x80x128xf32, #tpu.memory_space<vmem>>
    %dma_start3A_1752 = tpu.memref_squeeze %dma_start3A_1751 : memref<1x80x128xf32, #tpu.memory_space<vmem>> -> memref<80x128xf32, #tpu.memory_space<vmem>>
    %dma_start3A_1753 = arith.constant 0 : i32
    %dma_start3A_1754 = tpu.memref_slice %arg4[%add3A_1747, %dma_start3A_1753] : memref<819200x128xf32, #tpu.memory_space<hbm>> -> memref<80x128xf32, #tpu.memory_space<hbm>>
    %dma_start3A_1755 = arith.constant 0 : i32
    %dma_start3A_1756 = tpu.memref_slice %arg4[%add3A_1747, %dma_start3A_1755] : memref<819200x128xf32, #tpu.memory_space<hbm>> -> memref<80x128xf32, #tpu.memory_space<hbm>>
    %dma_start3A_1757 = arith.constant 0 : i32
    %dma_start3A_1758 = arith.constant 0 : i32
    %dma_start3A_1759 = tpu.memref_slice %arg7[%dma_start3A_1748, %dma_start3A_1757, %dma_start3A_1758] : memref<4x80x128xf32, #tpu.memory_space<vmem>> -> memref<1x80x128xf32, #tpu.memory_space<vmem>>
    %dma_start3A_1760 = tpu.memref_squeeze %dma_start3A_1759 : memref<1x80x128xf32, #tpu.memory_space<vmem>> -> memref<80x128xf32, #tpu.memory_space<vmem>>
    tpu.enqueue_dma source(%dma_start3A_1760 : memref<80x128xf32, #tpu.memory_space<vmem>>) target(%dma_start3A_1756 : memref<80x128xf32, #tpu.memory_space<hbm>>) target_semaphore(%arg14 : memref<!tpu.dma_semaphore, #tpu.memory_space<semaphore_mem>>)
    %dma_wait3A_1761 = arith.constant 3 : i32
    %dma_wait3A_1762 = arith.constant 0 : i32
    %dma_wait3A_1763 = arith.constant 0 : i32
    %dma_wait3A_1764 = tpu.memref_slice %arg7[%dma_wait3A_1761, %dma_wait3A_1762, %dma_wait3A_1763] : memref<4x80x128xf32, #tpu.memory_space<vmem>> -> memref<1x80x128xf32, #tpu.memory_space<vmem>>
    %dma_wait3A_1765 = tpu.memref_squeeze %dma_wait3A_1764 : memref<1x80x128xf32, #tpu.memory_space<vmem>> -> memref<80x128xf32, #tpu.memory_space<vmem>>
    %dma_wait3A_1766 = arith.constant 0 : i32
    %dma_wait3A_1767 = arith.constant 0 : i32
    %dma_wait3A_1768 = tpu.memref_slice %arg2[%dma_wait3A_1766, %dma_wait3A_1767] : memref<9088x128xf32, #tpu.memory_space<hbm>> -> memref<80x128xf32, #tpu.memory_space<hbm>>
    %dma_wait3A_1769 = arith.constant 0 : i32
    %dma_wait3A_1770 = arith.constant 0 : i32
    %dma_wait3A_1771 = tpu.memref_slice %arg7[%dma_wait3A_1761, %dma_wait3A_1769, %dma_wait3A_1770] : memref<4x80x128xf32, #tpu.memory_space<vmem>> -> memref<1x80x128xf32, #tpu.memory_space<vmem>>
    %dma_wait3A_1772 = tpu.memref_squeeze %dma_wait3A_1771 : memref<1x80x128xf32, #tpu.memory_space<vmem>> -> memref<80x128xf32, #tpu.memory_space<vmem>>
    %dma_wait3A_1773 = arith.constant 0 : i32
    %dma_wait3A_1774 = arith.constant 0 : i32
    %dma_wait3A_1775 = tpu.memref_slice %arg2[%dma_wait3A_1773, %dma_wait3A_1774] : memref<9088x128xf32, #tpu.memory_space<hbm>> -> memref<80x128xf32, #tpu.memory_space<hbm>>
    tpu.wait_dma2 semaphore(%arg11 : memref<!tpu.dma_semaphore, #tpu.memory_space<semaphore_mem>>) src(%dma_wait3A_1775 : memref<80x128xf32, #tpu.memory_space<hbm>>) dst(%dma_wait3A_1772 : memref<80x128xf32, #tpu.memory_space<vmem>>)
    %add3A_1776 = arith.constant 25520 : i32
    %add3A_1777 = arith.addi %mul3A_2, %add3A_1776 : i32
    %dma_start3A_1778 = arith.constant 3 : i32
    %dma_start3A_1779 = arith.constant 0 : i32
    %dma_start3A_1780 = arith.constant 0 : i32
    %dma_start3A_1781 = tpu.memref_slice %arg7[%dma_start3A_1778, %dma_start3A_1779, %dma_start3A_1780] : memref<4x80x128xf32, #tpu.memory_space<vmem>> -> memref<1x80x128xf32, #tpu.memory_space<vmem>>
    %dma_start3A_1782 = tpu.memref_squeeze %dma_start3A_1781 : memref<1x80x128xf32, #tpu.memory_space<vmem>> -> memref<80x128xf32, #tpu.memory_space<vmem>>
    %dma_start3A_1783 = arith.constant 0 : i32
    %dma_start3A_1784 = tpu.memref_slice %arg4[%add3A_1777, %dma_start3A_1783] : memref<819200x128xf32, #tpu.memory_space<hbm>> -> memref<80x128xf32, #tpu.memory_space<hbm>>
    %dma_start3A_1785 = arith.constant 0 : i32
    %dma_start3A_1786 = tpu.memref_slice %arg4[%add3A_1777, %dma_start3A_1785] : memref<819200x128xf32, #tpu.memory_space<hbm>> -> memref<80x128xf32, #tpu.memory_space<hbm>>
    %dma_start3A_1787 = arith.constant 0 : i32
    %dma_start3A_1788 = arith.constant 0 : i32
    %dma_start3A_1789 = tpu.memref_slice %arg7[%dma_start3A_1778, %dma_start3A_1787, %dma_start3A_1788] : memref<4x80x128xf32, #tpu.memory_space<vmem>> -> memref<1x80x128xf32, #tpu.memory_space<vmem>>
    %dma_start3A_1790 = tpu.memref_squeeze %dma_start3A_1789 : memref<1x80x128xf32, #tpu.memory_space<vmem>> -> memref<80x128xf32, #tpu.memory_space<vmem>>
    tpu.enqueue_dma source(%dma_start3A_1790 : memref<80x128xf32, #tpu.memory_space<vmem>>) target(%dma_start3A_1786 : memref<80x128xf32, #tpu.memory_space<hbm>>) target_semaphore(%arg15 : memref<!tpu.dma_semaphore, #tpu.memory_space<semaphore_mem>>)
    %dma_wait3A_1791 = arith.constant 0 : i32
    %dma_wait3A_1792 = arith.constant 0 : i32
    %dma_wait3A_1793 = arith.constant 0 : i32
    %dma_wait3A_1794 = tpu.memref_slice %arg7[%dma_wait3A_1791, %dma_wait3A_1792, %dma_wait3A_1793] : memref<4x80x128xf32, #tpu.memory_space<vmem>> -> memref<1x80x128xf32, #tpu.memory_space<vmem>>
    %dma_wait3A_1795 = tpu.memref_squeeze %dma_wait3A_1794 : memref<1x80x128xf32, #tpu.memory_space<vmem>> -> memref<80x128xf32, #tpu.memory_space<vmem>>
    %dma_wait3A_1796 = arith.constant 0 : i32
    %dma_wait3A_1797 = arith.constant 0 : i32
    %dma_wait3A_1798 = tpu.memref_slice %arg4[%dma_wait3A_1796, %dma_wait3A_1797] : memref<819200x128xf32, #tpu.memory_space<hbm>> -> memref<80x128xf32, #tpu.memory_space<hbm>>
    %dma_wait3A_1799 = arith.constant 0 : i32
    %dma_wait3A_1800 = arith.constant 0 : i32
    %dma_wait3A_1801 = tpu.memref_slice %arg4[%dma_wait3A_1799, %dma_wait3A_1800] : memref<819200x128xf32, #tpu.memory_space<hbm>> -> memref<80x128xf32, #tpu.memory_space<hbm>>
    %dma_wait3A_1802 = arith.constant 0 : i32
    %dma_wait3A_1803 = arith.constant 0 : i32
    %dma_wait3A_1804 = tpu.memref_slice %arg7[%dma_wait3A_1791, %dma_wait3A_1802, %dma_wait3A_1803] : memref<4x80x128xf32, #tpu.memory_space<vmem>> -> memref<1x80x128xf32, #tpu.memory_space<vmem>>
    %dma_wait3A_1805 = tpu.memref_squeeze %dma_wait3A_1804 : memref<1x80x128xf32, #tpu.memory_space<vmem>> -> memref<80x128xf32, #tpu.memory_space<vmem>>
    tpu.wait_dma2 semaphore(%arg12 : memref<!tpu.dma_semaphore, #tpu.memory_space<semaphore_mem>>) src(%dma_wait3A_1805 : memref<80x128xf32, #tpu.memory_space<vmem>>) dst(%dma_wait3A_1801 : memref<80x128xf32, #tpu.memory_space<hbm>>)
    %dma_wait3A_1806 = arith.constant 1 : i32
    %dma_wait3A_1807 = arith.constant 0 : i32
    %dma_wait3A_1808 = arith.constant 0 : i32
    %dma_wait3A_1809 = tpu.memref_slice %arg7[%dma_wait3A_1806, %dma_wait3A_1807, %dma_wait3A_1808] : memref<4x80x128xf32, #tpu.memory_space<vmem>> -> memref<1x80x128xf32, #tpu.memory_space<vmem>>
    %dma_wait3A_1810 = tpu.memref_squeeze %dma_wait3A_1809 : memref<1x80x128xf32, #tpu.memory_space<vmem>> -> memref<80x128xf32, #tpu.memory_space<vmem>>
    %dma_wait3A_1811 = arith.constant 0 : i32
    %dma_wait3A_1812 = arith.constant 0 : i32
    %dma_wait3A_1813 = tpu.memref_slice %arg4[%dma_wait3A_1811, %dma_wait3A_1812] : memref<819200x128xf32, #tpu.memory_space<hbm>> -> memref<80x128xf32, #tpu.memory_space<hbm>>
    %dma_wait3A_1814 = arith.constant 0 : i32
    %dma_wait3A_1815 = arith.constant 0 : i32
    %dma_wait3A_1816 = tpu.memref_slice %arg4[%dma_wait3A_1814, %dma_wait3A_1815] : memref<819200x128xf32, #tpu.memory_space<hbm>> -> memref<80x128xf32, #tpu.memory_space<hbm>>
    %dma_wait3A_1817 = arith.constant 0 : i32
    %dma_wait3A_1818 = arith.constant 0 : i32
    %dma_wait3A_1819 = tpu.memref_slice %arg7[%dma_wait3A_1806, %dma_wait3A_1817, %dma_wait3A_1818] : memref<4x80x128xf32, #tpu.memory_space<vmem>> -> memref<1x80x128xf32, #tpu.memory_space<vmem>>
    %dma_wait3A_1820 = tpu.memref_squeeze %dma_wait3A_1819 : memref<1x80x128xf32, #tpu.memory_space<vmem>> -> memref<80x128xf32, #tpu.memory_space<vmem>>
    tpu.wait_dma2 semaphore(%arg13 : memref<!tpu.dma_semaphore, #tpu.memory_space<semaphore_mem>>) src(%dma_wait3A_1820 : memref<80x128xf32, #tpu.memory_space<vmem>>) dst(%dma_wait3A_1816 : memref<80x128xf32, #tpu.memory_space<hbm>>)
    %dma_wait3A_1821 = arith.constant 2 : i32
    %dma_wait3A_1822 = arith.constant 0 : i32
    %dma_wait3A_1823 = arith.constant 0 : i32
    %dma_wait3A_1824 = tpu.memref_slice %arg7[%dma_wait3A_1821, %dma_wait3A_1822, %dma_wait3A_1823] : memref<4x80x128xf32, #tpu.memory_space<vmem>> -> memref<1x80x128xf32, #tpu.memory_space<vmem>>
    %dma_wait3A_1825 = tpu.memref_squeeze %dma_wait3A_1824 : memref<1x80x128xf32, #tpu.memory_space<vmem>> -> memref<80x128xf32, #tpu.memory_space<vmem>>
    %dma_wait3A_1826 = arith.constant 0 : i32
    %dma_wait3A_1827 = arith.constant 0 : i32
    %dma_wait3A_1828 = tpu.memref_slice %arg4[%dma_wait3A_1826, %dma_wait3A_1827] : memref<819200x128xf32, #tpu.memory_space<hbm>> -> memref<80x128xf32, #tpu.memory_space<hbm>>
    %dma_wait3A_1829 = arith.constant 0 : i32
    %dma_wait3A_1830 = arith.constant 0 : i32
    %dma_wait3A_1831 = tpu.memref_slice %arg4[%dma_wait3A_1829, %dma_wait3A_1830] : memref<819200x128xf32, #tpu.memory_space<hbm>> -> memref<80x128xf32, #tpu.memory_space<hbm>>
    %dma_wait3A_1832 = arith.constant 0 : i32
    %dma_wait3A_1833 = arith.constant 0 : i32
    %dma_wait3A_1834 = tpu.memref_slice %arg7[%dma_wait3A_1821, %dma_wait3A_1832, %dma_wait3A_1833] : memref<4x80x128xf32, #tpu.memory_space<vmem>> -> memref<1x80x128xf32, #tpu.memory_space<vmem>>
    %dma_wait3A_1835 = tpu.memref_squeeze %dma_wait3A_1834 : memref<1x80x128xf32, #tpu.memory_space<vmem>> -> memref<80x128xf32, #tpu.memory_space<vmem>>
    tpu.wait_dma2 semaphore(%arg14 : memref<!tpu.dma_semaphore, #tpu.memory_space<semaphore_mem>>) src(%dma_wait3A_1835 : memref<80x128xf32, #tpu.memory_space<vmem>>) dst(%dma_wait3A_1831 : memref<80x128xf32, #tpu.memory_space<hbm>>)
    %dma_wait3A_1836 = arith.constant 3 : i32
    %dma_wait3A_1837 = arith.constant 0 : i32
    %dma_wait3A_1838 = arith.constant 0 : i32
    %dma_wait3A_1839 = tpu.memref_slice %arg7[%dma_wait3A_1836, %dma_wait3A_1837, %dma_wait3A_1838] : memref<4x80x128xf32, #tpu.memory_space<vmem>> -> memref<1x80x128xf32, #tpu.memory_space<vmem>>
    %dma_wait3A_1840 = tpu.memref_squeeze %dma_wait3A_1839 : memref<1x80x128xf32, #tpu.memory_space<vmem>> -> memref<80x128xf32, #tpu.memory_space<vmem>>
    %dma_wait3A_1841 = arith.constant 0 : i32
    %dma_wait3A_1842 = arith.constant 0 : i32
    %dma_wait3A_1843 = tpu.memref_slice %arg4[%dma_wait3A_1841, %dma_wait3A_1842] : memref<819200x128xf32, #tpu.memory_space<hbm>> -> memref<80x128xf32, #tpu.memory_space<hbm>>
    %dma_wait3A_1844 = arith.constant 0 : i32
    %dma_wait3A_1845 = arith.constant 0 : i32
    %dma_wait3A_1846 = tpu.memref_slice %arg4[%dma_wait3A_1844, %dma_wait3A_1845] : memref<819200x128xf32, #tpu.memory_space<hbm>> -> memref<80x128xf32, #tpu.memory_space<hbm>>
    %dma_wait3A_1847 = arith.constant 0 : i32
    %dma_wait3A_1848 = arith.constant 0 : i32
    %dma_wait3A_1849 = tpu.memref_slice %arg7[%dma_wait3A_1836, %dma_wait3A_1847, %dma_wait3A_1848] : memref<4x80x128xf32, #tpu.memory_space<vmem>> -> memref<1x80x128xf32, #tpu.memory_space<vmem>>
    %dma_wait3A_1850 = tpu.memref_squeeze %dma_wait3A_1849 : memref<1x80x128xf32, #tpu.memory_space<vmem>> -> memref<80x128xf32, #tpu.memory_space<vmem>>
    tpu.wait_dma2 semaphore(%arg15 : memref<!tpu.dma_semaphore, #tpu.memory_space<semaphore_mem>>) src(%dma_wait3A_1850 : memref<80x128xf32, #tpu.memory_space<vmem>>) dst(%dma_wait3A_1846 : memref<80x128xf32, #tpu.memory_space<hbm>>)
    return
  }
}

</mosaic_0001>

<sc_bundles>
// kernel: _sc_gather.3.cloned.1.call-start
scs
__scs_entry_jumppad:
0x0: {  	(pc) =	sbr.rel $0x88, $3  }
0x1: {  	(tag) =	ssettag $0x0;
	lr =	simm.s32 $0x1  }
0x2: {  	[smem:$0x3F9F] =	sst lr;
	_ =	strace $0xD0000000  }
0x3: {  	_ = 	snop  }
0x4: {  	_ = 	snop  }
0x5: {  	_ = 	snop  }
0x6: {  	_ = 	snop  }
0x7: {  	_ = 	snop  }
__scs_overlays_trampoline_lowered:
0x8: {  	[smem:$0x3FAE] =	sst s0  }
0x9: {  	[smem:$0x3FAF] =	sst s1  }
0xa: {  	[smem:$0x3FB0] =	sst s2  }
0xb: {  	[smem:$0x3FB1] =	sst s3  }
0xc: {  	[smem:$0x3FB2] =	sst s4  }
0xd: {  	[smem:$0x3FB3] =	sst s5  }
0xe: {  	[smem:$0x3FB4] =	sst s6  }
0xf: {  	[smem:$0x3FB5] =	sst s7  }
0x10: {  	[smem:$0x3FB6] =	sst s8  }
0x11: {  	[smem:$0x3FB7] =	sst s9;
	s0 =	simm.s32 @!p0 $0x0  }
0x12: {  	s1 =	sld [smem:$0x3F9D];
	s0 =	simm.s32 @p0 $0x1  }
0x13: {  	[smem:$0x3FB8] =	sst s0;
	s0 =	simm.s32 @!p1 $0x0  }
0x14: {  	s2 =	sld [smem:$0x3F9C];
	s0 =	simm.s32 @p1 $0x1  }
0x15: {  	[smem:$0x3FB9] =	sst s0;
	s0 =	simm.s32 @!p2 $0x0  }
0x16: {  	s3 =	sld [smem:$0x3FDB];
	s0 =	simm.s32 @p2 $0x1  }
0x17: {  	s4 =	simm.s32 $0x1BF5;
	[smem:$0x3FBB] =	sst s0  }
0x18: {  	s0 =	sld [smem:$0x3F9E];
	_ =	swait.ge [sflag:s4], $0x0  }
0x19: {  	s7 =	sld [smem:$0x3F9F]  }
0x1a: {  	s8 =	sadd.s32 $0xFFFFE003, lr  }
0x1b: {  	s9 =	sadd.s32 $0xFFFFFEF7, lr;
	s5 =	simm.s32 $0xFFFFFFFF;
	p2 =	slt.u32 s8, $0xFFFFF086  }
0x1c: {  	p1 =	slt.u32 s9, $0xF7A;
	s5 =	simm.s32 @!p2 $0x0  }
0x1d: {  	s5 =	simm.s32 @p1 $0x1;
	p0 =	seq.s32 s7, s2  }
0x1e: {  	s7 =	smul.u32 @!p0 $0xF7A, s2;
	p2 =	seq.s32 @!p0 s5, $0x0  }
0x1f: {  	s9 =	smul.u32 $0xF7A, s1;
	s8 =	simm.s32 @!p0 $0x1BF5;
	p2 =	por !p2, p0  }
0x20: {  	[sflag:s8] =	ssyncset.s32 @!p0 $0xFFFFF086;
	s6 =	sadd.s32 @!p0 s3, s7;
	s7 =	simm.s32 @!p0 $0x108  }
0x21: {  	s3 =	sadd.s32 s3, s9;
	s6 =	sadd.s32 @!p0 $0x88, s6;
	s7 =	simm.s32 @p2 $0x1082  }
0x22: {  	[simem:s7], [sflag:s8] =	dma.local @!p0 [hbm:s6], $0xF7A  }
0x23: {  	s9 =	sor.u32 $0xD0000000, s2;
	s6 =	simm.s32 $0x108;
	_ =	swait.ge @!p0 [sflag:s8], $0x0  }
0x24: {  	s3 =	sadd.s32 $0x88, s3;
	s6 =	simm.s32 @!p1 $0x1082;
	[sflag:s4] =	ssyncset.s32 $0xFFFFF086  }
0x25: {  	[simem:s6], [sflag:s4] =	dma.local [hbm:s3], $0xF7A  }
0x26: {  	[smem:$0x3F9F] =	sst s1;
	(tag) =	ssettag s2;
	_ =	strace s9  }
0x27: {  	s1 =	sld [smem:$0x3FAF]  }
0x28: {  	s2 =	sld [smem:$0x3FB0]  }
0x29: {  	s4 =	sld [smem:$0x3FB2]  }
0x2a: {  	p0 =	seq.s32 s5, $0x0;
	s5 =	sld [smem:$0x3FB3]  }
0x2b: {  	s6 =	sld [smem:$0x3FB4]  }
0x2c: {  	s7 =	sld [smem:$0x3FB5]  }
0x2d: {  	s3 =	simm.s32 $0x108;
	s8 =	sld [smem:$0x3FB6]  }
0x2e: {  	s3 =	simm.s32 @!p0 $0x1082;
	s9 =	sld [smem:$0x3FB7]  }
0x2f: {  	lr =	sadd.s32 s0, s3;
	s0 =	sld [smem:$0x3FAE]  }
0x30: {  	s3 =	sld [smem:$0x3FB1]  }
0x31: {  	[smem:$0x3FBA] =	sst s10  }
0x32: {  	s10 =	sld [smem:$0x3FB8];
	_ =	sdelay $0x3  }
0x33: {  	p0 =	seq.s32 s10, $0x1;
	s10 =	sld [smem:$0x3FBA];
	_ =	sdelay $0x3  }
0x34: {  	[smem:$0x3FBA] =	sst s10  }
0x35: {  	s10 =	sld [smem:$0x3FB9];
	_ =	sdelay $0x3  }
0x36: {  	p1 =	seq.s32 s10, $0x1;
	s10 =	sld [smem:$0x3FBA];
	_ =	sdelay $0x3  }
0x37: {  	[smem:$0x3FBA] =	sst s10  }
0x38: {  	s10 =	sld [smem:$0x3FBB]  }
0x39: {  	_ = 	snop;
	(pc) =	sbr.ind lr, $3  }
0x3a: {  	_ = 	snop  }
0x3b: {  	_ = 	snop  }
0x3c: {  	p2 =	seq.s32 s10, $0x1;
	s10 =	sld [smem:$0x3FBA]  }
0x3d: {  	_ =	shalt  }
0x3e: {  	_ =	shalt  }
0x3f: {  	_ =	shalt  }
0x40: {  	_ =	shalt  }
0x41: {  	_ =	shalt  }
0x42: {  	_ =	shalt  }
0x43: {  	_ =	shalt  }
0x44: {  	_ =	shalt  }
0x45: {  	_ =	shalt  }
0x46: {  	_ =	shalt  }
0x47: {  	_ =	shalt  }
0x48: {  	_ =	shalt  }
0x49: {  	_ =	shalt  }
0x4a: {  	_ =	shalt  }
0x4b: {  	_ =	shalt  }
0x4c: {  	_ =	shalt  }
0x4d: {  	_ =	shalt  }
0x4e: {  	_ =	shalt  }
0x4f: {  	_ =	shalt  }
0x50: {  	_ =	shalt  }
0x51: {  	_ =	shalt  }
0x52: {  	_ =	shalt  }
0x53: {  	_ =	shalt  }
0x54: {  	_ =	shalt  }
0x55: {  	_ =	shalt  }
0x56: {  	_ =	shalt  }
0x57: {  	_ =	shalt  }
0x58: {  	_ =	shalt  }
0x59: {  	_ =	shalt  }
0x5a: {  	_ =	shalt  }
0x5b: {  	_ =	shalt  }
0x5c: {  	_ =	shalt  }
0x5d: {  	_ =	shalt  }
0x5e: {  	_ =	shalt  }
0x5f: {  	_ =	shalt  }
0x60: {  	_ =	shalt  }
0x61: {  	_ =	shalt  }
0x62: {  	_ =	shalt  }
0x63: {  	_ =	shalt  }
0x64: {  	_ =	shalt  }
0x65: {  	_ =	shalt  }
0x66: {  	_ =	shalt  }
0x67: {  	_ =	shalt  }
0x68: {  	_ =	shalt  }
0x69: {  	_ =	shalt  }
0x6a: {  	_ =	shalt  }
0x6b: {  	_ =	shalt  }
0x6c: {  	_ =	shalt  }
0x6d: {  	_ =	shalt  }
0x6e: {  	_ =	shalt  }
0x6f: {  	_ =	shalt  }
0x70: {  	_ =	shalt  }
0x71: {  	_ =	shalt  }
0x72: {  	_ =	shalt  }
0x73: {  	_ =	shalt  }
0x74: {  	_ =	shalt  }
0x75: {  	_ =	shalt  }
0x76: {  	_ =	shalt  }
0x77: {  	_ =	shalt  }
0x78: {  	_ =	shalt  }
0x79: {  	_ =	shalt  }
0x7a: {  	_ =	shalt  }
0x7b: {  	_ =	shalt  }
0x7c: {  	_ =	shalt  }
0x7d: {  	_ =	shalt  }
0x7e: {  	_ =	shalt  }
0x7f: {  	_ =	shalt  }
0x80: {  	_ =	shalt  }
0x81: {  	_ =	shalt  }
0x82: {  	_ =	shalt  }
0x83: {  	_ =	shalt  }
0x84: {  	_ =	shalt  }
0x85: {  	_ =	shalt  }
0x86: {  	_ =	shalt  }
0x87: {  	_ =	shalt  }
.Lfunc_end0:
.L_simem_size_0:
called_computation_lowered:
.L_overlay_start_0:
0x88: {  	s2 =	sld [smem:$0x3FD9]  }
0x89: {  	s3 =	sld [smem:$0x3FFE];
	_ =	sdelay $0x1  }
0x8a: {  	s1 =	srdreg.scid  }
0x8b: {  	s0 =	sand.u32 $0x1, s1  }
0x8c: {  	s17 =	sshll.u32 s0, $0xA;
	s2 =	sadd.s32 s3, s2  }
0x8d: {  	s2 =	sadd.s32 s2, s17  }
0x8e: {  	[smem:$0x3FC6] =	sst s2  }
0x8f: {  	_ = 	snop  }
0x90: {  	s2 =	sld [smem:$0x3FD0];
	(tm) =	ssettm $0x1  }
0x91: {  	s18 =	sld [smem:$0x3FFB];
	_ =	sdelay $0x3  }
0x92: {  	_ =	strace s18  }
0x93: {  	s3 =	sld [smem:$0x3FFC];
	_ =	sdelay $0x3  }
0x94: {  	_ =	strace s3  }
0x95: {  	s3 =	sld [smem:$0x3FFD];
	_ =	sdelay $0x3  }
0x96: {  	_ =	strace s3  }
0x97: {  	_ =	strace $0x8FFFFFFF  }
0x98: {  	s19 =	sld [smem:$0x3FDB];
	_ =	sdelay $0x1  }
0x99: {  	s4 =	simm.s32 $_scs_section_size  }
0x9a: {  	s5 =	simm.s32 $_size__tile_overlayer_lowered;
	s6 =	simm.s32 $_tile_overlayer_lowered  }
0x9b: {  	s22 =	simm.s32 $0x1BFF;
	s21 =	sshll.u32 s6, $0x1;
	s3 =	sadd.s32 s4, s19  }
0x9c: {  	s7 =	simm.s32 $0x0;
	s20 =	sshll.u32 s5, $0x1;
	s5 =	sadd.s32 s21, s3  }
0x9d: {  	[timem:s7], [sflag:s22] =	dma.local [hbm:s5], s20  }
0x9e: {  	_ =	swait.ge [sflag:s22], s20  }
0x9f: {  	s4 =	ssub.s32 $0x0, s20;
	[sflag:s22] =	ssyncset.done $0x0  }
0xa0: {  	[sflag:s22] =	ssyncadd.s32 s4;
	_ =	sdelay $0x1  }
0xa1: {  	s23 =	simm.s32 $0x1B8B  }
0xa2: {  	_ =	swait.ge [sflag:s23], $0x1  }
0xa3: {  	[sflag:s23] =	ssyncset.done $0x0  }
0xa4: {  	s25 =	simm.s32 $0x1B8E;
	s24 =	sld [smem:$0x3FFE];
	[sflag:s23] =	ssyncadd.s32 $0xFFFFFFFF  }
0xa5: {  	s26 =	simm.s32 $execute0_lowered;
	[smem:$0x3FD2] =	sst s25  }
0xa6: {  	s5 =	sshll.u32 s26, $0x1;
	_ =	strace $0x80000046;
	[dreg:$0x1] =	wrdreg $0xFFFFFFFF  }
0xa7: {  	s28 =	simm.s32 $_size_execute0_lowered;
	s3 =	sadd.s32 s3, s5;
	[dreg:$0x0] =	wrdreg $0x0  }
0xa8: {  	s5 =	sshll.u32 s28, $0x1;
	[dreg:$0x2] =	wrdreg s3  }
0xa9: {  	[dreg:$0x3] =	wrdreg s5  }
0xaa: {  	[dreg:$0x4] =	wrdreg $0xC0  }
0xab: {  	_ =	task [dreg:s7], $0x5FFFF  }
0xac: {  	[dreg:$0x1] =	wrdreg $0xFFFFFFFF  }
0xad: {  	[dreg:$0x0] =	wrdreg $0x60  }
0xae: {  	[dreg:$0x2] =	wrdreg s24  }
0xaf: {  	[dreg:$0x3] =	wrdreg s2  }
0xb0: {  	[dreg:$0x4] =	wrdreg $0x0  }
0xb1: {  	[dreg:$0x5] =	wrdreg $0x9  }
0xb2: {  	_ =	task.clear_ibuf [dreg:s7], $0x6FFFF;
	_ =	strace $0x90000046  }
0xb3: {  	s29 =	simm.s32 $0x9;
	_ =	strace $0x80000048  }
0xb4: {  	_ =	swait.ge [sflag:s29], $0x1  }
0xb5: {  	[sflag:s29] =	ssyncadd.s32 $0xFFFFFFFF  }
0xb6: {  	_ =	strace $0x90000048  }
0xb7: {  	_ =	sfence  }
0xb8: {  	s30 =	sld [smem:$0x0];
	_ =	sdelay $0x2  }
0xb9: {  	s31 =	sshll.u32 s1, $0xD;
	s1 =	sshrl.u32 s1, $0x2  }
0xba: {  	s3 =	sand.u32 $0x4000, s31;
	s1 =	sadd.s32 s1, s30  }
0xbb: {  	s0 =	sor.u32 s3, s0;
	s1 =	sshll.u32 s1, $0x11  }
0xbc: {  	s0 =	sor.u32 s1, s0  }
0xbd: {  	s0 =	sadd.s32 $0x8F2B, s0  }
0xbe: {  	[sflag:s0] =	ssyncadd.remote.s32 $0x1  }
0xbf: {  	_ =	sfence.sel $0xFFFF  }
0xc0: {  	[dreg:$0x0] =	wrdreg $0xFFFFFFFF;
	(pc) =	sbr.abs _section_cstart, $3  }
0xc1: {  	[dreg:$0x1] =	wrdreg $0xFFFFFFFF  }
0xc2: {  	_ =	task.clear_ibuf [dreg:s7], $0x2FFFF;
	_ =	strace $0x9FFFFFFF  }
0xc3: {  	(tm) =	ssettm $0x7FFFFFFF  }
tec
execute0_lowered:
.L_overlay_start_1:
0x0: {  	(tag) =	ssettag $0x1  }
0x1: {  	s0 =	rddreg [dreg:$0x0]  }
0x2: {  	s1 =	rddreg [dreg:$0x1]  }
0x3: {  	s12 =	stileid.u32;
	s4 =	srdreg.scid  }
0x4: {  	s2 =	rddreg [dreg:$0x2];
	s4 =	sand.u32 $0x1, s4;
	s6 =	sshll.u32 s12, $0x1  }
0x5: {  	s3 =	simm.s32 $0x0;
	s5 =	smul.u32 $0x2380, s12;
	s6 =	sor.u32 s4, s6  }
0x6: {  	[smem:$0x7FF] =	sst s3;
	s24 =	sshll.u32 s12, $0x6;
	s8 =	smul.u32 $0x1400, s6  }
0x7: {  	_ =	strace $0x80000047;
	s9 =	ssub.s32 $0x2, s4;
	s11 =	smul.u32 $0x320000, s6  }
0x8: {  	s5 =	sadd.s32 s5, s0;
	s10 =	sshrl.u32 s9, $0x1;
	s25 =	smul.u32 $0x64000, s6  }
0x9: {  	s5 =	sadd.s32 $0x28C00, s5;
	s0 =	sadd.s32 s8, s0;
	s8 =	ssub.s32 s9, s10  }
0xa: {  	s26 =	sshrl.u32 s11, $0x3;
	[dreg:$0x4] =	wrdreg s5;
	s9 =	sor.u32 $0x1C09, s24  }
0xb: {  	[dreg:$0x5] =	wrdreg s9;
	s5 =	sadd.s32 s1, s26;
	s9 =	sadd.s32 s1, s25  }
0xc: {  	s10 =	sadd.s32 $0x17C00, s5;
	[dreg:$0x6] =	wrdreg s9  }
0xd: {  	s11 =	sadd.s32 $0x18100, s5;
	[dreg:$0x7] =	wrdreg s10  }
0xe: {  	s13 =	sadd.s32 $0x18600, s5;
	[dreg:$0x8] =	wrdreg s11  }
0xf: {  	s14 =	sadd.s32 $0x18B00, s5;
	[dreg:$0x9] =	wrdreg s13  }
0x10: {  	s15 =	sadd.s32 $0x19000, s5;
	[dreg:$0xa] =	wrdreg s14  }
0x11: {  	s16 =	sadd.s32 $0x19500, s5;
	[dreg:$0xb] =	wrdreg s15  }
0x12: {  	s17 =	sadd.s32 $0x19A00, s5;
	[dreg:$0xc] =	wrdreg s16  }
0x13: {  	s18 =	sadd.s32 $0x19F00, s5;
	[dreg:$0xd] =	wrdreg s17  }
0x14: {  	s19 =	sadd.s32 $0x30C00, s5;
	[dreg:$0xe] =	wrdreg s18  }
0x15: {  	s21 =	sadd.s32 $0x31100, s5;
	[dreg:$0xf] =	wrdreg s19  }
0x16: {  	s22 =	sadd.s32 $0x31600, s5;
	[dreg:$0x10] =	wrdreg s21  }
0x17: {  	s23 =	sadd.s32 $0x31B00, s5;
	[dreg:$0x11] =	wrdreg s22  }
0x18: {  	s7 =	smul.u32 $0x47000, s12;
	s24 =	sadd.s32 $0x32000, s5;
	[dreg:$0x12] =	wrdreg s23  }
0x19: {  	s20 =	smul.u32 $0xC8000, s12;
	s25 =	sadd.s32 $0x32500, s5;
	[dreg:$0x13] =	wrdreg s24  }
0x1a: {  	s6 =	sadd.s32 $0xC00, s0;
	s26 =	sadd.s32 $0x32A00, s5;
	[dreg:$0x14] =	wrdreg s25  }
0x1b: {  	s0 =	sadd.s32 s20, s1;
	s1 =	sadd.s32 $0x32F00, s5;
	[dreg:$0x15] =	wrdreg s26  }
0x1c: {  	s4 =	smul.u32 $0x64000, s4;
	s12 =	sadd.s32 $0x4AB00, s5;
	[dreg:$0x16] =	wrdreg s1  }
0x1d: {  	s20 =	sadd.s32 $0x63B00, s5;
	[dreg:$0x1a] =	wrdreg s12  }
0x1e: {  	s21 =	sadd.s32 s4, s0;
	s4 =	sadd.s32 $0x49C00, s5;
	[smem:$0x7F8] =	sst s20  }
0x1f: {  	s10 =	sadd.s32 $0x4A100, s5;
	[dreg:$0x17] =	wrdreg s4  }
0x20: {  	s11 =	sadd.s32 $0x4A600, s5;
	[dreg:$0x18] =	wrdreg s10  }
0x21: {  	s13 =	sadd.s32 $0x4B000, s5;
	[dreg:$0x19] =	wrdreg s11  }
0x22: {  	s28 =	simm.s32 $0x11D80;
	s14 =	sadd.s32 $0x4B500, s5;
	[dreg:$0x1b] =	wrdreg s13  }
0x23: {  	s29 =	simm.s32 $0x1BC00;
	s15 =	sadd.s32 $0x4BA00, s5;
	[dreg:$0x1c] =	wrdreg s14  }
0x24: {  	s30 =	simm.s32 $0x3;
	s16 =	sadd.s32 $0x4BF00, s5;
	[dreg:$0x1d] =	wrdreg s15  }
0x25: {  	s31 =	simm.s32 $0x5;
	s17 =	sadd.s32 $0x62C00, s5;
	[dreg:$0x1e] =	wrdreg s16  }
0x26: {  	s7 =	sshrl.u32 s7, $0x2;
	s18 =	sadd.s32 $0x63100, s5;
	[dreg:$0x1f] =	wrdreg s17  }
0x27: {  	s7 =	sadd.s32 s7, s2;
	s19 =	sadd.s32 $0x63600, s5;
	[smem:$0x7F6] =	sst s18  }
0x28: {  	s22 =	smax.u32 s8, $0x1;
	s23 =	sshrl.u32 s7, $0x3;
	[smem:$0x7F7] =	sst s19  }
0x29: {  	s24 =	sadd.s32 $0x500, s9;
	s25 =	sadd.s32 $0xA00, s9;
	[smem:$0x7F9] =	sst s22  }
0x2a: {  	s26 =	sadd.s32 $0xF00, s9;
	s0 =	simm.s32 $0x11E00;
	[smem:$0x7FA] =	sst s23  }
0x2b: {  	s1 =	simm.s32 $0x4;
	s5 =	simm.s32 $0x11E80;
	[smem:$0x7FB] =	sst s24  }
0x2c: {  	s8 =	simm.s32 $0x7;
	s9 =	simm.s32 $0x8;
	[smem:$0x7FC] =	sst s25  }
0x2d: {  	s12 =	simm.s32 $0x0;
	[smem:$0x7FD] =	sst s26;
	s15 =	sadd.s32 $0x1400, s21  }
0x2e: {  	s16 =	simm.s32 $0x9;
	s17 =	simm.s32 $0x11C00;
	s18 =	simm.s32 $0x50  }
0x2f: {  	s19 =	simm.s32 $0x14400;
	s22 =	simm.s32 $0x16C00;
	s23 =	simm.s32 $0x1  }
0x30: {  	s24 =	simm.s32 $0x11D00;
	s25 =	simm.s32 $0x19400;
	s26 =	simm.s32 $0x2  }
0x31: {  	s4 =	simm.s32 $0x6;
	s10 =	simm.s32 $0x14300;
	s11 =	simm.s32 $0x14380  }
.LBB2_1:
0x32: {  	s14 =	sld [smem:$0x7FA]  }
0x33: {  	s7 =	rddreg [dreg:$0x4]  }
0x34: {  	s13 =	rddreg [dreg:$0x5]  }
0x35: {  	[spmem:s14], [sflag:s13] =	dma.local [hbm:s7], $0x2380  }
0x36: {  	_ =	swait.ge [sflag:s16], $0x2380  }
0x37: {  	[sflag:s16] =	ssyncset.done $0x0  }
0x38: {  	[sflag:s16] =	ssyncadd.s32 $0xFFFFDC80  }
0x39: {  	[bflag:$0x0] =	sbarrier.arrive $0xFFFF  }
0x3a: {  	[tilespmem:s17], [sflag:$0x9] =	stream.linear.gather [hbm4b:s6+s3], $0x2800, $0x38;
	[tilespmem:$0x1E400] =	vst v63  }
0x3b: {  	_ =	swait.ge [sflag:s16], $0x2800  }
0x3c: {  	[sflag:s16] =	ssyncset.done $0x0  }
0x3d: {  	[sflag:s16] =	ssyncadd.s32 $0xFFFFD800  }
0x3e: {  	[tilespmem:s19], [sflag:$0x1] =	stream.indirect.gather [spmem:s2], $0x80, s17, s18, $0xb8;
	[tilespmem:$0x1E400] =	vst v63  }
0x3f: {  	s14 =	simm.s32 $0x11C80  }
0x40: {  	[tilespmem:s22], [sflag:$0x2] =	stream.indirect.gather [spmem:s2], $0x80, s14, s18, $0xb8;
	[tilespmem:$0x1E400] =	vst v63  }
0x41: {  	_ =	swait.ge [sflag:s23], $0x2800  }
0x42: {  	[sflag:s23] =	ssyncset.done $0x0  }
0x43: {  	s20 =	rddreg [dreg:$0x6];
	[sflag:s23] =	ssyncadd.s32 $0xFFFFD800  }
0x44: {  	[hbm4b:s20+s3] =	stream.linear.scatter [tilespmem:s19], [sflag:$0x5], $0x2800, $0x38;
	[tilespmem:$0x1E400] =	vst v63  }
0x45: {  	_ = 	snop  }
0x46: {  	[tilespmem:s25], [sflag:$0x3] =	stream.indirect.gather [spmem:s2], $0x80, s24, s18, $0xb8;
	[tilespmem:$0x1E400] =	vst v63  }
0x47: {  	_ =	swait.ge [sflag:s26], $0x2800  }
0x48: {  	s13 =	sld [smem:$0x7FB]  }
0x49: {  	[sflag:s26] =	ssyncset.done $0x0  }
0x4a: {  	[sflag:s26] =	ssyncadd.s32 $0xFFFFD800  }
0x4b: {  	[hbm4b:s13+s3] =	stream.linear.scatter [tilespmem:s22], [sflag:$0x6], $0x2800, $0x38;
	[tilespmem:$0x1E400] =	vst v63  }
0x4c: {  	_ = 	snop  }
0x4d: {  	[tilespmem:s29], [sflag:$0x4] =	stream.indirect.gather [spmem:s2], $0x80, s28, s18, $0xb8;
	[tilespmem:$0x1E400] =	vst v63  }
0x4e: {  	_ =	swait.ge [sflag:s30], $0x2800  }
0x4f: {  	s14 =	sld [smem:$0x7FC]  }
0x50: {  	[sflag:s30] =	ssyncset.done $0x0  }
0x51: {  	[sflag:s30] =	ssyncadd.s32 $0xFFFFD800  }
0x52: {  	[hbm4b:s14+s3] =	stream.linear.scatter [tilespmem:s25], [sflag:$0x7], $0x2800, $0x38;
	[tilespmem:$0x1E400] =	vst v63  }
0x53: {  	_ =	swait.ge [sflag:s31], $0x2800  }
0x54: {  	[sflag:s31] =	ssyncset.done $0x0  }
0x55: {  	[sflag:s31] =	ssyncadd.s32 $0xFFFFD800  }
0x56: {  	[tilespmem:s19], [sflag:$0x1] =	stream.indirect.gather [spmem:s2], $0x80, s0, s18, $0xb8;
	[tilespmem:$0x1E400] =	vst v63  }
0x57: {  	_ =	swait.ge [sflag:s1], $0x2800  }
0x58: {  	s20 =	sld [smem:$0x7FD]  }
0x59: {  	[sflag:s1] =	ssyncset.done $0x0  }
0x5a: {  	[sflag:s1] =	ssyncadd.s32 $0xFFFFD800  }
0x5b: {  	[hbm4b:s20+s3] =	stream.linear.scatter [tilespmem:s29], [sflag:$0x8], $0x2800, $0x38;
	[tilespmem:$0x1E400] =	vst v63  }
0x5c: {  	_ =	swait.ge [sflag:s4], $0x2800  }
0x5d: {  	[sflag:s4] =	ssyncset.done $0x0  }
0x5e: {  	[sflag:s4] =	ssyncadd.s32 $0xFFFFD800  }
0x5f: {  	[tilespmem:s22], [sflag:$0x2] =	stream.indirect.gather [spmem:s2], $0x80, s5, s18, $0xb8;
	[tilespmem:$0x1E400] =	vst v63  }
0x60: {  	_ =	swait.ge [sflag:s23], $0x2800  }
0x61: {  	[sflag:s23] =	ssyncset.done $0x0  }
0x62: {  	[sflag:s23] =	ssyncadd.s32 $0xFFFFD800  }
0x63: {  	_ =	swait.ge [sflag:s8], $0x2800  }
0x64: {  	[sflag:s8] =	ssyncset.done $0x0  }
0x65: {  	s13 =	simm.s32 $0x11F00;
	[sflag:s8] =	ssyncadd.s32 $0xFFFFD800  }
0x66: {  	[tilespmem:s25], [sflag:$0x3] =	stream.indirect.gather [spmem:s2], $0x80, s13, s18, $0xb8;
	[tilespmem:$0x1E400] =	vst v63  }
0x67: {  	_ = 	snop  }
0x68: {  	[hbm4b:s15+s3] =	stream.linear.scatter [tilespmem:s19], [sflag:$0x5], $0x2800, $0x38;
	[tilespmem:$0x1E400] =	vst v63  }
0x69: {  	_ =	swait.ge [sflag:s26], $0x2800  }
0x6a: {  	[sflag:s26] =	ssyncset.done $0x0  }
0x6b: {  	[sflag:s26] =	ssyncadd.s32 $0xFFFFD800  }
0x6c: {  	_ =	swait.ge [sflag:s9], $0x2800  }
0x6d: {  	[sflag:s9] =	ssyncset.done $0x0  }
0x6e: {  	s14 =	simm.s32 $0x11F80;
	[sflag:s9] =	ssyncadd.s32 $0xFFFFD800  }
0x6f: {  	[tilespmem:s29], [sflag:$0x4] =	stream.indirect.gather [spmem:s2], $0x80, s14, s18, $0xb8;
	[tilespmem:$0x1E400] =	vst v63  }
0x70: {  	s20 =	sadd.s32 $0x500, s15  }
0x71: {  	[hbm4b:s20+s3] =	stream.linear.scatter [tilespmem:s22], [sflag:$0x6], $0x2800, $0x38;
	[tilespmem:$0x1E400] =	vst v63  }
0x72: {  	_ =	swait.ge [sflag:s30], $0x2800  }
0x73: {  	[sflag:s30] =	ssyncset.done $0x0  }
0x74: {  	[sflag:s30] =	ssyncadd.s32 $0xFFFFD800  }
0x75: {  	_ =	swait.ge [sflag:s31], $0x2800  }
0x76: {  	[sflag:s31] =	ssyncset.done $0x0  }
0x77: {  	s13 =	simm.s32 $0x12000;
	[sflag:s31] =	ssyncadd.s32 $0xFFFFD800  }
0x78: {  	[tilespmem:s19], [sflag:$0x1] =	stream.indirect.gather [spmem:s2], $0x80, s13, s18, $0xb8;
	[tilespmem:$0x1E400] =	vst v63  }
0x79: {  	s14 =	sadd.s32 $0xA00, s15  }
0x7a: {  	[hbm4b:s14+s3] =	stream.linear.scatter [tilespmem:s25], [sflag:$0x7], $0x2800, $0x38;
	[tilespmem:$0x1E400] =	vst v63  }
0x7b: {  	_ =	swait.ge [sflag:s1], $0x2800  }
0x7c: {  	[sflag:s1] =	ssyncset.done $0x0  }
0x7d: {  	[sflag:s1] =	ssyncadd.s32 $0xFFFFD800  }
0x7e: {  	_ =	swait.ge [sflag:s4], $0x2800  }
0x7f: {  	s7 =	sadd.s32 $0xF00, s15;
	s20 =	simm.s32 $0x12080;
	[sflag:s4] =	ssyncset.done $0x0  }
0x80: {  	s13 =	simm.s32 $0x800;
	s14 =	sadd.s32 $0x1400, s15;
	[sflag:s4] =	ssyncadd.s32 $0xFFFFD800  }
0x81: {  	[tilespmem:s22], [sflag:$0x2] =	stream.indirect.gather [spmem:s2], $0x80, s20, s18, $0xb8;
	[tilespmem:$0x1E400] =	vst v63  }
.LBB2_2:
0x82: {  	[hbm4b:s7+s3] =	stream.linear.scatter [tilespmem:s29], [sflag:$0x8], $0x2800, $0x38;
	[tilespmem:$0x1E400] =	vst v63  }
0x83: {  	s7 =	smov.u32 s13  }
0x84: {  	p0 =	sne.s32 s13, $0x8800;
	s13 =	sadd.s32 $0x800, s13;
	_ =	swait.ge [sflag:s23], $0x2800  }
0x85: {  	[sflag:s23] =	ssyncset.done $0x0  }
0x86: {  	[sflag:s23] =	ssyncadd.s32 $0xFFFFD800  }
0x87: {  	_ =	swait.ge [sflag:s8], $0x2800  }
0x88: {  	s7 =	sshra.s32 s7, $0x2;
	[sflag:s8] =	ssyncset.done $0x0  }
0x89: {  	s20 =	sadd.s32 $0x11F00, s7;
	[sflag:s8] =	ssyncadd.s32 $0xFFFFD800  }
0x8a: {  	[tilespmem:s25], [sflag:$0x3] =	stream.indirect.gather [spmem:s2], $0x80, s20, s18, $0xb8;
	[tilespmem:$0x1E400] =	vst v63  }
0x8b: {  	_ = 	snop  }
0x8c: {  	[hbm4b:s14+s3] =	stream.linear.scatter [tilespmem:s19], [sflag:$0x5], $0x2800, $0x38;
	[tilespmem:$0x1E400] =	vst v63  }
0x8d: {  	_ =	swait.ge [sflag:s26], $0x2800  }
0x8e: {  	[sflag:s26] =	ssyncset.done $0x0  }
0x8f: {  	[sflag:s26] =	ssyncadd.s32 $0xFFFFD800  }
0x90: {  	_ =	swait.ge [sflag:s9], $0x2800  }
0x91: {  	[sflag:s9] =	ssyncset.done $0x0  }
0x92: {  	s20 =	sadd.s32 $0x11F80, s7;
	[sflag:s9] =	ssyncadd.s32 $0xFFFFD800  }
0x93: {  	[tilespmem:s29], [sflag:$0x4] =	stream.indirect.gather [spmem:s2], $0x80, s20, s18, $0xb8;
	[tilespmem:$0x1E400] =	vst v63  }
0x94: {  	s20 =	sadd.s32 $0x500, s14  }
0x95: {  	[hbm4b:s20+s3] =	stream.linear.scatter [tilespmem:s22], [sflag:$0x6], $0x2800, $0x38;
	[tilespmem:$0x1E400] =	vst v63  }
0x96: {  	_ =	swait.ge [sflag:s30], $0x2800  }
0x97: {  	[sflag:s30] =	ssyncset.done $0x0  }
0x98: {  	[sflag:s30] =	ssyncadd.s32 $0xFFFFD800  }
0x99: {  	_ =	swait.ge [sflag:s31], $0x2800  }
0x9a: {  	[sflag:s31] =	ssyncset.done $0x0  }
0x9b: {  	s20 =	sadd.s32 $0x12000, s7;
	[sflag:s31] =	ssyncadd.s32 $0xFFFFD800  }
0x9c: {  	[tilespmem:s19], [sflag:$0x1] =	stream.indirect.gather [spmem:s2], $0x80, s20, s18, $0xb8;
	[tilespmem:$0x1E400] =	vst v63  }
0x9d: {  	s20 =	sadd.s32 $0xA00, s14  }
0x9e: {  	[hbm4b:s20+s3] =	stream.linear.scatter [tilespmem:s25], [sflag:$0x7], $0x2800, $0x38;
	[tilespmem:$0x1E400] =	vst v63  }
0x9f: {  	_ =	swait.ge [sflag:s1], $0x2800  }
0xa0: {  	[sflag:s1] =	ssyncset.done $0x0  }
0xa1: {  	[sflag:s1] =	ssyncadd.s32 $0xFFFFD800  }
.Ltmp0:
0xa2: {  	_ =	swait.ge [sflag:s4], $0x2800;
	(pc) =	sbr.rel @p0 .LBB2_2-.Ltmp0, $4  }
0xa3: {  	[sflag:s4] =	ssyncset.done $0x0  }
0xa4: {  	s7 =	sadd.s32 $0x12080, s7;
	[sflag:s4] =	ssyncadd.s32 $0xFFFFD800  }
0xa5: {  	[tilespmem:s22], [sflag:$0x2] =	stream.indirect.gather [spmem:s2], $0x80, s7, s18, $0xb8;
	[tilespmem:$0x1E400] =	vst v63  }
0xa6: {  	s7 =	sadd.s32 $0xF00, s14;
	s14 =	sadd.s32 $0x1400, s14  }
0xa7: {  	[hbm4b:s7+s3] =	stream.linear.scatter [tilespmem:s29], [sflag:$0x8], $0x2800, $0x38;
	[tilespmem:$0x1E400] =	vst v63  }
0xa8: {  	_ =	swait.ge [sflag:s23], $0x2800  }
0xa9: {  	[sflag:s23] =	ssyncset.done $0x0  }
0xaa: {  	s7 =	simm.s32 $0x0;
	s13 =	rddreg [dreg:$0x7];
	[sflag:s23] =	ssyncadd.s32 $0xFFFFD800  }
0xab: {  	[hbm4b:s13+s7] =	stream.linear.scatter [tilespmem:s19], [sflag:$0x5], $0x2800, $0x38;
	[tilespmem:$0x1E400] =	vst v63  }
0xac: {  	_ =	swait.ge [sflag:s8], $0x2800  }
0xad: {  	[sflag:s8] =	ssyncset.done $0x0  }
0xae: {  	[sflag:s8] =	ssyncadd.s32 $0xFFFFD800  }
0xaf: {  	[tilespmem:s25], [sflag:$0x3] =	stream.indirect.gather [spmem:s2], $0x80, s10, s18, $0xb8;
	[tilespmem:$0x1E400] =	vst v63  }
0xb0: {  	_ =	swait.ge [sflag:s26], $0x2800  }
0xb1: {  	[sflag:s26] =	ssyncset.done $0x0  }
0xb2: {  	s14 =	rddreg [dreg:$0x8];
	[sflag:s26] =	ssyncadd.s32 $0xFFFFD800  }
0xb3: {  	[hbm4b:s14+s7] =	stream.linear.scatter [tilespmem:s22], [sflag:$0x6], $0x2800, $0x38;
	[tilespmem:$0x1E400] =	vst v63  }
0xb4: {  	_ =	swait.ge [sflag:s9], $0x2800  }
0xb5: {  	[sflag:s9] =	ssyncset.done $0x0  }
0xb6: {  	[sflag:s9] =	ssyncadd.s32 $0xFFFFD800  }
0xb7: {  	[tilespmem:s29], [sflag:$0x4] =	stream.indirect.gather [spmem:s2], $0x80, s11, s18, $0xb8;
	[tilespmem:$0x1E400] =	vst v63  }
0xb8: {  	_ =	swait.ge [sflag:s30], $0x2800  }
0xb9: {  	[sflag:s30] =	ssyncset.done $0x0  }
0xba: {  	s20 =	rddreg [dreg:$0x9];
	[sflag:s30] =	ssyncadd.s32 $0xFFFFD800  }
0xbb: {  	[hbm4b:s20+s7] =	stream.linear.scatter [tilespmem:s25], [sflag:$0x7], $0x2800, $0x38;
	[tilespmem:$0x1E400] =	vst v63  }
0xbc: {  	_ =	swait.ge [sflag:s1], $0x2800  }
0xbd: {  	[sflag:s1] =	ssyncset.done $0x0  }
0xbe: {  	s14 =	rddreg [dreg:$0xa];
	[sflag:s1] =	ssyncadd.s32 $0xFFFFD800  }
0xbf: {  	[hbm4b:s14+s7] =	stream.linear.scatter [tilespmem:s29], [sflag:$0x8], $0x2800, $0x38;
	[tilespmem:$0x1E400] =	vst v63  }
0xc0: {  	_ =	swait.ge [sflag:s31], $0x2800  }
0xc1: {  	[sflag:s31] =	ssyncset.done $0x0  }
0xc2: {  	[sflag:s31] =	ssyncadd.s32 $0xFFFFD800  }
0xc3: {  	_ =	swait.ge [sflag:s4], $0x2800  }
0xc4: {  	[sflag:s4] =	ssyncset.done $0x0  }
0xc5: {  	[sflag:s4] =	ssyncadd.s32 $0xFFFFD800  }
0xc6: {  	_ =	swait.ge [sflag:s8], $0x2800  }
0xc7: {  	[sflag:s8] =	ssyncset.done $0x0  }
0xc8: {  	[sflag:s8] =	ssyncadd.s32 $0xFFFFD800  }
0xc9: {  	_ =	swait.ge [sflag:s9], $0x2800  }
0xca: {  	[sflag:s9] =	ssyncset.done $0x0  }
0xcb: {  	s20 =	sadd.s32 $0x500, s6;
	[sflag:s9] =	ssyncadd.s32 $0xFFFFD800  }
0xcc: {  	[tilespmem:s17], [sflag:$0x9] =	stream.linear.gather [hbm4b:s20+s7], $0x2800, $0x38;
	[tilespmem:$0x1E400] =	vst v63  }
0xcd: {  	_ =	swait.ge [sflag:s16], $0x2800  }
0xce: {  	[sflag:s16] =	ssyncset.done $0x0  }
0xcf: {  	[sflag:s16] =	ssyncadd.s32 $0xFFFFD800  }
0xd0: {  	[tilespmem:s19], [sflag:$0x1] =	stream.indirect.gather [spmem:s2], $0x80, s17, s18, $0xb8;
	[tilespmem:$0x1E400] =	vst v63  }
0xd1: {  	s14 =	simm.s32 $0x11C80  }
0xd2: {  	[tilespmem:s22], [sflag:$0x2] =	stream.indirect.gather [spmem:s2], $0x80, s14, s18, $0xb8;
	[tilespmem:$0x1E400] =	vst v63  }
0xd3: {  	_ =	swait.ge [sflag:s23], $0x2800  }
0xd4: {  	[sflag:s23] =	ssyncset.done $0x0  }
0xd5: {  	s20 =	rddreg [dreg:$0xb];
	[sflag:s23] =	ssyncadd.s32 $0xFFFFD800  }
0xd6: {  	[hbm4b:s20+s7] =	stream.linear.scatter [tilespmem:s19], [sflag:$0x5], $0x2800, $0x38;
	[tilespmem:$0x1E400] =	vst v63  }
0xd7: {  	_ = 	snop  }
0xd8: {  	[tilespmem:s25], [sflag:$0x3] =	stream.indirect.gather [spmem:s2], $0x80, s24, s18, $0xb8;
	[tilespmem:$0x1E400] =	vst v63  }
0xd9: {  	_ =	swait.ge [sflag:s26], $0x2800  }
0xda: {  	[sflag:s26] =	ssyncset.done $0x0  }
0xdb: {  	s14 =	rddreg [dreg:$0xc];
	[sflag:s26] =	ssyncadd.s32 $0xFFFFD800  }
0xdc: {  	[hbm4b:s14+s7] =	stream.linear.scatter [tilespmem:s22], [sflag:$0x6], $0x2800, $0x38;
	[tilespmem:$0x1E400] =	vst v63  }
0xdd: {  	_ = 	snop  }
0xde: {  	[tilespmem:s29], [sflag:$0x4] =	stream.indirect.gather [spmem:s2], $0x80, s28, s18, $0xb8;
	[tilespmem:$0x1E400] =	vst v63  }
0xdf: {  	_ =	swait.ge [sflag:s30], $0x2800  }
0xe0: {  	[sflag:s30] =	ssyncset.done $0x0  }
0xe1: {  	s20 =	rddreg [dreg:$0xd];
	[sflag:s30] =	ssyncadd.s32 $0xFFFFD800  }
0xe2: {  	[hbm4b:s20+s7] =	stream.linear.scatter [tilespmem:s25], [sflag:$0x7], $0x2800, $0x38;
	[tilespmem:$0x1E400] =	vst v63  }
0xe3: {  	_ =	swait.ge [sflag:s31], $0x2800  }
0xe4: {  	[sflag:s31] =	ssyncset.done $0x0  }
0xe5: {  	[sflag:s31] =	ssyncadd.s32 $0xFFFFD800  }
0xe6: {  	[tilespmem:s19], [sflag:$0x1] =	stream.indirect.gather [spmem:s2], $0x80, s0, s18, $0xb8;
	[tilespmem:$0x1E400] =	vst v63  }
0xe7: {  	_ =	swait.ge [sflag:s1], $0x2800  }
0xe8: {  	[sflag:s1] =	ssyncset.done $0x0  }
0xe9: {  	s14 =	rddreg [dreg:$0xe];
	[sflag:s1] =	ssyncadd.s32 $0xFFFFD800  }
0xea: {  	[hbm4b:s14+s7] =	stream.linear.scatter [tilespmem:s29], [sflag:$0x8], $0x2800, $0x38;
	[tilespmem:$0x1E400] =	vst v63  }
0xeb: {  	_ =	swait.ge [sflag:s4], $0x2800  }
0xec: {  	[sflag:s4] =	ssyncset.done $0x0  }
0xed: {  	[sflag:s4] =	ssyncadd.s32 $0xFFFFD800  }
0xee: {  	[tilespmem:s22], [sflag:$0x2] =	stream.indirect.gather [spmem:s2], $0x80, s5, s18, $0xb8;
	[tilespmem:$0x1E400] =	vst v63  }
0xef: {  	_ =	swait.ge [sflag:s23], $0x2800  }
0xf0: {  	[sflag:s23] =	ssyncset.done $0x0  }
0xf1: {  	[sflag:s23] =	ssyncadd.s32 $0xFFFFD800  }
0xf2: {  	_ =	swait.ge [sflag:s8], $0x2800  }
0xf3: {  	[sflag:s8] =	ssyncset.done $0x0  }
0xf4: {  	s20 =	simm.s32 $0x11F00;
	s14 =	sadd.s32 $0x0, s21;
	[sflag:s8] =	ssyncadd.s32 $0xFFFFD800  }
0xf5: {  	[tilespmem:s25], [sflag:$0x3] =	stream.indirect.gather [spmem:s2], $0x80, s20, s18, $0xb8;
	[tilespmem:$0x1E400] =	vst v63  }
0xf6: {  	s13 =	sadd.s32 $0x1A400, s14  }
0xf7: {  	[hbm4b:s13+s3] =	stream.linear.scatter [tilespmem:s19], [sflag:$0x5], $0x2800, $0x38;
	[tilespmem:$0x1E400] =	vst v63  }
0xf8: {  	_ =	swait.ge [sflag:s26], $0x2800  }
0xf9: {  	[sflag:s26] =	ssyncset.done $0x0  }
0xfa: {  	[sflag:s26] =	ssyncadd.s32 $0xFFFFD800  }
0xfb: {  	_ =	swait.ge [sflag:s9], $0x2800  }
0xfc: {  	[sflag:s9] =	ssyncset.done $0x0  }
0xfd: {  	s20 =	simm.s32 $0x11F80;
	[sflag:s9] =	ssyncadd.s32 $0xFFFFD800  }
0xfe: {  	[tilespmem:s29], [sflag:$0x4] =	stream.indirect.gather [spmem:s2], $0x80, s20, s18, $0xb8;
	[tilespmem:$0x1E400] =	vst v63  }
0xff: {  	s13 =	sadd.s32 $0x1A900, s14  }
0x100: {  	[hbm4b:s13+s3] =	stream.linear.scatter [tilespmem:s22], [sflag:$0x6], $0x2800, $0x38;
	[tilespmem:$0x1E400] =	vst v63  }
0x101: {  	_ =	swait.ge [sflag:s30], $0x2800  }
0x102: {  	[sflag:s30] =	ssyncset.done $0x0  }
0x103: {  	[sflag:s30] =	ssyncadd.s32 $0xFFFFD800  }
0x104: {  	_ =	swait.ge [sflag:s31], $0x2800  }
0x105: {  	[sflag:s31] =	ssyncset.done $0x0  }
0x106: {  	s20 =	simm.s32 $0x12000;
	[sflag:s31] =	ssyncadd.s32 $0xFFFFD800  }
0x107: {  	[tilespmem:s19], [sflag:$0x1] =	stream.indirect.gather [spmem:s2], $0x80, s20, s18, $0xb8;
	[tilespmem:$0x1E400] =	vst v63  }
0x108: {  	s13 =	sadd.s32 $0x1AE00, s14  }
0x109: {  	[hbm4b:s13+s3] =	stream.linear.scatter [tilespmem:s25], [sflag:$0x7], $0x2800, $0x38;
	[tilespmem:$0x1E400] =	vst v63  }
0x10a: {  	_ =	swait.ge [sflag:s1], $0x2800  }
0x10b: {  	[sflag:s1] =	ssyncset.done $0x0  }
0x10c: {  	[sflag:s1] =	ssyncadd.s32 $0xFFFFD800  }
0x10d: {  	_ =	swait.ge [sflag:s4], $0x2800  }
0x10e: {  	s7 =	sadd.s32 $0x1B300, s14;
	s14 =	simm.s32 $0x12280;
	[sflag:s4] =	ssyncset.done $0x0  }
0x10f: {  	s20 =	simm.s32 $0x12080;
	s13 =	simm.s32 $0x1400;
	[sflag:s4] =	ssyncadd.s32 $0xFFFFD800  }
0x110: {  	[tilespmem:s22], [sflag:$0x2] =	stream.indirect.gather [spmem:s2], $0x80, s20, s18, $0xb8;
	[tilespmem:$0x1E400] =	vst v63  }
.LBB2_4:
0x111: {  	[hbm4b:s7+s3] =	stream.linear.scatter [tilespmem:s29], [sflag:$0x8], $0x2800, $0x38;
	[tilespmem:$0x1E400] =	vst v63  }
0x112: {  	s7 =	smov.u32 s13  }
0x113: {  	p0 =	sne.s32 s13, $0x15400;
	s13 =	sadd.s32 $0x1400, s13;
	_ =	swait.ge [sflag:s23], $0x2800  }
0x114: {  	[sflag:s23] =	ssyncset.done $0x0  }
0x115: {  	[sflag:s23] =	ssyncadd.s32 $0xFFFFD800  }
0x116: {  	_ =	swait.ge [sflag:s8], $0x2800  }
0x117: {  	[sflag:s8] =	ssyncset.done $0x0  }
0x118: {  	s20 =	sadd.s32 $0xFFFFFE80, s14;
	s7 =	sadd.s32 s7, s21;
	[sflag:s8] =	ssyncadd.s32 $0xFFFFD800  }
0x119: {  	[tilespmem:s25], [sflag:$0x3] =	stream.indirect.gather [spmem:s2], $0x80, s20, s18, $0xb8;
	[tilespmem:$0x1E400] =	vst v63  }
0x11a: {  	s20 =	sadd.s32 $0x1A400, s7  }
0x11b: {  	[hbm4b:s20+s3] =	stream.linear.scatter [tilespmem:s19], [sflag:$0x5], $0x2800, $0x38;
	[tilespmem:$0x1E400] =	vst v63  }
0x11c: {  	_ =	swait.ge [sflag:s26], $0x2800  }
0x11d: {  	[sflag:s26] =	ssyncset.done $0x0  }
0x11e: {  	[sflag:s26] =	ssyncadd.s32 $0xFFFFD800  }
0x11f: {  	_ =	swait.ge [sflag:s9], $0x2800  }
0x120: {  	[sflag:s9] =	ssyncset.done $0x0  }
0x121: {  	s20 =	sadd.s32 $0xFFFFFF00, s14;
	[sflag:s9] =	ssyncadd.s32 $0xFFFFD800  }
0x122: {  	[tilespmem:s29], [sflag:$0x4] =	stream.indirect.gather [spmem:s2], $0x80, s20, s18, $0xb8;
	[tilespmem:$0x1E400] =	vst v63  }
0x123: {  	s20 =	sadd.s32 $0x1A900, s7  }
0x124: {  	[hbm4b:s20+s3] =	stream.linear.scatter [tilespmem:s22], [sflag:$0x6], $0x2800, $0x38;
	[tilespmem:$0x1E400] =	vst v63  }
0x125: {  	_ =	swait.ge [sflag:s30], $0x2800  }
0x126: {  	[sflag:s30] =	ssyncset.done $0x0  }
0x127: {  	[sflag:s30] =	ssyncadd.s32 $0xFFFFD800  }
0x128: {  	_ =	swait.ge [sflag:s31], $0x2800  }
0x129: {  	[sflag:s31] =	ssyncset.done $0x0  }
0x12a: {  	s20 =	sadd.s32 $0xFFFFFF80, s14;
	[sflag:s31] =	ssyncadd.s32 $0xFFFFD800  }
0x12b: {  	[tilespmem:s19], [sflag:$0x1] =	stream.indirect.gather [spmem:s2], $0x80, s20, s18, $0xb8;
	[tilespmem:$0x1E400] =	vst v63  }
0x12c: {  	s20 =	sadd.s32 $0x1AE00, s7  }
0x12d: {  	[hbm4b:s20+s3] =	stream.linear.scatter [tilespmem:s25], [sflag:$0x7], $0x2800, $0x38;
	[tilespmem:$0x1E400] =	vst v63  }
0x12e: {  	_ =	swait.ge [sflag:s1], $0x2800  }
0x12f: {  	[sflag:s1] =	ssyncset.done $0x0  }
0x130: {  	[sflag:s1] =	ssyncadd.s32 $0xFFFFD800  }
.Ltmp1:
0x131: {  	_ =	swait.ge [sflag:s4], $0x2800;
	(pc) =	sbr.rel @p0 .LBB2_4-.Ltmp1, $4  }
0x132: {  	[sflag:s4] =	ssyncset.done $0x0  }
0x133: {  	[sflag:s4] =	ssyncadd.s32 $0xFFFFD800  }
0x134: {  	[tilespmem:s22], [sflag:$0x2] =	stream.indirect.gather [spmem:s2], $0x80, s14, s18, $0xb8;
	[tilespmem:$0x1E400] =	vst v63  }
0x135: {  	s7 =	sadd.s32 $0x1B300, s7;
	s14 =	sadd.s32 $0x200, s14  }
0x136: {  	[hbm4b:s7+s3] =	stream.linear.scatter [tilespmem:s29], [sflag:$0x8], $0x2800, $0x38;
	[tilespmem:$0x1E400] =	vst v63  }
0x137: {  	_ =	swait.ge [sflag:s23], $0x2800  }
0x138: {  	[sflag:s23] =	ssyncset.done $0x0  }
0x139: {  	s7 =	simm.s32 $0x0;
	s13 =	rddreg [dreg:$0xf];
	[sflag:s23] =	ssyncadd.s32 $0xFFFFD800  }
0x13a: {  	[hbm4b:s13+s7] =	stream.linear.scatter [tilespmem:s19], [sflag:$0x5], $0x2800, $0x38;
	[tilespmem:$0x1E400] =	vst v63  }
0x13b: {  	_ =	swait.ge [sflag:s8], $0x2800  }
0x13c: {  	[sflag:s8] =	ssyncset.done $0x0  }
0x13d: {  	[sflag:s8] =	ssyncadd.s32 $0xFFFFD800  }
0x13e: {  	[tilespmem:s25], [sflag:$0x3] =	stream.indirect.gather [spmem:s2], $0x80, s10, s18, $0xb8;
	[tilespmem:$0x1E400] =	vst v63  }
0x13f: {  	_ =	swait.ge [sflag:s26], $0x2800  }
0x140: {  	[sflag:s26] =	ssyncset.done $0x0  }
0x141: {  	s14 =	rddreg [dreg:$0x10];
	[sflag:s26] =	ssyncadd.s32 $0xFFFFD800  }
0x142: {  	[hbm4b:s14+s7] =	stream.linear.scatter [tilespmem:s22], [sflag:$0x6], $0x2800, $0x38;
	[tilespmem:$0x1E400] =	vst v63  }
0x143: {  	_ =	swait.ge [sflag:s9], $0x2800  }
0x144: {  	[sflag:s9] =	ssyncset.done $0x0  }
0x145: {  	[sflag:s9] =	ssyncadd.s32 $0xFFFFD800  }
0x146: {  	[tilespmem:s29], [sflag:$0x4] =	stream.indirect.gather [spmem:s2], $0x80, s11, s18, $0xb8;
	[tilespmem:$0x1E400] =	vst v63  }
0x147: {  	_ =	swait.ge [sflag:s30], $0x2800  }
0x148: {  	[sflag:s30] =	ssyncset.done $0x0  }
0x149: {  	s20 =	rddreg [dreg:$0x11];
	[sflag:s30] =	ssyncadd.s32 $0xFFFFD800  }
0x14a: {  	[hbm4b:s20+s7] =	stream.linear.scatter [tilespmem:s25], [sflag:$0x7], $0x2800, $0x38;
	[tilespmem:$0x1E400] =	vst v63  }
0x14b: {  	_ =	swait.ge [sflag:s1], $0x2800  }
0x14c: {  	[sflag:s1] =	ssyncset.done $0x0  }
0x14d: {  	s14 =	rddreg [dreg:$0x12];
	[sflag:s1] =	ssyncadd.s32 $0xFFFFD800  }
0x14e: {  	[hbm4b:s14+s7] =	stream.linear.scatter [tilespmem:s29], [sflag:$0x8], $0x2800, $0x38;
	[tilespmem:$0x1E400] =	vst v63  }
0x14f: {  	_ =	swait.ge [sflag:s31], $0x2800  }
0x150: {  	[sflag:s31] =	ssyncset.done $0x0  }
0x151: {  	[sflag:s31] =	ssyncadd.s32 $0xFFFFD800  }
0x152: {  	_ =	swait.ge [sflag:s4], $0x2800  }
0x153: {  	[sflag:s4] =	ssyncset.done $0x0  }
0x154: {  	[sflag:s4] =	ssyncadd.s32 $0xFFFFD800  }
0x155: {  	_ =	swait.ge [sflag:s8], $0x2800  }
0x156: {  	[sflag:s8] =	ssyncset.done $0x0  }
0x157: {  	[sflag:s8] =	ssyncadd.s32 $0xFFFFD800  }
0x158: {  	_ =	swait.ge [sflag:s9], $0x2800  }
0x159: {  	[sflag:s9] =	ssyncset.done $0x0  }
0x15a: {  	s20 =	sadd.s32 $0xA00, s6;
	[sflag:s9] =	ssyncadd.s32 $0xFFFFD800  }
0x15b: {  	[tilespmem:s17], [sflag:$0x9] =	stream.linear.gather [hbm4b:s20+s7], $0x2800, $0x38;
	[tilespmem:$0x1E400] =	vst v63  }
0x15c: {  	_ =	swait.ge [sflag:s16], $0x2800  }
0x15d: {  	[sflag:s16] =	ssyncset.done $0x0  }
0x15e: {  	[sflag:s16] =	ssyncadd.s32 $0xFFFFD800  }
0x15f: {  	[tilespmem:s19], [sflag:$0x1] =	stream.indirect.gather [spmem:s2], $0x80, s17, s18, $0xb8;
	[tilespmem:$0x1E400] =	vst v63  }
0x160: {  	s14 =	simm.s32 $0x11C80  }
0x161: {  	[tilespmem:s22], [sflag:$0x2] =	stream.indirect.gather [spmem:s2], $0x80, s14, s18, $0xb8;
	[tilespmem:$0x1E400] =	vst v63  }
0x162: {  	_ =	swait.ge [sflag:s23], $0x2800  }
0x163: {  	[sflag:s23] =	ssyncset.done $0x0  }
0x164: {  	s20 =	rddreg [dreg:$0x13];
	[sflag:s23] =	ssyncadd.s32 $0xFFFFD800  }
0x165: {  	[hbm4b:s20+s7] =	stream.linear.scatter [tilespmem:s19], [sflag:$0x5], $0x2800, $0x38;
	[tilespmem:$0x1E400] =	vst v63  }
0x166: {  	_ = 	snop  }
0x167: {  	[tilespmem:s25], [sflag:$0x3] =	stream.indirect.gather [spmem:s2], $0x80, s24, s18, $0xb8;
	[tilespmem:$0x1E400] =	vst v63  }
0x168: {  	_ =	swait.ge [sflag:s26], $0x2800  }
0x169: {  	[sflag:s26] =	ssyncset.done $0x0  }
0x16a: {  	s14 =	rddreg [dreg:$0x14];
	[sflag:s26] =	ssyncadd.s32 $0xFFFFD800  }
0x16b: {  	[hbm4b:s14+s7] =	stream.linear.scatter [tilespmem:s22], [sflag:$0x6], $0x2800, $0x38;
	[tilespmem:$0x1E400] =	vst v63  }
0x16c: {  	_ = 	snop  }
0x16d: {  	[tilespmem:s29], [sflag:$0x4] =	stream.indirect.gather [spmem:s2], $0x80, s28, s18, $0xb8;
	[tilespmem:$0x1E400] =	vst v63  }
0x16e: {  	_ =	swait.ge [sflag:s30], $0x2800  }
0x16f: {  	[sflag:s30] =	ssyncset.done $0x0  }
0x170: {  	s20 =	rddreg [dreg:$0x15];
	[sflag:s30] =	ssyncadd.s32 $0xFFFFD800  }
0x171: {  	[hbm4b:s20+s7] =	stream.linear.scatter [tilespmem:s25], [sflag:$0x7], $0x2800, $0x38;
	[tilespmem:$0x1E400] =	vst v63  }
0x172: {  	_ =	swait.ge [sflag:s31], $0x2800  }
0x173: {  	[sflag:s31] =	ssyncset.done $0x0  }
0x174: {  	[sflag:s31] =	ssyncadd.s32 $0xFFFFD800  }
0x175: {  	[tilespmem:s19], [sflag:$0x1] =	stream.indirect.gather [spmem:s2], $0x80, s0, s18, $0xb8;
	[tilespmem:$0x1E400] =	vst v63  }
0x176: {  	_ =	swait.ge [sflag:s1], $0x2800  }
0x177: {  	[sflag:s1] =	ssyncset.done $0x0  }
0x178: {  	s14 =	rddreg [dreg:$0x16];
	[sflag:s1] =	ssyncadd.s32 $0xFFFFD800  }
0x179: {  	[hbm4b:s14+s7] =	stream.linear.scatter [tilespmem:s29], [sflag:$0x8], $0x2800, $0x38;
	[tilespmem:$0x1E400] =	vst v63  }
0x17a: {  	_ =	swait.ge [sflag:s4], $0x2800  }
0x17b: {  	[sflag:s4] =	ssyncset.done $0x0  }
0x17c: {  	[sflag:s4] =	ssyncadd.s32 $0xFFFFD800  }
0x17d: {  	[tilespmem:s22], [sflag:$0x2] =	stream.indirect.gather [spmem:s2], $0x80, s5, s18, $0xb8;
	[tilespmem:$0x1E400] =	vst v63  }
0x17e: {  	_ =	swait.ge [sflag:s23], $0x2800  }
0x17f: {  	[sflag:s23] =	ssyncset.done $0x0  }
0x180: {  	[sflag:s23] =	ssyncadd.s32 $0xFFFFD800  }
0x181: {  	_ =	swait.ge [sflag:s8], $0x2800  }
0x182: {  	[sflag:s8] =	ssyncset.done $0x0  }
0x183: {  	s20 =	simm.s32 $0x11F00;
	s14 =	sadd.s32 $0x0, s21;
	[sflag:s8] =	ssyncadd.s32 $0xFFFFD800  }
0x184: {  	[tilespmem:s25], [sflag:$0x3] =	stream.indirect.gather [spmem:s2], $0x80, s20, s18, $0xb8;
	[tilespmem:$0x1E400] =	vst v63  }
0x185: {  	s13 =	sadd.s32 $0x33400, s14  }
0x186: {  	[hbm4b:s13+s3] =	stream.linear.scatter [tilespmem:s19], [sflag:$0x5], $0x2800, $0x38;
	[tilespmem:$0x1E400] =	vst v63  }
0x187: {  	_ =	swait.ge [sflag:s26], $0x2800  }
0x188: {  	[sflag:s26] =	ssyncset.done $0x0  }
0x189: {  	[sflag:s26] =	ssyncadd.s32 $0xFFFFD800  }
0x18a: {  	_ =	swait.ge [sflag:s9], $0x2800  }
0x18b: {  	[sflag:s9] =	ssyncset.done $0x0  }
0x18c: {  	s20 =	simm.s32 $0x11F80;
	[sflag:s9] =	ssyncadd.s32 $0xFFFFD800  }
0x18d: {  	[tilespmem:s29], [sflag:$0x4] =	stream.indirect.gather [spmem:s2], $0x80, s20, s18, $0xb8;
	[tilespmem:$0x1E400] =	vst v63  }
0x18e: {  	s13 =	sadd.s32 $0x33900, s14  }
0x18f: {  	[hbm4b:s13+s3] =	stream.linear.scatter [tilespmem:s22], [sflag:$0x6], $0x2800, $0x38;
	[tilespmem:$0x1E400] =	vst v63  }
0x190: {  	_ =	swait.ge [sflag:s30], $0x2800  }
0x191: {  	[sflag:s30] =	ssyncset.done $0x0  }
0x192: {  	[sflag:s30] =	ssyncadd.s32 $0xFFFFD800  }
0x193: {  	_ =	swait.ge [sflag:s31], $0x2800  }
0x194: {  	[sflag:s31] =	ssyncset.done $0x0  }
0x195: {  	s20 =	simm.s32 $0x12000;
	[sflag:s31] =	ssyncadd.s32 $0xFFFFD800  }
0x196: {  	[tilespmem:s19], [sflag:$0x1] =	stream.indirect.gather [spmem:s2], $0x80, s20, s18, $0xb8;
	[tilespmem:$0x1E400] =	vst v63  }
0x197: {  	s13 =	sadd.s32 $0x33E00, s14  }
0x198: {  	[hbm4b:s13+s3] =	stream.linear.scatter [tilespmem:s25], [sflag:$0x7], $0x2800, $0x38;
	[tilespmem:$0x1E400] =	vst v63  }
0x199: {  	_ =	swait.ge [sflag:s1], $0x2800  }
0x19a: {  	[sflag:s1] =	ssyncset.done $0x0  }
0x19b: {  	[sflag:s1] =	ssyncadd.s32 $0xFFFFD800  }
0x19c: {  	_ =	swait.ge [sflag:s4], $0x2800  }
0x19d: {  	s7 =	sadd.s32 $0x34300, s14;
	s14 =	simm.s32 $0x12280;
	[sflag:s4] =	ssyncset.done $0x0  }
0x19e: {  	s20 =	simm.s32 $0x12080;
	s13 =	simm.s32 $0x1400;
	[sflag:s4] =	ssyncadd.s32 $0xFFFFD800  }
0x19f: {  	[tilespmem:s22], [sflag:$0x2] =	stream.indirect.gather [spmem:s2], $0x80, s20, s18, $0xb8;
	[tilespmem:$0x1E400] =	vst v63  }
.LBB2_6:
0x1a0: {  	[hbm4b:s7+s3] =	stream.linear.scatter [tilespmem:s29], [sflag:$0x8], $0x2800, $0x38;
	[tilespmem:$0x1E400] =	vst v63  }
0x1a1: {  	s7 =	smov.u32 s13  }
0x1a2: {  	p0 =	sne.s32 s13, $0x15400;
	s13 =	sadd.s32 $0x1400, s13;
	_ =	swait.ge [sflag:s23], $0x2800  }
0x1a3: {  	[sflag:s23] =	ssyncset.done $0x0  }
0x1a4: {  	[sflag:s23] =	ssyncadd.s32 $0xFFFFD800  }
0x1a5: {  	_ =	swait.ge [sflag:s8], $0x2800  }
0x1a6: {  	[sflag:s8] =	ssyncset.done $0x0  }
0x1a7: {  	s20 =	sadd.s32 $0xFFFFFE80, s14;
	s7 =	sadd.s32 s7, s21;
	[sflag:s8] =	ssyncadd.s32 $0xFFFFD800  }
0x1a8: {  	[tilespmem:s25], [sflag:$0x3] =	stream.indirect.gather [spmem:s2], $0x80, s20, s18, $0xb8;
	[tilespmem:$0x1E400] =	vst v63  }
0x1a9: {  	s20 =	sadd.s32 $0x33400, s7  }
0x1aa: {  	[hbm4b:s20+s3] =	stream.linear.scatter [tilespmem:s19], [sflag:$0x5], $0x2800, $0x38;
	[tilespmem:$0x1E400] =	vst v63  }
0x1ab: {  	_ =	swait.ge [sflag:s26], $0x2800  }
0x1ac: {  	[sflag:s26] =	ssyncset.done $0x0  }
0x1ad: {  	[sflag:s26] =	ssyncadd.s32 $0xFFFFD800  }
0x1ae: {  	_ =	swait.ge [sflag:s9], $0x2800  }
0x1af: {  	[sflag:s9] =	ssyncset.done $0x0  }
0x1b0: {  	s20 =	sadd.s32 $0xFFFFFF00, s14;
	[sflag:s9] =	ssyncadd.s32 $0xFFFFD800  }
0x1b1: {  	[tilespmem:s29], [sflag:$0x4] =	stream.indirect.gather [spmem:s2], $0x80, s20, s18, $0xb8;
	[tilespmem:$0x1E400] =	vst v63  }
0x1b2: {  	s20 =	sadd.s32 $0x33900, s7  }
0x1b3: {  	[hbm4b:s20+s3] =	stream.linear.scatter [tilespmem:s22], [sflag:$0x6], $0x2800, $0x38;
	[tilespmem:$0x1E400] =	vst v63  }
0x1b4: {  	_ =	swait.ge [sflag:s30], $0x2800  }
0x1b5: {  	[sflag:s30] =	ssyncset.done $0x0  }
0x1b6: {  	[sflag:s30] =	ssyncadd.s32 $0xFFFFD800  }
0x1b7: {  	_ =	swait.ge [sflag:s31], $0x2800  }
0x1b8: {  	[sflag:s31] =	ssyncset.done $0x0  }
0x1b9: {  	s20 =	sadd.s32 $0xFFFFFF80, s14;
	[sflag:s31] =	ssyncadd.s32 $0xFFFFD800  }
0x1ba: {  	[tilespmem:s19], [sflag:$0x1] =	stream.indirect.gather [spmem:s2], $0x80, s20, s18, $0xb8;
	[tilespmem:$0x1E400] =	vst v63  }
0x1bb: {  	s20 =	sadd.s32 $0x33E00, s7  }
0x1bc: {  	[hbm4b:s20+s3] =	stream.linear.scatter [tilespmem:s25], [sflag:$0x7], $0x2800, $0x38;
	[tilespmem:$0x1E400] =	vst v63  }
0x1bd: {  	_ =	swait.ge [sflag:s1], $0x2800  }
0x1be: {  	[sflag:s1] =	ssyncset.done $0x0  }
0x1bf: {  	[sflag:s1] =	ssyncadd.s32 $0xFFFFD800  }
.Ltmp2:
0x1c0: {  	_ =	swait.ge [sflag:s4], $0x2800;
	(pc) =	sbr.rel @p0 .LBB2_6-.Ltmp2, $4  }
0x1c1: {  	[sflag:s4] =	ssyncset.done $0x0  }
0x1c2: {  	[sflag:s4] =	ssyncadd.s32 $0xFFFFD800  }
0x1c3: {  	[tilespmem:s22], [sflag:$0x2] =	stream.indirect.gather [spmem:s2], $0x80, s14, s18, $0xb8;
	[tilespmem:$0x1E400] =	vst v63  }
0x1c4: {  	s7 =	sadd.s32 $0x34300, s7;
	s14 =	sadd.s32 $0x200, s14  }
0x1c5: {  	[hbm4b:s7+s3] =	stream.linear.scatter [tilespmem:s29], [sflag:$0x8], $0x2800, $0x38;
	[tilespmem:$0x1E400] =	vst v63  }
0x1c6: {  	_ =	swait.ge [sflag:s23], $0x2800  }
0x1c7: {  	[sflag:s23] =	ssyncset.done $0x0  }
0x1c8: {  	s7 =	simm.s32 $0x0;
	s13 =	rddreg [dreg:$0x17];
	[sflag:s23] =	ssyncadd.s32 $0xFFFFD800  }
0x1c9: {  	[hbm4b:s13+s7] =	stream.linear.scatter [tilespmem:s19], [sflag:$0x5], $0x2800, $0x38;
	[tilespmem:$0x1E400] =	vst v63  }
0x1ca: {  	_ =	swait.ge [sflag:s8], $0x2800  }
0x1cb: {  	[sflag:s8] =	ssyncset.done $0x0  }
0x1cc: {  	[sflag:s8] =	ssyncadd.s32 $0xFFFFD800  }
0x1cd: {  	[tilespmem:s25], [sflag:$0x3] =	stream.indirect.gather [spmem:s2], $0x80, s10, s18, $0xb8;
	[tilespmem:$0x1E400] =	vst v63  }
0x1ce: {  	_ =	swait.ge [sflag:s26], $0x2800  }
0x1cf: {  	[sflag:s26] =	ssyncset.done $0x0  }
0x1d0: {  	s14 =	rddreg [dreg:$0x18];
	[sflag:s26] =	ssyncadd.s32 $0xFFFFD800  }
0x1d1: {  	[hbm4b:s14+s7] =	stream.linear.scatter [tilespmem:s22], [sflag:$0x6], $0x2800, $0x38;
	[tilespmem:$0x1E400] =	vst v63  }
0x1d2: {  	_ =	swait.ge [sflag:s9], $0x2800  }
0x1d3: {  	[sflag:s9] =	ssyncset.done $0x0  }
0x1d4: {  	[sflag:s9] =	ssyncadd.s32 $0xFFFFD800  }
0x1d5: {  	[tilespmem:s29], [sflag:$0x4] =	stream.indirect.gather [spmem:s2], $0x80, s11, s18, $0xb8;
	[tilespmem:$0x1E400] =	vst v63  }
0x1d6: {  	_ =	swait.ge [sflag:s30], $0x2800  }
0x1d7: {  	[sflag:s30] =	ssyncset.done $0x0  }
0x1d8: {  	s20 =	rddreg [dreg:$0x19];
	[sflag:s30] =	ssyncadd.s32 $0xFFFFD800  }
0x1d9: {  	[hbm4b:s20+s7] =	stream.linear.scatter [tilespmem:s25], [sflag:$0x7], $0x2800, $0x38;
	[tilespmem:$0x1E400] =	vst v63  }
0x1da: {  	_ =	swait.ge [sflag:s1], $0x2800  }
0x1db: {  	[sflag:s1] =	ssyncset.done $0x0  }
0x1dc: {  	s14 =	rddreg [dreg:$0x1a];
	[sflag:s1] =	ssyncadd.s32 $0xFFFFD800  }
0x1dd: {  	[hbm4b:s14+s7] =	stream.linear.scatter [tilespmem:s29], [sflag:$0x8], $0x2800, $0x38;
	[tilespmem:$0x1E400] =	vst v63  }
0x1de: {  	_ =	swait.ge [sflag:s31], $0x2800  }
0x1df: {  	[sflag:s31] =	ssyncset.done $0x0  }
0x1e0: {  	[sflag:s31] =	ssyncadd.s32 $0xFFFFD800  }
0x1e1: {  	_ =	swait.ge [sflag:s4], $0x2800  }
0x1e2: {  	[sflag:s4] =	ssyncset.done $0x0  }
0x1e3: {  	[sflag:s4] =	ssyncadd.s32 $0xFFFFD800  }
0x1e4: {  	_ =	swait.ge [sflag:s8], $0x2800  }
0x1e5: {  	[sflag:s8] =	ssyncset.done $0x0  }
0x1e6: {  	[sflag:s8] =	ssyncadd.s32 $0xFFFFD800  }
0x1e7: {  	_ =	swait.ge [sflag:s9], $0x2800  }
0x1e8: {  	[sflag:s9] =	ssyncset.done $0x0  }
0x1e9: {  	s20 =	sadd.s32 $0xF00, s6;
	[sflag:s9] =	ssyncadd.s32 $0xFFFFD800  }
0x1ea: {  	[tilespmem:s17], [sflag:$0x9] =	stream.linear.gather [hbm4b:s20+s7], $0x2800, $0x38;
	[tilespmem:$0x1E400] =	vst v63  }
0x1eb: {  	_ =	swait.ge [sflag:s16], $0x2800  }
0x1ec: {  	[sflag:s16] =	ssyncset.done $0x0  }
0x1ed: {  	[sflag:s16] =	ssyncadd.s32 $0xFFFFD800  }
0x1ee: {  	[tilespmem:s19], [sflag:$0x1] =	stream.indirect.gather [spmem:s2], $0x80, s17, s18, $0xb8;
	[tilespmem:$0x1E400] =	vst v63  }
0x1ef: {  	s14 =	simm.s32 $0x11C80  }
0x1f0: {  	[tilespmem:s22], [sflag:$0x2] =	stream.indirect.gather [spmem:s2], $0x80, s14, s18, $0xb8;
	[tilespmem:$0x1E400] =	vst v63  }
0x1f1: {  	_ =	swait.ge [sflag:s23], $0x2800  }
0x1f2: {  	[sflag:s23] =	ssyncset.done $0x0  }
0x1f3: {  	s20 =	rddreg [dreg:$0x1b];
	[sflag:s23] =	ssyncadd.s32 $0xFFFFD800  }
0x1f4: {  	[hbm4b:s20+s7] =	stream.linear.scatter [tilespmem:s19], [sflag:$0x5], $0x2800, $0x38;
	[tilespmem:$0x1E400] =	vst v63  }
0x1f5: {  	_ = 	snop  }
0x1f6: {  	[tilespmem:s25], [sflag:$0x3] =	stream.indirect.gather [spmem:s2], $0x80, s24, s18, $0xb8;
	[tilespmem:$0x1E400] =	vst v63  }
0x1f7: {  	_ =	swait.ge [sflag:s26], $0x2800  }
0x1f8: {  	[sflag:s26] =	ssyncset.done $0x0  }
0x1f9: {  	s14 =	rddreg [dreg:$0x1c];
	[sflag:s26] =	ssyncadd.s32 $0xFFFFD800  }
0x1fa: {  	[hbm4b:s14+s7] =	stream.linear.scatter [tilespmem:s22], [sflag:$0x6], $0x2800, $0x38;
	[tilespmem:$0x1E400] =	vst v63  }
0x1fb: {  	_ = 	snop  }
0x1fc: {  	[tilespmem:s29], [sflag:$0x4] =	stream.indirect.gather [spmem:s2], $0x80, s28, s18, $0xb8;
	[tilespmem:$0x1E400] =	vst v63  }
0x1fd: {  	_ =	swait.ge [sflag:s30], $0x2800  }
0x1fe: {  	[sflag:s30] =	ssyncset.done $0x0  }
0x1ff: {  	s20 =	rddreg [dreg:$0x1d];
	[sflag:s30] =	ssyncadd.s32 $0xFFFFD800  }
0x200: {  	[hbm4b:s20+s7] =	stream.linear.scatter [tilespmem:s25], [sflag:$0x7], $0x2800, $0x38;
	[tilespmem:$0x1E400] =	vst v63  }
0x201: {  	_ =	swait.ge [sflag:s31], $0x2800  }
0x202: {  	[sflag:s31] =	ssyncset.done $0x0  }
0x203: {  	[sflag:s31] =	ssyncadd.s32 $0xFFFFD800  }
0x204: {  	[tilespmem:s19], [sflag:$0x1] =	stream.indirect.gather [spmem:s2], $0x80, s0, s18, $0xb8;
	[tilespmem:$0x1E400] =	vst v63  }
0x205: {  	_ =	swait.ge [sflag:s1], $0x2800  }
0x206: {  	[sflag:s1] =	ssyncset.done $0x0  }
0x207: {  	s14 =	rddreg [dreg:$0x1e];
	[sflag:s1] =	ssyncadd.s32 $0xFFFFD800  }
0x208: {  	[hbm4b:s14+s7] =	stream.linear.scatter [tilespmem:s29], [sflag:$0x8], $0x2800, $0x38;
	[tilespmem:$0x1E400] =	vst v63  }
0x209: {  	_ =	swait.ge [sflag:s4], $0x2800  }
0x20a: {  	[sflag:s4] =	ssyncset.done $0x0  }
0x20b: {  	[sflag:s4] =	ssyncadd.s32 $0xFFFFD800  }
0x20c: {  	[tilespmem:s22], [sflag:$0x2] =	stream.indirect.gather [spmem:s2], $0x80, s5, s18, $0xb8;
	[tilespmem:$0x1E400] =	vst v63  }
0x20d: {  	_ =	swait.ge [sflag:s23], $0x2800  }
0x20e: {  	[sflag:s23] =	ssyncset.done $0x0  }
0x20f: {  	[sflag:s23] =	ssyncadd.s32 $0xFFFFD800  }
0x210: {  	_ =	swait.ge [sflag:s8], $0x2800  }
0x211: {  	[sflag:s8] =	ssyncset.done $0x0  }
0x212: {  	s20 =	simm.s32 $0x11F00;
	s14 =	sadd.s32 $0x0, s21;
	[sflag:s8] =	ssyncadd.s32 $0xFFFFD800  }
0x213: {  	[tilespmem:s25], [sflag:$0x3] =	stream.indirect.gather [spmem:s2], $0x80, s20, s18, $0xb8;
	[tilespmem:$0x1E400] =	vst v63  }
0x214: {  	s13 =	sadd.s32 $0x4C400, s14  }
0x215: {  	[hbm4b:s13+s3] =	stream.linear.scatter [tilespmem:s19], [sflag:$0x5], $0x2800, $0x38;
	[tilespmem:$0x1E400] =	vst v63  }
0x216: {  	_ =	swait.ge [sflag:s26], $0x2800  }
0x217: {  	[sflag:s26] =	ssyncset.done $0x0  }
0x218: {  	[sflag:s26] =	ssyncadd.s32 $0xFFFFD800  }
0x219: {  	_ =	swait.ge [sflag:s9], $0x2800  }
0x21a: {  	[sflag:s9] =	ssyncset.done $0x0  }
0x21b: {  	s20 =	simm.s32 $0x11F80;
	[sflag:s9] =	ssyncadd.s32 $0xFFFFD800  }
0x21c: {  	[tilespmem:s29], [sflag:$0x4] =	stream.indirect.gather [spmem:s2], $0x80, s20, s18, $0xb8;
	[tilespmem:$0x1E400] =	vst v63  }
0x21d: {  	s13 =	sadd.s32 $0x4C900, s14  }
0x21e: {  	[hbm4b:s13+s3] =	stream.linear.scatter [tilespmem:s22], [sflag:$0x6], $0x2800, $0x38;
	[tilespmem:$0x1E400] =	vst v63  }
0x21f: {  	_ =	swait.ge [sflag:s30], $0x2800  }
0x220: {  	[sflag:s30] =	ssyncset.done $0x0  }
0x221: {  	[sflag:s30] =	ssyncadd.s32 $0xFFFFD800  }
0x222: {  	_ =	swait.ge [sflag:s31], $0x2800  }
0x223: {  	[sflag:s31] =	ssyncset.done $0x0  }
0x224: {  	s20 =	simm.s32 $0x12000;
	[sflag:s31] =	ssyncadd.s32 $0xFFFFD800  }
0x225: {  	[tilespmem:s19], [sflag:$0x1] =	stream.indirect.gather [spmem:s2], $0x80, s20, s18, $0xb8;
	[tilespmem:$0x1E400] =	vst v63  }
0x226: {  	s13 =	sadd.s32 $0x4CE00, s14  }
0x227: {  	[hbm4b:s13+s3] =	stream.linear.scatter [tilespmem:s25], [sflag:$0x7], $0x2800, $0x38;
	[tilespmem:$0x1E400] =	vst v63  }
0x228: {  	_ =	swait.ge [sflag:s1], $0x2800  }
0x229: {  	[sflag:s1] =	ssyncset.done $0x0  }
0x22a: {  	[sflag:s1] =	ssyncadd.s32 $0xFFFFD800  }
0x22b: {  	_ =	swait.ge [sflag:s4], $0x2800  }
0x22c: {  	s7 =	sadd.s32 $0x4D300, s14;
	s14 =	simm.s32 $0x12280;
	[sflag:s4] =	ssyncset.done $0x0  }
0x22d: {  	s20 =	simm.s32 $0x12080;
	s13 =	simm.s32 $0x1400;
	[sflag:s4] =	ssyncadd.s32 $0xFFFFD800  }
0x22e: {  	[tilespmem:s22], [sflag:$0x2] =	stream.indirect.gather [spmem:s2], $0x80, s20, s18, $0xb8;
	[tilespmem:$0x1E400] =	vst v63  }
.LBB2_8:
0x22f: {  	[hbm4b:s7+s3] =	stream.linear.scatter [tilespmem:s29], [sflag:$0x8], $0x2800, $0x38;
	[tilespmem:$0x1E400] =	vst v63  }
0x230: {  	s7 =	smov.u32 s13  }
0x231: {  	p0 =	sne.s32 s13, $0x15400;
	s13 =	sadd.s32 $0x1400, s13;
	_ =	swait.ge [sflag:s23], $0x2800  }
0x232: {  	[sflag:s23] =	ssyncset.done $0x0  }
0x233: {  	[sflag:s23] =	ssyncadd.s32 $0xFFFFD800  }
0x234: {  	_ =	swait.ge [sflag:s8], $0x2800  }
0x235: {  	[sflag:s8] =	ssyncset.done $0x0  }
0x236: {  	s20 =	sadd.s32 $0xFFFFFE80, s14;
	s7 =	sadd.s32 s7, s21;
	[sflag:s8] =	ssyncadd.s32 $0xFFFFD800  }
0x237: {  	[tilespmem:s25], [sflag:$0x3] =	stream.indirect.gather [spmem:s2], $0x80, s20, s18, $0xb8;
	[tilespmem:$0x1E400] =	vst v63  }
0x238: {  	s20 =	sadd.s32 $0x4C400, s7  }
0x239: {  	[hbm4b:s20+s3] =	stream.linear.scatter [tilespmem:s19], [sflag:$0x5], $0x2800, $0x38;
	[tilespmem:$0x1E400] =	vst v63  }
0x23a: {  	_ =	swait.ge [sflag:s26], $0x2800  }
0x23b: {  	[sflag:s26] =	ssyncset.done $0x0  }
0x23c: {  	[sflag:s26] =	ssyncadd.s32 $0xFFFFD800  }
0x23d: {  	_ =	swait.ge [sflag:s9], $0x2800  }
0x23e: {  	[sflag:s9] =	ssyncset.done $0x0  }
0x23f: {  	s20 =	sadd.s32 $0xFFFFFF00, s14;
	[sflag:s9] =	ssyncadd.s32 $0xFFFFD800  }
0x240: {  	[tilespmem:s29], [sflag:$0x4] =	stream.indirect.gather [spmem:s2], $0x80, s20, s18, $0xb8;
	[tilespmem:$0x1E400] =	vst v63  }
0x241: {  	s20 =	sadd.s32 $0x4C900, s7  }
0x242: {  	[hbm4b:s20+s3] =	stream.linear.scatter [tilespmem:s22], [sflag:$0x6], $0x2800, $0x38;
	[tilespmem:$0x1E400] =	vst v63  }
0x243: {  	_ =	swait.ge [sflag:s30], $0x2800  }
0x244: {  	[sflag:s30] =	ssyncset.done $0x0  }
0x245: {  	[sflag:s30] =	ssyncadd.s32 $0xFFFFD800  }
0x246: {  	_ =	swait.ge [sflag:s31], $0x2800  }
0x247: {  	[sflag:s31] =	ssyncset.done $0x0  }
0x248: {  	s20 =	sadd.s32 $0xFFFFFF80, s14;
	[sflag:s31] =	ssyncadd.s32 $0xFFFFD800  }
0x249: {  	[tilespmem:s19], [sflag:$0x1] =	stream.indirect.gather [spmem:s2], $0x80, s20, s18, $0xb8;
	[tilespmem:$0x1E400] =	vst v63  }
0x24a: {  	s20 =	sadd.s32 $0x4CE00, s7  }
0x24b: {  	[hbm4b:s20+s3] =	stream.linear.scatter [tilespmem:s25], [sflag:$0x7], $0x2800, $0x38;
	[tilespmem:$0x1E400] =	vst v63  }
0x24c: {  	_ =	swait.ge [sflag:s1], $0x2800  }
0x24d: {  	[sflag:s1] =	ssyncset.done $0x0  }
0x24e: {  	[sflag:s1] =	ssyncadd.s32 $0xFFFFD800  }
.Ltmp3:
0x24f: {  	_ =	swait.ge [sflag:s4], $0x2800;
	(pc) =	sbr.rel @p0 .LBB2_8-.Ltmp3, $4  }
0x250: {  	[sflag:s4] =	ssyncset.done $0x0  }
0x251: {  	[sflag:s4] =	ssyncadd.s32 $0xFFFFD800  }
0x252: {  	[tilespmem:s22], [sflag:$0x2] =	stream.indirect.gather [spmem:s2], $0x80, s14, s18, $0xb8;
	[tilespmem:$0x1E400] =	vst v63  }
0x253: {  	s7 =	sadd.s32 $0x4D300, s7;
	s14 =	sadd.s32 $0x200, s14  }
0x254: {  	[hbm4b:s7+s3] =	stream.linear.scatter [tilespmem:s29], [sflag:$0x8], $0x2800, $0x38;
	[tilespmem:$0x1E400] =	vst v63  }
0x255: {  	_ =	swait.ge [sflag:s23], $0x2800  }
0x256: {  	[sflag:s23] =	ssyncset.done $0x0  }
0x257: {  	s14 =	rddreg [dreg:$0x1f];
	[sflag:s23] =	ssyncadd.s32 $0xFFFFD800  }
0x258: {  	[hbm4b:s14+s3] =	stream.linear.scatter [tilespmem:s19], [sflag:$0x5], $0x2800, $0x38;
	[tilespmem:$0x1E400] =	vst v63  }
0x259: {  	_ =	swait.ge [sflag:s8], $0x2800  }
0x25a: {  	[sflag:s8] =	ssyncset.done $0x0  }
0x25b: {  	[sflag:s8] =	ssyncadd.s32 $0xFFFFD800  }
0x25c: {  	[tilespmem:s25], [sflag:$0x3] =	stream.indirect.gather [spmem:s2], $0x80, s10, s18, $0xb8;
	[tilespmem:$0x1E400] =	vst v63  }
0x25d: {  	_ =	swait.ge [sflag:s26], $0x2800  }
0x25e: {  	s20 =	sld [smem:$0x7F6]  }
0x25f: {  	[sflag:s26] =	ssyncset.done $0x0  }
0x260: {  	[sflag:s26] =	ssyncadd.s32 $0xFFFFD800  }
0x261: {  	[hbm4b:s20+s3] =	stream.linear.scatter [tilespmem:s22], [sflag:$0x6], $0x2800, $0x38;
	[tilespmem:$0x1E400] =	vst v63  }
0x262: {  	_ =	swait.ge [sflag:s9], $0x2800  }
0x263: {  	[sflag:s9] =	ssyncset.done $0x0  }
0x264: {  	[sflag:s9] =	ssyncadd.s32 $0xFFFFD800  }
0x265: {  	[tilespmem:s29], [sflag:$0x4] =	stream.indirect.gather [spmem:s2], $0x80, s11, s18, $0xb8;
	[tilespmem:$0x1E400] =	vst v63  }
0x266: {  	_ =	swait.ge [sflag:s30], $0x2800  }
0x267: {  	s13 =	sld [smem:$0x7F7]  }
0x268: {  	[sflag:s30] =	ssyncset.done $0x0  }
0x269: {  	[sflag:s30] =	ssyncadd.s32 $0xFFFFD800  }
0x26a: {  	[hbm4b:s13+s3] =	stream.linear.scatter [tilespmem:s25], [sflag:$0x7], $0x2800, $0x38;
	[tilespmem:$0x1E400] =	vst v63  }
0x26b: {  	_ =	swait.ge [sflag:s1], $0x2800  }
0x26c: {  	s14 =	sld [smem:$0x7F8]  }
0x26d: {  	[sflag:s1] =	ssyncset.done $0x0  }
0x26e: {  	[sflag:s1] =	ssyncadd.s32 $0xFFFFD800  }
0x26f: {  	[hbm4b:s14+s3] =	stream.linear.scatter [tilespmem:s29], [sflag:$0x8], $0x2800, $0x38;
	[tilespmem:$0x1E400] =	vst v63  }
0x270: {  	_ =	swait.ge [sflag:s31], $0x2800  }
0x271: {  	[sflag:s31] =	ssyncset.done $0x0  }
0x272: {  	[sflag:s31] =	ssyncadd.s32 $0xFFFFD800  }
0x273: {  	_ =	swait.ge [sflag:s4], $0x2800  }
0x274: {  	[sflag:s4] =	ssyncset.done $0x0  }
0x275: {  	[sflag:s4] =	ssyncadd.s32 $0xFFFFD800  }
0x276: {  	_ =	swait.ge [sflag:s8], $0x2800  }
0x277: {  	[sflag:s8] =	ssyncset.done $0x0  }
0x278: {  	[sflag:s8] =	ssyncadd.s32 $0xFFFFD800  }
0x279: {  	_ =	swait.ge [sflag:s9], $0x2800  }
0x27a: {  	s20 =	sld [smem:$0x7F9];
	_ =	sdelay $0x1  }
0x27b: {  	s12 =	sadd.s32 $0x1, s12  }
0x27c: {  	p0 =	sne.s32 s12, s20  }
.Ltmp4:
0x27d: {  	_ = 	snop;
	(pc) =	sbr.rel @p0 .LBB2_1-.Ltmp4, $3  }
0x27e: {  	_ =	sdelay $0x1  }
0x27f: {  	[sflag:s9] =	ssyncset.done $0x0  }
0x280: {  	[sflag:s9] =	ssyncadd.s32 $0xFFFFD800  }
0x281: {  	_ =	sfence.sel $0x180000  }
0x282: {  	[bflag:$0x0] =	sbarrier.arrive $0xFFFF  }
0x283: {  	_ =	strace $0x90000047  }
0x284: {  	s0 =	stileid.u32;
	[bflag:$0x2] =	sbarrier.arrive $0xFFFF  }
0x285: {  	p0 =	sne.s32 s0, $0x0;
	s0 =	rddreg [dreg:$0x3]  }
0x286: {  	s0 =	sadd.s32 @!p0 $0x100000, s0  }
0x287: {  	[sflag:s0] =	ssyncadd.tile.s32 @!p0 $0x1;
	_ =	shalt  }
.Lfunc_end2:
_tile_overlayer_lowered:
.L_overlay_start_2:
0x288: {  	(tag) =	ssettag $0x2  }
0x289: {  	s0 =	rddreg [dreg:$0x0];
	s2 =	stileid.u32  }
0x28a: {  	s1 =	rddreg [dreg:$0x1];
	p0 =	sne.s32 s2, $0x0  }
0x28b: {  	s3 =	rddreg [dreg:$0x2];
	[bflag:$0x3] =	sbarrier.arrive $0xFFFF;
	s2 =	simm.s32 @!p0 $0x1C09  }
0x28c: {  	[timem:s3], [sflag:s2] =	dma.local @!p0 [hbm:s0], s1  }
0x28d: {  	s0 =	simm.s32 @!p0 $0x9  }
0x28e: {  	_ =	swait.ge @!p0 [sflag:s0], s1  }
0x28f: {  	s1 =	ssub.s32 @!p0 $0x0, s1;
	[sflag:s0] =	ssyncset.done @!p0 $0x0  }
0x290: {  	[sflag:s0] =	ssyncadd.s32 @!p0 s1  }
0x291: {  	[bflag:$0x3] =	sbarrier.arrive $0xFFFF  }
0x292: {  	_ =	shalt  }

</sc_bundles>
